<compile_context>
chip_gen: v7x
topology: tpu7x:2x2x1
jax: 0.10.2.dev20260603
libtpu: 0.0.44.dev20260713+nightly
codegen_flags: <defaults>
</compile_context>

<pallas_src>
import functools

import jax
import jax.numpy as jnp
import numpy as np
from jax import lax
from jax.experimental import pallas as pl
from jax.experimental.pallas import tpu as pltpu
import jax.experimental.pallas.tpu_sc as plsc

MULS = 16
DIM = 4 * MULS
ROW = 128
NC, NS = 2, 16
GW = 128


def _sc_mesh():
    return plsc.VectorSubcoreMesh(
        core_axis_name="core", subcore_axis_name="subcore",
        num_cores=NC, num_subcores=NS)


def _sc_gather(table, idx):
    e = idx.shape[0]
    idx2 = idx.reshape(1, e)

    @functools.partial(
        pl.kernel,
        out_type=jax.ShapeDtypeStruct((e, ROW), jnp.float32),
        mesh=_sc_mesh())
    def k(tab_hbm, i_hbm, o_hbm):
        def body(i_vmem, o_vmem):
            pltpu.sync_copy(tab_hbm.at[i_vmem.at[0]], o_vmem)

        pltpu.emit_pipeline(
            body,
            grid=(e // GW,),
            in_specs=[pl.BlockSpec((1, GW), lambda i: (0, i))],
            out_specs=[pl.BlockSpec((GW, ROW), lambda i: (i, 0))],
            core_axis_name=("core", "subcore"),
            dimension_semantics=(pltpu.PARALLEL,),
        )(i_hbm, o_hbm)

    return k(table, idx2)


def _sc_scatter_add(rows, idx, n):
    e = idx.shape[0]
    idx2 = idx.reshape(1, e)
    zrows = jnp.zeros((n, ROW), jnp.float32)
    chunk = -(-n // NS) & ~7
    chunk = chunk + 8 if chunk * NS < n else chunk
    rem = n - chunk * (NS - 1)
    assert 0 < rem <= chunk and chunk % 8 == 0

    @functools.partial(
        pl.kernel,
        out_type=jax.ShapeDtypeStruct((NC, n, ROW), jnp.float32),
        mesh=_sc_mesh(),
        scratch_types=[pltpu.VMEM_SHARED((n, ROW), jnp.float32)])
    def k(x_hbm, i_hbm, z_hbm, o_hbm, acc):
        cid = lax.axis_index("core")
        sid = lax.axis_index("subcore")

        @pl.when(sid < NS - 1)
        def _():
            sl = pl.ds(sid * chunk, chunk)
            pltpu.sync_copy(z_hbm.at[sl], acc.at[sl])

        @pl.when(sid == NS - 1)
        def _():
            sl = pl.ds((NS - 1) * chunk, rem)
            pltpu.sync_copy(z_hbm.at[sl], acc.at[sl])

        plsc.subcore_barrier()

        def body(x_vmem, i_vmem):
            pltpu.sync_copy(x_vmem, acc.at[i_vmem.at[0]], add=True)

        pltpu.emit_pipeline(
            body,
            grid=(e // GW,),
            in_specs=[pl.BlockSpec((GW, ROW), lambda i: (i, 0)),
                      pl.BlockSpec((1, GW), lambda i: (0, i))],
            core_axis_name=("core", "subcore"),
            dimension_semantics=(pltpu.PARALLEL,),
        )(x_hbm, i_hbm)
        plsc.subcore_barrier()

        @pl.when(sid < NS - 1)
        def _():
            sl = pl.ds(sid * chunk, chunk)
            pltpu.sync_copy(acc.at[sl], o_hbm.at[cid, sl])

        @pl.when(sid == NS - 1)
        def _():
            sl = pl.ds((NS - 1) * chunk, rem)
            pltpu.sync_copy(acc.at[sl], o_hbm.at[cid, sl])

    return k(rows, idx2, zrows)


def _tc_dense(xg, ea, ef, W1, b1, W2, b2, T, S, block_e, e_off=0):
    e = xg.shape[0]
    m = MULS
    bf = jnp.bfloat16
    f32 = jnp.float32

    def body(xg_ref, ea_ref, ef_ref, w1_ref, b1_ref, w2_ref, b2_ref,
             t_ref, s_ref, o_ref):
        mmf = functools.partial(jnp.dot, preferred_element_type=f32)

        def mmb(a, b):
            return mmf(a, b).astype(bf)
        ef_b = jnp.transpose(ef_ref[...])
        h = jnp.maximum(mmf(ef_b, w1_ref[...]) + b1_ref[...], 0.0)
        w = mmb(h.astype(bf), w2_ref[...].astype(bf)) + b2_ref[...].astype(bf)
        xg_b = xg_ref[...].astype(bf)
        ea_b = jnp.transpose(ea_ref[...]).astype(bf)
        t = t_ref[...].astype(bf)
        s = s_ref[...].astype(bf)
        shs = ea_b[:, 0:1]
        sv0 = ea_b[:, 1:2]
        sv1 = ea_b[:, 2:3]
        sv2 = ea_b[:, 3:4]
        wp1 = w[:, :m * m]
        wp2 = w[:, m * m:2 * m * m]
        wp3 = w[:, 2 * m * m:3 * m * m]
        wp4 = w[:, 3 * m * m:4 * m * m]

        xt = mmb(xg_b[:, :DIM], t)
        xst = xt[:, :m * m]
        xv0t = xt[:, m * m:2 * m * m]
        xv1t = xt[:, 2 * m * m:3 * m * m]
        xv2t = xt[:, 3 * m * m:4 * m * m]
        a4 = xv0t * sv0 + xv1t * sv1 + xv2t * sv2
        p2 = wp2 * xst
        outs = mmf(wp1 * xst * shs + wp4 * a4, s)
        ov0 = mmf(p2 * sv0 + wp3 * xv0t * shs, s)
        ov1 = mmf(p2 * sv1 + wp3 * xv1t * shs, s)
        ov2 = mmf(p2 * sv2 + wp3 * xv2t * shs, s)
        pad = jnp.zeros((xg_b.shape[0], ROW - DIM), f32)
        o_ref[...] = jnp.concatenate([outs, ov0, ov1, ov2, pad], axis=1)

    grid = (e // block_e,)
    ob = e_off // block_e
    return pl.pallas_call(
        body,
        grid=grid,
        in_specs=[
            pl.BlockSpec((block_e, ROW), lambda i: (i, 0)),
            pl.BlockSpec((4, block_e), lambda i: (0, i + ob)),
            pl.BlockSpec((ef.shape[0], block_e), lambda i: (0, i + ob)),
            pl.BlockSpec(W1.shape, lambda i: (0, 0)),
            pl.BlockSpec(b1.shape, lambda i: (0, 0)),
            pl.BlockSpec(W2.shape, lambda i: (0, 0)),
            pl.BlockSpec(b2.shape, lambda i: (0, 0)),
            pl.BlockSpec(T.shape, lambda i: (0, 0)),
            pl.BlockSpec(S.shape, lambda i: (0, 0)),
        ],
        out_specs=pl.BlockSpec((block_e, ROW), lambda i: (i, 0)),
        out_shape=jax.ShapeDtypeStruct((e, ROW), jnp.float32),
    )(xg, ea, ef, W1, b1, W2, b2, T, S)


def _tc_combine(parts0, parts1, P):
    n = parts0.shape[1]

    def body(p0_ref, p1_ref, perm_ref, o_ref):
        o_ref[...] = jnp.dot(
            (p0_ref[0] + p0_ref[1]) + (p1_ref[0] + p1_ref[1]),
            perm_ref[...], preferred_element_type=jnp.float32)

    return pl.pallas_call(
        body,
        out_shape=jax.ShapeDtypeStruct((n, DIM), jnp.float32),
    )(parts0, parts1, P)


def kernel(node_attr, edge_index, edge_attr, edge_feat, W1, b1, W2, b2):
    n, m = node_attr.shape[0], MULS
    src = edge_index[0]
    dst = edge_index[1]

    na = jnp.pad(node_attr, ((0, 0), (0, ROW - DIM)))

    Tm = np.zeros((DIM, m * DIM), np.float32)
    for c in range(DIM):
        g = c if c < m else m + m * ((c - m) % 3) + (c - m) // 3
        Tm[c, g * m:(g + 1) * m] = 1.0
    T = jnp.asarray(Tm)
    S = jnp.asarray(np.kron(np.ones((m, 1)), np.eye(m)), jnp.float32)
    cvec = np.full((4 * m * m,), 1.0 / (np.sqrt(2.0 * m) * 16.0), np.float32)
    cvec[3 * m * m:] /= np.sqrt(3.0)
    cvec = jnp.asarray(cvec)
    W2 = W2 * cvec
    b2 = b2 * cvec
    Pm = np.zeros((ROW, DIM), np.float32)
    for u in range(m):
        Pm[u, u] = 1.0
    for k in range(3):
        for w_ in range(m):
            Pm[m + m * k + w_, m + 3 * w_ + k] = 1.0
    P = jnp.asarray(Pm)

    e = edge_index.shape[1]
    eh = e // 2
    eaT = edge_attr.T
    efT = edge_feat.T
    b1r = b1.reshape(1, -1)
    b2r = b2.reshape(1, -1)
    xg0 = _sc_gather(na, dst[:eh])
    xg1 = _sc_gather(na, dst[eh:])
    tp0 = _tc_dense(xg0, eaT, efT, W1, b1r, W2, b2r,
                    T, S, block_e=3200)
    tp1 = _tc_dense(xg1, eaT, efT, W1, b1r, W2, b2r,
                    T, S, block_e=3200, e_off=eh)
    parts0 = _sc_scatter_add(tp0, src[:eh], n)
    parts1 = _sc_scatter_add(tp1, src[eh:], n)
    return _tc_combine(parts0, parts1, P)

# --- scband reference (transcript-rebuilt; emitter-appended) ---
"""Pipeline reference for scband-tensor-product-conv-layer-240518168931 (READ-ONLY COPY).

The authoritative reference and input builder live on the scoring server;
editing this copy changes nothing except your own understanding.
"""

import jax
import jax.numpy as jnp
import numpy as np

MUL = 16
N_NODES = 10000
N_EDGES = 160000
EDGE_FEATS_DIM = 16
HIDDEN_DIM = 32
WEIGHT_NUMEL = 4 * MUL * MUL
AVG_NUM_NEIGHBORS = 16.0


def setup_inputs(seed: int = 0):
    key = jax.random.key(seed)
    k = jax.random.split(key, 8)
    node_attr = jax.random.normal(k[0], (N_NODES, 4 * MUL), dtype=jnp.float32)
    edge_index = jax.random.randint(k[1], (2, N_EDGES), 0, N_NODES, dtype=jnp.int32)
    edge_attr = jax.random.normal(k[2], (N_EDGES, 4), dtype=jnp.float32)
    edge_feat = jax.random.normal(k[3], (N_EDGES, EDGE_FEATS_DIM), dtype=jnp.float32)
    W1 = jax.random.normal(k[4], (EDGE_FEATS_DIM, HIDDEN_DIM), dtype=jnp.float32) / np.sqrt(EDGE_FEATS_DIM)
    b1 = jnp.zeros((HIDDEN_DIM,), dtype=jnp.float32)
    W2 = jax.random.normal(k[5], (HIDDEN_DIM, WEIGHT_NUMEL), dtype=jnp.float32) / np.sqrt(HIDDEN_DIM)
    b2 = jnp.zeros((WEIGHT_NUMEL,), dtype=jnp.float32)
    return {"node_attr": node_attr, "edge_index": edge_index, "edge_attr": edge_attr,
            "edge_feat": edge_feat, "W1": W1, "b1": b1, "W2": W2, "b2": b2}


def _tp(x, sh, w):
    # FullyConnectedTensorProduct('16x0e+16x1o', '1x0e+1x1o', '16x0e+16x1o'),
    # shared_weights=False, irrep_normalization='component', path_normalization='element'.
    # 4 paths (instruction order): (0e,0e->0e), (0e,1o->1o), (1o,0e->1o), (1o,1o->0e).
    m = MUL
    x_s = x[:, :m]
    x_v = x[:, m:].reshape(-1, m, 3)
    sh_s = sh[:, 0]
    sh_v = sh[:, 1:4]
    w1 = w[:, 0 * m * m:1 * m * m].reshape(-1, m, m)
    w2 = w[:, 1 * m * m:2 * m * m].reshape(-1, m, m)
    w3 = w[:, 2 * m * m:3 * m * m].reshape(-1, m, m)
    w4 = w[:, 3 * m * m:4 * m * m].reshape(-1, m, m)
    inv = 1.0 / jnp.sqrt(2.0 * m)  # sqrt(alpha): fan_in per output irrep = 2*m paths-elements
    c = 1.0 / jnp.sqrt(3.0)        # wigner 3j (1,1,0) and (0,1,1) coefficient
    t1 = jnp.einsum('euw,eu,e->ew', w1, x_s, sh_s)
    xv_dot = jnp.einsum('eui,ei->eu', x_v, sh_v)
    t4 = jnp.einsum('euw,eu->ew', w4, xv_dot) * c
    out_s = inv * (t1 + t4)
    # for l=1 output: sqrt(3 * alpha) * w3j(0,1,1) = sqrt(3/(2m)) / sqrt(3) = 1/sqrt(2m)
    t2 = jnp.einsum('euw,eu,ek->ewk', w2, x_s, sh_v)
    t3 = jnp.einsum('euw,euk,e->ewk', w3, x_v, sh_s)
    out_v = inv * (t2 + t3)
    return jnp.concatenate([out_s, out_v.reshape(-1, 3 * m)], axis=1)


def reference(node_attr, edge_index, edge_attr, edge_feat, W1, b1, W2, b2):
    src = edge_index[0]
    dst = edge_index[1]
    h = jax.nn.relu(edge_feat @ W1 + b1)
    w = h @ W2 + b2  # per-edge tensor-product weights [E, 1024]
    tp = _tp(node_attr[dst], edge_attr, w)
    out = jax.ops.segment_sum(tp, src, num_segments=node_attr.shape[0])
    return out / AVG_NUM_NEIGHBORS

if __name__ == "__main__":
    import jax
    _d = setup_inputs()
    print(jax.jit(kernel)(*tuple(_d.values())))

</pallas_src>

<mosaic_0001>
#map = affine_map<(d0, d1) -> (0, 0)>
#map1 = affine_map<(d0, d1) -> (0, 0, 0)>
module attributes {stable_mosaic.version = 14 : i64} {
  func.func @k(%arg0: i32, %arg1: i32, %arg2: memref<80000x128xf32, #tpu.memory_space<hbm>>, %arg3: memref<1x80000xi32, #tpu.memory_space<hbm>>, %arg4: memref<10000x128xf32, #tpu.memory_space<hbm>>, %arg5: memref<2x10000x128xf32, #tpu.memory_space<hbm>>, %arg6: memref<10000x128xf32, #tpu.memory_space<vmem_shared>>) attributes {dimension_semantics = [#tpu.dimension_semantics<core_parallel>, #tpu.dimension_semantics<subcore_parallel>], iteration_bounds = array<i64: 2, 16>, scalar_prefetch = 0 : i64, scratch_operands = 1 : i64, tpu.core_type = #tpu.core_type<sc_vector_subcore>, window_params = [{transform_indices = #map}, {transform_indices = #map}, {transform_indices = #map}, {transform_indices = #map1}]} {
    %lt3A = arith.constant 15 : i32
    %lt3A_0 = arith.cmpi slt, %arg1, %lt3A : i32
    %convert_element_type3A = arith.extui %lt3A_0 : i1 to i32
    %cond3A = arith.constant 0 : i32
    %cond3A_1 = arith.cmpi ne, %convert_element_type3A, %cond3A : i32
    scf.if %cond3A_1 {
      %mul3A_35 = arith.constant 632 : i32
      %mul3A_36 = arith.muli %arg1, %mul3A_35 : i32
      "tpu.region"() ({
        %run_scoped3A = tpu.sem_alloc : memref<!tpu.dma_semaphore, #tpu.memory_space<semaphore_mem>>
        %dma_start3A = arith.constant 0 : i32
        %dma_start3A_37 = tpu.memref_slice %arg6[%mul3A_36, %dma_start3A] : memref<10000x128xf32, #tpu.memory_space<vmem_shared>> -> memref<632x128xf32, #tpu.memory_space<vmem_shared>>
        %dma_start3A_38 = arith.constant 0 : i32
        %dma_start3A_39 = tpu.memref_slice %arg4[%mul3A_36, %dma_start3A_38] : memref<10000x128xf32, #tpu.memory_space<hbm>> -> memref<632x128xf32, #tpu.memory_space<hbm>>
        tpu.enqueue_dma source(%dma_start3A_39 : memref<632x128xf32, #tpu.memory_space<hbm>>) target(%dma_start3A_37 : memref<632x128xf32, #tpu.memory_space<vmem_shared>>) target_semaphore(%run_scoped3A : memref<!tpu.dma_semaphore, #tpu.memory_space<semaphore_mem>>)
        %dma_wait3A = arith.constant 0 : i32
        %dma_wait3A_40 = tpu.memref_slice %arg6[%mul3A_36, %dma_wait3A] : memref<10000x128xf32, #tpu.memory_space<vmem_shared>> -> memref<632x128xf32, #tpu.memory_space<vmem_shared>>
        %dma_wait3A_41 = arith.constant 0 : i32
        %dma_wait3A_42 = tpu.memref_slice %arg4[%mul3A_36, %dma_wait3A_41] : memref<10000x128xf32, #tpu.memory_space<hbm>> -> memref<632x128xf32, #tpu.memory_space<hbm>>
        tpu.wait_dma2 semaphore(%run_scoped3A : memref<!tpu.dma_semaphore, #tpu.memory_space<semaphore_mem>>) src(%dma_wait3A_42 : memref<632x128xf32, #tpu.memory_space<hbm>>) dst(%dma_wait3A_40 : memref<632x128xf32, #tpu.memory_space<vmem_shared>>)
        tpu.yield
      }) : () -> ()
    } else {
    }
    %eq3A = arith.constant 15 : i32
    %eq3A_2 = arith.cmpi eq, %arg1, %eq3A : i32
    %convert_element_type3A_3 = arith.extui %eq3A_2 : i1 to i32
    %cond3A_4 = arith.constant 0 : i32
    %cond3A_5 = arith.cmpi ne, %convert_element_type3A_3, %cond3A_4 : i32
    scf.if %cond3A_5 {
      "tpu.region"() ({
        %run_scoped3A = tpu.sem_alloc : memref<!tpu.dma_semaphore, #tpu.memory_space<semaphore_mem>>
        %dma_start3A = arith.constant 9480 : i32
        %dma_start3A_35 = arith.constant 0 : i32
        %dma_start3A_36 = tpu.memref_slice %arg6[%dma_start3A, %dma_start3A_35] : memref<10000x128xf32, #tpu.memory_space<vmem_shared>> -> memref<520x128xf32, #tpu.memory_space<vmem_shared>>
        %dma_start3A_37 = arith.constant 9480 : i32
        %dma_start3A_38 = arith.constant 0 : i32
        %dma_start3A_39 = tpu.memref_slice %arg4[%dma_start3A_37, %dma_start3A_38] : memref<10000x128xf32, #tpu.memory_space<hbm>> -> memref<520x128xf32, #tpu.memory_space<hbm>>
        tpu.enqueue_dma source(%dma_start3A_39 : memref<520x128xf32, #tpu.memory_space<hbm>>) target(%dma_start3A_36 : memref<520x128xf32, #tpu.memory_space<vmem_shared>>) target_semaphore(%run_scoped3A : memref<!tpu.dma_semaphore, #tpu.memory_space<semaphore_mem>>)
        %dma_wait3A = arith.constant 9480 : i32
        %dma_wait3A_40 = arith.constant 0 : i32
        %dma_wait3A_41 = tpu.memref_slice %arg6[%dma_wait3A, %dma_wait3A_40] : memref<10000x128xf32, #tpu.memory_space<vmem_shared>> -> memref<520x128xf32, #tpu.memory_space<vmem_shared>>
        %dma_wait3A_42 = arith.constant 9480 : i32
        %dma_wait3A_43 = arith.constant 0 : i32
        %dma_wait3A_44 = tpu.memref_slice %arg4[%dma_wait3A_42, %dma_wait3A_43] : memref<10000x128xf32, #tpu.memory_space<hbm>> -> memref<520x128xf32, #tpu.memory_space<hbm>>
        tpu.wait_dma2 semaphore(%run_scoped3A : memref<!tpu.dma_semaphore, #tpu.memory_space<semaphore_mem>>) src(%dma_wait3A_44 : memref<520x128xf32, #tpu.memory_space<hbm>>) dst(%dma_wait3A_41 : memref<520x128xf32, #tpu.memory_space<vmem_shared>>)
        tpu.yield
      }) : () -> ()
    } else {
    }
    %barrier3A = arith.constant 0 : index
    tpu.barrier barrier_id(%barrier3A)
    %mul3A = arith.constant 1 : i32
    %mul3A_6 = arith.muli %arg1, %mul3A : i32
    %add3A = arith.constant 0 : i32
    %add3A_7 = arith.addi %add3A, %mul3A_6 : i32
    %mul3A_8 = arith.constant 16 : i32
    %mul3A_9 = arith.muli %arg0, %mul3A_8 : i32
    %add3A_10 = arith.addi %add3A_7, %mul3A_9 : i32
    %lt3A_11 = arith.constant 17 : i32
    %lt3A_12 = arith.cmpi slt, %add3A_10, %lt3A_11 : i32
    %jit3A = arith.constant 20 : i32
    %jit3A_13 = arith.constant 19 : i32
    %select_n3A = arith.select %lt3A_12, %jit3A, %jit3A_13 : i32
    %lt3A_14 = arith.constant 17 : i32
    %lt3A_15 = arith.cmpi slt, %add3A_10, %lt3A_14 : i32
    %mul3A_16 = arith.muli %add3A_10, %select_n3A : i32
    %mul3A_17 = arith.constant 19 : i32
    %mul3A_18 = arith.muli %add3A_10, %mul3A_17 : i32
    %add3A_19 = arith.constant 17 : i32
    %add3A_20 = arith.addi %mul3A_18, %add3A_19 : i32
    %select_n3A_21 = arith.select %lt3A_15, %mul3A_16, %add3A_20 : i32
    %mul3A_22 = arith.constant 1 : i32
    %mul3A_23 = arith.muli %mul3A_22, %select_n3A : i32
    "tpu.region"() ({
      %run_scoped3A = memref.alloca() : memref<2x128x128xf32, #tpu.memory_space<vmem>>
      %run_scoped3A_35 = tpu.sem_alloc : memref<2x!tpu.dma_semaphore, #tpu.memory_space<semaphore_mem>>
      %run_scoped3A_36 = memref.alloca() : memref<2x1x128xi32, #tpu.memory_space<vmem>>
      %run_scoped3A_37 = tpu.sem_alloc : memref<2x!tpu.dma_semaphore, #tpu.memory_space<semaphore_mem>>
      %gt3A = arith.constant 0 : i32
      %gt3A_38 = arith.cmpi sgt, %mul3A_23, %gt3A : i32
      %convert_element_type3A_39 = arith.extui %gt3A_38 : i1 to i32
      %cond3A_40 = arith.constant 0 : i32
      %cond3A_41 = arith.cmpi ne, %convert_element_type3A_39, %cond3A_40 : i32
      scf.if %cond3A_41 {
        %mul3A_42 = arith.constant 1 : i32
        %mul3A_43 = arith.muli %mul3A_42, %select_n3A : i32
        %sub3A = arith.constant 1 : i32
        %sub3A_44 = arith.subi %mul3A_43, %sub3A : i32
        %eq3A_45 = arith.constant 0 : i32
        %eq3A_46 = arith.cmpi eq, %sub3A_44, %eq3A_45 : i32
        %add3A_47 = arith.constant 0 : i32
        %add3A_48 = arith.addi %add3A_47, %select_n3A_21 : i32
        %select_n3A_49 = arith.constant true
        %select_n3A_50 = arith.constant 0 : i32
        %select_n3A_51 = arith.constant -1 : i32
        %select_n3A_52 = arith.select %select_n3A_49, %select_n3A_51, %select_n3A_50 : i32
        %eq3A_53 = arith.constant -1 : i32
        %eq3A_54 = arith.cmpi eq, %select_n3A_52, %eq3A_53 : i32
        %sub3A_55 = arith.constant 1 : i32
        %sub3A_56 = arith.subi %select_n3A, %sub3A_55 : i32
        %select_n3A_57 = arith.select %eq3A_54, %sub3A_56, %select_n3A_52 : i32
        %add3A_58 = arith.addi %select_n3A_57, %select_n3A_21 : i32
        %select_n3A_59 = arith.constant true
        %select_n3A_60 = arith.constant 0 : i32
        %select_n3A_61 = arith.constant 1 : i32
        %select_n3A_62 = arith.select %select_n3A_59, %select_n3A_61, %select_n3A_60 : i32
        %eq3A_63 = arith.cmpi eq, %select_n3A_62, %select_n3A : i32
        %select_n3A_64 = arith.constant 0 : i32
        %select_n3A_65 = arith.select %eq3A_63, %select_n3A_64, %select_n3A_62 : i32
        %add3A_66 = arith.addi %select_n3A_65, %select_n3A_21 : i32
        %add3A_67 = arith.constant 1 : i32
        %add3A_68 = arith.addi %select_n3A_65, %add3A_67 : i32
        %select_n3A_69 = arith.constant true
        %select_n3A_70 = arith.select %select_n3A_69, %add3A_68, %select_n3A_65 : i32
        %eq3A_71 = arith.cmpi eq, %select_n3A_70, %select_n3A : i32
        %select_n3A_72 = arith.constant 0 : i32
        %select_n3A_73 = arith.select %eq3A_71, %select_n3A_72, %select_n3A_70 : i32
        %add3A_74 = arith.addi %select_n3A_73, %select_n3A_21 : i32
        "tpu.trace_start"() <{level = 10 : i32, message = "ep_initialize_0"}> : () -> ()
        %rem3A = arith.constant 0 : i32
        %rem3A_75 = arith.constant 2 : i32
        %rem3A_76 = arith.remui %rem3A, %rem3A_75 : i32
        %mul3A_77 = arith.constant 128 : i32
        %mul3A_78 = arith.muli %mul3A_77, %add3A_48 : i32
        %dma_start3A = arith.constant 0 : i32
        %dma_start3A_79 = arith.constant 0 : i32
        %dma_start3A_80 = tpu.memref_slice %run_scoped3A[%rem3A_76, %dma_start3A, %dma_start3A_79] : memref<2x128x128xf32, #tpu.memory_space<vmem>> -> memref<1x128x128xf32, #tpu.memory_space<vmem>>
        %dma_start3A_81 = tpu.memref_squeeze %dma_start3A_80 : memref<1x128x128xf32, #tpu.memory_space<vmem>> -> memref<128x128xf32, #tpu.memory_space<vmem>>
        %dma_start3A_82 = arith.constant 0 : i32
        %dma_start3A_83 = tpu.memref_slice %arg2[%mul3A_78, %dma_start3A_82] : memref<80000x128xf32, #tpu.memory_space<hbm>> -> memref<128x128xf32, #tpu.memory_space<hbm>>
        %dma_start3A_84 = tpu.memref_slice %run_scoped3A_35[%rem3A_76] : memref<2x!tpu.dma_semaphore, #tpu.memory_space<semaphore_mem>> -> memref<1x!tpu.dma_semaphore, #tpu.memory_space<semaphore_mem>>
        %dma_start3A_85 = tpu.memref_squeeze %dma_start3A_84 : memref<1x!tpu.dma_semaphore, #tpu.memory_space<semaphore_mem>> -> memref<!tpu.dma_semaphore, #tpu.memory_space<semaphore_mem>>
        %dma_start3A_86 = arith.constant 0 : i32
        %dma_start3A_87 = arith.constant 0 : i32
        %dma_start3A_88 = tpu.memref_slice %run_scoped3A[%rem3A_76, %dma_start3A_86, %dma_start3A_87] : memref<2x128x128xf32, #tpu.memory_space<vmem>> -> memref<1x128x128xf32, #tpu.memory_space<vmem>>
        %dma_start3A_89 = tpu.memref_squeeze %dma_start3A_88 : memref<1x128x128xf32, #tpu.memory_space<vmem>> -> memref<128x128xf32, #tpu.memory_space<vmem>>
        %dma_start3A_90 = arith.constant 0 : i32
        %dma_start3A_91 = tpu.memref_slice %arg2[%mul3A_78, %dma_start3A_90] : memref<80000x128xf32, #tpu.memory_space<hbm>> -> memref<128x128xf32, #tpu.memory_space<hbm>>
        tpu.enqueue_dma source(%dma_start3A_91 : memref<128x128xf32, #tpu.memory_space<hbm>>) target(%dma_start3A_89 : memref<128x128xf32, #tpu.memory_space<vmem>>) target_semaphore(%dma_start3A_85 : memref<!tpu.dma_semaphore, #tpu.memory_space<semaphore_mem>>)
        %add3A_92 = arith.constant 0 : i32
        %add3A_93 = arith.constant 1 : i32
        %add3A_94 = arith.addi %add3A_92, %add3A_93 : i32
        %select_n3A_95 = arith.constant true
        %select_n3A_96 = arith.constant 0 : i32
        %select_n3A_97 = arith.select %select_n3A_95, %add3A_94, %select_n3A_96 : i32
        %rem3A_98 = arith.constant 0 : i32
        %rem3A_99 = arith.constant 2 : i32
        %rem3A_100 = arith.remui %rem3A_98, %rem3A_99 : i32
        %mul3A_101 = arith.constant 128 : i32
        %mul3A_102 = arith.muli %mul3A_101, %add3A_48 : i32
        %dma_start3A_103 = arith.constant 0 : i32
        %dma_start3A_104 = arith.constant 0 : i32
        %dma_start3A_105 = tpu.memref_slice %run_scoped3A_36[%rem3A_100, %dma_start3A_103, %dma_start3A_104] : memref<2x1x128xi32, #tpu.memory_space<vmem>> -> memref<1x1x128xi32, #tpu.memory_space<vmem>>
        %dma_start3A_106 = tpu.memref_squeeze %dma_start3A_105 : memref<1x1x128xi32, #tpu.memory_space<vmem>> -> memref<1x128xi32, #tpu.memory_space<vmem>>
        %dma_start3A_107 = arith.constant 0 : i32
        %dma_start3A_108 = tpu.memref_slice %arg3[%dma_start3A_107, %mul3A_102] : memref<1x80000xi32, #tpu.memory_space<hbm>> -> memref<1x128xi32, #tpu.memory_space<hbm>>
        %dma_start3A_109 = tpu.memref_slice %run_scoped3A_37[%rem3A_100] : memref<2x!tpu.dma_semaphore, #tpu.memory_space<semaphore_mem>> -> memref<1x!tpu.dma_semaphore, #tpu.memory_space<semaphore_mem>>
        %dma_start3A_110 = tpu.memref_squeeze %dma_start3A_109 : memref<1x!tpu.dma_semaphore, #tpu.memory_space<semaphore_mem>> -> memref<!tpu.dma_semaphore, #tpu.memory_space<semaphore_mem>>
        %dma_start3A_111 = arith.constant 0 : i32
        %dma_start3A_112 = arith.constant 0 : i32
        %dma_start3A_113 = tpu.memref_slice %run_scoped3A_36[%rem3A_100, %dma_start3A_111, %dma_start3A_112] : memref<2x1x128xi32, #tpu.memory_space<vmem>> -> memref<1x1x128xi32, #tpu.memory_space<vmem>>
        %dma_start3A_114 = tpu.memref_squeeze %dma_start3A_113 : memref<1x1x128xi32, #tpu.memory_space<vmem>> -> memref<1x128xi32, #tpu.memory_space<vmem>>
        %dma_start3A_115 = arith.constant 0 : i32
        %dma_start3A_116 = tpu.memref_slice %arg3[%dma_start3A_115, %mul3A_102] : memref<1x80000xi32, #tpu.memory_space<hbm>> -> memref<1x128xi32, #tpu.memory_space<hbm>>
        tpu.enqueue_dma source(%dma_start3A_116 : memref<1x128xi32, #tpu.memory_space<hbm>>) target(%dma_start3A_114 : memref<1x128xi32, #tpu.memory_space<vmem>>) target_semaphore(%dma_start3A_110 : memref<!tpu.dma_semaphore, #tpu.memory_space<semaphore_mem>>)
        %add3A_117 = arith.constant 0 : i32
        %add3A_118 = arith.constant 1 : i32
        %add3A_119 = arith.addi %add3A_117, %add3A_118 : i32
        %select_n3A_120 = arith.constant true
        %select_n3A_121 = arith.constant 0 : i32
        %select_n3A_122 = arith.select %select_n3A_120, %add3A_119, %select_n3A_121 : i32
        %while3A = arith.constant 0 : i32
        %while3A_123 = arith.constant 0 : i32
        %while3A_124 = arith.constant 0 : i32
        %while3A_125 = arith.constant 0 : i32
        "tpu.trace_stop"() : () -> ()
        %while3A_126 = arith.subi %mul3A_23, %while3A : i32
        %while3A_127 = arith.addi %while3A, %while3A_126 : i32
        %while3A_128 = arith.constant 1 : i32
        %while3A_129 = arith.divsi %while3A_126, %while3A_128 : i32
        %while3A_130 = arith.muli %while3A_129, %while3A_128 : i32
        %while3A_131 = arith.addi %while3A, %while3A_130 : i32
        %while3A_132 = arith.constant 1 : i32
        %while3A_133:5 = scf.for %while3A_187 = %while3A to %while3A_131 step %while3A_132 iter_args(%while3A_188 = %select_n3A_97, %while3A_189 = %while3A_123, %while3A_190 = %select_n3A_122, %while3A_191 = %while3A_124, %while3A_192 = %while3A_125) -> (i32, i32, i32, i32, i32)  : i32 {
          %mul3A_193 = arith.constant 1 : i32
          %mul3A_194 = arith.muli %mul3A_193, %select_n3A : i32
          %eq3A_195 = arith.constant 0 : i32
          %eq3A_196 = arith.cmpi eq, %while3A_187, %eq3A_195 : i32
          %sub3A_197 = arith.constant 1 : i32
          %sub3A_198 = arith.subi %mul3A_194, %sub3A_197 : i32
          %eq3A_199 = arith.cmpi eq, %while3A_187, %sub3A_198 : i32
          %add3A_200 = arith.addi %while3A_192, %select_n3A_21 : i32
          %sub3A_201 = arith.constant 1 : i32
          %sub3A_202 = arith.subi %while3A_192, %sub3A_201 : i32
          %select_n3A_203 = arith.constant true
          %select_n3A_204 = arith.select %select_n3A_203, %sub3A_202, %while3A_192 : i32
          %eq3A_205 = arith.constant -1 : i32
          %eq3A_206 = arith.cmpi eq, %select_n3A_204, %eq3A_205 : i32
          %sub3A_207 = arith.constant 1 : i32
          %sub3A_208 = arith.subi %select_n3A, %sub3A_207 : i32
          %select_n3A_209 = arith.select %eq3A_206, %sub3A_208, %select_n3A_204 : i32
          %add3A_210 = arith.addi %select_n3A_209, %select_n3A_21 : i32
          %add3A_211 = arith.constant 1 : i32
          %add3A_212 = arith.addi %while3A_192, %add3A_211 : i32
          %select_n3A_213 = arith.constant true
          %select_n3A_214 = arith.select %select_n3A_213, %add3A_212, %while3A_192 : i32
          %eq3A_215 = arith.cmpi eq, %select_n3A_214, %select_n3A : i32
          %select_n3A_216 = arith.constant 0 : i32
          %select_n3A_217 = arith.select %eq3A_215, %select_n3A_216, %select_n3A_214 : i32
          %add3A_218 = arith.addi %select_n3A_217, %select_n3A_21 : i32
          %add3A_219 = arith.constant 1 : i32
          %add3A_220 = arith.addi %select_n3A_217, %add3A_219 : i32
          %select_n3A_221 = arith.constant true
          %select_n3A_222 = arith.select %select_n3A_221, %add3A_220, %select_n3A_217 : i32
          %eq3A_223 = arith.cmpi eq, %select_n3A_222, %select_n3A : i32
          %select_n3A_224 = arith.constant 0 : i32
          %select_n3A_225 = arith.select %eq3A_223, %select_n3A_224, %select_n3A_222 : i32
          %add3A_226 = arith.addi %select_n3A_225, %select_n3A_21 : i32
          %ne3A = arith.cmpi ne, %add3A_200, %add3A_218 : i32
          %or3A = arith.constant false
          %or3A_227 = arith.ori %or3A, %ne3A : i1
          %or3A_228 = arith.constant false
          %or3A_229 = arith.ori %or3A_227, %or3A_228 : i1
          %sub3A_230 = arith.constant 2 : i32
          %sub3A_231 = arith.subi %mul3A_194, %sub3A_230 : i32
          %add3A_232 = arith.constant 1 : i32
          %add3A_233 = arith.addi %sub3A_231, %add3A_232 : i32
          %ge3A = arith.cmpi sge, %while3A_187, %add3A_233 : i32
          %not3A = arith.constant true
          %not3A_234 = arith.xori %ge3A, %not3A : i1
          %and3A = arith.andi %or3A_229, %not3A_234 : i1
          %convert_element_type3A_235 = arith.extui %and3A : i1 to i32
          %cond3A_236 = arith.constant 0 : i32
          %cond3A_237 = arith.cmpi ne, %convert_element_type3A_235, %cond3A_236 : i32
          scf.if %cond3A_237 {
            "tpu.trace_start"() <{level = 10 : i32, message = "ep_copy_in"}> : () -> ()
            %rem3A_350 = arith.constant 2 : i32
            %rem3A_351 = arith.remui %while3A_188, %rem3A_350 : i32
            %mul3A_352 = arith.constant 128 : i32
            %mul3A_353 = arith.muli %mul3A_352, %add3A_218 : i32
            %dma_start3A_354 = arith.constant 0 : i32
            %dma_start3A_355 = arith.constant 0 : i32
            %dma_start3A_356 = tpu.memref_slice %run_scoped3A[%rem3A_351, %dma_start3A_354, %dma_start3A_355] : memref<2x128x128xf32, #tpu.memory_space<vmem>> -> memref<1x128x128xf32, #tpu.memory_space<vmem>>
            %dma_start3A_357 = tpu.memref_squeeze %dma_start3A_356 : memref<1x128x128xf32, #tpu.memory_space<vmem>> -> memref<128x128xf32, #tpu.memory_space<vmem>>
            %dma_start3A_358 = arith.constant 0 : i32
            %dma_start3A_359 = tpu.memref_slice %arg2[%mul3A_353, %dma_start3A_358] : memref<80000x128xf32, #tpu.memory_space<hbm>> -> memref<128x128xf32, #tpu.memory_space<hbm>>
            %dma_start3A_360 = tpu.memref_slice %run_scoped3A_35[%rem3A_351] : memref<2x!tpu.dma_semaphore, #tpu.memory_space<semaphore_mem>> -> memref<1x!tpu.dma_semaphore, #tpu.memory_space<semaphore_mem>>
            %dma_start3A_361 = tpu.memref_squeeze %dma_start3A_360 : memref<1x!tpu.dma_semaphore, #tpu.memory_space<semaphore_mem>> -> memref<!tpu.dma_semaphore, #tpu.memory_space<semaphore_mem>>
            %dma_start3A_362 = arith.constant 0 : i32
            %dma_start3A_363 = arith.constant 0 : i32
            %dma_start3A_364 = tpu.memref_slice %run_scoped3A[%rem3A_351, %dma_start3A_362, %dma_start3A_363] : memref<2x128x128xf32, #tpu.memory_space<vmem>> -> memref<1x128x128xf32, #tpu.memory_space<vmem>>
            %dma_start3A_365 = tpu.memref_squeeze %dma_start3A_364 : memref<1x128x128xf32, #tpu.memory_space<vmem>> -> memref<128x128xf32, #tpu.memory_space<vmem>>
            %dma_start3A_366 = arith.constant 0 : i32
            %dma_start3A_367 = tpu.memref_slice %arg2[%mul3A_353, %dma_start3A_366] : memref<80000x128xf32, #tpu.memory_space<hbm>> -> memref<128x128xf32, #tpu.memory_space<hbm>>
            tpu.enqueue_dma source(%dma_start3A_367 : memref<128x128xf32, #tpu.memory_space<hbm>>) target(%dma_start3A_365 : memref<128x128xf32, #tpu.memory_space<vmem>>) target_semaphore(%dma_start3A_361 : memref<!tpu.dma_semaphore, #tpu.memory_space<semaphore_mem>>)
            "tpu.trace_stop"() : () -> ()
          } else {
          }
          %and3A_238 = arith.constant true
          %and3A_239 = arith.andi %and3A, %and3A_238 : i1
          %add3A_240 = arith.constant 1 : i32
          %add3A_241 = arith.addi %while3A_188, %add3A_240 : i32
          %select_n3A_242 = arith.select %and3A_239, %add3A_241, %while3A_188 : i32
          %ne3A_243 = arith.cmpi ne, %add3A_200, %add3A_218 : i32
          %or3A_244 = arith.constant false
          %or3A_245 = arith.ori %or3A_244, %ne3A_243 : i1
          %sub3A_246 = arith.constant 2 : i32
          %sub3A_247 = arith.subi %mul3A_194, %sub3A_246 : i32
          %add3A_248 = arith.constant 1 : i32
          %add3A_249 = arith.addi %sub3A_247, %add3A_248 : i32
          %ge3A_250 = arith.cmpi sge, %while3A_187, %add3A_249 : i32
          %not3A_251 = arith.constant true
          %not3A_252 = arith.xori %ge3A_250, %not3A_251 : i1
          %and3A_253 = arith.andi %or3A_245, %not3A_252 : i1
          %convert_element_type3A_254 = arith.extui %and3A_253 : i1 to i32
          %cond3A_255 = arith.constant 0 : i32
          %cond3A_256 = arith.cmpi ne, %convert_element_type3A_254, %cond3A_255 : i32
          scf.if %cond3A_256 {
            "tpu.trace_start"() <{level = 10 : i32, message = "ep_copy_in"}> : () -> ()
            %rem3A_350 = arith.constant 2 : i32
            %rem3A_351 = arith.remui %while3A_190, %rem3A_350 : i32
            %mul3A_352 = arith.constant 128 : i32
            %mul3A_353 = arith.muli %mul3A_352, %add3A_218 : i32
            %dma_start3A_354 = arith.constant 0 : i32
            %dma_start3A_355 = arith.constant 0 : i32
            %dma_start3A_356 = tpu.memref_slice %run_scoped3A_36[%rem3A_351, %dma_start3A_354, %dma_start3A_355] : memref<2x1x128xi32, #tpu.memory_space<vmem>> -> memref<1x1x128xi32, #tpu.memory_space<vmem>>
            %dma_start3A_357 = tpu.memref_squeeze %dma_start3A_356 : memref<1x1x128xi32, #tpu.memory_space<vmem>> -> memref<1x128xi32, #tpu.memory_space<vmem>>
            %dma_start3A_358 = arith.constant 0 : i32
            %dma_start3A_359 = tpu.memref_slice %arg3[%dma_start3A_358, %mul3A_353] : memref<1x80000xi32, #tpu.memory_space<hbm>> -> memref<1x128xi32, #tpu.memory_space<hbm>>
            %dma_start3A_360 = tpu.memref_slice %run_scoped3A_37[%rem3A_351] : memref<2x!tpu.dma_semaphore, #tpu.memory_space<semaphore_mem>> -> memref<1x!tpu.dma_semaphore, #tpu.memory_space<semaphore_mem>>
            %dma_start3A_361 = tpu.memref_squeeze %dma_start3A_360 : memref<1x!tpu.dma_semaphore, #tpu.memory_space<semaphore_mem>> -> memref<!tpu.dma_semaphore, #tpu.memory_space<semaphore_mem>>
            %dma_start3A_362 = arith.constant 0 : i32
            %dma_start3A_363 = arith.constant 0 : i32
            %dma_start3A_364 = tpu.memref_slice %run_scoped3A_36[%rem3A_351, %dma_start3A_362, %dma_start3A_363] : memref<2x1x128xi32, #tpu.memory_space<vmem>> -> memref<1x1x128xi32, #tpu.memory_space<vmem>>
            %dma_start3A_365 = tpu.memref_squeeze %dma_start3A_364 : memref<1x1x128xi32, #tpu.memory_space<vmem>> -> memref<1x128xi32, #tpu.memory_space<vmem>>
            %dma_start3A_366 = arith.constant 0 : i32
            %dma_start3A_367 = tpu.memref_slice %arg3[%dma_start3A_366, %mul3A_353] : memref<1x80000xi32, #tpu.memory_space<hbm>> -> memref<1x128xi32, #tpu.memory_space<hbm>>
            tpu.enqueue_dma source(%dma_start3A_367 : memref<1x128xi32, #tpu.memory_space<hbm>>) target(%dma_start3A_365 : memref<1x128xi32, #tpu.memory_space<vmem>>) target_semaphore(%dma_start3A_361 : memref<!tpu.dma_semaphore, #tpu.memory_space<semaphore_mem>>)
            "tpu.trace_stop"() : () -> ()
          } else {
          }
          %and3A_257 = arith.constant true
          %and3A_258 = arith.andi %and3A_253, %and3A_257 : i1
          %add3A_259 = arith.constant 1 : i32
          %add3A_260 = arith.addi %while3A_190, %add3A_259 : i32
          %select_n3A_261 = arith.select %and3A_258, %add3A_260, %while3A_190 : i32
          %ne3A_262 = arith.cmpi ne, %add3A_200, %add3A_210 : i32
          %or3A_263 = arith.constant false
          %or3A_264 = arith.ori %or3A_263, %ne3A_262 : i1
          %or3A_265 = arith.constant false
          %or3A_266 = arith.ori %or3A_264, %or3A_265 : i1
          %or3A_267 = arith.ori %or3A_266, %eq3A_196 : i1
          %convert_element_type3A_268 = arith.extui %or3A_267 : i1 to i32
          %cond3A_269 = arith.constant 0 : i32
          %cond3A_270 = arith.cmpi ne, %convert_element_type3A_268, %cond3A_269 : i32
          scf.if %cond3A_270 {
            "tpu.trace_start"() <{level = 10 : i32, message = "ep_wait_in"}> : () -> ()
            %mul3A_350 = arith.constant 128 : i32
            %mul3A_351 = arith.muli %mul3A_350, %add3A_200 : i32
            %rem3A_352 = arith.constant 2 : i32
            %rem3A_353 = arith.remui %while3A_189, %rem3A_352 : i32
            %dma_wait3A = arith.constant 0 : i32
            %dma_wait3A_354 = arith.constant 0 : i32
            %dma_wait3A_355 = tpu.memref_slice %run_scoped3A[%rem3A_353, %dma_wait3A, %dma_wait3A_354] : memref<2x128x128xf32, #tpu.memory_space<vmem>> -> memref<1x128x128xf32, #tpu.memory_space<vmem>>
            %dma_wait3A_356 = tpu.memref_squeeze %dma_wait3A_355 : memref<1x128x128xf32, #tpu.memory_space<vmem>> -> memref<128x128xf32, #tpu.memory_space<vmem>>
            %dma_wait3A_357 = arith.constant 0 : i32
            %dma_wait3A_358 = tpu.memref_slice %arg2[%mul3A_351, %dma_wait3A_357] : memref<80000x128xf32, #tpu.memory_space<hbm>> -> memref<128x128xf32, #tpu.memory_space<hbm>>
            %dma_wait3A_359 = tpu.memref_slice %run_scoped3A_35[%rem3A_353] : memref<2x!tpu.dma_semaphore, #tpu.memory_space<semaphore_mem>> -> memref<1x!tpu.dma_semaphore, #tpu.memory_space<semaphore_mem>>
            %dma_wait3A_360 = tpu.memref_squeeze %dma_wait3A_359 : memref<1x!tpu.dma_semaphore, #tpu.memory_space<semaphore_mem>> -> memref<!tpu.dma_semaphore, #tpu.memory_space<semaphore_mem>>
            %dma_wait3A_361 = arith.constant 0 : i32
            %dma_wait3A_362 = arith.constant 0 : i32
            %dma_wait3A_363 = tpu.memref_slice %run_scoped3A[%rem3A_353, %dma_wait3A_361, %dma_wait3A_362] : memref<2x128x128xf32, #tpu.memory_space<vmem>> -> memref<1x128x128xf32, #tpu.memory_space<vmem>>
            %dma_wait3A_364 = tpu.memref_squeeze %dma_wait3A_363 : memref<1x128x128xf32, #tpu.memory_space<vmem>> -> memref<128x128xf32, #tpu.memory_space<vmem>>
            %dma_wait3A_365 = arith.constant 0 : i32
            %dma_wait3A_366 = tpu.memref_slice %arg2[%mul3A_351, %dma_wait3A_365] : memref<80000x128xf32, #tpu.memory_space<hbm>> -> memref<128x128xf32, #tpu.memory_space<hbm>>
            tpu.wait_dma2 semaphore(%dma_wait3A_360 : memref<!tpu.dma_semaphore, #tpu.memory_space<semaphore_mem>>) src(%dma_wait3A_366 : memref<128x128xf32, #tpu.memory_space<hbm>>) dst(%dma_wait3A_364 : memref<128x128xf32, #tpu.memory_space<vmem>>)
            "tpu.trace_stop"() : () -> ()
          } else {
          }
          %ne3A_271 = arith.cmpi ne, %add3A_200, %add3A_210 : i32
          %or3A_272 = arith.constant false
          %or3A_273 = arith.ori %or3A_272, %ne3A_271 : i1
          %or3A_274 = arith.ori %or3A_273, %eq3A_196 : i1
          %convert_element_type3A_275 = arith.extui %or3A_274 : i1 to i32
          %cond3A_276 = arith.constant 0 : i32
          %cond3A_277 = arith.cmpi ne, %convert_element_type3A_275, %cond3A_276 : i32
          scf.if %cond3A_277 {
            "tpu.trace_start"() <{level = 10 : i32, message = "ep_wait_in"}> : () -> ()
            %mul3A_350 = arith.constant 128 : i32
            %mul3A_351 = arith.muli %mul3A_350, %add3A_200 : i32
            %rem3A_352 = arith.constant 2 : i32
            %rem3A_353 = arith.remui %while3A_191, %rem3A_352 : i32
            %dma_wait3A = arith.constant 0 : i32
            %dma_wait3A_354 = arith.constant 0 : i32
            %dma_wait3A_355 = tpu.memref_slice %run_scoped3A_36[%rem3A_353, %dma_wait3A, %dma_wait3A_354] : memref<2x1x128xi32, #tpu.memory_space<vmem>> -> memref<1x1x128xi32, #tpu.memory_space<vmem>>
            %dma_wait3A_356 = tpu.memref_squeeze %dma_wait3A_355 : memref<1x1x128xi32, #tpu.memory_space<vmem>> -> memref<1x128xi32, #tpu.memory_space<vmem>>
            %dma_wait3A_357 = arith.constant 0 : i32
            %dma_wait3A_358 = tpu.memref_slice %arg3[%dma_wait3A_357, %mul3A_351] : memref<1x80000xi32, #tpu.memory_space<hbm>> -> memref<1x128xi32, #tpu.memory_space<hbm>>
            %dma_wait3A_359 = tpu.memref_slice %run_scoped3A_37[%rem3A_353] : memref<2x!tpu.dma_semaphore, #tpu.memory_space<semaphore_mem>> -> memref<1x!tpu.dma_semaphore, #tpu.memory_space<semaphore_mem>>
            %dma_wait3A_360 = tpu.memref_squeeze %dma_wait3A_359 : memref<1x!tpu.dma_semaphore, #tpu.memory_space<semaphore_mem>> -> memref<!tpu.dma_semaphore, #tpu.memory_space<semaphore_mem>>
            %dma_wait3A_361 = arith.constant 0 : i32
            %dma_wait3A_362 = arith.constant 0 : i32
            %dma_wait3A_363 = tpu.memref_slice %run_scoped3A_36[%rem3A_353, %dma_wait3A_361, %dma_wait3A_362] : memref<2x1x128xi32, #tpu.memory_space<vmem>> -> memref<1x1x128xi32, #tpu.memory_space<vmem>>
            %dma_wait3A_364 = tpu.memref_squeeze %dma_wait3A_363 : memref<1x1x128xi32, #tpu.memory_space<vmem>> -> memref<1x128xi32, #tpu.memory_space<vmem>>
            %dma_wait3A_365 = arith.constant 0 : i32
            %dma_wait3A_366 = tpu.memref_slice %arg3[%dma_wait3A_365, %mul3A_351] : memref<1x80000xi32, #tpu.memory_space<hbm>> -> memref<1x128xi32, #tpu.memory_space<hbm>>
            tpu.wait_dma2 semaphore(%dma_wait3A_360 : memref<!tpu.dma_semaphore, #tpu.memory_space<semaphore_mem>>) src(%dma_wait3A_366 : memref<1x128xi32, #tpu.memory_space<hbm>>) dst(%dma_wait3A_364 : memref<1x128xi32, #tpu.memory_space<vmem>>)
            "tpu.trace_stop"() : () -> ()
          } else {
          }
          %rem3A_278 = arith.constant 2 : i32
          %rem3A_279 = arith.remui %while3A_189, %rem3A_278 : i32
          %rem3A_280 = arith.constant 2 : i32
          %rem3A_281 = arith.remui %while3A_191, %rem3A_280 : i32
          %run_scoped3A_282 = arith.constant 0 : i32
          "tpu.trace_start"() <{level = 10 : i32, message = "ep_run_kernel"}> : () -> ()
          "tpu.region"() ({
            %run_scoped3A_350 = tpu.sem_alloc : memref<!tpu.dma_semaphore, #tpu.memory_space<semaphore_mem>>
            %dma_start3A_351 = arith.constant 0 : i32
            %dma_start3A_352 = arith.constant 0 : i32
            %dma_start3A_353 = tpu.memref_slice %run_scoped3A[%rem3A_279, %dma_start3A_351, %dma_start3A_352] : memref<2x128x128xf32, #tpu.memory_space<vmem>> -> memref<1x128x128xf32, #tpu.memory_space<vmem>>
            %dma_start3A_354 = tpu.memref_squeeze %dma_start3A_353 : memref<1x128x128xf32, #tpu.memory_space<vmem>> -> memref<128x128xf32, #tpu.memory_space<vmem>>
            %dma_start3A_355 = arith.constant 0 : i32
            %dma_start3A_356 = arith.constant 0 : i32
            %dma_start3A_357 = tpu.memref_slice %run_scoped3A_36[%rem3A_281, %dma_start3A_355, %dma_start3A_356] : memref<2x1x128xi32, #tpu.memory_space<vmem>> -> memref<1x1x128xi32, #tpu.memory_space<vmem>>
            %dma_start3A_358 = tpu.memref_squeeze %dma_start3A_357 : memref<1x1x128xi32, #tpu.memory_space<vmem>> -> memref<1x128xi32, #tpu.memory_space<vmem>>
            %dma_start3A_359 = arith.constant 0 : i32
            %dma_start3A_360 = tpu.memref_slice %dma_start3A_358[%run_scoped3A_282, %dma_start3A_359] : memref<1x128xi32, #tpu.memory_space<vmem>> -> memref<1x128xi32, #tpu.memory_space<vmem>>
            %dma_start3A_361 = tpu.memref_squeeze %dma_start3A_360 : memref<1x128xi32, #tpu.memory_space<vmem>> -> memref<128xi32, #tpu.memory_space<vmem>>
            %dma_start3A_362 = arith.constant 0 : i32
            %dma_start3A_363 = arith.constant 0 : i32
            %dma_start3A_364 = tpu.memref_slice %arg6[%dma_start3A_362, %dma_start3A_363] : memref<10000x128xf32, #tpu.memory_space<vmem_shared>> -> memref<10000x128xf32, #tpu.memory_space<vmem_shared>>
            tpu.enqueue_indirect_dma source(%dma_start3A_354 : memref<128x128xf32, #tpu.memory_space<vmem>>) target(%dma_start3A_364 : memref<10000x128xf32, #tpu.memory_space<vmem_shared>>) offsets(%dma_start3A_361 : memref<128xi32, #tpu.memory_space<vmem>>) semaphore(%run_scoped3A_350 : memref<!tpu.dma_semaphore, #tpu.memory_space<semaphore_mem>>) {add = true}
            %dma_wait3A = arith.constant 0 : i32
            %dma_wait3A_365 = arith.constant 0 : i32
            %dma_wait3A_366 = tpu.memref_slice %run_scoped3A[%rem3A_279, %dma_wait3A, %dma_wait3A_365] : memref<2x128x128xf32, #tpu.memory_space<vmem>> -> memref<1x128x128xf32, #tpu.memory_space<vmem>>
            %dma_wait3A_367 = tpu.memref_squeeze %dma_wait3A_366 : memref<1x128x128xf32, #tpu.memory_space<vmem>> -> memref<128x128xf32, #tpu.memory_space<vmem>>
            %dma_wait3A_368 = arith.constant 0 : i32
            %dma_wait3A_369 = arith.constant 0 : i32
            %dma_wait3A_370 = tpu.memref_slice %run_scoped3A_36[%rem3A_281, %dma_wait3A_368, %dma_wait3A_369] : memref<2x1x128xi32, #tpu.memory_space<vmem>> -> memref<1x1x128xi32, #tpu.memory_space<vmem>>
            %dma_wait3A_371 = tpu.memref_squeeze %dma_wait3A_370 : memref<1x1x128xi32, #tpu.memory_space<vmem>> -> memref<1x128xi32, #tpu.memory_space<vmem>>
            %dma_wait3A_372 = arith.constant 0 : i32
            %dma_wait3A_373 = tpu.memref_slice %dma_wait3A_371[%run_scoped3A_282, %dma_wait3A_372] : memref<1x128xi32, #tpu.memory_space<vmem>> -> memref<1x128xi32, #tpu.memory_space<vmem>>
            %dma_wait3A_374 = tpu.memref_squeeze %dma_wait3A_373 : memref<1x128xi32, #tpu.memory_space<vmem>> -> memref<128xi32, #tpu.memory_space<vmem>>
            %dma_wait3A_375 = arith.constant 0 : i32
            %dma_wait3A_376 = arith.constant 0 : i32
            %dma_wait3A_377 = tpu.memref_slice %arg6[%dma_wait3A_375, %dma_wait3A_376] : memref<10000x128xf32, #tpu.memory_space<vmem_shared>> -> memref<10000x128xf32, #tpu.memory_space<vmem_shared>>
            tpu.wait_indirect_dma semaphore(%run_scoped3A_350 : memref<!tpu.dma_semaphore, #tpu.memory_space<semaphore_mem>>) src(%dma_wait3A_367 : memref<128x128xf32, #tpu.memory_space<vmem>>) dst(%dma_wait3A_377 : memref<10000x128xf32, #tpu.memory_space<vmem_shared>>)
            tpu.yield
          }) : () -> ()
          "tpu.trace_stop"() : () -> ()
          %ne3A_283 = arith.cmpi ne, %add3A_200, %add3A_218 : i32
          %or3A_284 = arith.constant false
          %or3A_285 = arith.ori %or3A_284, %ne3A_283 : i1
          %or3A_286 = arith.constant false
          %or3A_287 = arith.ori %or3A_285, %or3A_286 : i1
          %or3A_288 = arith.ori %or3A_287, %eq3A_199 : i1
          %convert_element_type3A_289 = arith.extui %or3A_288 : i1 to i32
          %cond3A_290 = arith.constant 0 : i32
          %cond3A_291 = arith.cmpi ne, %convert_element_type3A_289, %cond3A_290 : i32
          scf.if %cond3A_291 {
          } else {
          }
          %and3A_292 = arith.constant false
          %and3A_293 = arith.andi %or3A_288, %and3A_292 : i1
          %ne3A_294 = arith.cmpi ne, %add3A_200, %add3A_218 : i32
          %or3A_295 = arith.constant false
          %or3A_296 = arith.ori %or3A_295, %ne3A_294 : i1
          %or3A_297 = arith.ori %or3A_296, %eq3A_199 : i1
          %convert_element_type3A_298 = arith.extui %or3A_297 : i1 to i32
          %cond3A_299 = arith.constant 0 : i32
          %cond3A_300 = arith.cmpi ne, %convert_element_type3A_298, %cond3A_299 : i32
          scf.if %cond3A_300 {
          } else {
          }
          %and3A_301 = arith.constant false
          %and3A_302 = arith.andi %or3A_297, %and3A_301 : i1
          %ne3A_303 = arith.cmpi ne, %add3A_200, %add3A_210 : i32
          %or3A_304 = arith.constant false
          %or3A_305 = arith.ori %or3A_304, %ne3A_303 : i1
          %or3A_306 = arith.constant false
          %or3A_307 = arith.ori %or3A_305, %or3A_306 : i1
          %not3A_308 = arith.constant true
          %not3A_309 = arith.xori %eq3A_196, %not3A_308 : i1
          %and3A_310 = arith.andi %or3A_307, %not3A_309 : i1
          %convert_element_type3A_311 = arith.extui %and3A_310 : i1 to i32
          %cond3A_312 = arith.constant 0 : i32
          %cond3A_313 = arith.cmpi ne, %convert_element_type3A_311, %cond3A_312 : i32
          scf.if %cond3A_313 {
          } else {
          }
          %and3A_314 = arith.constant false
          %and3A_315 = arith.andi %and3A_310, %and3A_314 : i1
          %ne3A_316 = arith.cmpi ne, %add3A_200, %add3A_210 : i32
          %or3A_317 = arith.constant false
          %or3A_318 = arith.ori %or3A_317, %ne3A_316 : i1
          %not3A_319 = arith.constant true
          %not3A_320 = arith.xori %eq3A_196, %not3A_319 : i1
          %and3A_321 = arith.andi %or3A_318, %not3A_320 : i1
          %convert_element_type3A_322 = arith.extui %and3A_321 : i1 to i32
          %cond3A_323 = arith.constant 0 : i32
          %cond3A_324 = arith.cmpi ne, %convert_element_type3A_322, %cond3A_323 : i32
          scf.if %cond3A_324 {
          } else {
          }
          %and3A_325 = arith.constant false
          %and3A_326 = arith.andi %and3A_321, %and3A_325 : i1
          %ne3A_327 = arith.cmpi ne, %add3A_200, %add3A_218 : i32
          %or3A_328 = arith.constant false
          %or3A_329 = arith.ori %or3A_328, %ne3A_327 : i1
          %or3A_330 = arith.constant false
          %or3A_331 = arith.ori %or3A_329, %or3A_330 : i1
          %or3A_332 = arith.ori %or3A_331, %eq3A_199 : i1
          %add3A_333 = arith.constant 1 : i32
          %add3A_334 = arith.addi %while3A_189, %add3A_333 : i32
          %select_n3A_335 = arith.select %or3A_332, %add3A_334, %while3A_189 : i32
          %ne3A_336 = arith.cmpi ne, %add3A_200, %add3A_218 : i32
          %or3A_337 = arith.constant false
          %or3A_338 = arith.ori %or3A_337, %ne3A_336 : i1
          %or3A_339 = arith.ori %or3A_338, %eq3A_199 : i1
          %add3A_340 = arith.constant 1 : i32
          %add3A_341 = arith.addi %while3A_191, %add3A_340 : i32
          %select_n3A_342 = arith.select %or3A_339, %add3A_341, %while3A_191 : i32
          %add3A_343 = arith.constant 1 : i32
          %add3A_344 = arith.addi %while3A_192, %add3A_343 : i32
          %select_n3A_345 = arith.constant true
          %select_n3A_346 = arith.select %select_n3A_345, %add3A_344, %while3A_192 : i32
          %eq3A_347 = arith.cmpi eq, %select_n3A_346, %select_n3A : i32
          %select_n3A_348 = arith.constant 0 : i32
          %select_n3A_349 = arith.select %eq3A_347, %select_n3A_348, %select_n3A_346 : i32
          scf.yield %select_n3A_242, %select_n3A_335, %select_n3A_261, %select_n3A_342, %select_n3A_349 : i32, i32, i32, i32, i32
        }
        %while3A_134 = arith.constant 1 : i32
        %while3A_135:5 = scf.for %while3A_187 = %while3A_131 to %while3A_127 step %while3A_134 iter_args(%while3A_188 = %while3A_133#0, %while3A_189 = %while3A_133#1, %while3A_190 = %while3A_133#2, %while3A_191 = %while3A_133#3, %while3A_192 = %while3A_133#4) -> (i32, i32, i32, i32, i32)  : i32 {
          %mul3A_193 = arith.constant 1 : i32
          %mul3A_194 = arith.muli %mul3A_193, %select_n3A : i32
          %eq3A_195 = arith.constant 0 : i32
          %eq3A_196 = arith.cmpi eq, %while3A_187, %eq3A_195 : i32
          %sub3A_197 = arith.constant 1 : i32
          %sub3A_198 = arith.subi %mul3A_194, %sub3A_197 : i32
          %eq3A_199 = arith.cmpi eq, %while3A_187, %sub3A_198 : i32
          %add3A_200 = arith.addi %while3A_192, %select_n3A_21 : i32
          %sub3A_201 = arith.constant 1 : i32
          %sub3A_202 = arith.subi %while3A_192, %sub3A_201 : i32
          %select_n3A_203 = arith.constant true
          %select_n3A_204 = arith.select %select_n3A_203, %sub3A_202, %while3A_192 : i32
          %eq3A_205 = arith.constant -1 : i32
          %eq3A_206 = arith.cmpi eq, %select_n3A_204, %eq3A_205 : i32
          %sub3A_207 = arith.constant 1 : i32
          %sub3A_208 = arith.subi %select_n3A, %sub3A_207 : i32
          %select_n3A_209 = arith.select %eq3A_206, %sub3A_208, %select_n3A_204 : i32
          %add3A_210 = arith.addi %select_n3A_209, %select_n3A_21 : i32
          %add3A_211 = arith.constant 1 : i32
          %add3A_212 = arith.addi %while3A_192, %add3A_211 : i32
          %select_n3A_213 = arith.constant true
          %select_n3A_214 = arith.select %select_n3A_213, %add3A_212, %while3A_192 : i32
          %eq3A_215 = arith.cmpi eq, %select_n3A_214, %select_n3A : i32
          %select_n3A_216 = arith.constant 0 : i32
          %select_n3A_217 = arith.select %eq3A_215, %select_n3A_216, %select_n3A_214 : i32
          %add3A_218 = arith.addi %select_n3A_217, %select_n3A_21 : i32
          %add3A_219 = arith.constant 1 : i32
          %add3A_220 = arith.addi %select_n3A_217, %add3A_219 : i32
          %select_n3A_221 = arith.constant true
          %select_n3A_222 = arith.select %select_n3A_221, %add3A_220, %select_n3A_217 : i32
          %eq3A_223 = arith.cmpi eq, %select_n3A_222, %select_n3A : i32
          %select_n3A_224 = arith.constant 0 : i32
          %select_n3A_225 = arith.select %eq3A_223, %select_n3A_224, %select_n3A_222 : i32
          %add3A_226 = arith.addi %select_n3A_225, %select_n3A_21 : i32
          %ne3A = arith.cmpi ne, %add3A_200, %add3A_218 : i32
          %or3A = arith.constant false
          %or3A_227 = arith.ori %or3A, %ne3A : i1
          %or3A_228 = arith.constant false
          %or3A_229 = arith.ori %or3A_227, %or3A_228 : i1
          %sub3A_230 = arith.constant 2 : i32
          %sub3A_231 = arith.subi %mul3A_194, %sub3A_230 : i32
          %add3A_232 = arith.constant 1 : i32
          %add3A_233 = arith.addi %sub3A_231, %add3A_232 : i32
          %ge3A = arith.cmpi sge, %while3A_187, %add3A_233 : i32
          %not3A = arith.constant true
          %not3A_234 = arith.xori %ge3A, %not3A : i1
          %and3A = arith.andi %or3A_229, %not3A_234 : i1
          %convert_element_type3A_235 = arith.extui %and3A : i1 to i32
          %cond3A_236 = arith.constant 0 : i32
          %cond3A_237 = arith.cmpi ne, %convert_element_type3A_235, %cond3A_236 : i32
          scf.if %cond3A_237 {
            "tpu.trace_start"() <{level = 10 : i32, message = "ep_copy_in"}> : () -> ()
            %rem3A_350 = arith.constant 2 : i32
            %rem3A_351 = arith.remui %while3A_188, %rem3A_350 : i32
            %mul3A_352 = arith.constant 128 : i32
            %mul3A_353 = arith.muli %mul3A_352, %add3A_218 : i32
            %dma_start3A_354 = arith.constant 0 : i32
            %dma_start3A_355 = arith.constant 0 : i32
            %dma_start3A_356 = tpu.memref_slice %run_scoped3A[%rem3A_351, %dma_start3A_354, %dma_start3A_355] : memref<2x128x128xf32, #tpu.memory_space<vmem>> -> memref<1x128x128xf32, #tpu.memory_space<vmem>>
            %dma_start3A_357 = tpu.memref_squeeze %dma_start3A_356 : memref<1x128x128xf32, #tpu.memory_space<vmem>> -> memref<128x128xf32, #tpu.memory_space<vmem>>
            %dma_start3A_358 = arith.constant 0 : i32
            %dma_start3A_359 = tpu.memref_slice %arg2[%mul3A_353, %dma_start3A_358] : memref<80000x128xf32, #tpu.memory_space<hbm>> -> memref<128x128xf32, #tpu.memory_space<hbm>>
            %dma_start3A_360 = tpu.memref_slice %run_scoped3A_35[%rem3A_351] : memref<2x!tpu.dma_semaphore, #tpu.memory_space<semaphore_mem>> -> memref<1x!tpu.dma_semaphore, #tpu.memory_space<semaphore_mem>>
            %dma_start3A_361 = tpu.memref_squeeze %dma_start3A_360 : memref<1x!tpu.dma_semaphore, #tpu.memory_space<semaphore_mem>> -> memref<!tpu.dma_semaphore, #tpu.memory_space<semaphore_mem>>
            %dma_start3A_362 = arith.constant 0 : i32
            %dma_start3A_363 = arith.constant 0 : i32
            %dma_start3A_364 = tpu.memref_slice %run_scoped3A[%rem3A_351, %dma_start3A_362, %dma_start3A_363] : memref<2x128x128xf32, #tpu.memory_space<vmem>> -> memref<1x128x128xf32, #tpu.memory_space<vmem>>
            %dma_start3A_365 = tpu.memref_squeeze %dma_start3A_364 : memref<1x128x128xf32, #tpu.memory_space<vmem>> -> memref<128x128xf32, #tpu.memory_space<vmem>>
            %dma_start3A_366 = arith.constant 0 : i32
            %dma_start3A_367 = tpu.memref_slice %arg2[%mul3A_353, %dma_start3A_366] : memref<80000x128xf32, #tpu.memory_space<hbm>> -> memref<128x128xf32, #tpu.memory_space<hbm>>
            tpu.enqueue_dma source(%dma_start3A_367 : memref<128x128xf32, #tpu.memory_space<hbm>>) target(%dma_start3A_365 : memref<128x128xf32, #tpu.memory_space<vmem>>) target_semaphore(%dma_start3A_361 : memref<!tpu.dma_semaphore, #tpu.memory_space<semaphore_mem>>)
            "tpu.trace_stop"() : () -> ()
          } else {
          }
          %and3A_238 = arith.constant true
          %and3A_239 = arith.andi %and3A, %and3A_238 : i1
          %add3A_240 = arith.constant 1 : i32
          %add3A_241 = arith.addi %while3A_188, %add3A_240 : i32
          %select_n3A_242 = arith.select %and3A_239, %add3A_241, %while3A_188 : i32
          %ne3A_243 = arith.cmpi ne, %add3A_200, %add3A_218 : i32
          %or3A_244 = arith.constant false
          %or3A_245 = arith.ori %or3A_244, %ne3A_243 : i1
          %sub3A_246 = arith.constant 2 : i32
          %sub3A_247 = arith.subi %mul3A_194, %sub3A_246 : i32
          %add3A_248 = arith.constant 1 : i32
          %add3A_249 = arith.addi %sub3A_247, %add3A_248 : i32
          %ge3A_250 = arith.cmpi sge, %while3A_187, %add3A_249 : i32
          %not3A_251 = arith.constant true
          %not3A_252 = arith.xori %ge3A_250, %not3A_251 : i1
          %and3A_253 = arith.andi %or3A_245, %not3A_252 : i1
          %convert_element_type3A_254 = arith.extui %and3A_253 : i1 to i32
          %cond3A_255 = arith.constant 0 : i32
          %cond3A_256 = arith.cmpi ne, %convert_element_type3A_254, %cond3A_255 : i32
          scf.if %cond3A_256 {
            "tpu.trace_start"() <{level = 10 : i32, message = "ep_copy_in"}> : () -> ()
            %rem3A_350 = arith.constant 2 : i32
            %rem3A_351 = arith.remui %while3A_190, %rem3A_350 : i32
            %mul3A_352 = arith.constant 128 : i32
            %mul3A_353 = arith.muli %mul3A_352, %add3A_218 : i32
            %dma_start3A_354 = arith.constant 0 : i32
            %dma_start3A_355 = arith.constant 0 : i32
            %dma_start3A_356 = tpu.memref_slice %run_scoped3A_36[%rem3A_351, %dma_start3A_354, %dma_start3A_355] : memref<2x1x128xi32, #tpu.memory_space<vmem>> -> memref<1x1x128xi32, #tpu.memory_space<vmem>>
            %dma_start3A_357 = tpu.memref_squeeze %dma_start3A_356 : memref<1x1x128xi32, #tpu.memory_space<vmem>> -> memref<1x128xi32, #tpu.memory_space<vmem>>
            %dma_start3A_358 = arith.constant 0 : i32
            %dma_start3A_359 = tpu.memref_slice %arg3[%dma_start3A_358, %mul3A_353] : memref<1x80000xi32, #tpu.memory_space<hbm>> -> memref<1x128xi32, #tpu.memory_space<hbm>>
            %dma_start3A_360 = tpu.memref_slice %run_scoped3A_37[%rem3A_351] : memref<2x!tpu.dma_semaphore, #tpu.memory_space<semaphore_mem>> -> memref<1x!tpu.dma_semaphore, #tpu.memory_space<semaphore_mem>>
            %dma_start3A_361 = tpu.memref_squeeze %dma_start3A_360 : memref<1x!tpu.dma_semaphore, #tpu.memory_space<semaphore_mem>> -> memref<!tpu.dma_semaphore, #tpu.memory_space<semaphore_mem>>
            %dma_start3A_362 = arith.constant 0 : i32
            %dma_start3A_363 = arith.constant 0 : i32
            %dma_start3A_364 = tpu.memref_slice %run_scoped3A_36[%rem3A_351, %dma_start3A_362, %dma_start3A_363] : memref<2x1x128xi32, #tpu.memory_space<vmem>> -> memref<1x1x128xi32, #tpu.memory_space<vmem>>
            %dma_start3A_365 = tpu.memref_squeeze %dma_start3A_364 : memref<1x1x128xi32, #tpu.memory_space<vmem>> -> memref<1x128xi32, #tpu.memory_space<vmem>>
            %dma_start3A_366 = arith.constant 0 : i32
            %dma_start3A_367 = tpu.memref_slice %arg3[%dma_start3A_366, %mul3A_353] : memref<1x80000xi32, #tpu.memory_space<hbm>> -> memref<1x128xi32, #tpu.memory_space<hbm>>
            tpu.enqueue_dma source(%dma_start3A_367 : memref<1x128xi32, #tpu.memory_space<hbm>>) target(%dma_start3A_365 : memref<1x128xi32, #tpu.memory_space<vmem>>) target_semaphore(%dma_start3A_361 : memref<!tpu.dma_semaphore, #tpu.memory_space<semaphore_mem>>)
            "tpu.trace_stop"() : () -> ()
          } else {
          }
          %and3A_257 = arith.constant true
          %and3A_258 = arith.andi %and3A_253, %and3A_257 : i1
          %add3A_259 = arith.constant 1 : i32
          %add3A_260 = arith.addi %while3A_190, %add3A_259 : i32
          %select_n3A_261 = arith.select %and3A_258, %add3A_260, %while3A_190 : i32
          %ne3A_262 = arith.cmpi ne, %add3A_200, %add3A_210 : i32
          %or3A_263 = arith.constant false
          %or3A_264 = arith.ori %or3A_263, %ne3A_262 : i1
          %or3A_265 = arith.constant false
          %or3A_266 = arith.ori %or3A_264, %or3A_265 : i1
          %or3A_267 = arith.ori %or3A_266, %eq3A_196 : i1
          %convert_element_type3A_268 = arith.extui %or3A_267 : i1 to i32
          %cond3A_269 = arith.constant 0 : i32
          %cond3A_270 = arith.cmpi ne, %convert_element_type3A_268, %cond3A_269 : i32
          scf.if %cond3A_270 {
            "tpu.trace_start"() <{level = 10 : i32, message = "ep_wait_in"}> : () -> ()
            %mul3A_350 = arith.constant 128 : i32
            %mul3A_351 = arith.muli %mul3A_350, %add3A_200 : i32
            %rem3A_352 = arith.constant 2 : i32
            %rem3A_353 = arith.remui %while3A_189, %rem3A_352 : i32
            %dma_wait3A = arith.constant 0 : i32
            %dma_wait3A_354 = arith.constant 0 : i32
            %dma_wait3A_355 = tpu.memref_slice %run_scoped3A[%rem3A_353, %dma_wait3A, %dma_wait3A_354] : memref<2x128x128xf32, #tpu.memory_space<vmem>> -> memref<1x128x128xf32, #tpu.memory_space<vmem>>
            %dma_wait3A_356 = tpu.memref_squeeze %dma_wait3A_355 : memref<1x128x128xf32, #tpu.memory_space<vmem>> -> memref<128x128xf32, #tpu.memory_space<vmem>>
            %dma_wait3A_357 = arith.constant 0 : i32
            %dma_wait3A_358 = tpu.memref_slice %arg2[%mul3A_351, %dma_wait3A_357] : memref<80000x128xf32, #tpu.memory_space<hbm>> -> memref<128x128xf32, #tpu.memory_space<hbm>>
            %dma_wait3A_359 = tpu.memref_slice %run_scoped3A_35[%rem3A_353] : memref<2x!tpu.dma_semaphore, #tpu.memory_space<semaphore_mem>> -> memref<1x!tpu.dma_semaphore, #tpu.memory_space<semaphore_mem>>
            %dma_wait3A_360 = tpu.memref_squeeze %dma_wait3A_359 : memref<1x!tpu.dma_semaphore, #tpu.memory_space<semaphore_mem>> -> memref<!tpu.dma_semaphore, #tpu.memory_space<semaphore_mem>>
            %dma_wait3A_361 = arith.constant 0 : i32
            %dma_wait3A_362 = arith.constant 0 : i32
            %dma_wait3A_363 = tpu.memref_slice %run_scoped3A[%rem3A_353, %dma_wait3A_361, %dma_wait3A_362] : memref<2x128x128xf32, #tpu.memory_space<vmem>> -> memref<1x128x128xf32, #tpu.memory_space<vmem>>
            %dma_wait3A_364 = tpu.memref_squeeze %dma_wait3A_363 : memref<1x128x128xf32, #tpu.memory_space<vmem>> -> memref<128x128xf32, #tpu.memory_space<vmem>>
            %dma_wait3A_365 = arith.constant 0 : i32
            %dma_wait3A_366 = tpu.memref_slice %arg2[%mul3A_351, %dma_wait3A_365] : memref<80000x128xf32, #tpu.memory_space<hbm>> -> memref<128x128xf32, #tpu.memory_space<hbm>>
            tpu.wait_dma2 semaphore(%dma_wait3A_360 : memref<!tpu.dma_semaphore, #tpu.memory_space<semaphore_mem>>) src(%dma_wait3A_366 : memref<128x128xf32, #tpu.memory_space<hbm>>) dst(%dma_wait3A_364 : memref<128x128xf32, #tpu.memory_space<vmem>>)
            "tpu.trace_stop"() : () -> ()
          } else {
          }
          %ne3A_271 = arith.cmpi ne, %add3A_200, %add3A_210 : i32
          %or3A_272 = arith.constant false
          %or3A_273 = arith.ori %or3A_272, %ne3A_271 : i1
          %or3A_274 = arith.ori %or3A_273, %eq3A_196 : i1
          %convert_element_type3A_275 = arith.extui %or3A_274 : i1 to i32
          %cond3A_276 = arith.constant 0 : i32
          %cond3A_277 = arith.cmpi ne, %convert_element_type3A_275, %cond3A_276 : i32
          scf.if %cond3A_277 {
            "tpu.trace_start"() <{level = 10 : i32, message = "ep_wait_in"}> : () -> ()
            %mul3A_350 = arith.constant 128 : i32
            %mul3A_351 = arith.muli %mul3A_350, %add3A_200 : i32
            %rem3A_352 = arith.constant 2 : i32
            %rem3A_353 = arith.remui %while3A_191, %rem3A_352 : i32
            %dma_wait3A = arith.constant 0 : i32
            %dma_wait3A_354 = arith.constant 0 : i32
            %dma_wait3A_355 = tpu.memref_slice %run_scoped3A_36[%rem3A_353, %dma_wait3A, %dma_wait3A_354] : memref<2x1x128xi32, #tpu.memory_space<vmem>> -> memref<1x1x128xi32, #tpu.memory_space<vmem>>
            %dma_wait3A_356 = tpu.memref_squeeze %dma_wait3A_355 : memref<1x1x128xi32, #tpu.memory_space<vmem>> -> memref<1x128xi32, #tpu.memory_space<vmem>>
            %dma_wait3A_357 = arith.constant 0 : i32
            %dma_wait3A_358 = tpu.memref_slice %arg3[%dma_wait3A_357, %mul3A_351] : memref<1x80000xi32, #tpu.memory_space<hbm>> -> memref<1x128xi32, #tpu.memory_space<hbm>>
            %dma_wait3A_359 = tpu.memref_slice %run_scoped3A_37[%rem3A_353] : memref<2x!tpu.dma_semaphore, #tpu.memory_space<semaphore_mem>> -> memref<1x!tpu.dma_semaphore, #tpu.memory_space<semaphore_mem>>
            %dma_wait3A_360 = tpu.memref_squeeze %dma_wait3A_359 : memref<1x!tpu.dma_semaphore, #tpu.memory_space<semaphore_mem>> -> memref<!tpu.dma_semaphore, #tpu.memory_space<semaphore_mem>>
            %dma_wait3A_361 = arith.constant 0 : i32
            %dma_wait3A_362 = arith.constant 0 : i32
            %dma_wait3A_363 = tpu.memref_slice %run_scoped3A_36[%rem3A_353, %dma_wait3A_361, %dma_wait3A_362] : memref<2x1x128xi32, #tpu.memory_space<vmem>> -> memref<1x1x128xi32, #tpu.memory_space<vmem>>
            %dma_wait3A_364 = tpu.memref_squeeze %dma_wait3A_363 : memref<1x1x128xi32, #tpu.memory_space<vmem>> -> memref<1x128xi32, #tpu.memory_space<vmem>>
            %dma_wait3A_365 = arith.constant 0 : i32
            %dma_wait3A_366 = tpu.memref_slice %arg3[%dma_wait3A_365, %mul3A_351] : memref<1x80000xi32, #tpu.memory_space<hbm>> -> memref<1x128xi32, #tpu.memory_space<hbm>>
            tpu.wait_dma2 semaphore(%dma_wait3A_360 : memref<!tpu.dma_semaphore, #tpu.memory_space<semaphore_mem>>) src(%dma_wait3A_366 : memref<1x128xi32, #tpu.memory_space<hbm>>) dst(%dma_wait3A_364 : memref<1x128xi32, #tpu.memory_space<vmem>>)
            "tpu.trace_stop"() : () -> ()
          } else {
          }
          %rem3A_278 = arith.constant 2 : i32
          %rem3A_279 = arith.remui %while3A_189, %rem3A_278 : i32
          %rem3A_280 = arith.constant 2 : i32
          %rem3A_281 = arith.remui %while3A_191, %rem3A_280 : i32
          %run_scoped3A_282 = arith.constant 0 : i32
          "tpu.trace_start"() <{level = 10 : i32, message = "ep_run_kernel"}> : () -> ()
          "tpu.region"() ({
            %run_scoped3A_350 = tpu.sem_alloc : memref<!tpu.dma_semaphore, #tpu.memory_space<semaphore_mem>>
            %dma_start3A_351 = arith.constant 0 : i32
            %dma_start3A_352 = arith.constant 0 : i32
            %dma_start3A_353 = tpu.memref_slice %run_scoped3A[%rem3A_279, %dma_start3A_351, %dma_start3A_352] : memref<2x128x128xf32, #tpu.memory_space<vmem>> -> memref<1x128x128xf32, #tpu.memory_space<vmem>>
            %dma_start3A_354 = tpu.memref_squeeze %dma_start3A_353 : memref<1x128x128xf32, #tpu.memory_space<vmem>> -> memref<128x128xf32, #tpu.memory_space<vmem>>
            %dma_start3A_355 = arith.constant 0 : i32
            %dma_start3A_356 = arith.constant 0 : i32
            %dma_start3A_357 = tpu.memref_slice %run_scoped3A_36[%rem3A_281, %dma_start3A_355, %dma_start3A_356] : memref<2x1x128xi32, #tpu.memory_space<vmem>> -> memref<1x1x128xi32, #tpu.memory_space<vmem>>
            %dma_start3A_358 = tpu.memref_squeeze %dma_start3A_357 : memref<1x1x128xi32, #tpu.memory_space<vmem>> -> memref<1x128xi32, #tpu.memory_space<vmem>>
            %dma_start3A_359 = arith.constant 0 : i32
            %dma_start3A_360 = tpu.memref_slice %dma_start3A_358[%run_scoped3A_282, %dma_start3A_359] : memref<1x128xi32, #tpu.memory_space<vmem>> -> memref<1x128xi32, #tpu.memory_space<vmem>>
            %dma_start3A_361 = tpu.memref_squeeze %dma_start3A_360 : memref<1x128xi32, #tpu.memory_space<vmem>> -> memref<128xi32, #tpu.memory_space<vmem>>
            %dma_start3A_362 = arith.constant 0 : i32
            %dma_start3A_363 = arith.constant 0 : i32
            %dma_start3A_364 = tpu.memref_slice %arg6[%dma_start3A_362, %dma_start3A_363] : memref<10000x128xf32, #tpu.memory_space<vmem_shared>> -> memref<10000x128xf32, #tpu.memory_space<vmem_shared>>
            tpu.enqueue_indirect_dma source(%dma_start3A_354 : memref<128x128xf32, #tpu.memory_space<vmem>>) target(%dma_start3A_364 : memref<10000x128xf32, #tpu.memory_space<vmem_shared>>) offsets(%dma_start3A_361 : memref<128xi32, #tpu.memory_space<vmem>>) semaphore(%run_scoped3A_350 : memref<!tpu.dma_semaphore, #tpu.memory_space<semaphore_mem>>) {add = true}
            %dma_wait3A = arith.constant 0 : i32
            %dma_wait3A_365 = arith.constant 0 : i32
            %dma_wait3A_366 = tpu.memref_slice %run_scoped3A[%rem3A_279, %dma_wait3A, %dma_wait3A_365] : memref<2x128x128xf32, #tpu.memory_space<vmem>> -> memref<1x128x128xf32, #tpu.memory_space<vmem>>
            %dma_wait3A_367 = tpu.memref_squeeze %dma_wait3A_366 : memref<1x128x128xf32, #tpu.memory_space<vmem>> -> memref<128x128xf32, #tpu.memory_space<vmem>>
            %dma_wait3A_368 = arith.constant 0 : i32
            %dma_wait3A_369 = arith.constant 0 : i32
            %dma_wait3A_370 = tpu.memref_slice %run_scoped3A_36[%rem3A_281, %dma_wait3A_368, %dma_wait3A_369] : memref<2x1x128xi32, #tpu.memory_space<vmem>> -> memref<1x1x128xi32, #tpu.memory_space<vmem>>
            %dma_wait3A_371 = tpu.memref_squeeze %dma_wait3A_370 : memref<1x1x128xi32, #tpu.memory_space<vmem>> -> memref<1x128xi32, #tpu.memory_space<vmem>>
            %dma_wait3A_372 = arith.constant 0 : i32
            %dma_wait3A_373 = tpu.memref_slice %dma_wait3A_371[%run_scoped3A_282, %dma_wait3A_372] : memref<1x128xi32, #tpu.memory_space<vmem>> -> memref<1x128xi32, #tpu.memory_space<vmem>>
            %dma_wait3A_374 = tpu.memref_squeeze %dma_wait3A_373 : memref<1x128xi32, #tpu.memory_space<vmem>> -> memref<128xi32, #tpu.memory_space<vmem>>
            %dma_wait3A_375 = arith.constant 0 : i32
            %dma_wait3A_376 = arith.constant 0 : i32
            %dma_wait3A_377 = tpu.memref_slice %arg6[%dma_wait3A_375, %dma_wait3A_376] : memref<10000x128xf32, #tpu.memory_space<vmem_shared>> -> memref<10000x128xf32, #tpu.memory_space<vmem_shared>>
            tpu.wait_indirect_dma semaphore(%run_scoped3A_350 : memref<!tpu.dma_semaphore, #tpu.memory_space<semaphore_mem>>) src(%dma_wait3A_367 : memref<128x128xf32, #tpu.memory_space<vmem>>) dst(%dma_wait3A_377 : memref<10000x128xf32, #tpu.memory_space<vmem_shared>>)
            tpu.yield
          }) : () -> ()
          "tpu.trace_stop"() : () -> ()
          %ne3A_283 = arith.cmpi ne, %add3A_200, %add3A_218 : i32
          %or3A_284 = arith.constant false
          %or3A_285 = arith.ori %or3A_284, %ne3A_283 : i1
          %or3A_286 = arith.constant false
          %or3A_287 = arith.ori %or3A_285, %or3A_286 : i1
          %or3A_288 = arith.ori %or3A_287, %eq3A_199 : i1
          %convert_element_type3A_289 = arith.extui %or3A_288 : i1 to i32
          %cond3A_290 = arith.constant 0 : i32
          %cond3A_291 = arith.cmpi ne, %convert_element_type3A_289, %cond3A_290 : i32
          scf.if %cond3A_291 {
          } else {
          }
          %and3A_292 = arith.constant false
          %and3A_293 = arith.andi %or3A_288, %and3A_292 : i1
          %ne3A_294 = arith.cmpi ne, %add3A_200, %add3A_218 : i32
          %or3A_295 = arith.constant false
          %or3A_296 = arith.ori %or3A_295, %ne3A_294 : i1
          %or3A_297 = arith.ori %or3A_296, %eq3A_199 : i1
          %convert_element_type3A_298 = arith.extui %or3A_297 : i1 to i32
          %cond3A_299 = arith.constant 0 : i32
          %cond3A_300 = arith.cmpi ne, %convert_element_type3A_298, %cond3A_299 : i32
          scf.if %cond3A_300 {
          } else {
          }
          %and3A_301 = arith.constant false
          %and3A_302 = arith.andi %or3A_297, %and3A_301 : i1
          %ne3A_303 = arith.cmpi ne, %add3A_200, %add3A_210 : i32
          %or3A_304 = arith.constant false
          %or3A_305 = arith.ori %or3A_304, %ne3A_303 : i1
          %or3A_306 = arith.constant false
          %or3A_307 = arith.ori %or3A_305, %or3A_306 : i1
          %not3A_308 = arith.constant true
          %not3A_309 = arith.xori %eq3A_196, %not3A_308 : i1
          %and3A_310 = arith.andi %or3A_307, %not3A_309 : i1
          %convert_element_type3A_311 = arith.extui %and3A_310 : i1 to i32
          %cond3A_312 = arith.constant 0 : i32
          %cond3A_313 = arith.cmpi ne, %convert_element_type3A_311, %cond3A_312 : i32
          scf.if %cond3A_313 {
          } else {
          }
          %and3A_314 = arith.constant false
          %and3A_315 = arith.andi %and3A_310, %and3A_314 : i1
          %ne3A_316 = arith.cmpi ne, %add3A_200, %add3A_210 : i32
          %or3A_317 = arith.constant false
          %or3A_318 = arith.ori %or3A_317, %ne3A_316 : i1
          %not3A_319 = arith.constant true
          %not3A_320 = arith.xori %eq3A_196, %not3A_319 : i1
          %and3A_321 = arith.andi %or3A_318, %not3A_320 : i1
          %convert_element_type3A_322 = arith.extui %and3A_321 : i1 to i32
          %cond3A_323 = arith.constant 0 : i32
          %cond3A_324 = arith.cmpi ne, %convert_element_type3A_322, %cond3A_323 : i32
          scf.if %cond3A_324 {
          } else {
          }
          %and3A_325 = arith.constant false
          %and3A_326 = arith.andi %and3A_321, %and3A_325 : i1
          %ne3A_327 = arith.cmpi ne, %add3A_200, %add3A_218 : i32
          %or3A_328 = arith.constant false
          %or3A_329 = arith.ori %or3A_328, %ne3A_327 : i1
          %or3A_330 = arith.constant false
          %or3A_331 = arith.ori %or3A_329, %or3A_330 : i1
          %or3A_332 = arith.ori %or3A_331, %eq3A_199 : i1
          %add3A_333 = arith.constant 1 : i32
          %add3A_334 = arith.addi %while3A_189, %add3A_333 : i32
          %select_n3A_335 = arith.select %or3A_332, %add3A_334, %while3A_189 : i32
          %ne3A_336 = arith.cmpi ne, %add3A_200, %add3A_218 : i32
          %or3A_337 = arith.constant false
          %or3A_338 = arith.ori %or3A_337, %ne3A_336 : i1
          %or3A_339 = arith.ori %or3A_338, %eq3A_199 : i1
          %add3A_340 = arith.constant 1 : i32
          %add3A_341 = arith.addi %while3A_191, %add3A_340 : i32
          %select_n3A_342 = arith.select %or3A_339, %add3A_341, %while3A_191 : i32
          %add3A_343 = arith.constant 1 : i32
          %add3A_344 = arith.addi %while3A_192, %add3A_343 : i32
          %select_n3A_345 = arith.constant true
          %select_n3A_346 = arith.select %select_n3A_345, %add3A_344, %while3A_192 : i32
          %eq3A_347 = arith.cmpi eq, %select_n3A_346, %select_n3A : i32
          %select_n3A_348 = arith.constant 0 : i32
          %select_n3A_349 = arith.select %eq3A_347, %select_n3A_348, %select_n3A_346 : i32
          scf.yield %select_n3A_242, %select_n3A_335, %select_n3A_261, %select_n3A_342, %select_n3A_349 : i32, i32, i32, i32, i32
        }
        %sub3A_136 = arith.constant 1 : i32
        %sub3A_137 = arith.subi %while3A_135#4, %sub3A_136 : i32
        %select_n3A_138 = arith.constant true
        %select_n3A_139 = arith.select %select_n3A_138, %sub3A_137, %while3A_135#4 : i32
        %eq3A_140 = arith.constant -1 : i32
        %eq3A_141 = arith.cmpi eq, %select_n3A_139, %eq3A_140 : i32
        %sub3A_142 = arith.constant 1 : i32
        %sub3A_143 = arith.subi %select_n3A, %sub3A_142 : i32
        %select_n3A_144 = arith.select %eq3A_141, %sub3A_143, %select_n3A_139 : i32
        %sub3A_145 = arith.constant 1 : i32
        %sub3A_146 = arith.subi %mul3A_23, %sub3A_145 : i32
        %mul3A_147 = arith.constant 1 : i32
        %mul3A_148 = arith.muli %mul3A_147, %select_n3A : i32
        %eq3A_149 = arith.constant 0 : i32
        %eq3A_150 = arith.cmpi eq, %sub3A_146, %eq3A_149 : i32
        %sub3A_151 = arith.constant 1 : i32
        %sub3A_152 = arith.subi %mul3A_148, %sub3A_151 : i32
        %eq3A_153 = arith.cmpi eq, %sub3A_146, %sub3A_152 : i32
        %add3A_154 = arith.addi %select_n3A_144, %select_n3A_21 : i32
        %sub3A_155 = arith.constant 1 : i32
        %sub3A_156 = arith.subi %select_n3A_144, %sub3A_155 : i32
        %select_n3A_157 = arith.constant true
        %select_n3A_158 = arith.select %select_n3A_157, %sub3A_156, %select_n3A_144 : i32
        %eq3A_159 = arith.constant -1 : i32
        %eq3A_160 = arith.cmpi eq, %select_n3A_158, %eq3A_159 : i32
        %sub3A_161 = arith.constant 1 : i32
        %sub3A_162 = arith.subi %select_n3A, %sub3A_161 : i32
        %select_n3A_163 = arith.select %eq3A_160, %sub3A_162, %select_n3A_158 : i32
        %add3A_164 = arith.addi %select_n3A_163, %select_n3A_21 : i32
        %add3A_165 = arith.constant 1 : i32
        %add3A_166 = arith.addi %select_n3A_144, %add3A_165 : i32
        %select_n3A_167 = arith.constant true
        %select_n3A_168 = arith.select %select_n3A_167, %add3A_166, %select_n3A_144 : i32
        %eq3A_169 = arith.cmpi eq, %select_n3A_168, %select_n3A : i32
        %select_n3A_170 = arith.constant 0 : i32
        %select_n3A_171 = arith.select %eq3A_169, %select_n3A_170, %select_n3A_168 : i32
        %add3A_172 = arith.addi %select_n3A_171, %select_n3A_21 : i32
        %add3A_173 = arith.constant 1 : i32
        %add3A_174 = arith.addi %select_n3A_171, %add3A_173 : i32
        %select_n3A_175 = arith.constant true
        %select_n3A_176 = arith.select %select_n3A_175, %add3A_174, %select_n3A_171 : i32
        %eq3A_177 = arith.cmpi eq, %select_n3A_176, %select_n3A : i32
        %select_n3A_178 = arith.constant 0 : i32
        %select_n3A_179 = arith.select %eq3A_177, %select_n3A_178, %select_n3A_176 : i32
        %add3A_180 = arith.addi %select_n3A_179, %select_n3A_21 : i32
        %convert_element_type3A_181 = arith.extui %eq3A_153 : i1 to i32
        %cond3A_182 = arith.constant 0 : i32
        %cond3A_183 = arith.cmpi ne, %convert_element_type3A_181, %cond3A_182 : i32
        scf.if %cond3A_183 {
        } else {
        }
        %convert_element_type3A_184 = arith.extui %eq3A_153 : i1 to i32
        %cond3A_185 = arith.constant 0 : i32
        %cond3A_186 = arith.cmpi ne, %convert_element_type3A_184, %cond3A_185 : i32
        scf.if %cond3A_186 {
        } else {
        }
      } else {
      }
      tpu.yield
    }) : () -> ()
    %barrier3A_24 = arith.constant 0 : index
    tpu.barrier barrier_id(%barrier3A_24)
    %lt3A_25 = arith.constant 15 : i32
    %lt3A_26 = arith.cmpi slt, %arg1, %lt3A_25 : i32
    %convert_element_type3A_27 = arith.extui %lt3A_26 : i1 to i32
    %cond3A_28 = arith.constant 0 : i32
    %cond3A_29 = arith.cmpi ne, %convert_element_type3A_27, %cond3A_28 : i32
    scf.if %cond3A_29 {
      %mul3A_35 = arith.constant 632 : i32
      %mul3A_36 = arith.muli %arg1, %mul3A_35 : i32
      "tpu.region"() ({
        %run_scoped3A = tpu.sem_alloc : memref<!tpu.dma_semaphore, #tpu.memory_space<semaphore_mem>>
        %dma_start3A = arith.constant 0 : i32
        %dma_start3A_37 = tpu.memref_slice %arg5[%arg0, %mul3A_36, %dma_start3A] : memref<2x10000x128xf32, #tpu.memory_space<hbm>> -> memref<1x632x128xf32, #tpu.memory_space<hbm>>
        %dma_start3A_38 = tpu.memref_squeeze %dma_start3A_37 : memref<1x632x128xf32, #tpu.memory_space<hbm>> -> memref<632x128xf32, #tpu.memory_space<hbm>>
        %dma_start3A_39 = arith.constant 0 : i32
        %dma_start3A_40 = tpu.memref_slice %arg6[%mul3A_36, %dma_start3A_39] : memref<10000x128xf32, #tpu.memory_space<vmem_shared>> -> memref<632x128xf32, #tpu.memory_space<vmem_shared>>
        tpu.enqueue_dma source(%dma_start3A_40 : memref<632x128xf32, #tpu.memory_space<vmem_shared>>) target(%dma_start3A_38 : memref<632x128xf32, #tpu.memory_space<hbm>>) target_semaphore(%run_scoped3A : memref<!tpu.dma_semaphore, #tpu.memory_space<semaphore_mem>>)
        %dma_wait3A = arith.constant 0 : i32
        %dma_wait3A_41 = tpu.memref_slice %arg5[%arg0, %mul3A_36, %dma_wait3A] : memref<2x10000x128xf32, #tpu.memory_space<hbm>> -> memref<1x632x128xf32, #tpu.memory_space<hbm>>
        %dma_wait3A_42 = tpu.memref_squeeze %dma_wait3A_41 : memref<1x632x128xf32, #tpu.memory_space<hbm>> -> memref<632x128xf32, #tpu.memory_space<hbm>>
        %dma_wait3A_43 = arith.constant 0 : i32
        %dma_wait3A_44 = tpu.memref_slice %arg6[%mul3A_36, %dma_wait3A_43] : memref<10000x128xf32, #tpu.memory_space<vmem_shared>> -> memref<632x128xf32, #tpu.memory_space<vmem_shared>>
        tpu.wait_dma2 semaphore(%run_scoped3A : memref<!tpu.dma_semaphore, #tpu.memory_space<semaphore_mem>>) src(%dma_wait3A_44 : memref<632x128xf32, #tpu.memory_space<vmem_shared>>) dst(%dma_wait3A_42 : memref<632x128xf32, #tpu.memory_space<hbm>>)
        tpu.yield
      }) : () -> ()
    } else {
    }
    %eq3A_30 = arith.constant 15 : i32
    %eq3A_31 = arith.cmpi eq, %arg1, %eq3A_30 : i32
    %convert_element_type3A_32 = arith.extui %eq3A_31 : i1 to i32
    %cond3A_33 = arith.constant 0 : i32
    %cond3A_34 = arith.cmpi ne, %convert_element_type3A_32, %cond3A_33 : i32
    scf.if %cond3A_34 {
      "tpu.region"() ({
        %run_scoped3A = tpu.sem_alloc : memref<!tpu.dma_semaphore, #tpu.memory_space<semaphore_mem>>
        %dma_start3A = arith.constant 9480 : i32
        %dma_start3A_35 = arith.constant 0 : i32
        %dma_start3A_36 = tpu.memref_slice %arg5[%arg0, %dma_start3A, %dma_start3A_35] : memref<2x10000x128xf32, #tpu.memory_space<hbm>> -> memref<1x520x128xf32, #tpu.memory_space<hbm>>
        %dma_start3A_37 = tpu.memref_squeeze %dma_start3A_36 : memref<1x520x128xf32, #tpu.memory_space<hbm>> -> memref<520x128xf32, #tpu.memory_space<hbm>>
        %dma_start3A_38 = arith.constant 9480 : i32
        %dma_start3A_39 = arith.constant 0 : i32
        %dma_start3A_40 = tpu.memref_slice %arg6[%dma_start3A_38, %dma_start3A_39] : memref<10000x128xf32, #tpu.memory_space<vmem_shared>> -> memref<520x128xf32, #tpu.memory_space<vmem_shared>>
        tpu.enqueue_dma source(%dma_start3A_40 : memref<520x128xf32, #tpu.memory_space<vmem_shared>>) target(%dma_start3A_37 : memref<520x128xf32, #tpu.memory_space<hbm>>) target_semaphore(%run_scoped3A : memref<!tpu.dma_semaphore, #tpu.memory_space<semaphore_mem>>)
        %dma_wait3A = arith.constant 9480 : i32
        %dma_wait3A_41 = arith.constant 0 : i32
        %dma_wait3A_42 = tpu.memref_slice %arg5[%arg0, %dma_wait3A, %dma_wait3A_41] : memref<2x10000x128xf32, #tpu.memory_space<hbm>> -> memref<1x520x128xf32, #tpu.memory_space<hbm>>
        %dma_wait3A_43 = tpu.memref_squeeze %dma_wait3A_42 : memref<1x520x128xf32, #tpu.memory_space<hbm>> -> memref<520x128xf32, #tpu.memory_space<hbm>>
        %dma_wait3A_44 = arith.constant 9480 : i32
        %dma_wait3A_45 = arith.constant 0 : i32
        %dma_wait3A_46 = tpu.memref_slice %arg6[%dma_wait3A_44, %dma_wait3A_45] : memref<10000x128xf32, #tpu.memory_space<vmem_shared>> -> memref<520x128xf32, #tpu.memory_space<vmem_shared>>
        tpu.wait_dma2 semaphore(%run_scoped3A : memref<!tpu.dma_semaphore, #tpu.memory_space<semaphore_mem>>) src(%dma_wait3A_46 : memref<520x128xf32, #tpu.memory_space<vmem_shared>>) dst(%dma_wait3A_43 : memref<520x128xf32, #tpu.memory_space<hbm>>)
        tpu.yield
      }) : () -> ()
    } else {
    }
    return
  }
}

#map = affine_map<(d0, d1) -> (0, 0)>
module attributes {stable_mosaic.version = 14 : i64} {
  func.func @k(%arg0: i32, %arg1: i32, %arg2: memref<10000x128xf32, #tpu.memory_space<hbm>>, %arg3: memref<1x80000xi32, #tpu.memory_space<hbm>>, %arg4: memref<80000x128xf32, #tpu.memory_space<hbm>>) attributes {dimension_semantics = [#tpu.dimension_semantics<core_parallel>, #tpu.dimension_semantics<subcore_parallel>], iteration_bounds = array<i64: 2, 16>, scalar_prefetch = 0 : i64, scratch_operands = 0 : i64, tpu.core_type = #tpu.core_type<sc_vector_subcore>, window_params = [{transform_indices = #map}, {transform_indices = #map}, {transform_indices = #map}]} {
    %mul3A = arith.constant 1 : i32
    %mul3A_0 = arith.muli %arg1, %mul3A : i32
    %add3A = arith.constant 0 : i32
    %add3A_1 = arith.addi %add3A, %mul3A_0 : i32
    %mul3A_2 = arith.constant 16 : i32
    %mul3A_3 = arith.muli %arg0, %mul3A_2 : i32
    %add3A_4 = arith.addi %add3A_1, %mul3A_3 : i32
    %lt3A = arith.constant 17 : i32
    %lt3A_5 = arith.cmpi slt, %add3A_4, %lt3A : i32
    %jit3A = arith.constant 20 : i32
    %jit3A_6 = arith.constant 19 : i32
    %select_n3A = arith.select %lt3A_5, %jit3A, %jit3A_6 : i32
    %lt3A_7 = arith.constant 17 : i32
    %lt3A_8 = arith.cmpi slt, %add3A_4, %lt3A_7 : i32
    %mul3A_9 = arith.muli %add3A_4, %select_n3A : i32
    %mul3A_10 = arith.constant 19 : i32
    %mul3A_11 = arith.muli %add3A_4, %mul3A_10 : i32
    %add3A_12 = arith.constant 17 : i32
    %add3A_13 = arith.addi %mul3A_11, %add3A_12 : i32
    %select_n3A_14 = arith.select %lt3A_8, %mul3A_9, %add3A_13 : i32
    %mul3A_15 = arith.constant 1 : i32
    %mul3A_16 = arith.muli %mul3A_15, %select_n3A : i32
    "tpu.region"() ({
      %run_scoped3A = memref.alloca() : memref<2x1x128xi32, #tpu.memory_space<vmem>>
      %run_scoped3A_17 = tpu.sem_alloc : memref<2x!tpu.dma_semaphore, #tpu.memory_space<semaphore_mem>>
      %run_scoped3A_18 = memref.alloca() : memref<2x128x128xf32, #tpu.memory_space<vmem>>
      %run_scoped3A_19 = tpu.sem_alloc : memref<2x!tpu.dma_semaphore, #tpu.memory_space<semaphore_mem>>
      %gt3A = arith.constant 0 : i32
      %gt3A_20 = arith.cmpi sgt, %mul3A_16, %gt3A : i32
      %convert_element_type3A = arith.extui %gt3A_20 : i1 to i32
      %cond3A = arith.constant 0 : i32
      %cond3A_21 = arith.cmpi ne, %convert_element_type3A, %cond3A : i32
      scf.if %cond3A_21 {
        %mul3A_22 = arith.constant 1 : i32
        %mul3A_23 = arith.muli %mul3A_22, %select_n3A : i32
        %sub3A = arith.constant 1 : i32
        %sub3A_24 = arith.subi %mul3A_23, %sub3A : i32
        %eq3A = arith.constant 0 : i32
        %eq3A_25 = arith.cmpi eq, %sub3A_24, %eq3A : i32
        %add3A_26 = arith.constant 0 : i32
        %add3A_27 = arith.addi %add3A_26, %select_n3A_14 : i32
        %select_n3A_28 = arith.constant true
        %select_n3A_29 = arith.constant 0 : i32
        %select_n3A_30 = arith.constant -1 : i32
        %select_n3A_31 = arith.select %select_n3A_28, %select_n3A_30, %select_n3A_29 : i32
        %eq3A_32 = arith.constant -1 : i32
        %eq3A_33 = arith.cmpi eq, %select_n3A_31, %eq3A_32 : i32
        %sub3A_34 = arith.constant 1 : i32
        %sub3A_35 = arith.subi %select_n3A, %sub3A_34 : i32
        %select_n3A_36 = arith.select %eq3A_33, %sub3A_35, %select_n3A_31 : i32
        %add3A_37 = arith.addi %select_n3A_36, %select_n3A_14 : i32
        %select_n3A_38 = arith.constant true
        %select_n3A_39 = arith.constant 0 : i32
        %select_n3A_40 = arith.constant 1 : i32
        %select_n3A_41 = arith.select %select_n3A_38, %select_n3A_40, %select_n3A_39 : i32
        %eq3A_42 = arith.cmpi eq, %select_n3A_41, %select_n3A : i32
        %select_n3A_43 = arith.constant 0 : i32
        %select_n3A_44 = arith.select %eq3A_42, %select_n3A_43, %select_n3A_41 : i32
        %add3A_45 = arith.addi %select_n3A_44, %select_n3A_14 : i32
        %add3A_46 = arith.constant 1 : i32
        %add3A_47 = arith.addi %select_n3A_44, %add3A_46 : i32
        %select_n3A_48 = arith.constant true
        %select_n3A_49 = arith.select %select_n3A_48, %add3A_47, %select_n3A_44 : i32
        %eq3A_50 = arith.cmpi eq, %select_n3A_49, %select_n3A : i32
        %select_n3A_51 = arith.constant 0 : i32
        %select_n3A_52 = arith.select %eq3A_50, %select_n3A_51, %select_n3A_49 : i32
        %add3A_53 = arith.addi %select_n3A_52, %select_n3A_14 : i32
        "tpu.trace_start"() <{level = 10 : i32, message = "ep_initialize_0"}> : () -> ()
        %rem3A = arith.constant 0 : i32
        %rem3A_54 = arith.constant 2 : i32
        %rem3A_55 = arith.remui %rem3A, %rem3A_54 : i32
        %mul3A_56 = arith.constant 128 : i32
        %mul3A_57 = arith.muli %mul3A_56, %add3A_27 : i32
        %dma_start3A = arith.constant 0 : i32
        %dma_start3A_58 = arith.constant 0 : i32
        %dma_start3A_59 = tpu.memref_slice %run_scoped3A[%rem3A_55, %dma_start3A, %dma_start3A_58] : memref<2x1x128xi32, #tpu.memory_space<vmem>> -> memref<1x1x128xi32, #tpu.memory_space<vmem>>
        %dma_start3A_60 = tpu.memref_squeeze %dma_start3A_59 : memref<1x1x128xi32, #tpu.memory_space<vmem>> -> memref<1x128xi32, #tpu.memory_space<vmem>>
        %dma_start3A_61 = arith.constant 0 : i32
        %dma_start3A_62 = tpu.memref_slice %arg3[%dma_start3A_61, %mul3A_57] : memref<1x80000xi32, #tpu.memory_space<hbm>> -> memref<1x128xi32, #tpu.memory_space<hbm>>
        %dma_start3A_63 = tpu.memref_slice %run_scoped3A_17[%rem3A_55] : memref<2x!tpu.dma_semaphore, #tpu.memory_space<semaphore_mem>> -> memref<1x!tpu.dma_semaphore, #tpu.memory_space<semaphore_mem>>
        %dma_start3A_64 = tpu.memref_squeeze %dma_start3A_63 : memref<1x!tpu.dma_semaphore, #tpu.memory_space<semaphore_mem>> -> memref<!tpu.dma_semaphore, #tpu.memory_space<semaphore_mem>>
        %dma_start3A_65 = arith.constant 0 : i32
        %dma_start3A_66 = arith.constant 0 : i32
        %dma_start3A_67 = tpu.memref_slice %run_scoped3A[%rem3A_55, %dma_start3A_65, %dma_start3A_66] : memref<2x1x128xi32, #tpu.memory_space<vmem>> -> memref<1x1x128xi32, #tpu.memory_space<vmem>>
        %dma_start3A_68 = tpu.memref_squeeze %dma_start3A_67 : memref<1x1x128xi32, #tpu.memory_space<vmem>> -> memref<1x128xi32, #tpu.memory_space<vmem>>
        %dma_start3A_69 = arith.constant 0 : i32
        %dma_start3A_70 = tpu.memref_slice %arg3[%dma_start3A_69, %mul3A_57] : memref<1x80000xi32, #tpu.memory_space<hbm>> -> memref<1x128xi32, #tpu.memory_space<hbm>>
        tpu.enqueue_dma source(%dma_start3A_70 : memref<1x128xi32, #tpu.memory_space<hbm>>) target(%dma_start3A_68 : memref<1x128xi32, #tpu.memory_space<vmem>>) target_semaphore(%dma_start3A_64 : memref<!tpu.dma_semaphore, #tpu.memory_space<semaphore_mem>>)
        %add3A_71 = arith.constant 0 : i32
        %add3A_72 = arith.constant 1 : i32
        %add3A_73 = arith.addi %add3A_71, %add3A_72 : i32
        %select_n3A_74 = arith.constant true
        %select_n3A_75 = arith.constant 0 : i32
        %select_n3A_76 = arith.select %select_n3A_74, %add3A_73, %select_n3A_75 : i32
        %while3A = arith.constant 0 : i32
        %while3A_77 = arith.constant 0 : i32
        %while3A_78 = arith.constant 0 : i32
        %while3A_79 = arith.constant 0 : i32
        %while3A_80 = arith.constant 0 : i32
        "tpu.trace_stop"() : () -> ()
        %while3A_81 = arith.subi %mul3A_16, %while3A : i32
        %while3A_82 = arith.addi %while3A, %while3A_81 : i32
        %while3A_83 = arith.constant 1 : i32
        %while3A_84 = arith.divsi %while3A_81, %while3A_83 : i32
        %while3A_85 = arith.muli %while3A_84, %while3A_83 : i32
        %while3A_86 = arith.addi %while3A, %while3A_85 : i32
        %while3A_87 = arith.constant 1 : i32
        %while3A_88:5 = scf.for %while3A_142 = %while3A to %while3A_86 step %while3A_87 iter_args(%while3A_143 = %select_n3A_76, %while3A_144 = %while3A_77, %while3A_145 = %while3A_78, %while3A_146 = %while3A_79, %while3A_147 = %while3A_80) -> (i32, i32, i32, i32, i32)  : i32 {
          %mul3A_148 = arith.constant 1 : i32
          %mul3A_149 = arith.muli %mul3A_148, %select_n3A : i32
          %eq3A_150 = arith.constant 0 : i32
          %eq3A_151 = arith.cmpi eq, %while3A_142, %eq3A_150 : i32
          %sub3A_152 = arith.constant 1 : i32
          %sub3A_153 = arith.subi %mul3A_149, %sub3A_152 : i32
          %eq3A_154 = arith.cmpi eq, %while3A_142, %sub3A_153 : i32
          %add3A_155 = arith.addi %while3A_147, %select_n3A_14 : i32
          %sub3A_156 = arith.constant 1 : i32
          %sub3A_157 = arith.subi %while3A_147, %sub3A_156 : i32
          %select_n3A_158 = arith.constant true
          %select_n3A_159 = arith.select %select_n3A_158, %sub3A_157, %while3A_147 : i32
          %eq3A_160 = arith.constant -1 : i32
          %eq3A_161 = arith.cmpi eq, %select_n3A_159, %eq3A_160 : i32
          %sub3A_162 = arith.constant 1 : i32
          %sub3A_163 = arith.subi %select_n3A, %sub3A_162 : i32
          %select_n3A_164 = arith.select %eq3A_161, %sub3A_163, %select_n3A_159 : i32
          %add3A_165 = arith.addi %select_n3A_164, %select_n3A_14 : i32
          %add3A_166 = arith.constant 1 : i32
          %add3A_167 = arith.addi %while3A_147, %add3A_166 : i32
          %select_n3A_168 = arith.constant true
          %select_n3A_169 = arith.select %select_n3A_168, %add3A_167, %while3A_147 : i32
          %eq3A_170 = arith.cmpi eq, %select_n3A_169, %select_n3A : i32
          %select_n3A_171 = arith.constant 0 : i32
          %select_n3A_172 = arith.select %eq3A_170, %select_n3A_171, %select_n3A_169 : i32
          %add3A_173 = arith.addi %select_n3A_172, %select_n3A_14 : i32
          %add3A_174 = arith.constant 1 : i32
          %add3A_175 = arith.addi %select_n3A_172, %add3A_174 : i32
          %select_n3A_176 = arith.constant true
          %select_n3A_177 = arith.select %select_n3A_176, %add3A_175, %select_n3A_172 : i32
          %eq3A_178 = arith.cmpi eq, %select_n3A_177, %select_n3A : i32
          %select_n3A_179 = arith.constant 0 : i32
          %select_n3A_180 = arith.select %eq3A_178, %select_n3A_179, %select_n3A_177 : i32
          %add3A_181 = arith.addi %select_n3A_180, %select_n3A_14 : i32
          %ne3A = arith.cmpi ne, %add3A_155, %add3A_173 : i32
          %or3A = arith.constant false
          %or3A_182 = arith.ori %or3A, %ne3A : i1
          %sub3A_183 = arith.constant 2 : i32
          %sub3A_184 = arith.subi %mul3A_149, %sub3A_183 : i32
          %add3A_185 = arith.constant 1 : i32
          %add3A_186 = arith.addi %sub3A_184, %add3A_185 : i32
          %ge3A = arith.cmpi sge, %while3A_142, %add3A_186 : i32
          %not3A = arith.constant true
          %not3A_187 = arith.xori %ge3A, %not3A : i1
          %and3A = arith.andi %or3A_182, %not3A_187 : i1
          %convert_element_type3A_188 = arith.extui %and3A : i1 to i32
          %cond3A_189 = arith.constant 0 : i32
          %cond3A_190 = arith.cmpi ne, %convert_element_type3A_188, %cond3A_189 : i32
          scf.if %cond3A_190 {
            "tpu.trace_start"() <{level = 10 : i32, message = "ep_copy_in"}> : () -> ()
            %rem3A_294 = arith.constant 2 : i32
            %rem3A_295 = arith.remui %while3A_143, %rem3A_294 : i32
            %mul3A_296 = arith.constant 128 : i32
            %mul3A_297 = arith.muli %mul3A_296, %add3A_173 : i32
            %dma_start3A_298 = arith.constant 0 : i32
            %dma_start3A_299 = arith.constant 0 : i32
            %dma_start3A_300 = tpu.memref_slice %run_scoped3A[%rem3A_295, %dma_start3A_298, %dma_start3A_299] : memref<2x1x128xi32, #tpu.memory_space<vmem>> -> memref<1x1x128xi32, #tpu.memory_space<vmem>>
            %dma_start3A_301 = tpu.memref_squeeze %dma_start3A_300 : memref<1x1x128xi32, #tpu.memory_space<vmem>> -> memref<1x128xi32, #tpu.memory_space<vmem>>
            %dma_start3A_302 = arith.constant 0 : i32
            %dma_start3A_303 = tpu.memref_slice %arg3[%dma_start3A_302, %mul3A_297] : memref<1x80000xi32, #tpu.memory_space<hbm>> -> memref<1x128xi32, #tpu.memory_space<hbm>>
            %dma_start3A_304 = tpu.memref_slice %run_scoped3A_17[%rem3A_295] : memref<2x!tpu.dma_semaphore, #tpu.memory_space<semaphore_mem>> -> memref<1x!tpu.dma_semaphore, #tpu.memory_space<semaphore_mem>>
            %dma_start3A_305 = tpu.memref_squeeze %dma_start3A_304 : memref<1x!tpu.dma_semaphore, #tpu.memory_space<semaphore_mem>> -> memref<!tpu.dma_semaphore, #tpu.memory_space<semaphore_mem>>
            %dma_start3A_306 = arith.constant 0 : i32
            %dma_start3A_307 = arith.constant 0 : i32
            %dma_start3A_308 = tpu.memref_slice %run_scoped3A[%rem3A_295, %dma_start3A_306, %dma_start3A_307] : memref<2x1x128xi32, #tpu.memory_space<vmem>> -> memref<1x1x128xi32, #tpu.memory_space<vmem>>
            %dma_start3A_309 = tpu.memref_squeeze %dma_start3A_308 : memref<1x1x128xi32, #tpu.memory_space<vmem>> -> memref<1x128xi32, #tpu.memory_space<vmem>>
            %dma_start3A_310 = arith.constant 0 : i32
            %dma_start3A_311 = tpu.memref_slice %arg3[%dma_start3A_310, %mul3A_297] : memref<1x80000xi32, #tpu.memory_space<hbm>> -> memref<1x128xi32, #tpu.memory_space<hbm>>
            tpu.enqueue_dma source(%dma_start3A_311 : memref<1x128xi32, #tpu.memory_space<hbm>>) target(%dma_start3A_309 : memref<1x128xi32, #tpu.memory_space<vmem>>) target_semaphore(%dma_start3A_305 : memref<!tpu.dma_semaphore, #tpu.memory_space<semaphore_mem>>)
            "tpu.trace_stop"() : () -> ()
          } else {
          }
          %and3A_191 = arith.constant true
          %and3A_192 = arith.andi %and3A, %and3A_191 : i1
          %add3A_193 = arith.constant 1 : i32
          %add3A_194 = arith.addi %while3A_143, %add3A_193 : i32
          %select_n3A_195 = arith.select %and3A_192, %add3A_194, %while3A_143 : i32
          %ne3A_196 = arith.cmpi ne, %add3A_155, %add3A_173 : i32
          %or3A_197 = arith.constant false
          %or3A_198 = arith.ori %or3A_197, %ne3A_196 : i1
          %or3A_199 = arith.constant false
          %or3A_200 = arith.ori %or3A_198, %or3A_199 : i1
          %sub3A_201 = arith.constant 2 : i32
          %sub3A_202 = arith.subi %mul3A_149, %sub3A_201 : i32
          %add3A_203 = arith.constant 1 : i32
          %add3A_204 = arith.addi %sub3A_202, %add3A_203 : i32
          %ge3A_205 = arith.cmpi sge, %while3A_142, %add3A_204 : i32
          %not3A_206 = arith.constant true
          %not3A_207 = arith.xori %ge3A_205, %not3A_206 : i1
          %and3A_208 = arith.andi %or3A_200, %not3A_207 : i1
          %ne3A_209 = arith.cmpi ne, %add3A_155, %add3A_165 : i32
          %or3A_210 = arith.constant false
          %or3A_211 = arith.ori %or3A_210, %ne3A_209 : i1
          %or3A_212 = arith.ori %or3A_211, %eq3A_151 : i1
          %convert_element_type3A_213 = arith.extui %or3A_212 : i1 to i32
          %cond3A_214 = arith.constant 0 : i32
          %cond3A_215 = arith.cmpi ne, %convert_element_type3A_213, %cond3A_214 : i32
          scf.if %cond3A_215 {
            "tpu.trace_start"() <{level = 10 : i32, message = "ep_wait_in"}> : () -> ()
            %mul3A_294 = arith.constant 128 : i32
            %mul3A_295 = arith.muli %mul3A_294, %add3A_155 : i32
            %rem3A_296 = arith.constant 2 : i32
            %rem3A_297 = arith.remui %while3A_144, %rem3A_296 : i32
            %dma_wait3A = arith.constant 0 : i32
            %dma_wait3A_298 = arith.constant 0 : i32
            %dma_wait3A_299 = tpu.memref_slice %run_scoped3A[%rem3A_297, %dma_wait3A, %dma_wait3A_298] : memref<2x1x128xi32, #tpu.memory_space<vmem>> -> memref<1x1x128xi32, #tpu.memory_space<vmem>>
            %dma_wait3A_300 = tpu.memref_squeeze %dma_wait3A_299 : memref<1x1x128xi32, #tpu.memory_space<vmem>> -> memref<1x128xi32, #tpu.memory_space<vmem>>
            %dma_wait3A_301 = arith.constant 0 : i32
            %dma_wait3A_302 = tpu.memref_slice %arg3[%dma_wait3A_301, %mul3A_295] : memref<1x80000xi32, #tpu.memory_space<hbm>> -> memref<1x128xi32, #tpu.memory_space<hbm>>
            %dma_wait3A_303 = tpu.memref_slice %run_scoped3A_17[%rem3A_297] : memref<2x!tpu.dma_semaphore, #tpu.memory_space<semaphore_mem>> -> memref<1x!tpu.dma_semaphore, #tpu.memory_space<semaphore_mem>>
            %dma_wait3A_304 = tpu.memref_squeeze %dma_wait3A_303 : memref<1x!tpu.dma_semaphore, #tpu.memory_space<semaphore_mem>> -> memref<!tpu.dma_semaphore, #tpu.memory_space<semaphore_mem>>
            %dma_wait3A_305 = arith.constant 0 : i32
            %dma_wait3A_306 = arith.constant 0 : i32
            %dma_wait3A_307 = tpu.memref_slice %run_scoped3A[%rem3A_297, %dma_wait3A_305, %dma_wait3A_306] : memref<2x1x128xi32, #tpu.memory_space<vmem>> -> memref<1x1x128xi32, #tpu.memory_space<vmem>>
            %dma_wait3A_308 = tpu.memref_squeeze %dma_wait3A_307 : memref<1x1x128xi32, #tpu.memory_space<vmem>> -> memref<1x128xi32, #tpu.memory_space<vmem>>
            %dma_wait3A_309 = arith.constant 0 : i32
            %dma_wait3A_310 = tpu.memref_slice %arg3[%dma_wait3A_309, %mul3A_295] : memref<1x80000xi32, #tpu.memory_space<hbm>> -> memref<1x128xi32, #tpu.memory_space<hbm>>
            tpu.wait_dma2 semaphore(%dma_wait3A_304 : memref<!tpu.dma_semaphore, #tpu.memory_space<semaphore_mem>>) src(%dma_wait3A_310 : memref<1x128xi32, #tpu.memory_space<hbm>>) dst(%dma_wait3A_308 : memref<1x128xi32, #tpu.memory_space<vmem>>)
            "tpu.trace_stop"() : () -> ()
          } else {
          }
          %ne3A_216 = arith.cmpi ne, %add3A_155, %add3A_165 : i32
          %or3A_217 = arith.constant false
          %or3A_218 = arith.ori %or3A_217, %ne3A_216 : i1
          %or3A_219 = arith.constant false
          %or3A_220 = arith.ori %or3A_218, %or3A_219 : i1
          %or3A_221 = arith.ori %or3A_220, %eq3A_151 : i1
          %convert_element_type3A_222 = arith.extui %or3A_221 : i1 to i32
          %cond3A_223 = arith.constant 0 : i32
          %cond3A_224 = arith.cmpi ne, %convert_element_type3A_222, %cond3A_223 : i32
          scf.if %cond3A_224 {
          } else {
          }
          %rem3A_225 = arith.constant 2 : i32
          %rem3A_226 = arith.remui %while3A_144, %rem3A_225 : i32
          %rem3A_227 = arith.constant 2 : i32
          %rem3A_228 = arith.remui %while3A_145, %rem3A_227 : i32
          %run_scoped3A_229 = arith.constant 0 : i32
          "tpu.trace_start"() <{level = 10 : i32, message = "ep_run_kernel"}> : () -> ()
          "tpu.region"() ({
            %run_scoped3A_294 = tpu.sem_alloc : memref<!tpu.dma_semaphore, #tpu.memory_space<semaphore_mem>>
            %dma_start3A_295 = arith.constant 0 : i32
            %dma_start3A_296 = arith.constant 0 : i32
            %dma_start3A_297 = tpu.memref_slice %run_scoped3A_18[%rem3A_228, %dma_start3A_295, %dma_start3A_296] : memref<2x128x128xf32, #tpu.memory_space<vmem>> -> memref<1x128x128xf32, #tpu.memory_space<vmem>>
            %dma_start3A_298 = tpu.memref_squeeze %dma_start3A_297 : memref<1x128x128xf32, #tpu.memory_space<vmem>> -> memref<128x128xf32, #tpu.memory_space<vmem>>
            %dma_start3A_299 = arith.constant 0 : i32
            %dma_start3A_300 = arith.constant 0 : i32
            %dma_start3A_301 = tpu.memref_slice %run_scoped3A[%rem3A_226, %dma_start3A_299, %dma_start3A_300] : memref<2x1x128xi32, #tpu.memory_space<vmem>> -> memref<1x1x128xi32, #tpu.memory_space<vmem>>
            %dma_start3A_302 = tpu.memref_squeeze %dma_start3A_301 : memref<1x1x128xi32, #tpu.memory_space<vmem>> -> memref<1x128xi32, #tpu.memory_space<vmem>>
            %dma_start3A_303 = arith.constant 0 : i32
            %dma_start3A_304 = tpu.memref_slice %dma_start3A_302[%run_scoped3A_229, %dma_start3A_303] : memref<1x128xi32, #tpu.memory_space<vmem>> -> memref<1x128xi32, #tpu.memory_space<vmem>>
            %dma_start3A_305 = tpu.memref_squeeze %dma_start3A_304 : memref<1x128xi32, #tpu.memory_space<vmem>> -> memref<128xi32, #tpu.memory_space<vmem>>
            %dma_start3A_306 = arith.constant 0 : i32
            %dma_start3A_307 = arith.constant 0 : i32
            %dma_start3A_308 = tpu.memref_slice %arg2[%dma_start3A_306, %dma_start3A_307] : memref<10000x128xf32, #tpu.memory_space<hbm>> -> memref<10000x128xf32, #tpu.memory_space<hbm>>
            tpu.enqueue_indirect_dma source(%dma_start3A_308 : memref<10000x128xf32, #tpu.memory_space<hbm>>) target(%dma_start3A_298 : memref<128x128xf32, #tpu.memory_space<vmem>>) offsets(%dma_start3A_305 : memref<128xi32, #tpu.memory_space<vmem>>) semaphore(%run_scoped3A_294 : memref<!tpu.dma_semaphore, #tpu.memory_space<semaphore_mem>>)
            %dma_wait3A = arith.constant 0 : i32
            %dma_wait3A_309 = arith.constant 0 : i32
            %dma_wait3A_310 = tpu.memref_slice %run_scoped3A_18[%rem3A_228, %dma_wait3A, %dma_wait3A_309] : memref<2x128x128xf32, #tpu.memory_space<vmem>> -> memref<1x128x128xf32, #tpu.memory_space<vmem>>
            %dma_wait3A_311 = tpu.memref_squeeze %dma_wait3A_310 : memref<1x128x128xf32, #tpu.memory_space<vmem>> -> memref<128x128xf32, #tpu.memory_space<vmem>>
            %dma_wait3A_312 = arith.constant 0 : i32
            %dma_wait3A_313 = arith.constant 0 : i32
            %dma_wait3A_314 = tpu.memref_slice %run_scoped3A[%rem3A_226, %dma_wait3A_312, %dma_wait3A_313] : memref<2x1x128xi32, #tpu.memory_space<vmem>> -> memref<1x1x128xi32, #tpu.memory_space<vmem>>
            %dma_wait3A_315 = tpu.memref_squeeze %dma_wait3A_314 : memref<1x1x128xi32, #tpu.memory_space<vmem>> -> memref<1x128xi32, #tpu.memory_space<vmem>>
            %dma_wait3A_316 = arith.constant 0 : i32
            %dma_wait3A_317 = tpu.memref_slice %dma_wait3A_315[%run_scoped3A_229, %dma_wait3A_316] : memref<1x128xi32, #tpu.memory_space<vmem>> -> memref<1x128xi32, #tpu.memory_space<vmem>>
            %dma_wait3A_318 = tpu.memref_squeeze %dma_wait3A_317 : memref<1x128xi32, #tpu.memory_space<vmem>> -> memref<128xi32, #tpu.memory_space<vmem>>
            %dma_wait3A_319 = arith.constant 0 : i32
            %dma_wait3A_320 = arith.constant 0 : i32
            %dma_wait3A_321 = tpu.memref_slice %arg2[%dma_wait3A_319, %dma_wait3A_320] : memref<10000x128xf32, #tpu.memory_space<hbm>> -> memref<10000x128xf32, #tpu.memory_space<hbm>>
            tpu.wait_indirect_dma semaphore(%run_scoped3A_294 : memref<!tpu.dma_semaphore, #tpu.memory_space<semaphore_mem>>) src(%dma_wait3A_321 : memref<10000x128xf32, #tpu.memory_space<hbm>>) dst(%dma_wait3A_311 : memref<128x128xf32, #tpu.memory_space<vmem>>)
            tpu.yield
          }) : () -> ()
          "tpu.trace_stop"() : () -> ()
          %ne3A_230 = arith.cmpi ne, %add3A_155, %add3A_173 : i32
          %or3A_231 = arith.constant false
          %or3A_232 = arith.ori %or3A_231, %ne3A_230 : i1
          %or3A_233 = arith.ori %or3A_232, %eq3A_154 : i1
          %convert_element_type3A_234 = arith.extui %or3A_233 : i1 to i32
          %cond3A_235 = arith.constant 0 : i32
          %cond3A_236 = arith.cmpi ne, %convert_element_type3A_234, %cond3A_235 : i32
          scf.if %cond3A_236 {
          } else {
          }
          %and3A_237 = arith.constant false
          %and3A_238 = arith.andi %or3A_233, %and3A_237 : i1
          %ne3A_239 = arith.cmpi ne, %add3A_155, %add3A_173 : i32
          %or3A_240 = arith.constant false
          %or3A_241 = arith.ori %or3A_240, %ne3A_239 : i1
          %or3A_242 = arith.constant false
          %or3A_243 = arith.ori %or3A_241, %or3A_242 : i1
          %or3A_244 = arith.ori %or3A_243, %eq3A_154 : i1
          %convert_element_type3A_245 = arith.extui %or3A_244 : i1 to i32
          %cond3A_246 = arith.constant 0 : i32
          %cond3A_247 = arith.cmpi ne, %convert_element_type3A_245, %cond3A_246 : i32
          scf.if %cond3A_247 {
            "tpu.trace_start"() <{level = 10 : i32, message = "ep_copy_out"}> : () -> ()
            %rem3A_294 = arith.constant 2 : i32
            %rem3A_295 = arith.remui %while3A_145, %rem3A_294 : i32
            %mul3A_296 = arith.constant 128 : i32
            %mul3A_297 = arith.muli %mul3A_296, %add3A_155 : i32
            %dma_start3A_298 = arith.constant 0 : i32
            %dma_start3A_299 = arith.constant 0 : i32
            %dma_start3A_300 = tpu.memref_slice %run_scoped3A_18[%rem3A_295, %dma_start3A_298, %dma_start3A_299] : memref<2x128x128xf32, #tpu.memory_space<vmem>> -> memref<1x128x128xf32, #tpu.memory_space<vmem>>
            %dma_start3A_301 = tpu.memref_squeeze %dma_start3A_300 : memref<1x128x128xf32, #tpu.memory_space<vmem>> -> memref<128x128xf32, #tpu.memory_space<vmem>>
            %dma_start3A_302 = arith.constant 0 : i32
            %dma_start3A_303 = tpu.memref_slice %arg4[%mul3A_297, %dma_start3A_302] : memref<80000x128xf32, #tpu.memory_space<hbm>> -> memref<128x128xf32, #tpu.memory_space<hbm>>
            %dma_start3A_304 = tpu.memref_slice %run_scoped3A_19[%rem3A_295] : memref<2x!tpu.dma_semaphore, #tpu.memory_space<semaphore_mem>> -> memref<1x!tpu.dma_semaphore, #tpu.memory_space<semaphore_mem>>
            %dma_start3A_305 = tpu.memref_squeeze %dma_start3A_304 : memref<1x!tpu.dma_semaphore, #tpu.memory_space<semaphore_mem>> -> memref<!tpu.dma_semaphore, #tpu.memory_space<semaphore_mem>>
            %dma_start3A_306 = arith.constant 0 : i32
            %dma_start3A_307 = tpu.memref_slice %arg4[%mul3A_297, %dma_start3A_306] : memref<80000x128xf32, #tpu.memory_space<hbm>> -> memref<128x128xf32, #tpu.memory_space<hbm>>
            %dma_start3A_308 = arith.constant 0 : i32
            %dma_start3A_309 = arith.constant 0 : i32
            %dma_start3A_310 = tpu.memref_slice %run_scoped3A_18[%rem3A_295, %dma_start3A_308, %dma_start3A_309] : memref<2x128x128xf32, #tpu.memory_space<vmem>> -> memref<1x128x128xf32, #tpu.memory_space<vmem>>
            %dma_start3A_311 = tpu.memref_squeeze %dma_start3A_310 : memref<1x128x128xf32, #tpu.memory_space<vmem>> -> memref<128x128xf32, #tpu.memory_space<vmem>>
            tpu.enqueue_dma source(%dma_start3A_311 : memref<128x128xf32, #tpu.memory_space<vmem>>) target(%dma_start3A_307 : memref<128x128xf32, #tpu.memory_space<hbm>>) target_semaphore(%dma_start3A_305 : memref<!tpu.dma_semaphore, #tpu.memory_space<semaphore_mem>>)
            "tpu.trace_stop"() : () -> ()
          } else {
          }
          %and3A_248 = arith.constant true
          %and3A_249 = arith.andi %or3A_244, %and3A_248 : i1
          %add3A_250 = arith.constant 1 : i32
          %add3A_251 = arith.addi %while3A_145, %add3A_250 : i32
          %select_n3A_252 = arith.select %and3A_249, %add3A_251, %while3A_145 : i32
          %ne3A_253 = arith.cmpi ne, %add3A_155, %add3A_165 : i32
          %or3A_254 = arith.constant false
          %or3A_255 = arith.ori %or3A_254, %ne3A_253 : i1
          %not3A_256 = arith.constant true
          %not3A_257 = arith.xori %eq3A_151, %not3A_256 : i1
          %and3A_258 = arith.andi %or3A_255, %not3A_257 : i1
          %convert_element_type3A_259 = arith.extui %and3A_258 : i1 to i32
          %cond3A_260 = arith.constant 0 : i32
          %cond3A_261 = arith.cmpi ne, %convert_element_type3A_259, %cond3A_260 : i32
          scf.if %cond3A_261 {
          } else {
          }
          %and3A_262 = arith.constant false
          %and3A_263 = arith.andi %and3A_258, %and3A_262 : i1
          %ne3A_264 = arith.cmpi ne, %add3A_155, %add3A_165 : i32
          %or3A_265 = arith.constant false
          %or3A_266 = arith.ori %or3A_265, %ne3A_264 : i1
          %or3A_267 = arith.constant false
          %or3A_268 = arith.ori %or3A_266, %or3A_267 : i1
          %not3A_269 = arith.constant true
          %not3A_270 = arith.xori %eq3A_151, %not3A_269 : i1
          %and3A_271 = arith.andi %or3A_268, %not3A_270 : i1
          %convert_element_type3A_272 = arith.extui %and3A_271 : i1 to i32
          %cond3A_273 = arith.constant 0 : i32
          %cond3A_274 = arith.cmpi ne, %convert_element_type3A_272, %cond3A_273 : i32
          scf.if %cond3A_274 {
            "tpu.trace_start"() <{level = 10 : i32, message = "ep_wait_out"}> : () -> ()
            %rem3A_294 = arith.constant 2 : i32
            %rem3A_295 = arith.remui %while3A_146, %rem3A_294 : i32
            %mul3A_296 = arith.constant 128 : i32
            %mul3A_297 = arith.muli %mul3A_296, %add3A_165 : i32
            %dma_wait3A = arith.constant 0 : i32
            %dma_wait3A_298 = arith.constant 0 : i32
            %dma_wait3A_299 = tpu.memref_slice %run_scoped3A_18[%rem3A_295, %dma_wait3A, %dma_wait3A_298] : memref<2x128x128xf32, #tpu.memory_space<vmem>> -> memref<1x128x128xf32, #tpu.memory_space<vmem>>
            %dma_wait3A_300 = tpu.memref_squeeze %dma_wait3A_299 : memref<1x128x128xf32, #tpu.memory_space<vmem>> -> memref<128x128xf32, #tpu.memory_space<vmem>>
            %dma_wait3A_301 = arith.constant 0 : i32
            %dma_wait3A_302 = tpu.memref_slice %arg4[%mul3A_297, %dma_wait3A_301] : memref<80000x128xf32, #tpu.memory_space<hbm>> -> memref<128x128xf32, #tpu.memory_space<hbm>>
            %dma_wait3A_303 = tpu.memref_slice %run_scoped3A_19[%rem3A_295] : memref<2x!tpu.dma_semaphore, #tpu.memory_space<semaphore_mem>> -> memref<1x!tpu.dma_semaphore, #tpu.memory_space<semaphore_mem>>
            %dma_wait3A_304 = tpu.memref_squeeze %dma_wait3A_303 : memref<1x!tpu.dma_semaphore, #tpu.memory_space<semaphore_mem>> -> memref<!tpu.dma_semaphore, #tpu.memory_space<semaphore_mem>>
            %dma_wait3A_305 = arith.constant 0 : i32
            %dma_wait3A_306 = tpu.memref_slice %arg4[%mul3A_297, %dma_wait3A_305] : memref<80000x128xf32, #tpu.memory_space<hbm>> -> memref<128x128xf32, #tpu.memory_space<hbm>>
            %dma_wait3A_307 = arith.constant 0 : i32
            %dma_wait3A_308 = arith.constant 0 : i32
            %dma_wait3A_309 = tpu.memref_slice %run_scoped3A_18[%rem3A_295, %dma_wait3A_307, %dma_wait3A_308] : memref<2x128x128xf32, #tpu.memory_space<vmem>> -> memref<1x128x128xf32, #tpu.memory_space<vmem>>
            %dma_wait3A_310 = tpu.memref_squeeze %dma_wait3A_309 : memref<1x128x128xf32, #tpu.memory_space<vmem>> -> memref<128x128xf32, #tpu.memory_space<vmem>>
            tpu.wait_dma2 semaphore(%dma_wait3A_304 : memref<!tpu.dma_semaphore, #tpu.memory_space<semaphore_mem>>) src(%dma_wait3A_310 : memref<128x128xf32, #tpu.memory_space<vmem>>) dst(%dma_wait3A_306 : memref<128x128xf32, #tpu.memory_space<hbm>>)
            "tpu.trace_stop"() : () -> ()
          } else {
          }
          %and3A_275 = arith.constant true
          %and3A_276 = arith.andi %and3A_271, %and3A_275 : i1
          %add3A_277 = arith.constant 1 : i32
          %add3A_278 = arith.addi %while3A_146, %add3A_277 : i32
          %select_n3A_279 = arith.select %and3A_276, %add3A_278, %while3A_146 : i32
          %ne3A_280 = arith.cmpi ne, %add3A_155, %add3A_173 : i32
          %or3A_281 = arith.constant false
          %or3A_282 = arith.ori %or3A_281, %ne3A_280 : i1
          %or3A_283 = arith.ori %or3A_282, %eq3A_154 : i1
          %add3A_284 = arith.constant 1 : i32
          %add3A_285 = arith.addi %while3A_144, %add3A_284 : i32
          %select_n3A_286 = arith.select %or3A_283, %add3A_285, %while3A_144 : i32
          %add3A_287 = arith.constant 1 : i32
          %add3A_288 = arith.addi %while3A_147, %add3A_287 : i32
          %select_n3A_289 = arith.constant true
          %select_n3A_290 = arith.select %select_n3A_289, %add3A_288, %while3A_147 : i32
          %eq3A_291 = arith.cmpi eq, %select_n3A_290, %select_n3A : i32
          %select_n3A_292 = arith.constant 0 : i32
          %select_n3A_293 = arith.select %eq3A_291, %select_n3A_292, %select_n3A_290 : i32
          scf.yield %select_n3A_195, %select_n3A_286, %select_n3A_252, %select_n3A_279, %select_n3A_293 : i32, i32, i32, i32, i32
        }
        %while3A_89 = arith.constant 1 : i32
        %while3A_90:5 = scf.for %while3A_142 = %while3A_86 to %while3A_82 step %while3A_89 iter_args(%while3A_143 = %while3A_88#0, %while3A_144 = %while3A_88#1, %while3A_145 = %while3A_88#2, %while3A_146 = %while3A_88#3, %while3A_147 = %while3A_88#4) -> (i32, i32, i32, i32, i32)  : i32 {
          %mul3A_148 = arith.constant 1 : i32
          %mul3A_149 = arith.muli %mul3A_148, %select_n3A : i32
          %eq3A_150 = arith.constant 0 : i32
          %eq3A_151 = arith.cmpi eq, %while3A_142, %eq3A_150 : i32
          %sub3A_152 = arith.constant 1 : i32
          %sub3A_153 = arith.subi %mul3A_149, %sub3A_152 : i32
          %eq3A_154 = arith.cmpi eq, %while3A_142, %sub3A_153 : i32
          %add3A_155 = arith.addi %while3A_147, %select_n3A_14 : i32
          %sub3A_156 = arith.constant 1 : i32
          %sub3A_157 = arith.subi %while3A_147, %sub3A_156 : i32
          %select_n3A_158 = arith.constant true
          %select_n3A_159 = arith.select %select_n3A_158, %sub3A_157, %while3A_147 : i32
          %eq3A_160 = arith.constant -1 : i32
          %eq3A_161 = arith.cmpi eq, %select_n3A_159, %eq3A_160 : i32
          %sub3A_162 = arith.constant 1 : i32
          %sub3A_163 = arith.subi %select_n3A, %sub3A_162 : i32
          %select_n3A_164 = arith.select %eq3A_161, %sub3A_163, %select_n3A_159 : i32
          %add3A_165 = arith.addi %select_n3A_164, %select_n3A_14 : i32
          %add3A_166 = arith.constant 1 : i32
          %add3A_167 = arith.addi %while3A_147, %add3A_166 : i32
          %select_n3A_168 = arith.constant true
          %select_n3A_169 = arith.select %select_n3A_168, %add3A_167, %while3A_147 : i32
          %eq3A_170 = arith.cmpi eq, %select_n3A_169, %select_n3A : i32
          %select_n3A_171 = arith.constant 0 : i32
          %select_n3A_172 = arith.select %eq3A_170, %select_n3A_171, %select_n3A_169 : i32
          %add3A_173 = arith.addi %select_n3A_172, %select_n3A_14 : i32
          %add3A_174 = arith.constant 1 : i32
          %add3A_175 = arith.addi %select_n3A_172, %add3A_174 : i32
          %select_n3A_176 = arith.constant true
          %select_n3A_177 = arith.select %select_n3A_176, %add3A_175, %select_n3A_172 : i32
          %eq3A_178 = arith.cmpi eq, %select_n3A_177, %select_n3A : i32
          %select_n3A_179 = arith.constant 0 : i32
          %select_n3A_180 = arith.select %eq3A_178, %select_n3A_179, %select_n3A_177 : i32
          %add3A_181 = arith.addi %select_n3A_180, %select_n3A_14 : i32
          %ne3A = arith.cmpi ne, %add3A_155, %add3A_173 : i32
          %or3A = arith.constant false
          %or3A_182 = arith.ori %or3A, %ne3A : i1
          %sub3A_183 = arith.constant 2 : i32
          %sub3A_184 = arith.subi %mul3A_149, %sub3A_183 : i32
          %add3A_185 = arith.constant 1 : i32
          %add3A_186 = arith.addi %sub3A_184, %add3A_185 : i32
          %ge3A = arith.cmpi sge, %while3A_142, %add3A_186 : i32
          %not3A = arith.constant true
          %not3A_187 = arith.xori %ge3A, %not3A : i1
          %and3A = arith.andi %or3A_182, %not3A_187 : i1
          %convert_element_type3A_188 = arith.extui %and3A : i1 to i32
          %cond3A_189 = arith.constant 0 : i32
          %cond3A_190 = arith.cmpi ne, %convert_element_type3A_188, %cond3A_189 : i32
          scf.if %cond3A_190 {
            "tpu.trace_start"() <{level = 10 : i32, message = "ep_copy_in"}> : () -> ()
            %rem3A_294 = arith.constant 2 : i32
            %rem3A_295 = arith.remui %while3A_143, %rem3A_294 : i32
            %mul3A_296 = arith.constant 128 : i32
            %mul3A_297 = arith.muli %mul3A_296, %add3A_173 : i32
            %dma_start3A_298 = arith.constant 0 : i32
            %dma_start3A_299 = arith.constant 0 : i32
            %dma_start3A_300 = tpu.memref_slice %run_scoped3A[%rem3A_295, %dma_start3A_298, %dma_start3A_299] : memref<2x1x128xi32, #tpu.memory_space<vmem>> -> memref<1x1x128xi32, #tpu.memory_space<vmem>>
            %dma_start3A_301 = tpu.memref_squeeze %dma_start3A_300 : memref<1x1x128xi32, #tpu.memory_space<vmem>> -> memref<1x128xi32, #tpu.memory_space<vmem>>
            %dma_start3A_302 = arith.constant 0 : i32
            %dma_start3A_303 = tpu.memref_slice %arg3[%dma_start3A_302, %mul3A_297] : memref<1x80000xi32, #tpu.memory_space<hbm>> -> memref<1x128xi32, #tpu.memory_space<hbm>>
            %dma_start3A_304 = tpu.memref_slice %run_scoped3A_17[%rem3A_295] : memref<2x!tpu.dma_semaphore, #tpu.memory_space<semaphore_mem>> -> memref<1x!tpu.dma_semaphore, #tpu.memory_space<semaphore_mem>>
            %dma_start3A_305 = tpu.memref_squeeze %dma_start3A_304 : memref<1x!tpu.dma_semaphore, #tpu.memory_space<semaphore_mem>> -> memref<!tpu.dma_semaphore, #tpu.memory_space<semaphore_mem>>
            %dma_start3A_306 = arith.constant 0 : i32
            %dma_start3A_307 = arith.constant 0 : i32
            %dma_start3A_308 = tpu.memref_slice %run_scoped3A[%rem3A_295, %dma_start3A_306, %dma_start3A_307] : memref<2x1x128xi32, #tpu.memory_space<vmem>> -> memref<1x1x128xi32, #tpu.memory_space<vmem>>
            %dma_start3A_309 = tpu.memref_squeeze %dma_start3A_308 : memref<1x1x128xi32, #tpu.memory_space<vmem>> -> memref<1x128xi32, #tpu.memory_space<vmem>>
            %dma_start3A_310 = arith.constant 0 : i32
            %dma_start3A_311 = tpu.memref_slice %arg3[%dma_start3A_310, %mul3A_297] : memref<1x80000xi32, #tpu.memory_space<hbm>> -> memref<1x128xi32, #tpu.memory_space<hbm>>
            tpu.enqueue_dma source(%dma_start3A_311 : memref<1x128xi32, #tpu.memory_space<hbm>>) target(%dma_start3A_309 : memref<1x128xi32, #tpu.memory_space<vmem>>) target_semaphore(%dma_start3A_305 : memref<!tpu.dma_semaphore, #tpu.memory_space<semaphore_mem>>)
            "tpu.trace_stop"() : () -> ()
          } else {
          }
          %and3A_191 = arith.constant true
          %and3A_192 = arith.andi %and3A, %and3A_191 : i1
          %add3A_193 = arith.constant 1 : i32
          %add3A_194 = arith.addi %while3A_143, %add3A_193 : i32
          %select_n3A_195 = arith.select %and3A_192, %add3A_194, %while3A_143 : i32
          %ne3A_196 = arith.cmpi ne, %add3A_155, %add3A_173 : i32
          %or3A_197 = arith.constant false
          %or3A_198 = arith.ori %or3A_197, %ne3A_196 : i1
          %or3A_199 = arith.constant false
          %or3A_200 = arith.ori %or3A_198, %or3A_199 : i1
          %sub3A_201 = arith.constant 2 : i32
          %sub3A_202 = arith.subi %mul3A_149, %sub3A_201 : i32
          %add3A_203 = arith.constant 1 : i32
          %add3A_204 = arith.addi %sub3A_202, %add3A_203 : i32
          %ge3A_205 = arith.cmpi sge, %while3A_142, %add3A_204 : i32
          %not3A_206 = arith.constant true
          %not3A_207 = arith.xori %ge3A_205, %not3A_206 : i1
          %and3A_208 = arith.andi %or3A_200, %not3A_207 : i1
          %ne3A_209 = arith.cmpi ne, %add3A_155, %add3A_165 : i32
          %or3A_210 = arith.constant false
          %or3A_211 = arith.ori %or3A_210, %ne3A_209 : i1
          %or3A_212 = arith.ori %or3A_211, %eq3A_151 : i1
          %convert_element_type3A_213 = arith.extui %or3A_212 : i1 to i32
          %cond3A_214 = arith.constant 0 : i32
          %cond3A_215 = arith.cmpi ne, %convert_element_type3A_213, %cond3A_214 : i32
          scf.if %cond3A_215 {
            "tpu.trace_start"() <{level = 10 : i32, message = "ep_wait_in"}> : () -> ()
            %mul3A_294 = arith.constant 128 : i32
            %mul3A_295 = arith.muli %mul3A_294, %add3A_155 : i32
            %rem3A_296 = arith.constant 2 : i32
            %rem3A_297 = arith.remui %while3A_144, %rem3A_296 : i32
            %dma_wait3A = arith.constant 0 : i32
            %dma_wait3A_298 = arith.constant 0 : i32
            %dma_wait3A_299 = tpu.memref_slice %run_scoped3A[%rem3A_297, %dma_wait3A, %dma_wait3A_298] : memref<2x1x128xi32, #tpu.memory_space<vmem>> -> memref<1x1x128xi32, #tpu.memory_space<vmem>>
            %dma_wait3A_300 = tpu.memref_squeeze %dma_wait3A_299 : memref<1x1x128xi32, #tpu.memory_space<vmem>> -> memref<1x128xi32, #tpu.memory_space<vmem>>
            %dma_wait3A_301 = arith.constant 0 : i32
            %dma_wait3A_302 = tpu.memref_slice %arg3[%dma_wait3A_301, %mul3A_295] : memref<1x80000xi32, #tpu.memory_space<hbm>> -> memref<1x128xi32, #tpu.memory_space<hbm>>
            %dma_wait3A_303 = tpu.memref_slice %run_scoped3A_17[%rem3A_297] : memref<2x!tpu.dma_semaphore, #tpu.memory_space<semaphore_mem>> -> memref<1x!tpu.dma_semaphore, #tpu.memory_space<semaphore_mem>>
            %dma_wait3A_304 = tpu.memref_squeeze %dma_wait3A_303 : memref<1x!tpu.dma_semaphore, #tpu.memory_space<semaphore_mem>> -> memref<!tpu.dma_semaphore, #tpu.memory_space<semaphore_mem>>
            %dma_wait3A_305 = arith.constant 0 : i32
            %dma_wait3A_306 = arith.constant 0 : i32
            %dma_wait3A_307 = tpu.memref_slice %run_scoped3A[%rem3A_297, %dma_wait3A_305, %dma_wait3A_306] : memref<2x1x128xi32, #tpu.memory_space<vmem>> -> memref<1x1x128xi32, #tpu.memory_space<vmem>>
            %dma_wait3A_308 = tpu.memref_squeeze %dma_wait3A_307 : memref<1x1x128xi32, #tpu.memory_space<vmem>> -> memref<1x128xi32, #tpu.memory_space<vmem>>
            %dma_wait3A_309 = arith.constant 0 : i32
            %dma_wait3A_310 = tpu.memref_slice %arg3[%dma_wait3A_309, %mul3A_295] : memref<1x80000xi32, #tpu.memory_space<hbm>> -> memref<1x128xi32, #tpu.memory_space<hbm>>
            tpu.wait_dma2 semaphore(%dma_wait3A_304 : memref<!tpu.dma_semaphore, #tpu.memory_space<semaphore_mem>>) src(%dma_wait3A_310 : memref<1x128xi32, #tpu.memory_space<hbm>>) dst(%dma_wait3A_308 : memref<1x128xi32, #tpu.memory_space<vmem>>)
            "tpu.trace_stop"() : () -> ()
          } else {
          }
          %ne3A_216 = arith.cmpi ne, %add3A_155, %add3A_165 : i32
          %or3A_217 = arith.constant false
          %or3A_218 = arith.ori %or3A_217, %ne3A_216 : i1
          %or3A_219 = arith.constant false
          %or3A_220 = arith.ori %or3A_218, %or3A_219 : i1
          %or3A_221 = arith.ori %or3A_220, %eq3A_151 : i1
          %convert_element_type3A_222 = arith.extui %or3A_221 : i1 to i32
          %cond3A_223 = arith.constant 0 : i32
          %cond3A_224 = arith.cmpi ne, %convert_element_type3A_222, %cond3A_223 : i32
          scf.if %cond3A_224 {
          } else {
          }
          %rem3A_225 = arith.constant 2 : i32
          %rem3A_226 = arith.remui %while3A_144, %rem3A_225 : i32
          %rem3A_227 = arith.constant 2 : i32
          %rem3A_228 = arith.remui %while3A_145, %rem3A_227 : i32
          %run_scoped3A_229 = arith.constant 0 : i32
          "tpu.trace_start"() <{level = 10 : i32, message = "ep_run_kernel"}> : () -> ()
          "tpu.region"() ({
            %run_scoped3A_294 = tpu.sem_alloc : memref<!tpu.dma_semaphore, #tpu.memory_space<semaphore_mem>>
            %dma_start3A_295 = arith.constant 0 : i32
            %dma_start3A_296 = arith.constant 0 : i32
            %dma_start3A_297 = tpu.memref_slice %run_scoped3A_18[%rem3A_228, %dma_start3A_295, %dma_start3A_296] : memref<2x128x128xf32, #tpu.memory_space<vmem>> -> memref<1x128x128xf32, #tpu.memory_space<vmem>>
            %dma_start3A_298 = tpu.memref_squeeze %dma_start3A_297 : memref<1x128x128xf32, #tpu.memory_space<vmem>> -> memref<128x128xf32, #tpu.memory_space<vmem>>
            %dma_start3A_299 = arith.constant 0 : i32
            %dma_start3A_300 = arith.constant 0 : i32
            %dma_start3A_301 = tpu.memref_slice %run_scoped3A[%rem3A_226, %dma_start3A_299, %dma_start3A_300] : memref<2x1x128xi32, #tpu.memory_space<vmem>> -> memref<1x1x128xi32, #tpu.memory_space<vmem>>
            %dma_start3A_302 = tpu.memref_squeeze %dma_start3A_301 : memref<1x1x128xi32, #tpu.memory_space<vmem>> -> memref<1x128xi32, #tpu.memory_space<vmem>>
            %dma_start3A_303 = arith.constant 0 : i32
            %dma_start3A_304 = tpu.memref_slice %dma_start3A_302[%run_scoped3A_229, %dma_start3A_303] : memref<1x128xi32, #tpu.memory_space<vmem>> -> memref<1x128xi32, #tpu.memory_space<vmem>>
            %dma_start3A_305 = tpu.memref_squeeze %dma_start3A_304 : memref<1x128xi32, #tpu.memory_space<vmem>> -> memref<128xi32, #tpu.memory_space<vmem>>
            %dma_start3A_306 = arith.constant 0 : i32
            %dma_start3A_307 = arith.constant 0 : i32
            %dma_start3A_308 = tpu.memref_slice %arg2[%dma_start3A_306, %dma_start3A_307] : memref<10000x128xf32, #tpu.memory_space<hbm>> -> memref<10000x128xf32, #tpu.memory_space<hbm>>
            tpu.enqueue_indirect_dma source(%dma_start3A_308 : memref<10000x128xf32, #tpu.memory_space<hbm>>) target(%dma_start3A_298 : memref<128x128xf32, #tpu.memory_space<vmem>>) offsets(%dma_start3A_305 : memref<128xi32, #tpu.memory_space<vmem>>) semaphore(%run_scoped3A_294 : memref<!tpu.dma_semaphore, #tpu.memory_space<semaphore_mem>>)
            %dma_wait3A = arith.constant 0 : i32
            %dma_wait3A_309 = arith.constant 0 : i32
            %dma_wait3A_310 = tpu.memref_slice %run_scoped3A_18[%rem3A_228, %dma_wait3A, %dma_wait3A_309] : memref<2x128x128xf32, #tpu.memory_space<vmem>> -> memref<1x128x128xf32, #tpu.memory_space<vmem>>
            %dma_wait3A_311 = tpu.memref_squeeze %dma_wait3A_310 : memref<1x128x128xf32, #tpu.memory_space<vmem>> -> memref<128x128xf32, #tpu.memory_space<vmem>>
            %dma_wait3A_312 = arith.constant 0 : i32
            %dma_wait3A_313 = arith.constant 0 : i32
            %dma_wait3A_314 = tpu.memref_slice %run_scoped3A[%rem3A_226, %dma_wait3A_312, %dma_wait3A_313] : memref<2x1x128xi32, #tpu.memory_space<vmem>> -> memref<1x1x128xi32, #tpu.memory_space<vmem>>
            %dma_wait3A_315 = tpu.memref_squeeze %dma_wait3A_314 : memref<1x1x128xi32, #tpu.memory_space<vmem>> -> memref<1x128xi32, #tpu.memory_space<vmem>>
            %dma_wait3A_316 = arith.constant 0 : i32
            %dma_wait3A_317 = tpu.memref_slice %dma_wait3A_315[%run_scoped3A_229, %dma_wait3A_316] : memref<1x128xi32, #tpu.memory_space<vmem>> -> memref<1x128xi32, #tpu.memory_space<vmem>>
            %dma_wait3A_318 = tpu.memref_squeeze %dma_wait3A_317 : memref<1x128xi32, #tpu.memory_space<vmem>> -> memref<128xi32, #tpu.memory_space<vmem>>
            %dma_wait3A_319 = arith.constant 0 : i32
            %dma_wait3A_320 = arith.constant 0 : i32
            %dma_wait3A_321 = tpu.memref_slice %arg2[%dma_wait3A_319, %dma_wait3A_320] : memref<10000x128xf32, #tpu.memory_space<hbm>> -> memref<10000x128xf32, #tpu.memory_space<hbm>>
            tpu.wait_indirect_dma semaphore(%run_scoped3A_294 : memref<!tpu.dma_semaphore, #tpu.memory_space<semaphore_mem>>) src(%dma_wait3A_321 : memref<10000x128xf32, #tpu.memory_space<hbm>>) dst(%dma_wait3A_311 : memref<128x128xf32, #tpu.memory_space<vmem>>)
            tpu.yield
          }) : () -> ()
          "tpu.trace_stop"() : () -> ()
          %ne3A_230 = arith.cmpi ne, %add3A_155, %add3A_173 : i32
          %or3A_231 = arith.constant false
          %or3A_232 = arith.ori %or3A_231, %ne3A_230 : i1
          %or3A_233 = arith.ori %or3A_232, %eq3A_154 : i1
          %convert_element_type3A_234 = arith.extui %or3A_233 : i1 to i32
          %cond3A_235 = arith.constant 0 : i32
          %cond3A_236 = arith.cmpi ne, %convert_element_type3A_234, %cond3A_235 : i32
          scf.if %cond3A_236 {
          } else {
          }
          %and3A_237 = arith.constant false
          %and3A_238 = arith.andi %or3A_233, %and3A_237 : i1
          %ne3A_239 = arith.cmpi ne, %add3A_155, %add3A_173 : i32
          %or3A_240 = arith.constant false
          %or3A_241 = arith.ori %or3A_240, %ne3A_239 : i1
          %or3A_242 = arith.constant false
          %or3A_243 = arith.ori %or3A_241, %or3A_242 : i1
          %or3A_244 = arith.ori %or3A_243, %eq3A_154 : i1
          %convert_element_type3A_245 = arith.extui %or3A_244 : i1 to i32
          %cond3A_246 = arith.constant 0 : i32
          %cond3A_247 = arith.cmpi ne, %convert_element_type3A_245, %cond3A_246 : i32
          scf.if %cond3A_247 {
            "tpu.trace_start"() <{level = 10 : i32, message = "ep_copy_out"}> : () -> ()
            %rem3A_294 = arith.constant 2 : i32
            %rem3A_295 = arith.remui %while3A_145, %rem3A_294 : i32
            %mul3A_296 = arith.constant 128 : i32
            %mul3A_297 = arith.muli %mul3A_296, %add3A_155 : i32
            %dma_start3A_298 = arith.constant 0 : i32
            %dma_start3A_299 = arith.constant 0 : i32
            %dma_start3A_300 = tpu.memref_slice %run_scoped3A_18[%rem3A_295, %dma_start3A_298, %dma_start3A_299] : memref<2x128x128xf32, #tpu.memory_space<vmem>> -> memref<1x128x128xf32, #tpu.memory_space<vmem>>
            %dma_start3A_301 = tpu.memref_squeeze %dma_start3A_300 : memref<1x128x128xf32, #tpu.memory_space<vmem>> -> memref<128x128xf32, #tpu.memory_space<vmem>>
            %dma_start3A_302 = arith.constant 0 : i32
            %dma_start3A_303 = tpu.memref_slice %arg4[%mul3A_297, %dma_start3A_302] : memref<80000x128xf32, #tpu.memory_space<hbm>> -> memref<128x128xf32, #tpu.memory_space<hbm>>
            %dma_start3A_304 = tpu.memref_slice %run_scoped3A_19[%rem3A_295] : memref<2x!tpu.dma_semaphore, #tpu.memory_space<semaphore_mem>> -> memref<1x!tpu.dma_semaphore, #tpu.memory_space<semaphore_mem>>
            %dma_start3A_305 = tpu.memref_squeeze %dma_start3A_304 : memref<1x!tpu.dma_semaphore, #tpu.memory_space<semaphore_mem>> -> memref<!tpu.dma_semaphore, #tpu.memory_space<semaphore_mem>>
            %dma_start3A_306 = arith.constant 0 : i32
            %dma_start3A_307 = tpu.memref_slice %arg4[%mul3A_297, %dma_start3A_306] : memref<80000x128xf32, #tpu.memory_space<hbm>> -> memref<128x128xf32, #tpu.memory_space<hbm>>
            %dma_start3A_308 = arith.constant 0 : i32
            %dma_start3A_309 = arith.constant 0 : i32
            %dma_start3A_310 = tpu.memref_slice %run_scoped3A_18[%rem3A_295, %dma_start3A_308, %dma_start3A_309] : memref<2x128x128xf32, #tpu.memory_space<vmem>> -> memref<1x128x128xf32, #tpu.memory_space<vmem>>
            %dma_start3A_311 = tpu.memref_squeeze %dma_start3A_310 : memref<1x128x128xf32, #tpu.memory_space<vmem>> -> memref<128x128xf32, #tpu.memory_space<vmem>>
            tpu.enqueue_dma source(%dma_start3A_311 : memref<128x128xf32, #tpu.memory_space<vmem>>) target(%dma_start3A_307 : memref<128x128xf32, #tpu.memory_space<hbm>>) target_semaphore(%dma_start3A_305 : memref<!tpu.dma_semaphore, #tpu.memory_space<semaphore_mem>>)
            "tpu.trace_stop"() : () -> ()
          } else {
          }
          %and3A_248 = arith.constant true
          %and3A_249 = arith.andi %or3A_244, %and3A_248 : i1
          %add3A_250 = arith.constant 1 : i32
          %add3A_251 = arith.addi %while3A_145, %add3A_250 : i32
          %select_n3A_252 = arith.select %and3A_249, %add3A_251, %while3A_145 : i32
          %ne3A_253 = arith.cmpi ne, %add3A_155, %add3A_165 : i32
          %or3A_254 = arith.constant false
          %or3A_255 = arith.ori %or3A_254, %ne3A_253 : i1
          %not3A_256 = arith.constant true
          %not3A_257 = arith.xori %eq3A_151, %not3A_256 : i1
          %and3A_258 = arith.andi %or3A_255, %not3A_257 : i1
          %convert_element_type3A_259 = arith.extui %and3A_258 : i1 to i32
          %cond3A_260 = arith.constant 0 : i32
          %cond3A_261 = arith.cmpi ne, %convert_element_type3A_259, %cond3A_260 : i32
          scf.if %cond3A_261 {
          } else {
          }
          %and3A_262 = arith.constant false
          %and3A_263 = arith.andi %and3A_258, %and3A_262 : i1
          %ne3A_264 = arith.cmpi ne, %add3A_155, %add3A_165 : i32
          %or3A_265 = arith.constant false
          %or3A_266 = arith.ori %or3A_265, %ne3A_264 : i1
          %or3A_267 = arith.constant false
          %or3A_268 = arith.ori %or3A_266, %or3A_267 : i1
          %not3A_269 = arith.constant true
          %not3A_270 = arith.xori %eq3A_151, %not3A_269 : i1
          %and3A_271 = arith.andi %or3A_268, %not3A_270 : i1
          %convert_element_type3A_272 = arith.extui %and3A_271 : i1 to i32
          %cond3A_273 = arith.constant 0 : i32
          %cond3A_274 = arith.cmpi ne, %convert_element_type3A_272, %cond3A_273 : i32
          scf.if %cond3A_274 {
            "tpu.trace_start"() <{level = 10 : i32, message = "ep_wait_out"}> : () -> ()
            %rem3A_294 = arith.constant 2 : i32
            %rem3A_295 = arith.remui %while3A_146, %rem3A_294 : i32
            %mul3A_296 = arith.constant 128 : i32
            %mul3A_297 = arith.muli %mul3A_296, %add3A_165 : i32
            %dma_wait3A = arith.constant 0 : i32
            %dma_wait3A_298 = arith.constant 0 : i32
            %dma_wait3A_299 = tpu.memref_slice %run_scoped3A_18[%rem3A_295, %dma_wait3A, %dma_wait3A_298] : memref<2x128x128xf32, #tpu.memory_space<vmem>> -> memref<1x128x128xf32, #tpu.memory_space<vmem>>
            %dma_wait3A_300 = tpu.memref_squeeze %dma_wait3A_299 : memref<1x128x128xf32, #tpu.memory_space<vmem>> -> memref<128x128xf32, #tpu.memory_space<vmem>>
            %dma_wait3A_301 = arith.constant 0 : i32
            %dma_wait3A_302 = tpu.memref_slice %arg4[%mul3A_297, %dma_wait3A_301] : memref<80000x128xf32, #tpu.memory_space<hbm>> -> memref<128x128xf32, #tpu.memory_space<hbm>>
            %dma_wait3A_303 = tpu.memref_slice %run_scoped3A_19[%rem3A_295] : memref<2x!tpu.dma_semaphore, #tpu.memory_space<semaphore_mem>> -> memref<1x!tpu.dma_semaphore, #tpu.memory_space<semaphore_mem>>
            %dma_wait3A_304 = tpu.memref_squeeze %dma_wait3A_303 : memref<1x!tpu.dma_semaphore, #tpu.memory_space<semaphore_mem>> -> memref<!tpu.dma_semaphore, #tpu.memory_space<semaphore_mem>>
            %dma_wait3A_305 = arith.constant 0 : i32
            %dma_wait3A_306 = tpu.memref_slice %arg4[%mul3A_297, %dma_wait3A_305] : memref<80000x128xf32, #tpu.memory_space<hbm>> -> memref<128x128xf32, #tpu.memory_space<hbm>>
            %dma_wait3A_307 = arith.constant 0 : i32
            %dma_wait3A_308 = arith.constant 0 : i32
            %dma_wait3A_309 = tpu.memref_slice %run_scoped3A_18[%rem3A_295, %dma_wait3A_307, %dma_wait3A_308] : memref<2x128x128xf32, #tpu.memory_space<vmem>> -> memref<1x128x128xf32, #tpu.memory_space<vmem>>
            %dma_wait3A_310 = tpu.memref_squeeze %dma_wait3A_309 : memref<1x128x128xf32, #tpu.memory_space<vmem>> -> memref<128x128xf32, #tpu.memory_space<vmem>>
            tpu.wait_dma2 semaphore(%dma_wait3A_304 : memref<!tpu.dma_semaphore, #tpu.memory_space<semaphore_mem>>) src(%dma_wait3A_310 : memref<128x128xf32, #tpu.memory_space<vmem>>) dst(%dma_wait3A_306 : memref<128x128xf32, #tpu.memory_space<hbm>>)
            "tpu.trace_stop"() : () -> ()
          } else {
          }
          %and3A_275 = arith.constant true
          %and3A_276 = arith.andi %and3A_271, %and3A_275 : i1
          %add3A_277 = arith.constant 1 : i32
          %add3A_278 = arith.addi %while3A_146, %add3A_277 : i32
          %select_n3A_279 = arith.select %and3A_276, %add3A_278, %while3A_146 : i32
          %ne3A_280 = arith.cmpi ne, %add3A_155, %add3A_173 : i32
          %or3A_281 = arith.constant false
          %or3A_282 = arith.ori %or3A_281, %ne3A_280 : i1
          %or3A_283 = arith.ori %or3A_282, %eq3A_154 : i1
          %add3A_284 = arith.constant 1 : i32
          %add3A_285 = arith.addi %while3A_144, %add3A_284 : i32
          %select_n3A_286 = arith.select %or3A_283, %add3A_285, %while3A_144 : i32
          %add3A_287 = arith.constant 1 : i32
          %add3A_288 = arith.addi %while3A_147, %add3A_287 : i32
          %select_n3A_289 = arith.constant true
          %select_n3A_290 = arith.select %select_n3A_289, %add3A_288, %while3A_147 : i32
          %eq3A_291 = arith.cmpi eq, %select_n3A_290, %select_n3A : i32
          %select_n3A_292 = arith.constant 0 : i32
          %select_n3A_293 = arith.select %eq3A_291, %select_n3A_292, %select_n3A_290 : i32
          scf.yield %select_n3A_195, %select_n3A_286, %select_n3A_252, %select_n3A_279, %select_n3A_293 : i32, i32, i32, i32, i32
        }
        %sub3A_91 = arith.constant 1 : i32
        %sub3A_92 = arith.subi %while3A_90#4, %sub3A_91 : i32
        %select_n3A_93 = arith.constant true
        %select_n3A_94 = arith.select %select_n3A_93, %sub3A_92, %while3A_90#4 : i32
        %eq3A_95 = arith.constant -1 : i32
        %eq3A_96 = arith.cmpi eq, %select_n3A_94, %eq3A_95 : i32
        %sub3A_97 = arith.constant 1 : i32
        %sub3A_98 = arith.subi %select_n3A, %sub3A_97 : i32
        %select_n3A_99 = arith.select %eq3A_96, %sub3A_98, %select_n3A_94 : i32
        %sub3A_100 = arith.constant 1 : i32
        %sub3A_101 = arith.subi %mul3A_16, %sub3A_100 : i32
        %mul3A_102 = arith.constant 1 : i32
        %mul3A_103 = arith.muli %mul3A_102, %select_n3A : i32
        %eq3A_104 = arith.constant 0 : i32
        %eq3A_105 = arith.cmpi eq, %sub3A_101, %eq3A_104 : i32
        %sub3A_106 = arith.constant 1 : i32
        %sub3A_107 = arith.subi %mul3A_103, %sub3A_106 : i32
        %eq3A_108 = arith.cmpi eq, %sub3A_101, %sub3A_107 : i32
        %add3A_109 = arith.addi %select_n3A_99, %select_n3A_14 : i32
        %sub3A_110 = arith.constant 1 : i32
        %sub3A_111 = arith.subi %select_n3A_99, %sub3A_110 : i32
        %select_n3A_112 = arith.constant true
        %select_n3A_113 = arith.select %select_n3A_112, %sub3A_111, %select_n3A_99 : i32
        %eq3A_114 = arith.constant -1 : i32
        %eq3A_115 = arith.cmpi eq, %select_n3A_113, %eq3A_114 : i32
        %sub3A_116 = arith.constant 1 : i32
        %sub3A_117 = arith.subi %select_n3A, %sub3A_116 : i32
        %select_n3A_118 = arith.select %eq3A_115, %sub3A_117, %select_n3A_113 : i32
        %add3A_119 = arith.addi %select_n3A_118, %select_n3A_14 : i32
        %add3A_120 = arith.constant 1 : i32
        %add3A_121 = arith.addi %select_n3A_99, %add3A_120 : i32
        %select_n3A_122 = arith.constant true
        %select_n3A_123 = arith.select %select_n3A_122, %add3A_121, %select_n3A_99 : i32
        %eq3A_124 = arith.cmpi eq, %select_n3A_123, %select_n3A : i32
        %select_n3A_125 = arith.constant 0 : i32
        %select_n3A_126 = arith.select %eq3A_124, %select_n3A_125, %select_n3A_123 : i32
        %add3A_127 = arith.addi %select_n3A_126, %select_n3A_14 : i32
        %add3A_128 = arith.constant 1 : i32
        %add3A_129 = arith.addi %select_n3A_126, %add3A_128 : i32
        %select_n3A_130 = arith.constant true
        %select_n3A_131 = arith.select %select_n3A_130, %add3A_129, %select_n3A_126 : i32
        %eq3A_132 = arith.cmpi eq, %select_n3A_131, %select_n3A : i32
        %select_n3A_133 = arith.constant 0 : i32
        %select_n3A_134 = arith.select %eq3A_132, %select_n3A_133, %select_n3A_131 : i32
        %add3A_135 = arith.addi %select_n3A_134, %select_n3A_14 : i32
        %convert_element_type3A_136 = arith.extui %eq3A_108 : i1 to i32
        %cond3A_137 = arith.constant 0 : i32
        %cond3A_138 = arith.cmpi ne, %convert_element_type3A_136, %cond3A_137 : i32
        scf.if %cond3A_138 {
        } else {
        }
        %convert_element_type3A_139 = arith.extui %eq3A_108 : i1 to i32
        %cond3A_140 = arith.constant 0 : i32
        %cond3A_141 = arith.cmpi ne, %convert_element_type3A_139, %cond3A_140 : i32
        scf.if %cond3A_141 {
          "tpu.trace_start"() <{level = 10 : i32, message = "ep_finalize"}> : () -> ()
          %rem3A_142 = arith.constant 2 : i32
          %rem3A_143 = arith.remui %while3A_90#3, %rem3A_142 : i32
          %mul3A_144 = arith.constant 128 : i32
          %mul3A_145 = arith.muli %mul3A_144, %add3A_109 : i32
          %dma_wait3A = arith.constant 0 : i32
          %dma_wait3A_146 = arith.constant 0 : i32
          %dma_wait3A_147 = tpu.memref_slice %run_scoped3A_18[%rem3A_143, %dma_wait3A, %dma_wait3A_146] : memref<2x128x128xf32, #tpu.memory_space<vmem>> -> memref<1x128x128xf32, #tpu.memory_space<vmem>>
          %dma_wait3A_148 = tpu.memref_squeeze %dma_wait3A_147 : memref<1x128x128xf32, #tpu.memory_space<vmem>> -> memref<128x128xf32, #tpu.memory_space<vmem>>
          %dma_wait3A_149 = arith.constant 0 : i32
          %dma_wait3A_150 = tpu.memref_slice %arg4[%mul3A_145, %dma_wait3A_149] : memref<80000x128xf32, #tpu.memory_space<hbm>> -> memref<128x128xf32, #tpu.memory_space<hbm>>
          %dma_wait3A_151 = tpu.memref_slice %run_scoped3A_19[%rem3A_143] : memref<2x!tpu.dma_semaphore, #tpu.memory_space<semaphore_mem>> -> memref<1x!tpu.dma_semaphore, #tpu.memory_space<semaphore_mem>>
          %dma_wait3A_152 = tpu.memref_squeeze %dma_wait3A_151 : memref<1x!tpu.dma_semaphore, #tpu.memory_space<semaphore_mem>> -> memref<!tpu.dma_semaphore, #tpu.memory_space<semaphore_mem>>
          %dma_wait3A_153 = arith.constant 0 : i32
          %dma_wait3A_154 = tpu.memref_slice %arg4[%mul3A_145, %dma_wait3A_153] : memref<80000x128xf32, #tpu.memory_space<hbm>> -> memref<128x128xf32, #tpu.memory_space<hbm>>
          %dma_wait3A_155 = arith.constant 0 : i32
          %dma_wait3A_156 = arith.constant 0 : i32
          %dma_wait3A_157 = tpu.memref_slice %run_scoped3A_18[%rem3A_143, %dma_wait3A_155, %dma_wait3A_156] : memref<2x128x128xf32, #tpu.memory_space<vmem>> -> memref<1x128x128xf32, #tpu.memory_space<vmem>>
          %dma_wait3A_158 = tpu.memref_squeeze %dma_wait3A_157 : memref<1x128x128xf32, #tpu.memory_space<vmem>> -> memref<128x128xf32, #tpu.memory_space<vmem>>
          tpu.wait_dma2 semaphore(%dma_wait3A_152 : memref<!tpu.dma_semaphore, #tpu.memory_space<semaphore_mem>>) src(%dma_wait3A_158 : memref<128x128xf32, #tpu.memory_space<vmem>>) dst(%dma_wait3A_154 : memref<128x128xf32, #tpu.memory_space<hbm>>)
          "tpu.trace_stop"() : () -> ()
        } else {
        }
      } else {
      }
      tpu.yield
    }) : () -> ()
    return
  }
}

#map = affine_map<(d0, d1) -> (0, 0)>
module attributes {stable_mosaic.version = 14 : i64} {
  func.func @k(%arg0: i32, %arg1: i32, %arg2: memref<10000x128xf32, #tpu.memory_space<hbm>>, %arg3: memref<1x80000xi32, #tpu.memory_space<hbm>>, %arg4: memref<80000x128xf32, #tpu.memory_space<hbm>>) attributes {dimension_semantics = [#tpu.dimension_semantics<core_parallel>, #tpu.dimension_semantics<subcore_parallel>], iteration_bounds = array<i64: 2, 16>, scalar_prefetch = 0 : i64, scratch_operands = 0 : i64, tpu.core_type = #tpu.core_type<sc_vector_subcore>, window_params = [{transform_indices = #map}, {transform_indices = #map}, {transform_indices = #map}]} {
    %mul3A = arith.constant 1 : i32
    %mul3A_0 = arith.muli %arg1, %mul3A : i32
    %add3A = arith.constant 0 : i32
    %add3A_1 = arith.addi %add3A, %mul3A_0 : i32
    %mul3A_2 = arith.constant 16 : i32
    %mul3A_3 = arith.muli %arg0, %mul3A_2 : i32
    %add3A_4 = arith.addi %add3A_1, %mul3A_3 : i32
    %lt3A = arith.constant 17 : i32
    %lt3A_5 = arith.cmpi slt, %add3A_4, %lt3A : i32
    %jit3A = arith.constant 20 : i32
    %jit3A_6 = arith.constant 19 : i32
    %select_n3A = arith.select %lt3A_5, %jit3A, %jit3A_6 : i32
    %lt3A_7 = arith.constant 17 : i32
    %lt3A_8 = arith.cmpi slt, %add3A_4, %lt3A_7 : i32
    %mul3A_9 = arith.muli %add3A_4, %select_n3A : i32
    %mul3A_10 = arith.constant 19 : i32
    %mul3A_11 = arith.muli %add3A_4, %mul3A_10 : i32
    %add3A_12 = arith.constant 17 : i32
    %add3A_13 = arith.addi %mul3A_11, %add3A_12 : i32
    %select_n3A_14 = arith.select %lt3A_8, %mul3A_9, %add3A_13 : i32
    %mul3A_15 = arith.constant 1 : i32
    %mul3A_16 = arith.muli %mul3A_15, %select_n3A : i32
    "tpu.region"() ({
      %run_scoped3A = memref.alloca() : memref<2x1x128xi32, #tpu.memory_space<vmem>>
      %run_scoped3A_17 = tpu.sem_alloc : memref<2x!tpu.dma_semaphore, #tpu.memory_space<semaphore_mem>>
      %run_scoped3A_18 = memref.alloca() : memref<2x128x128xf32, #tpu.memory_space<vmem>>
      %run_scoped3A_19 = tpu.sem_alloc : memref<2x!tpu.dma_semaphore, #tpu.memory_space<semaphore_mem>>
      %gt3A = arith.constant 0 : i32
      %gt3A_20 = arith.cmpi sgt, %mul3A_16, %gt3A : i32
      %convert_element_type3A = arith.extui %gt3A_20 : i1 to i32
      %cond3A = arith.constant 0 : i32
      %cond3A_21 = arith.cmpi ne, %convert_element_type3A, %cond3A : i32
      scf.if %cond3A_21 {
        %mul3A_22 = arith.constant 1 : i32
        %mul3A_23 = arith.muli %mul3A_22, %select_n3A : i32
        %sub3A = arith.constant 1 : i32
        %sub3A_24 = arith.subi %mul3A_23, %sub3A : i32
        %eq3A = arith.constant 0 : i32
        %eq3A_25 = arith.cmpi eq, %sub3A_24, %eq3A : i32
        %add3A_26 = arith.constant 0 : i32
        %add3A_27 = arith.addi %add3A_26, %select_n3A_14 : i32
        %select_n3A_28 = arith.constant true
        %select_n3A_29 = arith.constant 0 : i32
        %select_n3A_30 = arith.constant -1 : i32
        %select_n3A_31 = arith.select %select_n3A_28, %select_n3A_30, %select_n3A_29 : i32
        %eq3A_32 = arith.constant -1 : i32
        %eq3A_33 = arith.cmpi eq, %select_n3A_31, %eq3A_32 : i32
        %sub3A_34 = arith.constant 1 : i32
        %sub3A_35 = arith.subi %select_n3A, %sub3A_34 : i32
        %select_n3A_36 = arith.select %eq3A_33, %sub3A_35, %select_n3A_31 : i32
        %add3A_37 = arith.addi %select_n3A_36, %select_n3A_14 : i32
        %select_n3A_38 = arith.constant true
        %select_n3A_39 = arith.constant 0 : i32
        %select_n3A_40 = arith.constant 1 : i32
        %select_n3A_41 = arith.select %select_n3A_38, %select_n3A_40, %select_n3A_39 : i32
        %eq3A_42 = arith.cmpi eq, %select_n3A_41, %select_n3A : i32
        %select_n3A_43 = arith.constant 0 : i32
        %select_n3A_44 = arith.select %eq3A_42, %select_n3A_43, %select_n3A_41 : i32
        %add3A_45 = arith.addi %select_n3A_44, %select_n3A_14 : i32
        %add3A_46 = arith.constant 1 : i32
        %add3A_47 = arith.addi %select_n3A_44, %add3A_46 : i32
        %select_n3A_48 = arith.constant true
        %select_n3A_49 = arith.select %select_n3A_48, %add3A_47, %select_n3A_44 : i32
        %eq3A_50 = arith.cmpi eq, %select_n3A_49, %select_n3A : i32
        %select_n3A_51 = arith.constant 0 : i32
        %select_n3A_52 = arith.select %eq3A_50, %select_n3A_51, %select_n3A_49 : i32
        %add3A_53 = arith.addi %select_n3A_52, %select_n3A_14 : i32
        "tpu.trace_start"() <{level = 10 : i32, message = "ep_initialize_0"}> : () -> ()
        %rem3A = arith.constant 0 : i32
        %rem3A_54 = arith.constant 2 : i32
        %rem3A_55 = arith.remui %rem3A, %rem3A_54 : i32
        %mul3A_56 = arith.constant 128 : i32
        %mul3A_57 = arith.muli %mul3A_56, %add3A_27 : i32
        %dma_start3A = arith.constant 0 : i32
        %dma_start3A_58 = arith.constant 0 : i32
        %dma_start3A_59 = tpu.memref_slice %run_scoped3A[%rem3A_55, %dma_start3A, %dma_start3A_58] : memref<2x1x128xi32, #tpu.memory_space<vmem>> -> memref<1x1x128xi32, #tpu.memory_space<vmem>>
        %dma_start3A_60 = tpu.memref_squeeze %dma_start3A_59 : memref<1x1x128xi32, #tpu.memory_space<vmem>> -> memref<1x128xi32, #tpu.memory_space<vmem>>
        %dma_start3A_61 = arith.constant 0 : i32
        %dma_start3A_62 = tpu.memref_slice %arg3[%dma_start3A_61, %mul3A_57] : memref<1x80000xi32, #tpu.memory_space<hbm>> -> memref<1x128xi32, #tpu.memory_space<hbm>>
        %dma_start3A_63 = tpu.memref_slice %run_scoped3A_17[%rem3A_55] : memref<2x!tpu.dma_semaphore, #tpu.memory_space<semaphore_mem>> -> memref<1x!tpu.dma_semaphore, #tpu.memory_space<semaphore_mem>>
        %dma_start3A_64 = tpu.memref_squeeze %dma_start3A_63 : memref<1x!tpu.dma_semaphore, #tpu.memory_space<semaphore_mem>> -> memref<!tpu.dma_semaphore, #tpu.memory_space<semaphore_mem>>
        %dma_start3A_65 = arith.constant 0 : i32
        %dma_start3A_66 = arith.constant 0 : i32
        %dma_start3A_67 = tpu.memref_slice %run_scoped3A[%rem3A_55, %dma_start3A_65, %dma_start3A_66] : memref<2x1x128xi32, #tpu.memory_space<vmem>> -> memref<1x1x128xi32, #tpu.memory_space<vmem>>
        %dma_start3A_68 = tpu.memref_squeeze %dma_start3A_67 : memref<1x1x128xi32, #tpu.memory_space<vmem>> -> memref<1x128xi32, #tpu.memory_space<vmem>>
        %dma_start3A_69 = arith.constant 0 : i32
        %dma_start3A_70 = tpu.memref_slice %arg3[%dma_start3A_69, %mul3A_57] : memref<1x80000xi32, #tpu.memory_space<hbm>> -> memref<1x128xi32, #tpu.memory_space<hbm>>
        tpu.enqueue_dma source(%dma_start3A_70 : memref<1x128xi32, #tpu.memory_space<hbm>>) target(%dma_start3A_68 : memref<1x128xi32, #tpu.memory_space<vmem>>) target_semaphore(%dma_start3A_64 : memref<!tpu.dma_semaphore, #tpu.memory_space<semaphore_mem>>)
        %add3A_71 = arith.constant 0 : i32
        %add3A_72 = arith.constant 1 : i32
        %add3A_73 = arith.addi %add3A_71, %add3A_72 : i32
        %select_n3A_74 = arith.constant true
        %select_n3A_75 = arith.constant 0 : i32
        %select_n3A_76 = arith.select %select_n3A_74, %add3A_73, %select_n3A_75 : i32
        %while3A = arith.constant 0 : i32
        %while3A_77 = arith.constant 0 : i32
        %while3A_78 = arith.constant 0 : i32
        %while3A_79 = arith.constant 0 : i32
        %while3A_80 = arith.constant 0 : i32
        "tpu.trace_stop"() : () -> ()
        %while3A_81 = arith.subi %mul3A_16, %while3A : i32
        %while3A_82 = arith.addi %while3A, %while3A_81 : i32
        %while3A_83 = arith.constant 1 : i32
        %while3A_84 = arith.divsi %while3A_81, %while3A_83 : i32
        %while3A_85 = arith.muli %while3A_84, %while3A_83 : i32
        %while3A_86 = arith.addi %while3A, %while3A_85 : i32
        %while3A_87 = arith.constant 1 : i32
        %while3A_88:5 = scf.for %while3A_142 = %while3A to %while3A_86 step %while3A_87 iter_args(%while3A_143 = %select_n3A_76, %while3A_144 = %while3A_77, %while3A_145 = %while3A_78, %while3A_146 = %while3A_79, %while3A_147 = %while3A_80) -> (i32, i32, i32, i32, i32)  : i32 {
          %mul3A_148 = arith.constant 1 : i32
          %mul3A_149 = arith.muli %mul3A_148, %select_n3A : i32
          %eq3A_150 = arith.constant 0 : i32
          %eq3A_151 = arith.cmpi eq, %while3A_142, %eq3A_150 : i32
          %sub3A_152 = arith.constant 1 : i32
          %sub3A_153 = arith.subi %mul3A_149, %sub3A_152 : i32
          %eq3A_154 = arith.cmpi eq, %while3A_142, %sub3A_153 : i32
          %add3A_155 = arith.addi %while3A_147, %select_n3A_14 : i32
          %sub3A_156 = arith.constant 1 : i32
          %sub3A_157 = arith.subi %while3A_147, %sub3A_156 : i32
          %select_n3A_158 = arith.constant true
          %select_n3A_159 = arith.select %select_n3A_158, %sub3A_157, %while3A_147 : i32
          %eq3A_160 = arith.constant -1 : i32
          %eq3A_161 = arith.cmpi eq, %select_n3A_159, %eq3A_160 : i32
          %sub3A_162 = arith.constant 1 : i32
          %sub3A_163 = arith.subi %select_n3A, %sub3A_162 : i32
          %select_n3A_164 = arith.select %eq3A_161, %sub3A_163, %select_n3A_159 : i32
          %add3A_165 = arith.addi %select_n3A_164, %select_n3A_14 : i32
          %add3A_166 = arith.constant 1 : i32
          %add3A_167 = arith.addi %while3A_147, %add3A_166 : i32
          %select_n3A_168 = arith.constant true
          %select_n3A_169 = arith.select %select_n3A_168, %add3A_167, %while3A_147 : i32
          %eq3A_170 = arith.cmpi eq, %select_n3A_169, %select_n3A : i32
          %select_n3A_171 = arith.constant 0 : i32
          %select_n3A_172 = arith.select %eq3A_170, %select_n3A_171, %select_n3A_169 : i32
          %add3A_173 = arith.addi %select_n3A_172, %select_n3A_14 : i32
          %add3A_174 = arith.constant 1 : i32
          %add3A_175 = arith.addi %select_n3A_172, %add3A_174 : i32
          %select_n3A_176 = arith.constant true
          %select_n3A_177 = arith.select %select_n3A_176, %add3A_175, %select_n3A_172 : i32
          %eq3A_178 = arith.cmpi eq, %select_n3A_177, %select_n3A : i32
          %select_n3A_179 = arith.constant 0 : i32
          %select_n3A_180 = arith.select %eq3A_178, %select_n3A_179, %select_n3A_177 : i32
          %add3A_181 = arith.addi %select_n3A_180, %select_n3A_14 : i32
          %ne3A = arith.cmpi ne, %add3A_155, %add3A_173 : i32
          %or3A = arith.constant false
          %or3A_182 = arith.ori %or3A, %ne3A : i1
          %sub3A_183 = arith.constant 2 : i32
          %sub3A_184 = arith.subi %mul3A_149, %sub3A_183 : i32
          %add3A_185 = arith.constant 1 : i32
          %add3A_186 = arith.addi %sub3A_184, %add3A_185 : i32
          %ge3A = arith.cmpi sge, %while3A_142, %add3A_186 : i32
          %not3A = arith.constant true
          %not3A_187 = arith.xori %ge3A, %not3A : i1
          %and3A = arith.andi %or3A_182, %not3A_187 : i1
          %convert_element_type3A_188 = arith.extui %and3A : i1 to i32
          %cond3A_189 = arith.constant 0 : i32
          %cond3A_190 = arith.cmpi ne, %convert_element_type3A_188, %cond3A_189 : i32
          scf.if %cond3A_190 {
            "tpu.trace_start"() <{level = 10 : i32, message = "ep_copy_in"}> : () -> ()
            %rem3A_294 = arith.constant 2 : i32
            %rem3A_295 = arith.remui %while3A_143, %rem3A_294 : i32
            %mul3A_296 = arith.constant 128 : i32
            %mul3A_297 = arith.muli %mul3A_296, %add3A_173 : i32
            %dma_start3A_298 = arith.constant 0 : i32
            %dma_start3A_299 = arith.constant 0 : i32
            %dma_start3A_300 = tpu.memref_slice %run_scoped3A[%rem3A_295, %dma_start3A_298, %dma_start3A_299] : memref<2x1x128xi32, #tpu.memory_space<vmem>> -> memref<1x1x128xi32, #tpu.memory_space<vmem>>
            %dma_start3A_301 = tpu.memref_squeeze %dma_start3A_300 : memref<1x1x128xi32, #tpu.memory_space<vmem>> -> memref<1x128xi32, #tpu.memory_space<vmem>>
            %dma_start3A_302 = arith.constant 0 : i32
            %dma_start3A_303 = tpu.memref_slice %arg3[%dma_start3A_302, %mul3A_297] : memref<1x80000xi32, #tpu.memory_space<hbm>> -> memref<1x128xi32, #tpu.memory_space<hbm>>
            %dma_start3A_304 = tpu.memref_slice %run_scoped3A_17[%rem3A_295] : memref<2x!tpu.dma_semaphore, #tpu.memory_space<semaphore_mem>> -> memref<1x!tpu.dma_semaphore, #tpu.memory_space<semaphore_mem>>
            %dma_start3A_305 = tpu.memref_squeeze %dma_start3A_304 : memref<1x!tpu.dma_semaphore, #tpu.memory_space<semaphore_mem>> -> memref<!tpu.dma_semaphore, #tpu.memory_space<semaphore_mem>>
            %dma_start3A_306 = arith.constant 0 : i32
            %dma_start3A_307 = arith.constant 0 : i32
            %dma_start3A_308 = tpu.memref_slice %run_scoped3A[%rem3A_295, %dma_start3A_306, %dma_start3A_307] : memref<2x1x128xi32, #tpu.memory_space<vmem>> -> memref<1x1x128xi32, #tpu.memory_space<vmem>>
            %dma_start3A_309 = tpu.memref_squeeze %dma_start3A_308 : memref<1x1x128xi32, #tpu.memory_space<vmem>> -> memref<1x128xi32, #tpu.memory_space<vmem>>
            %dma_start3A_310 = arith.constant 0 : i32
            %dma_start3A_311 = tpu.memref_slice %arg3[%dma_start3A_310, %mul3A_297] : memref<1x80000xi32, #tpu.memory_space<hbm>> -> memref<1x128xi32, #tpu.memory_space<hbm>>
            tpu.enqueue_dma source(%dma_start3A_311 : memref<1x128xi32, #tpu.memory_space<hbm>>) target(%dma_start3A_309 : memref<1x128xi32, #tpu.memory_space<vmem>>) target_semaphore(%dma_start3A_305 : memref<!tpu.dma_semaphore, #tpu.memory_space<semaphore_mem>>)
            "tpu.trace_stop"() : () -> ()
          } else {
          }
          %and3A_191 = arith.constant true
          %and3A_192 = arith.andi %and3A, %and3A_191 : i1
          %add3A_193 = arith.constant 1 : i32
          %add3A_194 = arith.addi %while3A_143, %add3A_193 : i32
          %select_n3A_195 = arith.select %and3A_192, %add3A_194, %while3A_143 : i32
          %ne3A_196 = arith.cmpi ne, %add3A_155, %add3A_173 : i32
          %or3A_197 = arith.constant false
          %or3A_198 = arith.ori %or3A_197, %ne3A_196 : i1
          %or3A_199 = arith.constant false
          %or3A_200 = arith.ori %or3A_198, %or3A_199 : i1
          %sub3A_201 = arith.constant 2 : i32
          %sub3A_202 = arith.subi %mul3A_149, %sub3A_201 : i32
          %add3A_203 = arith.constant 1 : i32
          %add3A_204 = arith.addi %sub3A_202, %add3A_203 : i32
          %ge3A_205 = arith.cmpi sge, %while3A_142, %add3A_204 : i32
          %not3A_206 = arith.constant true
          %not3A_207 = arith.xori %ge3A_205, %not3A_206 : i1
          %and3A_208 = arith.andi %or3A_200, %not3A_207 : i1
          %ne3A_209 = arith.cmpi ne, %add3A_155, %add3A_165 : i32
          %or3A_210 = arith.constant false
          %or3A_211 = arith.ori %or3A_210, %ne3A_209 : i1
          %or3A_212 = arith.ori %or3A_211, %eq3A_151 : i1
          %convert_element_type3A_213 = arith.extui %or3A_212 : i1 to i32
          %cond3A_214 = arith.constant 0 : i32
          %cond3A_215 = arith.cmpi ne, %convert_element_type3A_213, %cond3A_214 : i32
          scf.if %cond3A_215 {
            "tpu.trace_start"() <{level = 10 : i32, message = "ep_wait_in"}> : () -> ()
            %mul3A_294 = arith.constant 128 : i32
            %mul3A_295 = arith.muli %mul3A_294, %add3A_155 : i32
            %rem3A_296 = arith.constant 2 : i32
            %rem3A_297 = arith.remui %while3A_144, %rem3A_296 : i32
            %dma_wait3A = arith.constant 0 : i32
            %dma_wait3A_298 = arith.constant 0 : i32
            %dma_wait3A_299 = tpu.memref_slice %run_scoped3A[%rem3A_297, %dma_wait3A, %dma_wait3A_298] : memref<2x1x128xi32, #tpu.memory_space<vmem>> -> memref<1x1x128xi32, #tpu.memory_space<vmem>>
            %dma_wait3A_300 = tpu.memref_squeeze %dma_wait3A_299 : memref<1x1x128xi32, #tpu.memory_space<vmem>> -> memref<1x128xi32, #tpu.memory_space<vmem>>
            %dma_wait3A_301 = arith.constant 0 : i32
            %dma_wait3A_302 = tpu.memref_slice %arg3[%dma_wait3A_301, %mul3A_295] : memref<1x80000xi32, #tpu.memory_space<hbm>> -> memref<1x128xi32, #tpu.memory_space<hbm>>
            %dma_wait3A_303 = tpu.memref_slice %run_scoped3A_17[%rem3A_297] : memref<2x!tpu.dma_semaphore, #tpu.memory_space<semaphore_mem>> -> memref<1x!tpu.dma_semaphore, #tpu.memory_space<semaphore_mem>>
            %dma_wait3A_304 = tpu.memref_squeeze %dma_wait3A_303 : memref<1x!tpu.dma_semaphore, #tpu.memory_space<semaphore_mem>> -> memref<!tpu.dma_semaphore, #tpu.memory_space<semaphore_mem>>
            %dma_wait3A_305 = arith.constant 0 : i32
            %dma_wait3A_306 = arith.constant 0 : i32
            %dma_wait3A_307 = tpu.memref_slice %run_scoped3A[%rem3A_297, %dma_wait3A_305, %dma_wait3A_306] : memref<2x1x128xi32, #tpu.memory_space<vmem>> -> memref<1x1x128xi32, #tpu.memory_space<vmem>>
            %dma_wait3A_308 = tpu.memref_squeeze %dma_wait3A_307 : memref<1x1x128xi32, #tpu.memory_space<vmem>> -> memref<1x128xi32, #tpu.memory_space<vmem>>
            %dma_wait3A_309 = arith.constant 0 : i32
            %dma_wait3A_310 = tpu.memref_slice %arg3[%dma_wait3A_309, %mul3A_295] : memref<1x80000xi32, #tpu.memory_space<hbm>> -> memref<1x128xi32, #tpu.memory_space<hbm>>
            tpu.wait_dma2 semaphore(%dma_wait3A_304 : memref<!tpu.dma_semaphore, #tpu.memory_space<semaphore_mem>>) src(%dma_wait3A_310 : memref<1x128xi32, #tpu.memory_space<hbm>>) dst(%dma_wait3A_308 : memref<1x128xi32, #tpu.memory_space<vmem>>)
            "tpu.trace_stop"() : () -> ()
          } else {
          }
          %ne3A_216 = arith.cmpi ne, %add3A_155, %add3A_165 : i32
          %or3A_217 = arith.constant false
          %or3A_218 = arith.ori %or3A_217, %ne3A_216 : i1
          %or3A_219 = arith.constant false
          %or3A_220 = arith.ori %or3A_218, %or3A_219 : i1
          %or3A_221 = arith.ori %or3A_220, %eq3A_151 : i1
          %convert_element_type3A_222 = arith.extui %or3A_221 : i1 to i32
          %cond3A_223 = arith.constant 0 : i32
          %cond3A_224 = arith.cmpi ne, %convert_element_type3A_222, %cond3A_223 : i32
          scf.if %cond3A_224 {
          } else {
          }
          %rem3A_225 = arith.constant 2 : i32
          %rem3A_226 = arith.remui %while3A_144, %rem3A_225 : i32
          %rem3A_227 = arith.constant 2 : i32
          %rem3A_228 = arith.remui %while3A_145, %rem3A_227 : i32
          %run_scoped3A_229 = arith.constant 0 : i32
          "tpu.trace_start"() <{level = 10 : i32, message = "ep_run_kernel"}> : () -> ()
          "tpu.region"() ({
            %run_scoped3A_294 = tpu.sem_alloc : memref<!tpu.dma_semaphore, #tpu.memory_space<semaphore_mem>>
            %dma_start3A_295 = arith.constant 0 : i32
            %dma_start3A_296 = arith.constant 0 : i32
            %dma_start3A_297 = tpu.memref_slice %run_scoped3A_18[%rem3A_228, %dma_start3A_295, %dma_start3A_296] : memref<2x128x128xf32, #tpu.memory_space<vmem>> -> memref<1x128x128xf32, #tpu.memory_space<vmem>>
            %dma_start3A_298 = tpu.memref_squeeze %dma_start3A_297 : memref<1x128x128xf32, #tpu.memory_space<vmem>> -> memref<128x128xf32, #tpu.memory_space<vmem>>
            %dma_start3A_299 = arith.constant 0 : i32
            %dma_start3A_300 = arith.constant 0 : i32
            %dma_start3A_301 = tpu.memref_slice %run_scoped3A[%rem3A_226, %dma_start3A_299, %dma_start3A_300] : memref<2x1x128xi32, #tpu.memory_space<vmem>> -> memref<1x1x128xi32, #tpu.memory_space<vmem>>
            %dma_start3A_302 = tpu.memref_squeeze %dma_start3A_301 : memref<1x1x128xi32, #tpu.memory_space<vmem>> -> memref<1x128xi32, #tpu.memory_space<vmem>>
            %dma_start3A_303 = arith.constant 0 : i32
            %dma_start3A_304 = tpu.memref_slice %dma_start3A_302[%run_scoped3A_229, %dma_start3A_303] : memref<1x128xi32, #tpu.memory_space<vmem>> -> memref<1x128xi32, #tpu.memory_space<vmem>>
            %dma_start3A_305 = tpu.memref_squeeze %dma_start3A_304 : memref<1x128xi32, #tpu.memory_space<vmem>> -> memref<128xi32, #tpu.memory_space<vmem>>
            %dma_start3A_306 = arith.constant 0 : i32
            %dma_start3A_307 = arith.constant 0 : i32
            %dma_start3A_308 = tpu.memref_slice %arg2[%dma_start3A_306, %dma_start3A_307] : memref<10000x128xf32, #tpu.memory_space<hbm>> -> memref<10000x128xf32, #tpu.memory_space<hbm>>
            tpu.enqueue_indirect_dma source(%dma_start3A_308 : memref<10000x128xf32, #tpu.memory_space<hbm>>) target(%dma_start3A_298 : memref<128x128xf32, #tpu.memory_space<vmem>>) offsets(%dma_start3A_305 : memref<128xi32, #tpu.memory_space<vmem>>) semaphore(%run_scoped3A_294 : memref<!tpu.dma_semaphore, #tpu.memory_space<semaphore_mem>>)
            %dma_wait3A = arith.constant 0 : i32
            %dma_wait3A_309 = arith.constant 0 : i32
            %dma_wait3A_310 = tpu.memref_slice %run_scoped3A_18[%rem3A_228, %dma_wait3A, %dma_wait3A_309] : memref<2x128x128xf32, #tpu.memory_space<vmem>> -> memref<1x128x128xf32, #tpu.memory_space<vmem>>
            %dma_wait3A_311 = tpu.memref_squeeze %dma_wait3A_310 : memref<1x128x128xf32, #tpu.memory_space<vmem>> -> memref<128x128xf32, #tpu.memory_space<vmem>>
            %dma_wait3A_312 = arith.constant 0 : i32
            %dma_wait3A_313 = arith.constant 0 : i32
            %dma_wait3A_314 = tpu.memref_slice %run_scoped3A[%rem3A_226, %dma_wait3A_312, %dma_wait3A_313] : memref<2x1x128xi32, #tpu.memory_space<vmem>> -> memref<1x1x128xi32, #tpu.memory_space<vmem>>
            %dma_wait3A_315 = tpu.memref_squeeze %dma_wait3A_314 : memref<1x1x128xi32, #tpu.memory_space<vmem>> -> memref<1x128xi32, #tpu.memory_space<vmem>>
            %dma_wait3A_316 = arith.constant 0 : i32
            %dma_wait3A_317 = tpu.memref_slice %dma_wait3A_315[%run_scoped3A_229, %dma_wait3A_316] : memref<1x128xi32, #tpu.memory_space<vmem>> -> memref<1x128xi32, #tpu.memory_space<vmem>>
            %dma_wait3A_318 = tpu.memref_squeeze %dma_wait3A_317 : memref<1x128xi32, #tpu.memory_space<vmem>> -> memref<128xi32, #tpu.memory_space<vmem>>
            %dma_wait3A_319 = arith.constant 0 : i32
            %dma_wait3A_320 = arith.constant 0 : i32
            %dma_wait3A_321 = tpu.memref_slice %arg2[%dma_wait3A_319, %dma_wait3A_320] : memref<10000x128xf32, #tpu.memory_space<hbm>> -> memref<10000x128xf32, #tpu.memory_space<hbm>>
            tpu.wait_indirect_dma semaphore(%run_scoped3A_294 : memref<!tpu.dma_semaphore, #tpu.memory_space<semaphore_mem>>) src(%dma_wait3A_321 : memref<10000x128xf32, #tpu.memory_space<hbm>>) dst(%dma_wait3A_311 : memref<128x128xf32, #tpu.memory_space<vmem>>)
            tpu.yield
          }) : () -> ()
          "tpu.trace_stop"() : () -> ()
          %ne3A_230 = arith.cmpi ne, %add3A_155, %add3A_173 : i32
          %or3A_231 = arith.constant false
          %or3A_232 = arith.ori %or3A_231, %ne3A_230 : i1
          %or3A_233 = arith.ori %or3A_232, %eq3A_154 : i1
          %convert_element_type3A_234 = arith.extui %or3A_233 : i1 to i32
          %cond3A_235 = arith.constant 0 : i32
          %cond3A_236 = arith.cmpi ne, %convert_element_type3A_234, %cond3A_235 : i32
          scf.if %cond3A_236 {
          } else {
          }
          %and3A_237 = arith.constant false
          %and3A_238 = arith.andi %or3A_233, %and3A_237 : i1
          %ne3A_239 = arith.cmpi ne, %add3A_155, %add3A_173 : i32
          %or3A_240 = arith.constant false
          %or3A_241 = arith.ori %or3A_240, %ne3A_239 : i1
          %or3A_242 = arith.constant false
          %or3A_243 = arith.ori %or3A_241, %or3A_242 : i1
          %or3A_244 = arith.ori %or3A_243, %eq3A_154 : i1
          %convert_element_type3A_245 = arith.extui %or3A_244 : i1 to i32
          %cond3A_246 = arith.constant 0 : i32
          %cond3A_247 = arith.cmpi ne, %convert_element_type3A_245, %cond3A_246 : i32
          scf.if %cond3A_247 {
            "tpu.trace_start"() <{level = 10 : i32, message = "ep_copy_out"}> : () -> ()
            %rem3A_294 = arith.constant 2 : i32
            %rem3A_295 = arith.remui %while3A_145, %rem3A_294 : i32
            %mul3A_296 = arith.constant 128 : i32
            %mul3A_297 = arith.muli %mul3A_296, %add3A_155 : i32
            %dma_start3A_298 = arith.constant 0 : i32
            %dma_start3A_299 = arith.constant 0 : i32
            %dma_start3A_300 = tpu.memref_slice %run_scoped3A_18[%rem3A_295, %dma_start3A_298, %dma_start3A_299] : memref<2x128x128xf32, #tpu.memory_space<vmem>> -> memref<1x128x128xf32, #tpu.memory_space<vmem>>
            %dma_start3A_301 = tpu.memref_squeeze %dma_start3A_300 : memref<1x128x128xf32, #tpu.memory_space<vmem>> -> memref<128x128xf32, #tpu.memory_space<vmem>>
            %dma_start3A_302 = arith.constant 0 : i32
            %dma_start3A_303 = tpu.memref_slice %arg4[%mul3A_297, %dma_start3A_302] : memref<80000x128xf32, #tpu.memory_space<hbm>> -> memref<128x128xf32, #tpu.memory_space<hbm>>
            %dma_start3A_304 = tpu.memref_slice %run_scoped3A_19[%rem3A_295] : memref<2x!tpu.dma_semaphore, #tpu.memory_space<semaphore_mem>> -> memref<1x!tpu.dma_semaphore, #tpu.memory_space<semaphore_mem>>
            %dma_start3A_305 = tpu.memref_squeeze %dma_start3A_304 : memref<1x!tpu.dma_semaphore, #tpu.memory_space<semaphore_mem>> -> memref<!tpu.dma_semaphore, #tpu.memory_space<semaphore_mem>>
            %dma_start3A_306 = arith.constant 0 : i32
            %dma_start3A_307 = tpu.memref_slice %arg4[%mul3A_297, %dma_start3A_306] : memref<80000x128xf32, #tpu.memory_space<hbm>> -> memref<128x128xf32, #tpu.memory_space<hbm>>
            %dma_start3A_308 = arith.constant 0 : i32
            %dma_start3A_309 = arith.constant 0 : i32
            %dma_start3A_310 = tpu.memref_slice %run_scoped3A_18[%rem3A_295, %dma_start3A_308, %dma_start3A_309] : memref<2x128x128xf32, #tpu.memory_space<vmem>> -> memref<1x128x128xf32, #tpu.memory_space<vmem>>
            %dma_start3A_311 = tpu.memref_squeeze %dma_start3A_310 : memref<1x128x128xf32, #tpu.memory_space<vmem>> -> memref<128x128xf32, #tpu.memory_space<vmem>>
            tpu.enqueue_dma source(%dma_start3A_311 : memref<128x128xf32, #tpu.memory_space<vmem>>) target(%dma_start3A_307 : memref<128x128xf32, #tpu.memory_space<hbm>>) target_semaphore(%dma_start3A_305 : memref<!tpu.dma_semaphore, #tpu.memory_space<semaphore_mem>>)
            "tpu.trace_stop"() : () -> ()
          } else {
          }
          %and3A_248 = arith.constant true
          %and3A_249 = arith.andi %or3A_244, %and3A_248 : i1
          %add3A_250 = arith.constant 1 : i32
          %add3A_251 = arith.addi %while3A_145, %add3A_250 : i32
          %select_n3A_252 = arith.select %and3A_249, %add3A_251, %while3A_145 : i32
          %ne3A_253 = arith.cmpi ne, %add3A_155, %add3A_165 : i32
          %or3A_254 = arith.constant false
          %or3A_255 = arith.ori %or3A_254, %ne3A_253 : i1
          %not3A_256 = arith.constant true
          %not3A_257 = arith.xori %eq3A_151, %not3A_256 : i1
          %and3A_258 = arith.andi %or3A_255, %not3A_257 : i1
          %convert_element_type3A_259 = arith.extui %and3A_258 : i1 to i32
          %cond3A_260 = arith.constant 0 : i32
          %cond3A_261 = arith.cmpi ne, %convert_element_type3A_259, %cond3A_260 : i32
          scf.if %cond3A_261 {
          } else {
          }
          %and3A_262 = arith.constant false
          %and3A_263 = arith.andi %and3A_258, %and3A_262 : i1
          %ne3A_264 = arith.cmpi ne, %add3A_155, %add3A_165 : i32
          %or3A_265 = arith.constant false
          %or3A_266 = arith.ori %or3A_265, %ne3A_264 : i1
          %or3A_267 = arith.constant false
          %or3A_268 = arith.ori %or3A_266, %or3A_267 : i1
          %not3A_269 = arith.constant true
          %not3A_270 = arith.xori %eq3A_151, %not3A_269 : i1
          %and3A_271 = arith.andi %or3A_268, %not3A_270 : i1
          %convert_element_type3A_272 = arith.extui %and3A_271 : i1 to i32
          %cond3A_273 = arith.constant 0 : i32
          %cond3A_274 = arith.cmpi ne, %convert_element_type3A_272, %cond3A_273 : i32
          scf.if %cond3A_274 {
            "tpu.trace_start"() <{level = 10 : i32, message = "ep_wait_out"}> : () -> ()
            %rem3A_294 = arith.constant 2 : i32
            %rem3A_295 = arith.remui %while3A_146, %rem3A_294 : i32
            %mul3A_296 = arith.constant 128 : i32
            %mul3A_297 = arith.muli %mul3A_296, %add3A_165 : i32
            %dma_wait3A = arith.constant 0 : i32
            %dma_wait3A_298 = arith.constant 0 : i32
            %dma_wait3A_299 = tpu.memref_slice %run_scoped3A_18[%rem3A_295, %dma_wait3A, %dma_wait3A_298] : memref<2x128x128xf32, #tpu.memory_space<vmem>> -> memref<1x128x128xf32, #tpu.memory_space<vmem>>
            %dma_wait3A_300 = tpu.memref_squeeze %dma_wait3A_299 : memref<1x128x128xf32, #tpu.memory_space<vmem>> -> memref<128x128xf32, #tpu.memory_space<vmem>>
            %dma_wait3A_301 = arith.constant 0 : i32
            %dma_wait3A_302 = tpu.memref_slice %arg4[%mul3A_297, %dma_wait3A_301] : memref<80000x128xf32, #tpu.memory_space<hbm>> -> memref<128x128xf32, #tpu.memory_space<hbm>>
            %dma_wait3A_303 = tpu.memref_slice %run_scoped3A_19[%rem3A_295] : memref<2x!tpu.dma_semaphore, #tpu.memory_space<semaphore_mem>> -> memref<1x!tpu.dma_semaphore, #tpu.memory_space<semaphore_mem>>
            %dma_wait3A_304 = tpu.memref_squeeze %dma_wait3A_303 : memref<1x!tpu.dma_semaphore, #tpu.memory_space<semaphore_mem>> -> memref<!tpu.dma_semaphore, #tpu.memory_space<semaphore_mem>>
            %dma_wait3A_305 = arith.constant 0 : i32
            %dma_wait3A_306 = tpu.memref_slice %arg4[%mul3A_297, %dma_wait3A_305] : memref<80000x128xf32, #tpu.memory_space<hbm>> -> memref<128x128xf32, #tpu.memory_space<hbm>>
            %dma_wait3A_307 = arith.constant 0 : i32
            %dma_wait3A_308 = arith.constant 0 : i32
            %dma_wait3A_309 = tpu.memref_slice %run_scoped3A_18[%rem3A_295, %dma_wait3A_307, %dma_wait3A_308] : memref<2x128x128xf32, #tpu.memory_space<vmem>> -> memref<1x128x128xf32, #tpu.memory_space<vmem>>
            %dma_wait3A_310 = tpu.memref_squeeze %dma_wait3A_309 : memref<1x128x128xf32, #tpu.memory_space<vmem>> -> memref<128x128xf32, #tpu.memory_space<vmem>>
            tpu.wait_dma2 semaphore(%dma_wait3A_304 : memref<!tpu.dma_semaphore, #tpu.memory_space<semaphore_mem>>) src(%dma_wait3A_310 : memref<128x128xf32, #tpu.memory_space<vmem>>) dst(%dma_wait3A_306 : memref<128x128xf32, #tpu.memory_space<hbm>>)
            "tpu.trace_stop"() : () -> ()
          } else {
          }
          %and3A_275 = arith.constant true
          %and3A_276 = arith.andi %and3A_271, %and3A_275 : i1
          %add3A_277 = arith.constant 1 : i32
          %add3A_278 = arith.addi %while3A_146, %add3A_277 : i32
          %select_n3A_279 = arith.select %and3A_276, %add3A_278, %while3A_146 : i32
          %ne3A_280 = arith.cmpi ne, %add3A_155, %add3A_173 : i32
          %or3A_281 = arith.constant false
          %or3A_282 = arith.ori %or3A_281, %ne3A_280 : i1
          %or3A_283 = arith.ori %or3A_282, %eq3A_154 : i1
          %add3A_284 = arith.constant 1 : i32
          %add3A_285 = arith.addi %while3A_144, %add3A_284 : i32
          %select_n3A_286 = arith.select %or3A_283, %add3A_285, %while3A_144 : i32
          %add3A_287 = arith.constant 1 : i32
          %add3A_288 = arith.addi %while3A_147, %add3A_287 : i32
          %select_n3A_289 = arith.constant true
          %select_n3A_290 = arith.select %select_n3A_289, %add3A_288, %while3A_147 : i32
          %eq3A_291 = arith.cmpi eq, %select_n3A_290, %select_n3A : i32
          %select_n3A_292 = arith.constant 0 : i32
          %select_n3A_293 = arith.select %eq3A_291, %select_n3A_292, %select_n3A_290 : i32
          scf.yield %select_n3A_195, %select_n3A_286, %select_n3A_252, %select_n3A_279, %select_n3A_293 : i32, i32, i32, i32, i32
        }
        %while3A_89 = arith.constant 1 : i32
        %while3A_90:5 = scf.for %while3A_142 = %while3A_86 to %while3A_82 step %while3A_89 iter_args(%while3A_143 = %while3A_88#0, %while3A_144 = %while3A_88#1, %while3A_145 = %while3A_88#2, %while3A_146 = %while3A_88#3, %while3A_147 = %while3A_88#4) -> (i32, i32, i32, i32, i32)  : i32 {
          %mul3A_148 = arith.constant 1 : i32
          %mul3A_149 = arith.muli %mul3A_148, %select_n3A : i32
          %eq3A_150 = arith.constant 0 : i32
          %eq3A_151 = arith.cmpi eq, %while3A_142, %eq3A_150 : i32
          %sub3A_152 = arith.constant 1 : i32
          %sub3A_153 = arith.subi %mul3A_149, %sub3A_152 : i32
          %eq3A_154 = arith.cmpi eq, %while3A_142, %sub3A_153 : i32
          %add3A_155 = arith.addi %while3A_147, %select_n3A_14 : i32
          %sub3A_156 = arith.constant 1 : i32
          %sub3A_157 = arith.subi %while3A_147, %sub3A_156 : i32
          %select_n3A_158 = arith.constant true
          %select_n3A_159 = arith.select %select_n3A_158, %sub3A_157, %while3A_147 : i32
          %eq3A_160 = arith.constant -1 : i32
          %eq3A_161 = arith.cmpi eq, %select_n3A_159, %eq3A_160 : i32
          %sub3A_162 = arith.constant 1 : i32
          %sub3A_163 = arith.subi %select_n3A, %sub3A_162 : i32
          %select_n3A_164 = arith.select %eq3A_161, %sub3A_163, %select_n3A_159 : i32
          %add3A_165 = arith.addi %select_n3A_164, %select_n3A_14 : i32
          %add3A_166 = arith.constant 1 : i32
          %add3A_167 = arith.addi %while3A_147, %add3A_166 : i32
          %select_n3A_168 = arith.constant true
          %select_n3A_169 = arith.select %select_n3A_168, %add3A_167, %while3A_147 : i32
          %eq3A_170 = arith.cmpi eq, %select_n3A_169, %select_n3A : i32
          %select_n3A_171 = arith.constant 0 : i32
          %select_n3A_172 = arith.select %eq3A_170, %select_n3A_171, %select_n3A_169 : i32
          %add3A_173 = arith.addi %select_n3A_172, %select_n3A_14 : i32
          %add3A_174 = arith.constant 1 : i32
          %add3A_175 = arith.addi %select_n3A_172, %add3A_174 : i32
          %select_n3A_176 = arith.constant true
          %select_n3A_177 = arith.select %select_n3A_176, %add3A_175, %select_n3A_172 : i32
          %eq3A_178 = arith.cmpi eq, %select_n3A_177, %select_n3A : i32
          %select_n3A_179 = arith.constant 0 : i32
          %select_n3A_180 = arith.select %eq3A_178, %select_n3A_179, %select_n3A_177 : i32
          %add3A_181 = arith.addi %select_n3A_180, %select_n3A_14 : i32
          %ne3A = arith.cmpi ne, %add3A_155, %add3A_173 : i32
          %or3A = arith.constant false
          %or3A_182 = arith.ori %or3A, %ne3A : i1
          %sub3A_183 = arith.constant 2 : i32
          %sub3A_184 = arith.subi %mul3A_149, %sub3A_183 : i32
          %add3A_185 = arith.constant 1 : i32
          %add3A_186 = arith.addi %sub3A_184, %add3A_185 : i32
          %ge3A = arith.cmpi sge, %while3A_142, %add3A_186 : i32
          %not3A = arith.constant true
          %not3A_187 = arith.xori %ge3A, %not3A : i1
          %and3A = arith.andi %or3A_182, %not3A_187 : i1
          %convert_element_type3A_188 = arith.extui %and3A : i1 to i32
          %cond3A_189 = arith.constant 0 : i32
          %cond3A_190 = arith.cmpi ne, %convert_element_type3A_188, %cond3A_189 : i32
          scf.if %cond3A_190 {
            "tpu.trace_start"() <{level = 10 : i32, message = "ep_copy_in"}> : () -> ()
            %rem3A_294 = arith.constant 2 : i32
            %rem3A_295 = arith.remui %while3A_143, %rem3A_294 : i32
            %mul3A_296 = arith.constant 128 : i32
            %mul3A_297 = arith.muli %mul3A_296, %add3A_173 : i32
            %dma_start3A_298 = arith.constant 0 : i32
            %dma_start3A_299 = arith.constant 0 : i32
            %dma_start3A_300 = tpu.memref_slice %run_scoped3A[%rem3A_295, %dma_start3A_298, %dma_start3A_299] : memref<2x1x128xi32, #tpu.memory_space<vmem>> -> memref<1x1x128xi32, #tpu.memory_space<vmem>>
            %dma_start3A_301 = tpu.memref_squeeze %dma_start3A_300 : memref<1x1x128xi32, #tpu.memory_space<vmem>> -> memref<1x128xi32, #tpu.memory_space<vmem>>
            %dma_start3A_302 = arith.constant 0 : i32
            %dma_start3A_303 = tpu.memref_slice %arg3[%dma_start3A_302, %mul3A_297] : memref<1x80000xi32, #tpu.memory_space<hbm>> -> memref<1x128xi32, #tpu.memory_space<hbm>>
            %dma_start3A_304 = tpu.memref_slice %run_scoped3A_17[%rem3A_295] : memref<2x!tpu.dma_semaphore, #tpu.memory_space<semaphore_mem>> -> memref<1x!tpu.dma_semaphore, #tpu.memory_space<semaphore_mem>>
            %dma_start3A_305 = tpu.memref_squeeze %dma_start3A_304 : memref<1x!tpu.dma_semaphore, #tpu.memory_space<semaphore_mem>> -> memref<!tpu.dma_semaphore, #tpu.memory_space<semaphore_mem>>
            %dma_start3A_306 = arith.constant 0 : i32
            %dma_start3A_307 = arith.constant 0 : i32
            %dma_start3A_308 = tpu.memref_slice %run_scoped3A[%rem3A_295, %dma_start3A_306, %dma_start3A_307] : memref<2x1x128xi32, #tpu.memory_space<vmem>> -> memref<1x1x128xi32, #tpu.memory_space<vmem>>
            %dma_start3A_309 = tpu.memref_squeeze %dma_start3A_308 : memref<1x1x128xi32, #tpu.memory_space<vmem>> -> memref<1x128xi32, #tpu.memory_space<vmem>>
            %dma_start3A_310 = arith.constant 0 : i32
            %dma_start3A_311 = tpu.memref_slice %arg3[%dma_start3A_310, %mul3A_297] : memref<1x80000xi32, #tpu.memory_space<hbm>> -> memref<1x128xi32, #tpu.memory_space<hbm>>
            tpu.enqueue_dma source(%dma_start3A_311 : memref<1x128xi32, #tpu.memory_space<hbm>>) target(%dma_start3A_309 : memref<1x128xi32, #tpu.memory_space<vmem>>) target_semaphore(%dma_start3A_305 : memref<!tpu.dma_semaphore, #tpu.memory_space<semaphore_mem>>)
            "tpu.trace_stop"() : () -> ()
          } else {
          }
          %and3A_191 = arith.constant true
          %and3A_192 = arith.andi %and3A, %and3A_191 : i1
          %add3A_193 = arith.constant 1 : i32
          %add3A_194 = arith.addi %while3A_143, %add3A_193 : i32
          %select_n3A_195 = arith.select %and3A_192, %add3A_194, %while3A_143 : i32
          %ne3A_196 = arith.cmpi ne, %add3A_155, %add3A_173 : i32
          %or3A_197 = arith.constant false
          %or3A_198 = arith.ori %or3A_197, %ne3A_196 : i1
          %or3A_199 = arith.constant false
          %or3A_200 = arith.ori %or3A_198, %or3A_199 : i1
          %sub3A_201 = arith.constant 2 : i32
          %sub3A_202 = arith.subi %mul3A_149, %sub3A_201 : i32
          %add3A_203 = arith.constant 1 : i32
          %add3A_204 = arith.addi %sub3A_202, %add3A_203 : i32
          %ge3A_205 = arith.cmpi sge, %while3A_142, %add3A_204 : i32
          %not3A_206 = arith.constant true
          %not3A_207 = arith.xori %ge3A_205, %not3A_206 : i1
          %and3A_208 = arith.andi %or3A_200, %not3A_207 : i1
          %ne3A_209 = arith.cmpi ne, %add3A_155, %add3A_165 : i32
          %or3A_210 = arith.constant false
          %or3A_211 = arith.ori %or3A_210, %ne3A_209 : i1
          %or3A_212 = arith.ori %or3A_211, %eq3A_151 : i1
          %convert_element_type3A_213 = arith.extui %or3A_212 : i1 to i32
          %cond3A_214 = arith.constant 0 : i32
          %cond3A_215 = arith.cmpi ne, %convert_element_type3A_213, %cond3A_214 : i32
          scf.if %cond3A_215 {
            "tpu.trace_start"() <{level = 10 : i32, message = "ep_wait_in"}> : () -> ()
            %mul3A_294 = arith.constant 128 : i32
            %mul3A_295 = arith.muli %mul3A_294, %add3A_155 : i32
            %rem3A_296 = arith.constant 2 : i32
            %rem3A_297 = arith.remui %while3A_144, %rem3A_296 : i32
            %dma_wait3A = arith.constant 0 : i32
            %dma_wait3A_298 = arith.constant 0 : i32
            %dma_wait3A_299 = tpu.memref_slice %run_scoped3A[%rem3A_297, %dma_wait3A, %dma_wait3A_298] : memref<2x1x128xi32, #tpu.memory_space<vmem>> -> memref<1x1x128xi32, #tpu.memory_space<vmem>>
            %dma_wait3A_300 = tpu.memref_squeeze %dma_wait3A_299 : memref<1x1x128xi32, #tpu.memory_space<vmem>> -> memref<1x128xi32, #tpu.memory_space<vmem>>
            %dma_wait3A_301 = arith.constant 0 : i32
            %dma_wait3A_302 = tpu.memref_slice %arg3[%dma_wait3A_301, %mul3A_295] : memref<1x80000xi32, #tpu.memory_space<hbm>> -> memref<1x128xi32, #tpu.memory_space<hbm>>
            %dma_wait3A_303 = tpu.memref_slice %run_scoped3A_17[%rem3A_297] : memref<2x!tpu.dma_semaphore, #tpu.memory_space<semaphore_mem>> -> memref<1x!tpu.dma_semaphore, #tpu.memory_space<semaphore_mem>>
            %dma_wait3A_304 = tpu.memref_squeeze %dma_wait3A_303 : memref<1x!tpu.dma_semaphore, #tpu.memory_space<semaphore_mem>> -> memref<!tpu.dma_semaphore, #tpu.memory_space<semaphore_mem>>
            %dma_wait3A_305 = arith.constant 0 : i32
            %dma_wait3A_306 = arith.constant 0 : i32
            %dma_wait3A_307 = tpu.memref_slice %run_scoped3A[%rem3A_297, %dma_wait3A_305, %dma_wait3A_306] : memref<2x1x128xi32, #tpu.memory_space<vmem>> -> memref<1x1x128xi32, #tpu.memory_space<vmem>>
            %dma_wait3A_308 = tpu.memref_squeeze %dma_wait3A_307 : memref<1x1x128xi32, #tpu.memory_space<vmem>> -> memref<1x128xi32, #tpu.memory_space<vmem>>
            %dma_wait3A_309 = arith.constant 0 : i32
            %dma_wait3A_310 = tpu.memref_slice %arg3[%dma_wait3A_309, %mul3A_295] : memref<1x80000xi32, #tpu.memory_space<hbm>> -> memref<1x128xi32, #tpu.memory_space<hbm>>
            tpu.wait_dma2 semaphore(%dma_wait3A_304 : memref<!tpu.dma_semaphore, #tpu.memory_space<semaphore_mem>>) src(%dma_wait3A_310 : memref<1x128xi32, #tpu.memory_space<hbm>>) dst(%dma_wait3A_308 : memref<1x128xi32, #tpu.memory_space<vmem>>)
            "tpu.trace_stop"() : () -> ()
          } else {
          }
          %ne3A_216 = arith.cmpi ne, %add3A_155, %add3A_165 : i32
          %or3A_217 = arith.constant false
          %or3A_218 = arith.ori %or3A_217, %ne3A_216 : i1
          %or3A_219 = arith.constant false
          %or3A_220 = arith.ori %or3A_218, %or3A_219 : i1
          %or3A_221 = arith.ori %or3A_220, %eq3A_151 : i1
          %convert_element_type3A_222 = arith.extui %or3A_221 : i1 to i32
          %cond3A_223 = arith.constant 0 : i32
          %cond3A_224 = arith.cmpi ne, %convert_element_type3A_222, %cond3A_223 : i32
          scf.if %cond3A_224 {
          } else {
          }
          %rem3A_225 = arith.constant 2 : i32
          %rem3A_226 = arith.remui %while3A_144, %rem3A_225 : i32
          %rem3A_227 = arith.constant 2 : i32
          %rem3A_228 = arith.remui %while3A_145, %rem3A_227 : i32
          %run_scoped3A_229 = arith.constant 0 : i32
          "tpu.trace_start"() <{level = 10 : i32, message = "ep_run_kernel"}> : () -> ()
          "tpu.region"() ({
            %run_scoped3A_294 = tpu.sem_alloc : memref<!tpu.dma_semaphore, #tpu.memory_space<semaphore_mem>>
            %dma_start3A_295 = arith.constant 0 : i32
            %dma_start3A_296 = arith.constant 0 : i32
            %dma_start3A_297 = tpu.memref_slice %run_scoped3A_18[%rem3A_228, %dma_start3A_295, %dma_start3A_296] : memref<2x128x128xf32, #tpu.memory_space<vmem>> -> memref<1x128x128xf32, #tpu.memory_space<vmem>>
            %dma_start3A_298 = tpu.memref_squeeze %dma_start3A_297 : memref<1x128x128xf32, #tpu.memory_space<vmem>> -> memref<128x128xf32, #tpu.memory_space<vmem>>
            %dma_start3A_299 = arith.constant 0 : i32
            %dma_start3A_300 = arith.constant 0 : i32
            %dma_start3A_301 = tpu.memref_slice %run_scoped3A[%rem3A_226, %dma_start3A_299, %dma_start3A_300] : memref<2x1x128xi32, #tpu.memory_space<vmem>> -> memref<1x1x128xi32, #tpu.memory_space<vmem>>
            %dma_start3A_302 = tpu.memref_squeeze %dma_start3A_301 : memref<1x1x128xi32, #tpu.memory_space<vmem>> -> memref<1x128xi32, #tpu.memory_space<vmem>>
            %dma_start3A_303 = arith.constant 0 : i32
            %dma_start3A_304 = tpu.memref_slice %dma_start3A_302[%run_scoped3A_229, %dma_start3A_303] : memref<1x128xi32, #tpu.memory_space<vmem>> -> memref<1x128xi32, #tpu.memory_space<vmem>>
            %dma_start3A_305 = tpu.memref_squeeze %dma_start3A_304 : memref<1x128xi32, #tpu.memory_space<vmem>> -> memref<128xi32, #tpu.memory_space<vmem>>
            %dma_start3A_306 = arith.constant 0 : i32
            %dma_start3A_307 = arith.constant 0 : i32
            %dma_start3A_308 = tpu.memref_slice %arg2[%dma_start3A_306, %dma_start3A_307] : memref<10000x128xf32, #tpu.memory_space<hbm>> -> memref<10000x128xf32, #tpu.memory_space<hbm>>
            tpu.enqueue_indirect_dma source(%dma_start3A_308 : memref<10000x128xf32, #tpu.memory_space<hbm>>) target(%dma_start3A_298 : memref<128x128xf32, #tpu.memory_space<vmem>>) offsets(%dma_start3A_305 : memref<128xi32, #tpu.memory_space<vmem>>) semaphore(%run_scoped3A_294 : memref<!tpu.dma_semaphore, #tpu.memory_space<semaphore_mem>>)
            %dma_wait3A = arith.constant 0 : i32
            %dma_wait3A_309 = arith.constant 0 : i32
            %dma_wait3A_310 = tpu.memref_slice %run_scoped3A_18[%rem3A_228, %dma_wait3A, %dma_wait3A_309] : memref<2x128x128xf32, #tpu.memory_space<vmem>> -> memref<1x128x128xf32, #tpu.memory_space<vmem>>
            %dma_wait3A_311 = tpu.memref_squeeze %dma_wait3A_310 : memref<1x128x128xf32, #tpu.memory_space<vmem>> -> memref<128x128xf32, #tpu.memory_space<vmem>>
            %dma_wait3A_312 = arith.constant 0 : i32
            %dma_wait3A_313 = arith.constant 0 : i32
            %dma_wait3A_314 = tpu.memref_slice %run_scoped3A[%rem3A_226, %dma_wait3A_312, %dma_wait3A_313] : memref<2x1x128xi32, #tpu.memory_space<vmem>> -> memref<1x1x128xi32, #tpu.memory_space<vmem>>
            %dma_wait3A_315 = tpu.memref_squeeze %dma_wait3A_314 : memref<1x1x128xi32, #tpu.memory_space<vmem>> -> memref<1x128xi32, #tpu.memory_space<vmem>>
            %dma_wait3A_316 = arith.constant 0 : i32
            %dma_wait3A_317 = tpu.memref_slice %dma_wait3A_315[%run_scoped3A_229, %dma_wait3A_316] : memref<1x128xi32, #tpu.memory_space<vmem>> -> memref<1x128xi32, #tpu.memory_space<vmem>>
            %dma_wait3A_318 = tpu.memref_squeeze %dma_wait3A_317 : memref<1x128xi32, #tpu.memory_space<vmem>> -> memref<128xi32, #tpu.memory_space<vmem>>
            %dma_wait3A_319 = arith.constant 0 : i32
            %dma_wait3A_320 = arith.constant 0 : i32
            %dma_wait3A_321 = tpu.memref_slice %arg2[%dma_wait3A_319, %dma_wait3A_320] : memref<10000x128xf32, #tpu.memory_space<hbm>> -> memref<10000x128xf32, #tpu.memory_space<hbm>>
            tpu.wait_indirect_dma semaphore(%run_scoped3A_294 : memref<!tpu.dma_semaphore, #tpu.memory_space<semaphore_mem>>) src(%dma_wait3A_321 : memref<10000x128xf32, #tpu.memory_space<hbm>>) dst(%dma_wait3A_311 : memref<128x128xf32, #tpu.memory_space<vmem>>)
            tpu.yield
          }) : () -> ()
          "tpu.trace_stop"() : () -> ()
          %ne3A_230 = arith.cmpi ne, %add3A_155, %add3A_173 : i32
          %or3A_231 = arith.constant false
          %or3A_232 = arith.ori %or3A_231, %ne3A_230 : i1
          %or3A_233 = arith.ori %or3A_232, %eq3A_154 : i1
          %convert_element_type3A_234 = arith.extui %or3A_233 : i1 to i32
          %cond3A_235 = arith.constant 0 : i32
          %cond3A_236 = arith.cmpi ne, %convert_element_type3A_234, %cond3A_235 : i32
          scf.if %cond3A_236 {
          } else {
          }
          %and3A_237 = arith.constant false
          %and3A_238 = arith.andi %or3A_233, %and3A_237 : i1
          %ne3A_239 = arith.cmpi ne, %add3A_155, %add3A_173 : i32
          %or3A_240 = arith.constant false
          %or3A_241 = arith.ori %or3A_240, %ne3A_239 : i1
          %or3A_242 = arith.constant false
          %or3A_243 = arith.ori %or3A_241, %or3A_242 : i1
          %or3A_244 = arith.ori %or3A_243, %eq3A_154 : i1
          %convert_element_type3A_245 = arith.extui %or3A_244 : i1 to i32
          %cond3A_246 = arith.constant 0 : i32
          %cond3A_247 = arith.cmpi ne, %convert_element_type3A_245, %cond3A_246 : i32
          scf.if %cond3A_247 {
            "tpu.trace_start"() <{level = 10 : i32, message = "ep_copy_out"}> : () -> ()
            %rem3A_294 = arith.constant 2 : i32
            %rem3A_295 = arith.remui %while3A_145, %rem3A_294 : i32
            %mul3A_296 = arith.constant 128 : i32
            %mul3A_297 = arith.muli %mul3A_296, %add3A_155 : i32
            %dma_start3A_298 = arith.constant 0 : i32
            %dma_start3A_299 = arith.constant 0 : i32
            %dma_start3A_300 = tpu.memref_slice %run_scoped3A_18[%rem3A_295, %dma_start3A_298, %dma_start3A_299] : memref<2x128x128xf32, #tpu.memory_space<vmem>> -> memref<1x128x128xf32, #tpu.memory_space<vmem>>
            %dma_start3A_301 = tpu.memref_squeeze %dma_start3A_300 : memref<1x128x128xf32, #tpu.memory_space<vmem>> -> memref<128x128xf32, #tpu.memory_space<vmem>>
            %dma_start3A_302 = arith.constant 0 : i32
            %dma_start3A_303 = tpu.memref_slice %arg4[%mul3A_297, %dma_start3A_302] : memref<80000x128xf32, #tpu.memory_space<hbm>> -> memref<128x128xf32, #tpu.memory_space<hbm>>
            %dma_start3A_304 = tpu.memref_slice %run_scoped3A_19[%rem3A_295] : memref<2x!tpu.dma_semaphore, #tpu.memory_space<semaphore_mem>> -> memref<1x!tpu.dma_semaphore, #tpu.memory_space<semaphore_mem>>
            %dma_start3A_305 = tpu.memref_squeeze %dma_start3A_304 : memref<1x!tpu.dma_semaphore, #tpu.memory_space<semaphore_mem>> -> memref<!tpu.dma_semaphore, #tpu.memory_space<semaphore_mem>>
            %dma_start3A_306 = arith.constant 0 : i32
            %dma_start3A_307 = tpu.memref_slice %arg4[%mul3A_297, %dma_start3A_306] : memref<80000x128xf32, #tpu.memory_space<hbm>> -> memref<128x128xf32, #tpu.memory_space<hbm>>
            %dma_start3A_308 = arith.constant 0 : i32
            %dma_start3A_309 = arith.constant 0 : i32
            %dma_start3A_310 = tpu.memref_slice %run_scoped3A_18[%rem3A_295, %dma_start3A_308, %dma_start3A_309] : memref<2x128x128xf32, #tpu.memory_space<vmem>> -> memref<1x128x128xf32, #tpu.memory_space<vmem>>
            %dma_start3A_311 = tpu.memref_squeeze %dma_start3A_310 : memref<1x128x128xf32, #tpu.memory_space<vmem>> -> memref<128x128xf32, #tpu.memory_space<vmem>>
            tpu.enqueue_dma source(%dma_start3A_311 : memref<128x128xf32, #tpu.memory_space<vmem>>) target(%dma_start3A_307 : memref<128x128xf32, #tpu.memory_space<hbm>>) target_semaphore(%dma_start3A_305 : memref<!tpu.dma_semaphore, #tpu.memory_space<semaphore_mem>>)
            "tpu.trace_stop"() : () -> ()
          } else {
          }
          %and3A_248 = arith.constant true
          %and3A_249 = arith.andi %or3A_244, %and3A_248 : i1
          %add3A_250 = arith.constant 1 : i32
          %add3A_251 = arith.addi %while3A_145, %add3A_250 : i32
          %select_n3A_252 = arith.select %and3A_249, %add3A_251, %while3A_145 : i32
          %ne3A_253 = arith.cmpi ne, %add3A_155, %add3A_165 : i32
          %or3A_254 = arith.constant false
          %or3A_255 = arith.ori %or3A_254, %ne3A_253 : i1
          %not3A_256 = arith.constant true
          %not3A_257 = arith.xori %eq3A_151, %not3A_256 : i1
          %and3A_258 = arith.andi %or3A_255, %not3A_257 : i1
          %convert_element_type3A_259 = arith.extui %and3A_258 : i1 to i32
          %cond3A_260 = arith.constant 0 : i32
          %cond3A_261 = arith.cmpi ne, %convert_element_type3A_259, %cond3A_260 : i32
          scf.if %cond3A_261 {
          } else {
          }
          %and3A_262 = arith.constant false
          %and3A_263 = arith.andi %and3A_258, %and3A_262 : i1
          %ne3A_264 = arith.cmpi ne, %add3A_155, %add3A_165 : i32
          %or3A_265 = arith.constant false
          %or3A_266 = arith.ori %or3A_265, %ne3A_264 : i1
          %or3A_267 = arith.constant false
          %or3A_268 = arith.ori %or3A_266, %or3A_267 : i1
          %not3A_269 = arith.constant true
          %not3A_270 = arith.xori %eq3A_151, %not3A_269 : i1
          %and3A_271 = arith.andi %or3A_268, %not3A_270 : i1
          %convert_element_type3A_272 = arith.extui %and3A_271 : i1 to i32
          %cond3A_273 = arith.constant 0 : i32
          %cond3A_274 = arith.cmpi ne, %convert_element_type3A_272, %cond3A_273 : i32
          scf.if %cond3A_274 {
            "tpu.trace_start"() <{level = 10 : i32, message = "ep_wait_out"}> : () -> ()
            %rem3A_294 = arith.constant 2 : i32
            %rem3A_295 = arith.remui %while3A_146, %rem3A_294 : i32
            %mul3A_296 = arith.constant 128 : i32
            %mul3A_297 = arith.muli %mul3A_296, %add3A_165 : i32
            %dma_wait3A = arith.constant 0 : i32
            %dma_wait3A_298 = arith.constant 0 : i32
            %dma_wait3A_299 = tpu.memref_slice %run_scoped3A_18[%rem3A_295, %dma_wait3A, %dma_wait3A_298] : memref<2x128x128xf32, #tpu.memory_space<vmem>> -> memref<1x128x128xf32, #tpu.memory_space<vmem>>
            %dma_wait3A_300 = tpu.memref_squeeze %dma_wait3A_299 : memref<1x128x128xf32, #tpu.memory_space<vmem>> -> memref<128x128xf32, #tpu.memory_space<vmem>>
            %dma_wait3A_301 = arith.constant 0 : i32
            %dma_wait3A_302 = tpu.memref_slice %arg4[%mul3A_297, %dma_wait3A_301] : memref<80000x128xf32, #tpu.memory_space<hbm>> -> memref<128x128xf32, #tpu.memory_space<hbm>>
            %dma_wait3A_303 = tpu.memref_slice %run_scoped3A_19[%rem3A_295] : memref<2x!tpu.dma_semaphore, #tpu.memory_space<semaphore_mem>> -> memref<1x!tpu.dma_semaphore, #tpu.memory_space<semaphore_mem>>
            %dma_wait3A_304 = tpu.memref_squeeze %dma_wait3A_303 : memref<1x!tpu.dma_semaphore, #tpu.memory_space<semaphore_mem>> -> memref<!tpu.dma_semaphore, #tpu.memory_space<semaphore_mem>>
            %dma_wait3A_305 = arith.constant 0 : i32
            %dma_wait3A_306 = tpu.memref_slice %arg4[%mul3A_297, %dma_wait3A_305] : memref<80000x128xf32, #tpu.memory_space<hbm>> -> memref<128x128xf32, #tpu.memory_space<hbm>>
            %dma_wait3A_307 = arith.constant 0 : i32
            %dma_wait3A_308 = arith.constant 0 : i32
            %dma_wait3A_309 = tpu.memref_slice %run_scoped3A_18[%rem3A_295, %dma_wait3A_307, %dma_wait3A_308] : memref<2x128x128xf32, #tpu.memory_space<vmem>> -> memref<1x128x128xf32, #tpu.memory_space<vmem>>
            %dma_wait3A_310 = tpu.memref_squeeze %dma_wait3A_309 : memref<1x128x128xf32, #tpu.memory_space<vmem>> -> memref<128x128xf32, #tpu.memory_space<vmem>>
            tpu.wait_dma2 semaphore(%dma_wait3A_304 : memref<!tpu.dma_semaphore, #tpu.memory_space<semaphore_mem>>) src(%dma_wait3A_310 : memref<128x128xf32, #tpu.memory_space<vmem>>) dst(%dma_wait3A_306 : memref<128x128xf32, #tpu.memory_space<hbm>>)
            "tpu.trace_stop"() : () -> ()
          } else {
          }
          %and3A_275 = arith.constant true
          %and3A_276 = arith.andi %and3A_271, %and3A_275 : i1
          %add3A_277 = arith.constant 1 : i32
          %add3A_278 = arith.addi %while3A_146, %add3A_277 : i32
          %select_n3A_279 = arith.select %and3A_276, %add3A_278, %while3A_146 : i32
          %ne3A_280 = arith.cmpi ne, %add3A_155, %add3A_173 : i32
          %or3A_281 = arith.constant false
          %or3A_282 = arith.ori %or3A_281, %ne3A_280 : i1
          %or3A_283 = arith.ori %or3A_282, %eq3A_154 : i1
          %add3A_284 = arith.constant 1 : i32
          %add3A_285 = arith.addi %while3A_144, %add3A_284 : i32
          %select_n3A_286 = arith.select %or3A_283, %add3A_285, %while3A_144 : i32
          %add3A_287 = arith.constant 1 : i32
          %add3A_288 = arith.addi %while3A_147, %add3A_287 : i32
          %select_n3A_289 = arith.constant true
          %select_n3A_290 = arith.select %select_n3A_289, %add3A_288, %while3A_147 : i32
          %eq3A_291 = arith.cmpi eq, %select_n3A_290, %select_n3A : i32
          %select_n3A_292 = arith.constant 0 : i32
          %select_n3A_293 = arith.select %eq3A_291, %select_n3A_292, %select_n3A_290 : i32
          scf.yield %select_n3A_195, %select_n3A_286, %select_n3A_252, %select_n3A_279, %select_n3A_293 : i32, i32, i32, i32, i32
        }
        %sub3A_91 = arith.constant 1 : i32
        %sub3A_92 = arith.subi %while3A_90#4, %sub3A_91 : i32
        %select_n3A_93 = arith.constant true
        %select_n3A_94 = arith.select %select_n3A_93, %sub3A_92, %while3A_90#4 : i32
        %eq3A_95 = arith.constant -1 : i32
        %eq3A_96 = arith.cmpi eq, %select_n3A_94, %eq3A_95 : i32
        %sub3A_97 = arith.constant 1 : i32
        %sub3A_98 = arith.subi %select_n3A, %sub3A_97 : i32
        %select_n3A_99 = arith.select %eq3A_96, %sub3A_98, %select_n3A_94 : i32
        %sub3A_100 = arith.constant 1 : i32
        %sub3A_101 = arith.subi %mul3A_16, %sub3A_100 : i32
        %mul3A_102 = arith.constant 1 : i32
        %mul3A_103 = arith.muli %mul3A_102, %select_n3A : i32
        %eq3A_104 = arith.constant 0 : i32
        %eq3A_105 = arith.cmpi eq, %sub3A_101, %eq3A_104 : i32
        %sub3A_106 = arith.constant 1 : i32
        %sub3A_107 = arith.subi %mul3A_103, %sub3A_106 : i32
        %eq3A_108 = arith.cmpi eq, %sub3A_101, %sub3A_107 : i32
        %add3A_109 = arith.addi %select_n3A_99, %select_n3A_14 : i32
        %sub3A_110 = arith.constant 1 : i32
        %sub3A_111 = arith.subi %select_n3A_99, %sub3A_110 : i32
        %select_n3A_112 = arith.constant true
        %select_n3A_113 = arith.select %select_n3A_112, %sub3A_111, %select_n3A_99 : i32
        %eq3A_114 = arith.constant -1 : i32
        %eq3A_115 = arith.cmpi eq, %select_n3A_113, %eq3A_114 : i32
        %sub3A_116 = arith.constant 1 : i32
        %sub3A_117 = arith.subi %select_n3A, %sub3A_116 : i32
        %select_n3A_118 = arith.select %eq3A_115, %sub3A_117, %select_n3A_113 : i32
        %add3A_119 = arith.addi %select_n3A_118, %select_n3A_14 : i32
        %add3A_120 = arith.constant 1 : i32
        %add3A_121 = arith.addi %select_n3A_99, %add3A_120 : i32
        %select_n3A_122 = arith.constant true
        %select_n3A_123 = arith.select %select_n3A_122, %add3A_121, %select_n3A_99 : i32
        %eq3A_124 = arith.cmpi eq, %select_n3A_123, %select_n3A : i32
        %select_n3A_125 = arith.constant 0 : i32
        %select_n3A_126 = arith.select %eq3A_124, %select_n3A_125, %select_n3A_123 : i32
        %add3A_127 = arith.addi %select_n3A_126, %select_n3A_14 : i32
        %add3A_128 = arith.constant 1 : i32
        %add3A_129 = arith.addi %select_n3A_126, %add3A_128 : i32
        %select_n3A_130 = arith.constant true
        %select_n3A_131 = arith.select %select_n3A_130, %add3A_129, %select_n3A_126 : i32
        %eq3A_132 = arith.cmpi eq, %select_n3A_131, %select_n3A : i32
        %select_n3A_133 = arith.constant 0 : i32
        %select_n3A_134 = arith.select %eq3A_132, %select_n3A_133, %select_n3A_131 : i32
        %add3A_135 = arith.addi %select_n3A_134, %select_n3A_14 : i32
        %convert_element_type3A_136 = arith.extui %eq3A_108 : i1 to i32
        %cond3A_137 = arith.constant 0 : i32
        %cond3A_138 = arith.cmpi ne, %convert_element_type3A_136, %cond3A_137 : i32
        scf.if %cond3A_138 {
        } else {
        }
        %convert_element_type3A_139 = arith.extui %eq3A_108 : i1 to i32
        %cond3A_140 = arith.constant 0 : i32
        %cond3A_141 = arith.cmpi ne, %convert_element_type3A_139, %cond3A_140 : i32
        scf.if %cond3A_141 {
          "tpu.trace_start"() <{level = 10 : i32, message = "ep_finalize"}> : () -> ()
          %rem3A_142 = arith.constant 2 : i32
          %rem3A_143 = arith.remui %while3A_90#3, %rem3A_142 : i32
          %mul3A_144 = arith.constant 128 : i32
          %mul3A_145 = arith.muli %mul3A_144, %add3A_109 : i32
          %dma_wait3A = arith.constant 0 : i32
          %dma_wait3A_146 = arith.constant 0 : i32
          %dma_wait3A_147 = tpu.memref_slice %run_scoped3A_18[%rem3A_143, %dma_wait3A, %dma_wait3A_146] : memref<2x128x128xf32, #tpu.memory_space<vmem>> -> memref<1x128x128xf32, #tpu.memory_space<vmem>>
          %dma_wait3A_148 = tpu.memref_squeeze %dma_wait3A_147 : memref<1x128x128xf32, #tpu.memory_space<vmem>> -> memref<128x128xf32, #tpu.memory_space<vmem>>
          %dma_wait3A_149 = arith.constant 0 : i32
          %dma_wait3A_150 = tpu.memref_slice %arg4[%mul3A_145, %dma_wait3A_149] : memref<80000x128xf32, #tpu.memory_space<hbm>> -> memref<128x128xf32, #tpu.memory_space<hbm>>
          %dma_wait3A_151 = tpu.memref_slice %run_scoped3A_19[%rem3A_143] : memref<2x!tpu.dma_semaphore, #tpu.memory_space<semaphore_mem>> -> memref<1x!tpu.dma_semaphore, #tpu.memory_space<semaphore_mem>>
          %dma_wait3A_152 = tpu.memref_squeeze %dma_wait3A_151 : memref<1x!tpu.dma_semaphore, #tpu.memory_space<semaphore_mem>> -> memref<!tpu.dma_semaphore, #tpu.memory_space<semaphore_mem>>
          %dma_wait3A_153 = arith.constant 0 : i32
          %dma_wait3A_154 = tpu.memref_slice %arg4[%mul3A_145, %dma_wait3A_153] : memref<80000x128xf32, #tpu.memory_space<hbm>> -> memref<128x128xf32, #tpu.memory_space<hbm>>
          %dma_wait3A_155 = arith.constant 0 : i32
          %dma_wait3A_156 = arith.constant 0 : i32
          %dma_wait3A_157 = tpu.memref_slice %run_scoped3A_18[%rem3A_143, %dma_wait3A_155, %dma_wait3A_156] : memref<2x128x128xf32, #tpu.memory_space<vmem>> -> memref<1x128x128xf32, #tpu.memory_space<vmem>>
          %dma_wait3A_158 = tpu.memref_squeeze %dma_wait3A_157 : memref<1x128x128xf32, #tpu.memory_space<vmem>> -> memref<128x128xf32, #tpu.memory_space<vmem>>
          tpu.wait_dma2 semaphore(%dma_wait3A_152 : memref<!tpu.dma_semaphore, #tpu.memory_space<semaphore_mem>>) src(%dma_wait3A_158 : memref<128x128xf32, #tpu.memory_space<vmem>>) dst(%dma_wait3A_154 : memref<128x128xf32, #tpu.memory_space<hbm>>)
          "tpu.trace_stop"() : () -> ()
        } else {
        }
      } else {
      }
      tpu.yield
    }) : () -> ()
    return
  }
}

#map = affine_map<(d0, d1) -> (0, 0)>
#map1 = affine_map<(d0, d1) -> (0, 0, 0)>
module attributes {stable_mosaic.version = 14 : i64} {
  func.func @k(%arg0: i32, %arg1: i32, %arg2: memref<80000x128xf32, #tpu.memory_space<hbm>>, %arg3: memref<1x80000xi32, #tpu.memory_space<hbm>>, %arg4: memref<10000x128xf32, #tpu.memory_space<hbm>>, %arg5: memref<2x10000x128xf32, #tpu.memory_space<hbm>>, %arg6: memref<10000x128xf32, #tpu.memory_space<vmem_shared>>) attributes {dimension_semantics = [#tpu.dimension_semantics<core_parallel>, #tpu.dimension_semantics<subcore_parallel>], iteration_bounds = array<i64: 2, 16>, scalar_prefetch = 0 : i64, scratch_operands = 1 : i64, tpu.core_type = #tpu.core_type<sc_vector_subcore>, window_params = [{transform_indices = #map}, {transform_indices = #map}, {transform_indices = #map}, {transform_indices = #map1}]} {
    %lt3A = arith.constant 15 : i32
    %lt3A_0 = arith.cmpi slt, %arg1, %lt3A : i32
    %convert_element_type3A = arith.extui %lt3A_0 : i1 to i32
    %cond3A = arith.constant 0 : i32
    %cond3A_1 = arith.cmpi ne, %convert_element_type3A, %cond3A : i32
    scf.if %cond3A_1 {
      %mul3A_35 = arith.constant 632 : i32
      %mul3A_36 = arith.muli %arg1, %mul3A_35 : i32
      "tpu.region"() ({
        %run_scoped3A = tpu.sem_alloc : memref<!tpu.dma_semaphore, #tpu.memory_space<semaphore_mem>>
        %dma_start3A = arith.constant 0 : i32
        %dma_start3A_37 = tpu.memref_slice %arg6[%mul3A_36, %dma_start3A] : memref<10000x128xf32, #tpu.memory_space<vmem_shared>> -> memref<632x128xf32, #tpu.memory_space<vmem_shared>>
        %dma_start3A_38 = arith.constant 0 : i32
        %dma_start3A_39 = tpu.memref_slice %arg4[%mul3A_36, %dma_start3A_38] : memref<10000x128xf32, #tpu.memory_space<hbm>> -> memref<632x128xf32, #tpu.memory_space<hbm>>
        tpu.enqueue_dma source(%dma_start3A_39 : memref<632x128xf32, #tpu.memory_space<hbm>>) target(%dma_start3A_37 : memref<632x128xf32, #tpu.memory_space<vmem_shared>>) target_semaphore(%run_scoped3A : memref<!tpu.dma_semaphore, #tpu.memory_space<semaphore_mem>>)
        %dma_wait3A = arith.constant 0 : i32
        %dma_wait3A_40 = tpu.memref_slice %arg6[%mul3A_36, %dma_wait3A] : memref<10000x128xf32, #tpu.memory_space<vmem_shared>> -> memref<632x128xf32, #tpu.memory_space<vmem_shared>>
        %dma_wait3A_41 = arith.constant 0 : i32
        %dma_wait3A_42 = tpu.memref_slice %arg4[%mul3A_36, %dma_wait3A_41] : memref<10000x128xf32, #tpu.memory_space<hbm>> -> memref<632x128xf32, #tpu.memory_space<hbm>>
        tpu.wait_dma2 semaphore(%run_scoped3A : memref<!tpu.dma_semaphore, #tpu.memory_space<semaphore_mem>>) src(%dma_wait3A_42 : memref<632x128xf32, #tpu.memory_space<hbm>>) dst(%dma_wait3A_40 : memref<632x128xf32, #tpu.memory_space<vmem_shared>>)
        tpu.yield
      }) : () -> ()
    } else {
    }
    %eq3A = arith.constant 15 : i32
    %eq3A_2 = arith.cmpi eq, %arg1, %eq3A : i32
    %convert_element_type3A_3 = arith.extui %eq3A_2 : i1 to i32
    %cond3A_4 = arith.constant 0 : i32
    %cond3A_5 = arith.cmpi ne, %convert_element_type3A_3, %cond3A_4 : i32
    scf.if %cond3A_5 {
      "tpu.region"() ({
        %run_scoped3A = tpu.sem_alloc : memref<!tpu.dma_semaphore, #tpu.memory_space<semaphore_mem>>
        %dma_start3A = arith.constant 9480 : i32
        %dma_start3A_35 = arith.constant 0 : i32
        %dma_start3A_36 = tpu.memref_slice %arg6[%dma_start3A, %dma_start3A_35] : memref<10000x128xf32, #tpu.memory_space<vmem_shared>> -> memref<520x128xf32, #tpu.memory_space<vmem_shared>>
        %dma_start3A_37 = arith.constant 9480 : i32
        %dma_start3A_38 = arith.constant 0 : i32
        %dma_start3A_39 = tpu.memref_slice %arg4[%dma_start3A_37, %dma_start3A_38] : memref<10000x128xf32, #tpu.memory_space<hbm>> -> memref<520x128xf32, #tpu.memory_space<hbm>>
        tpu.enqueue_dma source(%dma_start3A_39 : memref<520x128xf32, #tpu.memory_space<hbm>>) target(%dma_start3A_36 : memref<520x128xf32, #tpu.memory_space<vmem_shared>>) target_semaphore(%run_scoped3A : memref<!tpu.dma_semaphore, #tpu.memory_space<semaphore_mem>>)
        %dma_wait3A = arith.constant 9480 : i32
        %dma_wait3A_40 = arith.constant 0 : i32
        %dma_wait3A_41 = tpu.memref_slice %arg6[%dma_wait3A, %dma_wait3A_40] : memref<10000x128xf32, #tpu.memory_space<vmem_shared>> -> memref<520x128xf32, #tpu.memory_space<vmem_shared>>
        %dma_wait3A_42 = arith.constant 9480 : i32
        %dma_wait3A_43 = arith.constant 0 : i32
        %dma_wait3A_44 = tpu.memref_slice %arg4[%dma_wait3A_42, %dma_wait3A_43] : memref<10000x128xf32, #tpu.memory_space<hbm>> -> memref<520x128xf32, #tpu.memory_space<hbm>>
        tpu.wait_dma2 semaphore(%run_scoped3A : memref<!tpu.dma_semaphore, #tpu.memory_space<semaphore_mem>>) src(%dma_wait3A_44 : memref<520x128xf32, #tpu.memory_space<hbm>>) dst(%dma_wait3A_41 : memref<520x128xf32, #tpu.memory_space<vmem_shared>>)
        tpu.yield
      }) : () -> ()
    } else {
    }
    %barrier3A = arith.constant 0 : index
    tpu.barrier barrier_id(%barrier3A)
    %mul3A = arith.constant 1 : i32
    %mul3A_6 = arith.muli %arg1, %mul3A : i32
    %add3A = arith.constant 0 : i32
    %add3A_7 = arith.addi %add3A, %mul3A_6 : i32
    %mul3A_8 = arith.constant 16 : i32
    %mul3A_9 = arith.muli %arg0, %mul3A_8 : i32
    %add3A_10 = arith.addi %add3A_7, %mul3A_9 : i32
    %lt3A_11 = arith.constant 17 : i32
    %lt3A_12 = arith.cmpi slt, %add3A_10, %lt3A_11 : i32
    %jit3A = arith.constant 20 : i32
    %jit3A_13 = arith.constant 19 : i32
    %select_n3A = arith.select %lt3A_12, %jit3A, %jit3A_13 : i32
    %lt3A_14 = arith.constant 17 : i32
    %lt3A_15 = arith.cmpi slt, %add3A_10, %lt3A_14 : i32
    %mul3A_16 = arith.muli %add3A_10, %select_n3A : i32
    %mul3A_17 = arith.constant 19 : i32
    %mul3A_18 = arith.muli %add3A_10, %mul3A_17 : i32
    %add3A_19 = arith.constant 17 : i32
    %add3A_20 = arith.addi %mul3A_18, %add3A_19 : i32
    %select_n3A_21 = arith.select %lt3A_15, %mul3A_16, %add3A_20 : i32
    %mul3A_22 = arith.constant 1 : i32
    %mul3A_23 = arith.muli %mul3A_22, %select_n3A : i32
    "tpu.region"() ({
      %run_scoped3A = memref.alloca() : memref<2x128x128xf32, #tpu.memory_space<vmem>>
      %run_scoped3A_35 = tpu.sem_alloc : memref<2x!tpu.dma_semaphore, #tpu.memory_space<semaphore_mem>>
      %run_scoped3A_36 = memref.alloca() : memref<2x1x128xi32, #tpu.memory_space<vmem>>
      %run_scoped3A_37 = tpu.sem_alloc : memref<2x!tpu.dma_semaphore, #tpu.memory_space<semaphore_mem>>
      %gt3A = arith.constant 0 : i32
      %gt3A_38 = arith.cmpi sgt, %mul3A_23, %gt3A : i32
      %convert_element_type3A_39 = arith.extui %gt3A_38 : i1 to i32
      %cond3A_40 = arith.constant 0 : i32
      %cond3A_41 = arith.cmpi ne, %convert_element_type3A_39, %cond3A_40 : i32
      scf.if %cond3A_41 {
        %mul3A_42 = arith.constant 1 : i32
        %mul3A_43 = arith.muli %mul3A_42, %select_n3A : i32
        %sub3A = arith.constant 1 : i32
        %sub3A_44 = arith.subi %mul3A_43, %sub3A : i32
        %eq3A_45 = arith.constant 0 : i32
        %eq3A_46 = arith.cmpi eq, %sub3A_44, %eq3A_45 : i32
        %add3A_47 = arith.constant 0 : i32
        %add3A_48 = arith.addi %add3A_47, %select_n3A_21 : i32
        %select_n3A_49 = arith.constant true
        %select_n3A_50 = arith.constant 0 : i32
        %select_n3A_51 = arith.constant -1 : i32
        %select_n3A_52 = arith.select %select_n3A_49, %select_n3A_51, %select_n3A_50 : i32
        %eq3A_53 = arith.constant -1 : i32
        %eq3A_54 = arith.cmpi eq, %select_n3A_52, %eq3A_53 : i32
        %sub3A_55 = arith.constant 1 : i32
        %sub3A_56 = arith.subi %select_n3A, %sub3A_55 : i32
        %select_n3A_57 = arith.select %eq3A_54, %sub3A_56, %select_n3A_52 : i32
        %add3A_58 = arith.addi %select_n3A_57, %select_n3A_21 : i32
        %select_n3A_59 = arith.constant true
        %select_n3A_60 = arith.constant 0 : i32
        %select_n3A_61 = arith.constant 1 : i32
        %select_n3A_62 = arith.select %select_n3A_59, %select_n3A_61, %select_n3A_60 : i32
        %eq3A_63 = arith.cmpi eq, %select_n3A_62, %select_n3A : i32
        %select_n3A_64 = arith.constant 0 : i32
        %select_n3A_65 = arith.select %eq3A_63, %select_n3A_64, %select_n3A_62 : i32
        %add3A_66 = arith.addi %select_n3A_65, %select_n3A_21 : i32
        %add3A_67 = arith.constant 1 : i32
        %add3A_68 = arith.addi %select_n3A_65, %add3A_67 : i32
        %select_n3A_69 = arith.constant true
        %select_n3A_70 = arith.select %select_n3A_69, %add3A_68, %select_n3A_65 : i32
        %eq3A_71 = arith.cmpi eq, %select_n3A_70, %select_n3A : i32
        %select_n3A_72 = arith.constant 0 : i32
        %select_n3A_73 = arith.select %eq3A_71, %select_n3A_72, %select_n3A_70 : i32
        %add3A_74 = arith.addi %select_n3A_73, %select_n3A_21 : i32
        "tpu.trace_start"() <{level = 10 : i32, message = "ep_initialize_0"}> : () -> ()
        %rem3A = arith.constant 0 : i32
        %rem3A_75 = arith.constant 2 : i32
        %rem3A_76 = arith.remui %rem3A, %rem3A_75 : i32
        %mul3A_77 = arith.constant 128 : i32
        %mul3A_78 = arith.muli %mul3A_77, %add3A_48 : i32
        %dma_start3A = arith.constant 0 : i32
        %dma_start3A_79 = arith.constant 0 : i32
        %dma_start3A_80 = tpu.memref_slice %run_scoped3A[%rem3A_76, %dma_start3A, %dma_start3A_79] : memref<2x128x128xf32, #tpu.memory_space<vmem>> -> memref<1x128x128xf32, #tpu.memory_space<vmem>>
        %dma_start3A_81 = tpu.memref_squeeze %dma_start3A_80 : memref<1x128x128xf32, #tpu.memory_space<vmem>> -> memref<128x128xf32, #tpu.memory_space<vmem>>
        %dma_start3A_82 = arith.constant 0 : i32
        %dma_start3A_83 = tpu.memref_slice %arg2[%mul3A_78, %dma_start3A_82] : memref<80000x128xf32, #tpu.memory_space<hbm>> -> memref<128x128xf32, #tpu.memory_space<hbm>>
        %dma_start3A_84 = tpu.memref_slice %run_scoped3A_35[%rem3A_76] : memref<2x!tpu.dma_semaphore, #tpu.memory_space<semaphore_mem>> -> memref<1x!tpu.dma_semaphore, #tpu.memory_space<semaphore_mem>>
        %dma_start3A_85 = tpu.memref_squeeze %dma_start3A_84 : memref<1x!tpu.dma_semaphore, #tpu.memory_space<semaphore_mem>> -> memref<!tpu.dma_semaphore, #tpu.memory_space<semaphore_mem>>
        %dma_start3A_86 = arith.constant 0 : i32
        %dma_start3A_87 = arith.constant 0 : i32
        %dma_start3A_88 = tpu.memref_slice %run_scoped3A[%rem3A_76, %dma_start3A_86, %dma_start3A_87] : memref<2x128x128xf32, #tpu.memory_space<vmem>> -> memref<1x128x128xf32, #tpu.memory_space<vmem>>
        %dma_start3A_89 = tpu.memref_squeeze %dma_start3A_88 : memref<1x128x128xf32, #tpu.memory_space<vmem>> -> memref<128x128xf32, #tpu.memory_space<vmem>>
        %dma_start3A_90 = arith.constant 0 : i32
        %dma_start3A_91 = tpu.memref_slice %arg2[%mul3A_78, %dma_start3A_90] : memref<80000x128xf32, #tpu.memory_space<hbm>> -> memref<128x128xf32, #tpu.memory_space<hbm>>
        tpu.enqueue_dma source(%dma_start3A_91 : memref<128x128xf32, #tpu.memory_space<hbm>>) target(%dma_start3A_89 : memref<128x128xf32, #tpu.memory_space<vmem>>) target_semaphore(%dma_start3A_85 : memref<!tpu.dma_semaphore, #tpu.memory_space<semaphore_mem>>)
        %add3A_92 = arith.constant 0 : i32
        %add3A_93 = arith.constant 1 : i32
        %add3A_94 = arith.addi %add3A_92, %add3A_93 : i32
        %select_n3A_95 = arith.constant true
        %select_n3A_96 = arith.constant 0 : i32
        %select_n3A_97 = arith.select %select_n3A_95, %add3A_94, %select_n3A_96 : i32
        %rem3A_98 = arith.constant 0 : i32
        %rem3A_99 = arith.constant 2 : i32
        %rem3A_100 = arith.remui %rem3A_98, %rem3A_99 : i32
        %mul3A_101 = arith.constant 128 : i32
        %mul3A_102 = arith.muli %mul3A_101, %add3A_48 : i32
        %dma_start3A_103 = arith.constant 0 : i32
        %dma_start3A_104 = arith.constant 0 : i32
        %dma_start3A_105 = tpu.memref_slice %run_scoped3A_36[%rem3A_100, %dma_start3A_103, %dma_start3A_104] : memref<2x1x128xi32, #tpu.memory_space<vmem>> -> memref<1x1x128xi32, #tpu.memory_space<vmem>>
        %dma_start3A_106 = tpu.memref_squeeze %dma_start3A_105 : memref<1x1x128xi32, #tpu.memory_space<vmem>> -> memref<1x128xi32, #tpu.memory_space<vmem>>
        %dma_start3A_107 = arith.constant 0 : i32
        %dma_start3A_108 = tpu.memref_slice %arg3[%dma_start3A_107, %mul3A_102] : memref<1x80000xi32, #tpu.memory_space<hbm>> -> memref<1x128xi32, #tpu.memory_space<hbm>>
        %dma_start3A_109 = tpu.memref_slice %run_scoped3A_37[%rem3A_100] : memref<2x!tpu.dma_semaphore, #tpu.memory_space<semaphore_mem>> -> memref<1x!tpu.dma_semaphore, #tpu.memory_space<semaphore_mem>>
        %dma_start3A_110 = tpu.memref_squeeze %dma_start3A_109 : memref<1x!tpu.dma_semaphore, #tpu.memory_space<semaphore_mem>> -> memref<!tpu.dma_semaphore, #tpu.memory_space<semaphore_mem>>
        %dma_start3A_111 = arith.constant 0 : i32
        %dma_start3A_112 = arith.constant 0 : i32
        %dma_start3A_113 = tpu.memref_slice %run_scoped3A_36[%rem3A_100, %dma_start3A_111, %dma_start3A_112] : memref<2x1x128xi32, #tpu.memory_space<vmem>> -> memref<1x1x128xi32, #tpu.memory_space<vmem>>
        %dma_start3A_114 = tpu.memref_squeeze %dma_start3A_113 : memref<1x1x128xi32, #tpu.memory_space<vmem>> -> memref<1x128xi32, #tpu.memory_space<vmem>>
        %dma_start3A_115 = arith.constant 0 : i32
        %dma_start3A_116 = tpu.memref_slice %arg3[%dma_start3A_115, %mul3A_102] : memref<1x80000xi32, #tpu.memory_space<hbm>> -> memref<1x128xi32, #tpu.memory_space<hbm>>
        tpu.enqueue_dma source(%dma_start3A_116 : memref<1x128xi32, #tpu.memory_space<hbm>>) target(%dma_start3A_114 : memref<1x128xi32, #tpu.memory_space<vmem>>) target_semaphore(%dma_start3A_110 : memref<!tpu.dma_semaphore, #tpu.memory_space<semaphore_mem>>)
        %add3A_117 = arith.constant 0 : i32
        %add3A_118 = arith.constant 1 : i32
        %add3A_119 = arith.addi %add3A_117, %add3A_118 : i32
        %select_n3A_120 = arith.constant true
        %select_n3A_121 = arith.constant 0 : i32
        %select_n3A_122 = arith.select %select_n3A_120, %add3A_119, %select_n3A_121 : i32
        %while3A = arith.constant 0 : i32
        %while3A_123 = arith.constant 0 : i32
        %while3A_124 = arith.constant 0 : i32
        %while3A_125 = arith.constant 0 : i32
        "tpu.trace_stop"() : () -> ()
        %while3A_126 = arith.subi %mul3A_23, %while3A : i32
        %while3A_127 = arith.addi %while3A, %while3A_126 : i32
        %while3A_128 = arith.constant 1 : i32
        %while3A_129 = arith.divsi %while3A_126, %while3A_128 : i32
        %while3A_130 = arith.muli %while3A_129, %while3A_128 : i32
        %while3A_131 = arith.addi %while3A, %while3A_130 : i32
        %while3A_132 = arith.constant 1 : i32
        %while3A_133:5 = scf.for %while3A_187 = %while3A to %while3A_131 step %while3A_132 iter_args(%while3A_188 = %select_n3A_97, %while3A_189 = %while3A_123, %while3A_190 = %select_n3A_122, %while3A_191 = %while3A_124, %while3A_192 = %while3A_125) -> (i32, i32, i32, i32, i32)  : i32 {
          %mul3A_193 = arith.constant 1 : i32
          %mul3A_194 = arith.muli %mul3A_193, %select_n3A : i32
          %eq3A_195 = arith.constant 0 : i32
          %eq3A_196 = arith.cmpi eq, %while3A_187, %eq3A_195 : i32
          %sub3A_197 = arith.constant 1 : i32
          %sub3A_198 = arith.subi %mul3A_194, %sub3A_197 : i32
          %eq3A_199 = arith.cmpi eq, %while3A_187, %sub3A_198 : i32
          %add3A_200 = arith.addi %while3A_192, %select_n3A_21 : i32
          %sub3A_201 = arith.constant 1 : i32
          %sub3A_202 = arith.subi %while3A_192, %sub3A_201 : i32
          %select_n3A_203 = arith.constant true
          %select_n3A_204 = arith.select %select_n3A_203, %sub3A_202, %while3A_192 : i32
          %eq3A_205 = arith.constant -1 : i32
          %eq3A_206 = arith.cmpi eq, %select_n3A_204, %eq3A_205 : i32
          %sub3A_207 = arith.constant 1 : i32
          %sub3A_208 = arith.subi %select_n3A, %sub3A_207 : i32
          %select_n3A_209 = arith.select %eq3A_206, %sub3A_208, %select_n3A_204 : i32
          %add3A_210 = arith.addi %select_n3A_209, %select_n3A_21 : i32
          %add3A_211 = arith.constant 1 : i32
          %add3A_212 = arith.addi %while3A_192, %add3A_211 : i32
          %select_n3A_213 = arith.constant true
          %select_n3A_214 = arith.select %select_n3A_213, %add3A_212, %while3A_192 : i32
          %eq3A_215 = arith.cmpi eq, %select_n3A_214, %select_n3A : i32
          %select_n3A_216 = arith.constant 0 : i32
          %select_n3A_217 = arith.select %eq3A_215, %select_n3A_216, %select_n3A_214 : i32
          %add3A_218 = arith.addi %select_n3A_217, %select_n3A_21 : i32
          %add3A_219 = arith.constant 1 : i32
          %add3A_220 = arith.addi %select_n3A_217, %add3A_219 : i32
          %select_n3A_221 = arith.constant true
          %select_n3A_222 = arith.select %select_n3A_221, %add3A_220, %select_n3A_217 : i32
          %eq3A_223 = arith.cmpi eq, %select_n3A_222, %select_n3A : i32
          %select_n3A_224 = arith.constant 0 : i32
          %select_n3A_225 = arith.select %eq3A_223, %select_n3A_224, %select_n3A_222 : i32
          %add3A_226 = arith.addi %select_n3A_225, %select_n3A_21 : i32
          %ne3A = arith.cmpi ne, %add3A_200, %add3A_218 : i32
          %or3A = arith.constant false
          %or3A_227 = arith.ori %or3A, %ne3A : i1
          %or3A_228 = arith.constant false
          %or3A_229 = arith.ori %or3A_227, %or3A_228 : i1
          %sub3A_230 = arith.constant 2 : i32
          %sub3A_231 = arith.subi %mul3A_194, %sub3A_230 : i32
          %add3A_232 = arith.constant 1 : i32
          %add3A_233 = arith.addi %sub3A_231, %add3A_232 : i32
          %ge3A = arith.cmpi sge, %while3A_187, %add3A_233 : i32
          %not3A = arith.constant true
          %not3A_234 = arith.xori %ge3A, %not3A : i1
          %and3A = arith.andi %or3A_229, %not3A_234 : i1
          %convert_element_type3A_235 = arith.extui %and3A : i1 to i32
          %cond3A_236 = arith.constant 0 : i32
          %cond3A_237 = arith.cmpi ne, %convert_element_type3A_235, %cond3A_236 : i32
          scf.if %cond3A_237 {
            "tpu.trace_start"() <{level = 10 : i32, message = "ep_copy_in"}> : () -> ()
            %rem3A_350 = arith.constant 2 : i32
            %rem3A_351 = arith.remui %while3A_188, %rem3A_350 : i32
            %mul3A_352 = arith.constant 128 : i32
            %mul3A_353 = arith.muli %mul3A_352, %add3A_218 : i32
            %dma_start3A_354 = arith.constant 0 : i32
            %dma_start3A_355 = arith.constant 0 : i32
            %dma_start3A_356 = tpu.memref_slice %run_scoped3A[%rem3A_351, %dma_start3A_354, %dma_start3A_355] : memref<2x128x128xf32, #tpu.memory_space<vmem>> -> memref<1x128x128xf32, #tpu.memory_space<vmem>>
            %dma_start3A_357 = tpu.memref_squeeze %dma_start3A_356 : memref<1x128x128xf32, #tpu.memory_space<vmem>> -> memref<128x128xf32, #tpu.memory_space<vmem>>
            %dma_start3A_358 = arith.constant 0 : i32
            %dma_start3A_359 = tpu.memref_slice %arg2[%mul3A_353, %dma_start3A_358] : memref<80000x128xf32, #tpu.memory_space<hbm>> -> memref<128x128xf32, #tpu.memory_space<hbm>>
            %dma_start3A_360 = tpu.memref_slice %run_scoped3A_35[%rem3A_351] : memref<2x!tpu.dma_semaphore, #tpu.memory_space<semaphore_mem>> -> memref<1x!tpu.dma_semaphore, #tpu.memory_space<semaphore_mem>>
            %dma_start3A_361 = tpu.memref_squeeze %dma_start3A_360 : memref<1x!tpu.dma_semaphore, #tpu.memory_space<semaphore_mem>> -> memref<!tpu.dma_semaphore, #tpu.memory_space<semaphore_mem>>
            %dma_start3A_362 = arith.constant 0 : i32
            %dma_start3A_363 = arith.constant 0 : i32
            %dma_start3A_364 = tpu.memref_slice %run_scoped3A[%rem3A_351, %dma_start3A_362, %dma_start3A_363] : memref<2x128x128xf32, #tpu.memory_space<vmem>> -> memref<1x128x128xf32, #tpu.memory_space<vmem>>
            %dma_start3A_365 = tpu.memref_squeeze %dma_start3A_364 : memref<1x128x128xf32, #tpu.memory_space<vmem>> -> memref<128x128xf32, #tpu.memory_space<vmem>>
            %dma_start3A_366 = arith.constant 0 : i32
            %dma_start3A_367 = tpu.memref_slice %arg2[%mul3A_353, %dma_start3A_366] : memref<80000x128xf32, #tpu.memory_space<hbm>> -> memref<128x128xf32, #tpu.memory_space<hbm>>
            tpu.enqueue_dma source(%dma_start3A_367 : memref<128x128xf32, #tpu.memory_space<hbm>>) target(%dma_start3A_365 : memref<128x128xf32, #tpu.memory_space<vmem>>) target_semaphore(%dma_start3A_361 : memref<!tpu.dma_semaphore, #tpu.memory_space<semaphore_mem>>)
            "tpu.trace_stop"() : () -> ()
          } else {
          }
          %and3A_238 = arith.constant true
          %and3A_239 = arith.andi %and3A, %and3A_238 : i1
          %add3A_240 = arith.constant 1 : i32
          %add3A_241 = arith.addi %while3A_188, %add3A_240 : i32
          %select_n3A_242 = arith.select %and3A_239, %add3A_241, %while3A_188 : i32
          %ne3A_243 = arith.cmpi ne, %add3A_200, %add3A_218 : i32
          %or3A_244 = arith.constant false
          %or3A_245 = arith.ori %or3A_244, %ne3A_243 : i1
          %sub3A_246 = arith.constant 2 : i32
          %sub3A_247 = arith.subi %mul3A_194, %sub3A_246 : i32
          %add3A_248 = arith.constant 1 : i32
          %add3A_249 = arith.addi %sub3A_247, %add3A_248 : i32
          %ge3A_250 = arith.cmpi sge, %while3A_187, %add3A_249 : i32
          %not3A_251 = arith.constant true
          %not3A_252 = arith.xori %ge3A_250, %not3A_251 : i1
          %and3A_253 = arith.andi %or3A_245, %not3A_252 : i1
          %convert_element_type3A_254 = arith.extui %and3A_253 : i1 to i32
          %cond3A_255 = arith.constant 0 : i32
          %cond3A_256 = arith.cmpi ne, %convert_element_type3A_254, %cond3A_255 : i32
          scf.if %cond3A_256 {
            "tpu.trace_start"() <{level = 10 : i32, message = "ep_copy_in"}> : () -> ()
            %rem3A_350 = arith.constant 2 : i32
            %rem3A_351 = arith.remui %while3A_190, %rem3A_350 : i32
            %mul3A_352 = arith.constant 128 : i32
            %mul3A_353 = arith.muli %mul3A_352, %add3A_218 : i32
            %dma_start3A_354 = arith.constant 0 : i32
            %dma_start3A_355 = arith.constant 0 : i32
            %dma_start3A_356 = tpu.memref_slice %run_scoped3A_36[%rem3A_351, %dma_start3A_354, %dma_start3A_355] : memref<2x1x128xi32, #tpu.memory_space<vmem>> -> memref<1x1x128xi32, #tpu.memory_space<vmem>>
            %dma_start3A_357 = tpu.memref_squeeze %dma_start3A_356 : memref<1x1x128xi32, #tpu.memory_space<vmem>> -> memref<1x128xi32, #tpu.memory_space<vmem>>
            %dma_start3A_358 = arith.constant 0 : i32
            %dma_start3A_359 = tpu.memref_slice %arg3[%dma_start3A_358, %mul3A_353] : memref<1x80000xi32, #tpu.memory_space<hbm>> -> memref<1x128xi32, #tpu.memory_space<hbm>>
            %dma_start3A_360 = tpu.memref_slice %run_scoped3A_37[%rem3A_351] : memref<2x!tpu.dma_semaphore, #tpu.memory_space<semaphore_mem>> -> memref<1x!tpu.dma_semaphore, #tpu.memory_space<semaphore_mem>>
            %dma_start3A_361 = tpu.memref_squeeze %dma_start3A_360 : memref<1x!tpu.dma_semaphore, #tpu.memory_space<semaphore_mem>> -> memref<!tpu.dma_semaphore, #tpu.memory_space<semaphore_mem>>
            %dma_start3A_362 = arith.constant 0 : i32
            %dma_start3A_363 = arith.constant 0 : i32
            %dma_start3A_364 = tpu.memref_slice %run_scoped3A_36[%rem3A_351, %dma_start3A_362, %dma_start3A_363] : memref<2x1x128xi32, #tpu.memory_space<vmem>> -> memref<1x1x128xi32, #tpu.memory_space<vmem>>
            %dma_start3A_365 = tpu.memref_squeeze %dma_start3A_364 : memref<1x1x128xi32, #tpu.memory_space<vmem>> -> memref<1x128xi32, #tpu.memory_space<vmem>>
            %dma_start3A_366 = arith.constant 0 : i32
            %dma_start3A_367 = tpu.memref_slice %arg3[%dma_start3A_366, %mul3A_353] : memref<1x80000xi32, #tpu.memory_space<hbm>> -> memref<1x128xi32, #tpu.memory_space<hbm>>
            tpu.enqueue_dma source(%dma_start3A_367 : memref<1x128xi32, #tpu.memory_space<hbm>>) target(%dma_start3A_365 : memref<1x128xi32, #tpu.memory_space<vmem>>) target_semaphore(%dma_start3A_361 : memref<!tpu.dma_semaphore, #tpu.memory_space<semaphore_mem>>)
            "tpu.trace_stop"() : () -> ()
          } else {
          }
          %and3A_257 = arith.constant true
          %and3A_258 = arith.andi %and3A_253, %and3A_257 : i1
          %add3A_259 = arith.constant 1 : i32
          %add3A_260 = arith.addi %while3A_190, %add3A_259 : i32
          %select_n3A_261 = arith.select %and3A_258, %add3A_260, %while3A_190 : i32
          %ne3A_262 = arith.cmpi ne, %add3A_200, %add3A_210 : i32
          %or3A_263 = arith.constant false
          %or3A_264 = arith.ori %or3A_263, %ne3A_262 : i1
          %or3A_265 = arith.constant false
          %or3A_266 = arith.ori %or3A_264, %or3A_265 : i1
          %or3A_267 = arith.ori %or3A_266, %eq3A_196 : i1
          %convert_element_type3A_268 = arith.extui %or3A_267 : i1 to i32
          %cond3A_269 = arith.constant 0 : i32
          %cond3A_270 = arith.cmpi ne, %convert_element_type3A_268, %cond3A_269 : i32
          scf.if %cond3A_270 {
            "tpu.trace_start"() <{level = 10 : i32, message = "ep_wait_in"}> : () -> ()
            %mul3A_350 = arith.constant 128 : i32
            %mul3A_351 = arith.muli %mul3A_350, %add3A_200 : i32
            %rem3A_352 = arith.constant 2 : i32
            %rem3A_353 = arith.remui %while3A_189, %rem3A_352 : i32
            %dma_wait3A = arith.constant 0 : i32
            %dma_wait3A_354 = arith.constant 0 : i32
            %dma_wait3A_355 = tpu.memref_slice %run_scoped3A[%rem3A_353, %dma_wait3A, %dma_wait3A_354] : memref<2x128x128xf32, #tpu.memory_space<vmem>> -> memref<1x128x128xf32, #tpu.memory_space<vmem>>
            %dma_wait3A_356 = tpu.memref_squeeze %dma_wait3A_355 : memref<1x128x128xf32, #tpu.memory_space<vmem>> -> memref<128x128xf32, #tpu.memory_space<vmem>>
            %dma_wait3A_357 = arith.constant 0 : i32
            %dma_wait3A_358 = tpu.memref_slice %arg2[%mul3A_351, %dma_wait3A_357] : memref<80000x128xf32, #tpu.memory_space<hbm>> -> memref<128x128xf32, #tpu.memory_space<hbm>>
            %dma_wait3A_359 = tpu.memref_slice %run_scoped3A_35[%rem3A_353] : memref<2x!tpu.dma_semaphore, #tpu.memory_space<semaphore_mem>> -> memref<1x!tpu.dma_semaphore, #tpu.memory_space<semaphore_mem>>
            %dma_wait3A_360 = tpu.memref_squeeze %dma_wait3A_359 : memref<1x!tpu.dma_semaphore, #tpu.memory_space<semaphore_mem>> -> memref<!tpu.dma_semaphore, #tpu.memory_space<semaphore_mem>>
            %dma_wait3A_361 = arith.constant 0 : i32
            %dma_wait3A_362 = arith.constant 0 : i32
            %dma_wait3A_363 = tpu.memref_slice %run_scoped3A[%rem3A_353, %dma_wait3A_361, %dma_wait3A_362] : memref<2x128x128xf32, #tpu.memory_space<vmem>> -> memref<1x128x128xf32, #tpu.memory_space<vmem>>
            %dma_wait3A_364 = tpu.memref_squeeze %dma_wait3A_363 : memref<1x128x128xf32, #tpu.memory_space<vmem>> -> memref<128x128xf32, #tpu.memory_space<vmem>>
            %dma_wait3A_365 = arith.constant 0 : i32
            %dma_wait3A_366 = tpu.memref_slice %arg2[%mul3A_351, %dma_wait3A_365] : memref<80000x128xf32, #tpu.memory_space<hbm>> -> memref<128x128xf32, #tpu.memory_space<hbm>>
            tpu.wait_dma2 semaphore(%dma_wait3A_360 : memref<!tpu.dma_semaphore, #tpu.memory_space<semaphore_mem>>) src(%dma_wait3A_366 : memref<128x128xf32, #tpu.memory_space<hbm>>) dst(%dma_wait3A_364 : memref<128x128xf32, #tpu.memory_space<vmem>>)
            "tpu.trace_stop"() : () -> ()
          } else {
          }
          %ne3A_271 = arith.cmpi ne, %add3A_200, %add3A_210 : i32
          %or3A_272 = arith.constant false
          %or3A_273 = arith.ori %or3A_272, %ne3A_271 : i1
          %or3A_274 = arith.ori %or3A_273, %eq3A_196 : i1
          %convert_element_type3A_275 = arith.extui %or3A_274 : i1 to i32
          %cond3A_276 = arith.constant 0 : i32
          %cond3A_277 = arith.cmpi ne, %convert_element_type3A_275, %cond3A_276 : i32
          scf.if %cond3A_277 {
            "tpu.trace_start"() <{level = 10 : i32, message = "ep_wait_in"}> : () -> ()
            %mul3A_350 = arith.constant 128 : i32
            %mul3A_351 = arith.muli %mul3A_350, %add3A_200 : i32
            %rem3A_352 = arith.constant 2 : i32
            %rem3A_353 = arith.remui %while3A_191, %rem3A_352 : i32
            %dma_wait3A = arith.constant 0 : i32
            %dma_wait3A_354 = arith.constant 0 : i32
            %dma_wait3A_355 = tpu.memref_slice %run_scoped3A_36[%rem3A_353, %dma_wait3A, %dma_wait3A_354] : memref<2x1x128xi32, #tpu.memory_space<vmem>> -> memref<1x1x128xi32, #tpu.memory_space<vmem>>
            %dma_wait3A_356 = tpu.memref_squeeze %dma_wait3A_355 : memref<1x1x128xi32, #tpu.memory_space<vmem>> -> memref<1x128xi32, #tpu.memory_space<vmem>>
            %dma_wait3A_357 = arith.constant 0 : i32
            %dma_wait3A_358 = tpu.memref_slice %arg3[%dma_wait3A_357, %mul3A_351] : memref<1x80000xi32, #tpu.memory_space<hbm>> -> memref<1x128xi32, #tpu.memory_space<hbm>>
            %dma_wait3A_359 = tpu.memref_slice %run_scoped3A_37[%rem3A_353] : memref<2x!tpu.dma_semaphore, #tpu.memory_space<semaphore_mem>> -> memref<1x!tpu.dma_semaphore, #tpu.memory_space<semaphore_mem>>
            %dma_wait3A_360 = tpu.memref_squeeze %dma_wait3A_359 : memref<1x!tpu.dma_semaphore, #tpu.memory_space<semaphore_mem>> -> memref<!tpu.dma_semaphore, #tpu.memory_space<semaphore_mem>>
            %dma_wait3A_361 = arith.constant 0 : i32
            %dma_wait3A_362 = arith.constant 0 : i32
            %dma_wait3A_363 = tpu.memref_slice %run_scoped3A_36[%rem3A_353, %dma_wait3A_361, %dma_wait3A_362] : memref<2x1x128xi32, #tpu.memory_space<vmem>> -> memref<1x1x128xi32, #tpu.memory_space<vmem>>
            %dma_wait3A_364 = tpu.memref_squeeze %dma_wait3A_363 : memref<1x1x128xi32, #tpu.memory_space<vmem>> -> memref<1x128xi32, #tpu.memory_space<vmem>>
            %dma_wait3A_365 = arith.constant 0 : i32
            %dma_wait3A_366 = tpu.memref_slice %arg3[%dma_wait3A_365, %mul3A_351] : memref<1x80000xi32, #tpu.memory_space<hbm>> -> memref<1x128xi32, #tpu.memory_space<hbm>>
            tpu.wait_dma2 semaphore(%dma_wait3A_360 : memref<!tpu.dma_semaphore, #tpu.memory_space<semaphore_mem>>) src(%dma_wait3A_366 : memref<1x128xi32, #tpu.memory_space<hbm>>) dst(%dma_wait3A_364 : memref<1x128xi32, #tpu.memory_space<vmem>>)
            "tpu.trace_stop"() : () -> ()
          } else {
          }
          %rem3A_278 = arith.constant 2 : i32
          %rem3A_279 = arith.remui %while3A_189, %rem3A_278 : i32
          %rem3A_280 = arith.constant 2 : i32
          %rem3A_281 = arith.remui %while3A_191, %rem3A_280 : i32
          %run_scoped3A_282 = arith.constant 0 : i32
          "tpu.trace_start"() <{level = 10 : i32, message = "ep_run_kernel"}> : () -> ()
          "tpu.region"() ({
            %run_scoped3A_350 = tpu.sem_alloc : memref<!tpu.dma_semaphore, #tpu.memory_space<semaphore_mem>>
            %dma_start3A_351 = arith.constant 0 : i32
            %dma_start3A_352 = arith.constant 0 : i32
            %dma_start3A_353 = tpu.memref_slice %run_scoped3A[%rem3A_279, %dma_start3A_351, %dma_start3A_352] : memref<2x128x128xf32, #tpu.memory_space<vmem>> -> memref<1x128x128xf32, #tpu.memory_space<vmem>>
            %dma_start3A_354 = tpu.memref_squeeze %dma_start3A_353 : memref<1x128x128xf32, #tpu.memory_space<vmem>> -> memref<128x128xf32, #tpu.memory_space<vmem>>
            %dma_start3A_355 = arith.constant 0 : i32
            %dma_start3A_356 = arith.constant 0 : i32
            %dma_start3A_357 = tpu.memref_slice %run_scoped3A_36[%rem3A_281, %dma_start3A_355, %dma_start3A_356] : memref<2x1x128xi32, #tpu.memory_space<vmem>> -> memref<1x1x128xi32, #tpu.memory_space<vmem>>
            %dma_start3A_358 = tpu.memref_squeeze %dma_start3A_357 : memref<1x1x128xi32, #tpu.memory_space<vmem>> -> memref<1x128xi32, #tpu.memory_space<vmem>>
            %dma_start3A_359 = arith.constant 0 : i32
            %dma_start3A_360 = tpu.memref_slice %dma_start3A_358[%run_scoped3A_282, %dma_start3A_359] : memref<1x128xi32, #tpu.memory_space<vmem>> -> memref<1x128xi32, #tpu.memory_space<vmem>>
            %dma_start3A_361 = tpu.memref_squeeze %dma_start3A_360 : memref<1x128xi32, #tpu.memory_space<vmem>> -> memref<128xi32, #tpu.memory_space<vmem>>
            %dma_start3A_362 = arith.constant 0 : i32
            %dma_start3A_363 = arith.constant 0 : i32
            %dma_start3A_364 = tpu.memref_slice %arg6[%dma_start3A_362, %dma_start3A_363] : memref<10000x128xf32, #tpu.memory_space<vmem_shared>> -> memref<10000x128xf32, #tpu.memory_space<vmem_shared>>
            tpu.enqueue_indirect_dma source(%dma_start3A_354 : memref<128x128xf32, #tpu.memory_space<vmem>>) target(%dma_start3A_364 : memref<10000x128xf32, #tpu.memory_space<vmem_shared>>) offsets(%dma_start3A_361 : memref<128xi32, #tpu.memory_space<vmem>>) semaphore(%run_scoped3A_350 : memref<!tpu.dma_semaphore, #tpu.memory_space<semaphore_mem>>) {add = true}
            %dma_wait3A = arith.constant 0 : i32
            %dma_wait3A_365 = arith.constant 0 : i32
            %dma_wait3A_366 = tpu.memref_slice %run_scoped3A[%rem3A_279, %dma_wait3A, %dma_wait3A_365] : memref<2x128x128xf32, #tpu.memory_space<vmem>> -> memref<1x128x128xf32, #tpu.memory_space<vmem>>
            %dma_wait3A_367 = tpu.memref_squeeze %dma_wait3A_366 : memref<1x128x128xf32, #tpu.memory_space<vmem>> -> memref<128x128xf32, #tpu.memory_space<vmem>>
            %dma_wait3A_368 = arith.constant 0 : i32
            %dma_wait3A_369 = arith.constant 0 : i32
            %dma_wait3A_370 = tpu.memref_slice %run_scoped3A_36[%rem3A_281, %dma_wait3A_368, %dma_wait3A_369] : memref<2x1x128xi32, #tpu.memory_space<vmem>> -> memref<1x1x128xi32, #tpu.memory_space<vmem>>
            %dma_wait3A_371 = tpu.memref_squeeze %dma_wait3A_370 : memref<1x1x128xi32, #tpu.memory_space<vmem>> -> memref<1x128xi32, #tpu.memory_space<vmem>>
            %dma_wait3A_372 = arith.constant 0 : i32
            %dma_wait3A_373 = tpu.memref_slice %dma_wait3A_371[%run_scoped3A_282, %dma_wait3A_372] : memref<1x128xi32, #tpu.memory_space<vmem>> -> memref<1x128xi32, #tpu.memory_space<vmem>>
            %dma_wait3A_374 = tpu.memref_squeeze %dma_wait3A_373 : memref<1x128xi32, #tpu.memory_space<vmem>> -> memref<128xi32, #tpu.memory_space<vmem>>
            %dma_wait3A_375 = arith.constant 0 : i32
            %dma_wait3A_376 = arith.constant 0 : i32
            %dma_wait3A_377 = tpu.memref_slice %arg6[%dma_wait3A_375, %dma_wait3A_376] : memref<10000x128xf32, #tpu.memory_space<vmem_shared>> -> memref<10000x128xf32, #tpu.memory_space<vmem_shared>>
            tpu.wait_indirect_dma semaphore(%run_scoped3A_350 : memref<!tpu.dma_semaphore, #tpu.memory_space<semaphore_mem>>) src(%dma_wait3A_367 : memref<128x128xf32, #tpu.memory_space<vmem>>) dst(%dma_wait3A_377 : memref<10000x128xf32, #tpu.memory_space<vmem_shared>>)
            tpu.yield
          }) : () -> ()
          "tpu.trace_stop"() : () -> ()
          %ne3A_283 = arith.cmpi ne, %add3A_200, %add3A_218 : i32
          %or3A_284 = arith.constant false
          %or3A_285 = arith.ori %or3A_284, %ne3A_283 : i1
          %or3A_286 = arith.constant false
          %or3A_287 = arith.ori %or3A_285, %or3A_286 : i1
          %or3A_288 = arith.ori %or3A_287, %eq3A_199 : i1
          %convert_element_type3A_289 = arith.extui %or3A_288 : i1 to i32
          %cond3A_290 = arith.constant 0 : i32
          %cond3A_291 = arith.cmpi ne, %convert_element_type3A_289, %cond3A_290 : i32
          scf.if %cond3A_291 {
          } else {
          }
          %and3A_292 = arith.constant false
          %and3A_293 = arith.andi %or3A_288, %and3A_292 : i1
          %ne3A_294 = arith.cmpi ne, %add3A_200, %add3A_218 : i32
          %or3A_295 = arith.constant false
          %or3A_296 = arith.ori %or3A_295, %ne3A_294 : i1
          %or3A_297 = arith.ori %or3A_296, %eq3A_199 : i1
          %convert_element_type3A_298 = arith.extui %or3A_297 : i1 to i32
          %cond3A_299 = arith.constant 0 : i32
          %cond3A_300 = arith.cmpi ne, %convert_element_type3A_298, %cond3A_299 : i32
          scf.if %cond3A_300 {
          } else {
          }
          %and3A_301 = arith.constant false
          %and3A_302 = arith.andi %or3A_297, %and3A_301 : i1
          %ne3A_303 = arith.cmpi ne, %add3A_200, %add3A_210 : i32
          %or3A_304 = arith.constant false
          %or3A_305 = arith.ori %or3A_304, %ne3A_303 : i1
          %or3A_306 = arith.constant false
          %or3A_307 = arith.ori %or3A_305, %or3A_306 : i1
          %not3A_308 = arith.constant true
          %not3A_309 = arith.xori %eq3A_196, %not3A_308 : i1
          %and3A_310 = arith.andi %or3A_307, %not3A_309 : i1
          %convert_element_type3A_311 = arith.extui %and3A_310 : i1 to i32
          %cond3A_312 = arith.constant 0 : i32
          %cond3A_313 = arith.cmpi ne, %convert_element_type3A_311, %cond3A_312 : i32
          scf.if %cond3A_313 {
          } else {
          }
          %and3A_314 = arith.constant false
          %and3A_315 = arith.andi %and3A_310, %and3A_314 : i1
          %ne3A_316 = arith.cmpi ne, %add3A_200, %add3A_210 : i32
          %or3A_317 = arith.constant false
          %or3A_318 = arith.ori %or3A_317, %ne3A_316 : i1
          %not3A_319 = arith.constant true
          %not3A_320 = arith.xori %eq3A_196, %not3A_319 : i1
          %and3A_321 = arith.andi %or3A_318, %not3A_320 : i1
          %convert_element_type3A_322 = arith.extui %and3A_321 : i1 to i32
          %cond3A_323 = arith.constant 0 : i32
          %cond3A_324 = arith.cmpi ne, %convert_element_type3A_322, %cond3A_323 : i32
          scf.if %cond3A_324 {
          } else {
          }
          %and3A_325 = arith.constant false
          %and3A_326 = arith.andi %and3A_321, %and3A_325 : i1
          %ne3A_327 = arith.cmpi ne, %add3A_200, %add3A_218 : i32
          %or3A_328 = arith.constant false
          %or3A_329 = arith.ori %or3A_328, %ne3A_327 : i1
          %or3A_330 = arith.constant false
          %or3A_331 = arith.ori %or3A_329, %or3A_330 : i1
          %or3A_332 = arith.ori %or3A_331, %eq3A_199 : i1
          %add3A_333 = arith.constant 1 : i32
          %add3A_334 = arith.addi %while3A_189, %add3A_333 : i32
          %select_n3A_335 = arith.select %or3A_332, %add3A_334, %while3A_189 : i32
          %ne3A_336 = arith.cmpi ne, %add3A_200, %add3A_218 : i32
          %or3A_337 = arith.constant false
          %or3A_338 = arith.ori %or3A_337, %ne3A_336 : i1
          %or3A_339 = arith.ori %or3A_338, %eq3A_199 : i1
          %add3A_340 = arith.constant 1 : i32
          %add3A_341 = arith.addi %while3A_191, %add3A_340 : i32
          %select_n3A_342 = arith.select %or3A_339, %add3A_341, %while3A_191 : i32
          %add3A_343 = arith.constant 1 : i32
          %add3A_344 = arith.addi %while3A_192, %add3A_343 : i32
          %select_n3A_345 = arith.constant true
          %select_n3A_346 = arith.select %select_n3A_345, %add3A_344, %while3A_192 : i32
          %eq3A_347 = arith.cmpi eq, %select_n3A_346, %select_n3A : i32
          %select_n3A_348 = arith.constant 0 : i32
          %select_n3A_349 = arith.select %eq3A_347, %select_n3A_348, %select_n3A_346 : i32
          scf.yield %select_n3A_242, %select_n3A_335, %select_n3A_261, %select_n3A_342, %select_n3A_349 : i32, i32, i32, i32, i32
        }
        %while3A_134 = arith.constant 1 : i32
        %while3A_135:5 = scf.for %while3A_187 = %while3A_131 to %while3A_127 step %while3A_134 iter_args(%while3A_188 = %while3A_133#0, %while3A_189 = %while3A_133#1, %while3A_190 = %while3A_133#2, %while3A_191 = %while3A_133#3, %while3A_192 = %while3A_133#4) -> (i32, i32, i32, i32, i32)  : i32 {
          %mul3A_193 = arith.constant 1 : i32
          %mul3A_194 = arith.muli %mul3A_193, %select_n3A : i32
          %eq3A_195 = arith.constant 0 : i32
          %eq3A_196 = arith.cmpi eq, %while3A_187, %eq3A_195 : i32
          %sub3A_197 = arith.constant 1 : i32
          %sub3A_198 = arith.subi %mul3A_194, %sub3A_197 : i32
          %eq3A_199 = arith.cmpi eq, %while3A_187, %sub3A_198 : i32
          %add3A_200 = arith.addi %while3A_192, %select_n3A_21 : i32
          %sub3A_201 = arith.constant 1 : i32
          %sub3A_202 = arith.subi %while3A_192, %sub3A_201 : i32
          %select_n3A_203 = arith.constant true
          %select_n3A_204 = arith.select %select_n3A_203, %sub3A_202, %while3A_192 : i32
          %eq3A_205 = arith.constant -1 : i32
          %eq3A_206 = arith.cmpi eq, %select_n3A_204, %eq3A_205 : i32
          %sub3A_207 = arith.constant 1 : i32
          %sub3A_208 = arith.subi %select_n3A, %sub3A_207 : i32
          %select_n3A_209 = arith.select %eq3A_206, %sub3A_208, %select_n3A_204 : i32
          %add3A_210 = arith.addi %select_n3A_209, %select_n3A_21 : i32
          %add3A_211 = arith.constant 1 : i32
          %add3A_212 = arith.addi %while3A_192, %add3A_211 : i32
          %select_n3A_213 = arith.constant true
          %select_n3A_214 = arith.select %select_n3A_213, %add3A_212, %while3A_192 : i32
          %eq3A_215 = arith.cmpi eq, %select_n3A_214, %select_n3A : i32
          %select_n3A_216 = arith.constant 0 : i32
          %select_n3A_217 = arith.select %eq3A_215, %select_n3A_216, %select_n3A_214 : i32
          %add3A_218 = arith.addi %select_n3A_217, %select_n3A_21 : i32
          %add3A_219 = arith.constant 1 : i32
          %add3A_220 = arith.addi %select_n3A_217, %add3A_219 : i32
          %select_n3A_221 = arith.constant true
          %select_n3A_222 = arith.select %select_n3A_221, %add3A_220, %select_n3A_217 : i32
          %eq3A_223 = arith.cmpi eq, %select_n3A_222, %select_n3A : i32
          %select_n3A_224 = arith.constant 0 : i32
          %select_n3A_225 = arith.select %eq3A_223, %select_n3A_224, %select_n3A_222 : i32
          %add3A_226 = arith.addi %select_n3A_225, %select_n3A_21 : i32
          %ne3A = arith.cmpi ne, %add3A_200, %add3A_218 : i32
          %or3A = arith.constant false
          %or3A_227 = arith.ori %or3A, %ne3A : i1
          %or3A_228 = arith.constant false
          %or3A_229 = arith.ori %or3A_227, %or3A_228 : i1
          %sub3A_230 = arith.constant 2 : i32
          %sub3A_231 = arith.subi %mul3A_194, %sub3A_230 : i32
          %add3A_232 = arith.constant 1 : i32
          %add3A_233 = arith.addi %sub3A_231, %add3A_232 : i32
          %ge3A = arith.cmpi sge, %while3A_187, %add3A_233 : i32
          %not3A = arith.constant true
          %not3A_234 = arith.xori %ge3A, %not3A : i1
          %and3A = arith.andi %or3A_229, %not3A_234 : i1
          %convert_element_type3A_235 = arith.extui %and3A : i1 to i32
          %cond3A_236 = arith.constant 0 : i32
          %cond3A_237 = arith.cmpi ne, %convert_element_type3A_235, %cond3A_236 : i32
          scf.if %cond3A_237 {
            "tpu.trace_start"() <{level = 10 : i32, message = "ep_copy_in"}> : () -> ()
            %rem3A_350 = arith.constant 2 : i32
            %rem3A_351 = arith.remui %while3A_188, %rem3A_350 : i32
            %mul3A_352 = arith.constant 128 : i32
            %mul3A_353 = arith.muli %mul3A_352, %add3A_218 : i32
            %dma_start3A_354 = arith.constant 0 : i32
            %dma_start3A_355 = arith.constant 0 : i32
            %dma_start3A_356 = tpu.memref_slice %run_scoped3A[%rem3A_351, %dma_start3A_354, %dma_start3A_355] : memref<2x128x128xf32, #tpu.memory_space<vmem>> -> memref<1x128x128xf32, #tpu.memory_space<vmem>>
            %dma_start3A_357 = tpu.memref_squeeze %dma_start3A_356 : memref<1x128x128xf32, #tpu.memory_space<vmem>> -> memref<128x128xf32, #tpu.memory_space<vmem>>
            %dma_start3A_358 = arith.constant 0 : i32
            %dma_start3A_359 = tpu.memref_slice %arg2[%mul3A_353, %dma_start3A_358] : memref<80000x128xf32, #tpu.memory_space<hbm>> -> memref<128x128xf32, #tpu.memory_space<hbm>>
            %dma_start3A_360 = tpu.memref_slice %run_scoped3A_35[%rem3A_351] : memref<2x!tpu.dma_semaphore, #tpu.memory_space<semaphore_mem>> -> memref<1x!tpu.dma_semaphore, #tpu.memory_space<semaphore_mem>>
            %dma_start3A_361 = tpu.memref_squeeze %dma_start3A_360 : memref<1x!tpu.dma_semaphore, #tpu.memory_space<semaphore_mem>> -> memref<!tpu.dma_semaphore, #tpu.memory_space<semaphore_mem>>
            %dma_start3A_362 = arith.constant 0 : i32
            %dma_start3A_363 = arith.constant 0 : i32
            %dma_start3A_364 = tpu.memref_slice %run_scoped3A[%rem3A_351, %dma_start3A_362, %dma_start3A_363] : memref<2x128x128xf32, #tpu.memory_space<vmem>> -> memref<1x128x128xf32, #tpu.memory_space<vmem>>
            %dma_start3A_365 = tpu.memref_squeeze %dma_start3A_364 : memref<1x128x128xf32, #tpu.memory_space<vmem>> -> memref<128x128xf32, #tpu.memory_space<vmem>>
            %dma_start3A_366 = arith.constant 0 : i32
            %dma_start3A_367 = tpu.memref_slice %arg2[%mul3A_353, %dma_start3A_366] : memref<80000x128xf32, #tpu.memory_space<hbm>> -> memref<128x128xf32, #tpu.memory_space<hbm>>
            tpu.enqueue_dma source(%dma_start3A_367 : memref<128x128xf32, #tpu.memory_space<hbm>>) target(%dma_start3A_365 : memref<128x128xf32, #tpu.memory_space<vmem>>) target_semaphore(%dma_start3A_361 : memref<!tpu.dma_semaphore, #tpu.memory_space<semaphore_mem>>)
            "tpu.trace_stop"() : () -> ()
          } else {
          }
          %and3A_238 = arith.constant true
          %and3A_239 = arith.andi %and3A, %and3A_238 : i1
          %add3A_240 = arith.constant 1 : i32
          %add3A_241 = arith.addi %while3A_188, %add3A_240 : i32
          %select_n3A_242 = arith.select %and3A_239, %add3A_241, %while3A_188 : i32
          %ne3A_243 = arith.cmpi ne, %add3A_200, %add3A_218 : i32
          %or3A_244 = arith.constant false
          %or3A_245 = arith.ori %or3A_244, %ne3A_243 : i1
          %sub3A_246 = arith.constant 2 : i32
          %sub3A_247 = arith.subi %mul3A_194, %sub3A_246 : i32
          %add3A_248 = arith.constant 1 : i32
          %add3A_249 = arith.addi %sub3A_247, %add3A_248 : i32
          %ge3A_250 = arith.cmpi sge, %while3A_187, %add3A_249 : i32
          %not3A_251 = arith.constant true
          %not3A_252 = arith.xori %ge3A_250, %not3A_251 : i1
          %and3A_253 = arith.andi %or3A_245, %not3A_252 : i1
          %convert_element_type3A_254 = arith.extui %and3A_253 : i1 to i32
          %cond3A_255 = arith.constant 0 : i32
          %cond3A_256 = arith.cmpi ne, %convert_element_type3A_254, %cond3A_255 : i32
          scf.if %cond3A_256 {
            "tpu.trace_start"() <{level = 10 : i32, message = "ep_copy_in"}> : () -> ()
            %rem3A_350 = arith.constant 2 : i32
            %rem3A_351 = arith.remui %while3A_190, %rem3A_350 : i32
            %mul3A_352 = arith.constant 128 : i32
            %mul3A_353 = arith.muli %mul3A_352, %add3A_218 : i32
            %dma_start3A_354 = arith.constant 0 : i32
            %dma_start3A_355 = arith.constant 0 : i32
            %dma_start3A_356 = tpu.memref_slice %run_scoped3A_36[%rem3A_351, %dma_start3A_354, %dma_start3A_355] : memref<2x1x128xi32, #tpu.memory_space<vmem>> -> memref<1x1x128xi32, #tpu.memory_space<vmem>>
            %dma_start3A_357 = tpu.memref_squeeze %dma_start3A_356 : memref<1x1x128xi32, #tpu.memory_space<vmem>> -> memref<1x128xi32, #tpu.memory_space<vmem>>
            %dma_start3A_358 = arith.constant 0 : i32
            %dma_start3A_359 = tpu.memref_slice %arg3[%dma_start3A_358, %mul3A_353] : memref<1x80000xi32, #tpu.memory_space<hbm>> -> memref<1x128xi32, #tpu.memory_space<hbm>>
            %dma_start3A_360 = tpu.memref_slice %run_scoped3A_37[%rem3A_351] : memref<2x!tpu.dma_semaphore, #tpu.memory_space<semaphore_mem>> -> memref<1x!tpu.dma_semaphore, #tpu.memory_space<semaphore_mem>>
            %dma_start3A_361 = tpu.memref_squeeze %dma_start3A_360 : memref<1x!tpu.dma_semaphore, #tpu.memory_space<semaphore_mem>> -> memref<!tpu.dma_semaphore, #tpu.memory_space<semaphore_mem>>
            %dma_start3A_362 = arith.constant 0 : i32
            %dma_start3A_363 = arith.constant 0 : i32
            %dma_start3A_364 = tpu.memref_slice %run_scoped3A_36[%rem3A_351, %dma_start3A_362, %dma_start3A_363] : memref<2x1x128xi32, #tpu.memory_space<vmem>> -> memref<1x1x128xi32, #tpu.memory_space<vmem>>
            %dma_start3A_365 = tpu.memref_squeeze %dma_start3A_364 : memref<1x1x128xi32, #tpu.memory_space<vmem>> -> memref<1x128xi32, #tpu.memory_space<vmem>>
            %dma_start3A_366 = arith.constant 0 : i32
            %dma_start3A_367 = tpu.memref_slice %arg3[%dma_start3A_366, %mul3A_353] : memref<1x80000xi32, #tpu.memory_space<hbm>> -> memref<1x128xi32, #tpu.memory_space<hbm>>
            tpu.enqueue_dma source(%dma_start3A_367 : memref<1x128xi32, #tpu.memory_space<hbm>>) target(%dma_start3A_365 : memref<1x128xi32, #tpu.memory_space<vmem>>) target_semaphore(%dma_start3A_361 : memref<!tpu.dma_semaphore, #tpu.memory_space<semaphore_mem>>)
            "tpu.trace_stop"() : () -> ()
          } else {
          }
          %and3A_257 = arith.constant true
          %and3A_258 = arith.andi %and3A_253, %and3A_257 : i1
          %add3A_259 = arith.constant 1 : i32
          %add3A_260 = arith.addi %while3A_190, %add3A_259 : i32
          %select_n3A_261 = arith.select %and3A_258, %add3A_260, %while3A_190 : i32
          %ne3A_262 = arith.cmpi ne, %add3A_200, %add3A_210 : i32
          %or3A_263 = arith.constant false
          %or3A_264 = arith.ori %or3A_263, %ne3A_262 : i1
          %or3A_265 = arith.constant false
          %or3A_266 = arith.ori %or3A_264, %or3A_265 : i1
          %or3A_267 = arith.ori %or3A_266, %eq3A_196 : i1
          %convert_element_type3A_268 = arith.extui %or3A_267 : i1 to i32
          %cond3A_269 = arith.constant 0 : i32
          %cond3A_270 = arith.cmpi ne, %convert_element_type3A_268, %cond3A_269 : i32
          scf.if %cond3A_270 {
            "tpu.trace_start"() <{level = 10 : i32, message = "ep_wait_in"}> : () -> ()
            %mul3A_350 = arith.constant 128 : i32
            %mul3A_351 = arith.muli %mul3A_350, %add3A_200 : i32
            %rem3A_352 = arith.constant 2 : i32
            %rem3A_353 = arith.remui %while3A_189, %rem3A_352 : i32
            %dma_wait3A = arith.constant 0 : i32
            %dma_wait3A_354 = arith.constant 0 : i32
            %dma_wait3A_355 = tpu.memref_slice %run_scoped3A[%rem3A_353, %dma_wait3A, %dma_wait3A_354] : memref<2x128x128xf32, #tpu.memory_space<vmem>> -> memref<1x128x128xf32, #tpu.memory_space<vmem>>
            %dma_wait3A_356 = tpu.memref_squeeze %dma_wait3A_355 : memref<1x128x128xf32, #tpu.memory_space<vmem>> -> memref<128x128xf32, #tpu.memory_space<vmem>>
            %dma_wait3A_357 = arith.constant 0 : i32
            %dma_wait3A_358 = tpu.memref_slice %arg2[%mul3A_351, %dma_wait3A_357] : memref<80000x128xf32, #tpu.memory_space<hbm>> -> memref<128x128xf32, #tpu.memory_space<hbm>>
            %dma_wait3A_359 = tpu.memref_slice %run_scoped3A_35[%rem3A_353] : memref<2x!tpu.dma_semaphore, #tpu.memory_space<semaphore_mem>> -> memref<1x!tpu.dma_semaphore, #tpu.memory_space<semaphore_mem>>
            %dma_wait3A_360 = tpu.memref_squeeze %dma_wait3A_359 : memref<1x!tpu.dma_semaphore, #tpu.memory_space<semaphore_mem>> -> memref<!tpu.dma_semaphore, #tpu.memory_space<semaphore_mem>>
            %dma_wait3A_361 = arith.constant 0 : i32
            %dma_wait3A_362 = arith.constant 0 : i32
            %dma_wait3A_363 = tpu.memref_slice %run_scoped3A[%rem3A_353, %dma_wait3A_361, %dma_wait3A_362] : memref<2x128x128xf32, #tpu.memory_space<vmem>> -> memref<1x128x128xf32, #tpu.memory_space<vmem>>
            %dma_wait3A_364 = tpu.memref_squeeze %dma_wait3A_363 : memref<1x128x128xf32, #tpu.memory_space<vmem>> -> memref<128x128xf32, #tpu.memory_space<vmem>>
            %dma_wait3A_365 = arith.constant 0 : i32
            %dma_wait3A_366 = tpu.memref_slice %arg2[%mul3A_351, %dma_wait3A_365] : memref<80000x128xf32, #tpu.memory_space<hbm>> -> memref<128x128xf32, #tpu.memory_space<hbm>>
            tpu.wait_dma2 semaphore(%dma_wait3A_360 : memref<!tpu.dma_semaphore, #tpu.memory_space<semaphore_mem>>) src(%dma_wait3A_366 : memref<128x128xf32, #tpu.memory_space<hbm>>) dst(%dma_wait3A_364 : memref<128x128xf32, #tpu.memory_space<vmem>>)
            "tpu.trace_stop"() : () -> ()
          } else {
          }
          %ne3A_271 = arith.cmpi ne, %add3A_200, %add3A_210 : i32
          %or3A_272 = arith.constant false
          %or3A_273 = arith.ori %or3A_272, %ne3A_271 : i1
          %or3A_274 = arith.ori %or3A_273, %eq3A_196 : i1
          %convert_element_type3A_275 = arith.extui %or3A_274 : i1 to i32
          %cond3A_276 = arith.constant 0 : i32
          %cond3A_277 = arith.cmpi ne, %convert_element_type3A_275, %cond3A_276 : i32
          scf.if %cond3A_277 {
            "tpu.trace_start"() <{level = 10 : i32, message = "ep_wait_in"}> : () -> ()
            %mul3A_350 = arith.constant 128 : i32
            %mul3A_351 = arith.muli %mul3A_350, %add3A_200 : i32
            %rem3A_352 = arith.constant 2 : i32
            %rem3A_353 = arith.remui %while3A_191, %rem3A_352 : i32
            %dma_wait3A = arith.constant 0 : i32
            %dma_wait3A_354 = arith.constant 0 : i32
            %dma_wait3A_355 = tpu.memref_slice %run_scoped3A_36[%rem3A_353, %dma_wait3A, %dma_wait3A_354] : memref<2x1x128xi32, #tpu.memory_space<vmem>> -> memref<1x1x128xi32, #tpu.memory_space<vmem>>
            %dma_wait3A_356 = tpu.memref_squeeze %dma_wait3A_355 : memref<1x1x128xi32, #tpu.memory_space<vmem>> -> memref<1x128xi32, #tpu.memory_space<vmem>>
            %dma_wait3A_357 = arith.constant 0 : i32
            %dma_wait3A_358 = tpu.memref_slice %arg3[%dma_wait3A_357, %mul3A_351] : memref<1x80000xi32, #tpu.memory_space<hbm>> -> memref<1x128xi32, #tpu.memory_space<hbm>>
            %dma_wait3A_359 = tpu.memref_slice %run_scoped3A_37[%rem3A_353] : memref<2x!tpu.dma_semaphore, #tpu.memory_space<semaphore_mem>> -> memref<1x!tpu.dma_semaphore, #tpu.memory_space<semaphore_mem>>
            %dma_wait3A_360 = tpu.memref_squeeze %dma_wait3A_359 : memref<1x!tpu.dma_semaphore, #tpu.memory_space<semaphore_mem>> -> memref<!tpu.dma_semaphore, #tpu.memory_space<semaphore_mem>>
            %dma_wait3A_361 = arith.constant 0 : i32
            %dma_wait3A_362 = arith.constant 0 : i32
            %dma_wait3A_363 = tpu.memref_slice %run_scoped3A_36[%rem3A_353, %dma_wait3A_361, %dma_wait3A_362] : memref<2x1x128xi32, #tpu.memory_space<vmem>> -> memref<1x1x128xi32, #tpu.memory_space<vmem>>
            %dma_wait3A_364 = tpu.memref_squeeze %dma_wait3A_363 : memref<1x1x128xi32, #tpu.memory_space<vmem>> -> memref<1x128xi32, #tpu.memory_space<vmem>>
            %dma_wait3A_365 = arith.constant 0 : i32
            %dma_wait3A_366 = tpu.memref_slice %arg3[%dma_wait3A_365, %mul3A_351] : memref<1x80000xi32, #tpu.memory_space<hbm>> -> memref<1x128xi32, #tpu.memory_space<hbm>>
            tpu.wait_dma2 semaphore(%dma_wait3A_360 : memref<!tpu.dma_semaphore, #tpu.memory_space<semaphore_mem>>) src(%dma_wait3A_366 : memref<1x128xi32, #tpu.memory_space<hbm>>) dst(%dma_wait3A_364 : memref<1x128xi32, #tpu.memory_space<vmem>>)
            "tpu.trace_stop"() : () -> ()
          } else {
          }
          %rem3A_278 = arith.constant 2 : i32
          %rem3A_279 = arith.remui %while3A_189, %rem3A_278 : i32
          %rem3A_280 = arith.constant 2 : i32
          %rem3A_281 = arith.remui %while3A_191, %rem3A_280 : i32
          %run_scoped3A_282 = arith.constant 0 : i32
          "tpu.trace_start"() <{level = 10 : i32, message = "ep_run_kernel"}> : () -> ()
          "tpu.region"() ({
            %run_scoped3A_350 = tpu.sem_alloc : memref<!tpu.dma_semaphore, #tpu.memory_space<semaphore_mem>>
            %dma_start3A_351 = arith.constant 0 : i32
            %dma_start3A_352 = arith.constant 0 : i32
            %dma_start3A_353 = tpu.memref_slice %run_scoped3A[%rem3A_279, %dma_start3A_351, %dma_start3A_352] : memref<2x128x128xf32, #tpu.memory_space<vmem>> -> memref<1x128x128xf32, #tpu.memory_space<vmem>>
            %dma_start3A_354 = tpu.memref_squeeze %dma_start3A_353 : memref<1x128x128xf32, #tpu.memory_space<vmem>> -> memref<128x128xf32, #tpu.memory_space<vmem>>
            %dma_start3A_355 = arith.constant 0 : i32
            %dma_start3A_356 = arith.constant 0 : i32
            %dma_start3A_357 = tpu.memref_slice %run_scoped3A_36[%rem3A_281, %dma_start3A_355, %dma_start3A_356] : memref<2x1x128xi32, #tpu.memory_space<vmem>> -> memref<1x1x128xi32, #tpu.memory_space<vmem>>
            %dma_start3A_358 = tpu.memref_squeeze %dma_start3A_357 : memref<1x1x128xi32, #tpu.memory_space<vmem>> -> memref<1x128xi32, #tpu.memory_space<vmem>>
            %dma_start3A_359 = arith.constant 0 : i32
            %dma_start3A_360 = tpu.memref_slice %dma_start3A_358[%run_scoped3A_282, %dma_start3A_359] : memref<1x128xi32, #tpu.memory_space<vmem>> -> memref<1x128xi32, #tpu.memory_space<vmem>>
            %dma_start3A_361 = tpu.memref_squeeze %dma_start3A_360 : memref<1x128xi32, #tpu.memory_space<vmem>> -> memref<128xi32, #tpu.memory_space<vmem>>
            %dma_start3A_362 = arith.constant 0 : i32
            %dma_start3A_363 = arith.constant 0 : i32
            %dma_start3A_364 = tpu.memref_slice %arg6[%dma_start3A_362, %dma_start3A_363] : memref<10000x128xf32, #tpu.memory_space<vmem_shared>> -> memref<10000x128xf32, #tpu.memory_space<vmem_shared>>
            tpu.enqueue_indirect_dma source(%dma_start3A_354 : memref<128x128xf32, #tpu.memory_space<vmem>>) target(%dma_start3A_364 : memref<10000x128xf32, #tpu.memory_space<vmem_shared>>) offsets(%dma_start3A_361 : memref<128xi32, #tpu.memory_space<vmem>>) semaphore(%run_scoped3A_350 : memref<!tpu.dma_semaphore, #tpu.memory_space<semaphore_mem>>) {add = true}
            %dma_wait3A = arith.constant 0 : i32
            %dma_wait3A_365 = arith.constant 0 : i32
            %dma_wait3A_366 = tpu.memref_slice %run_scoped3A[%rem3A_279, %dma_wait3A, %dma_wait3A_365] : memref<2x128x128xf32, #tpu.memory_space<vmem>> -> memref<1x128x128xf32, #tpu.memory_space<vmem>>
            %dma_wait3A_367 = tpu.memref_squeeze %dma_wait3A_366 : memref<1x128x128xf32, #tpu.memory_space<vmem>> -> memref<128x128xf32, #tpu.memory_space<vmem>>
            %dma_wait3A_368 = arith.constant 0 : i32
            %dma_wait3A_369 = arith.constant 0 : i32
            %dma_wait3A_370 = tpu.memref_slice %run_scoped3A_36[%rem3A_281, %dma_wait3A_368, %dma_wait3A_369] : memref<2x1x128xi32, #tpu.memory_space<vmem>> -> memref<1x1x128xi32, #tpu.memory_space<vmem>>
            %dma_wait3A_371 = tpu.memref_squeeze %dma_wait3A_370 : memref<1x1x128xi32, #tpu.memory_space<vmem>> -> memref<1x128xi32, #tpu.memory_space<vmem>>
            %dma_wait3A_372 = arith.constant 0 : i32
            %dma_wait3A_373 = tpu.memref_slice %dma_wait3A_371[%run_scoped3A_282, %dma_wait3A_372] : memref<1x128xi32, #tpu.memory_space<vmem>> -> memref<1x128xi32, #tpu.memory_space<vmem>>
            %dma_wait3A_374 = tpu.memref_squeeze %dma_wait3A_373 : memref<1x128xi32, #tpu.memory_space<vmem>> -> memref<128xi32, #tpu.memory_space<vmem>>
            %dma_wait3A_375 = arith.constant 0 : i32
            %dma_wait3A_376 = arith.constant 0 : i32
            %dma_wait3A_377 = tpu.memref_slice %arg6[%dma_wait3A_375, %dma_wait3A_376] : memref<10000x128xf32, #tpu.memory_space<vmem_shared>> -> memref<10000x128xf32, #tpu.memory_space<vmem_shared>>
            tpu.wait_indirect_dma semaphore(%run_scoped3A_350 : memref<!tpu.dma_semaphore, #tpu.memory_space<semaphore_mem>>) src(%dma_wait3A_367 : memref<128x128xf32, #tpu.memory_space<vmem>>) dst(%dma_wait3A_377 : memref<10000x128xf32, #tpu.memory_space<vmem_shared>>)
            tpu.yield
          }) : () -> ()
          "tpu.trace_stop"() : () -> ()
          %ne3A_283 = arith.cmpi ne, %add3A_200, %add3A_218 : i32
          %or3A_284 = arith.constant false
          %or3A_285 = arith.ori %or3A_284, %ne3A_283 : i1
          %or3A_286 = arith.constant false
          %or3A_287 = arith.ori %or3A_285, %or3A_286 : i1
          %or3A_288 = arith.ori %or3A_287, %eq3A_199 : i1
          %convert_element_type3A_289 = arith.extui %or3A_288 : i1 to i32
          %cond3A_290 = arith.constant 0 : i32
          %cond3A_291 = arith.cmpi ne, %convert_element_type3A_289, %cond3A_290 : i32
          scf.if %cond3A_291 {
          } else {
          }
          %and3A_292 = arith.constant false
          %and3A_293 = arith.andi %or3A_288, %and3A_292 : i1
          %ne3A_294 = arith.cmpi ne, %add3A_200, %add3A_218 : i32
          %or3A_295 = arith.constant false
          %or3A_296 = arith.ori %or3A_295, %ne3A_294 : i1
          %or3A_297 = arith.ori %or3A_296, %eq3A_199 : i1
          %convert_element_type3A_298 = arith.extui %or3A_297 : i1 to i32
          %cond3A_299 = arith.constant 0 : i32
          %cond3A_300 = arith.cmpi ne, %convert_element_type3A_298, %cond3A_299 : i32
          scf.if %cond3A_300 {
          } else {
          }
          %and3A_301 = arith.constant false
          %and3A_302 = arith.andi %or3A_297, %and3A_301 : i1
          %ne3A_303 = arith.cmpi ne, %add3A_200, %add3A_210 : i32
          %or3A_304 = arith.constant false
          %or3A_305 = arith.ori %or3A_304, %ne3A_303 : i1
          %or3A_306 = arith.constant false
          %or3A_307 = arith.ori %or3A_305, %or3A_306 : i1
          %not3A_308 = arith.constant true
          %not3A_309 = arith.xori %eq3A_196, %not3A_308 : i1
          %and3A_310 = arith.andi %or3A_307, %not3A_309 : i1
          %convert_element_type3A_311 = arith.extui %and3A_310 : i1 to i32
          %cond3A_312 = arith.constant 0 : i32
          %cond3A_313 = arith.cmpi ne, %convert_element_type3A_311, %cond3A_312 : i32
          scf.if %cond3A_313 {
          } else {
          }
          %and3A_314 = arith.constant false
          %and3A_315 = arith.andi %and3A_310, %and3A_314 : i1
          %ne3A_316 = arith.cmpi ne, %add3A_200, %add3A_210 : i32
          %or3A_317 = arith.constant false
          %or3A_318 = arith.ori %or3A_317, %ne3A_316 : i1
          %not3A_319 = arith.constant true
          %not3A_320 = arith.xori %eq3A_196, %not3A_319 : i1
          %and3A_321 = arith.andi %or3A_318, %not3A_320 : i1
          %convert_element_type3A_322 = arith.extui %and3A_321 : i1 to i32
          %cond3A_323 = arith.constant 0 : i32
          %cond3A_324 = arith.cmpi ne, %convert_element_type3A_322, %cond3A_323 : i32
          scf.if %cond3A_324 {
          } else {
          }
          %and3A_325 = arith.constant false
          %and3A_326 = arith.andi %and3A_321, %and3A_325 : i1
          %ne3A_327 = arith.cmpi ne, %add3A_200, %add3A_218 : i32
          %or3A_328 = arith.constant false
          %or3A_329 = arith.ori %or3A_328, %ne3A_327 : i1
          %or3A_330 = arith.constant false
          %or3A_331 = arith.ori %or3A_329, %or3A_330 : i1
          %or3A_332 = arith.ori %or3A_331, %eq3A_199 : i1
          %add3A_333 = arith.constant 1 : i32
          %add3A_334 = arith.addi %while3A_189, %add3A_333 : i32
          %select_n3A_335 = arith.select %or3A_332, %add3A_334, %while3A_189 : i32
          %ne3A_336 = arith.cmpi ne, %add3A_200, %add3A_218 : i32
          %or3A_337 = arith.constant false
          %or3A_338 = arith.ori %or3A_337, %ne3A_336 : i1
          %or3A_339 = arith.ori %or3A_338, %eq3A_199 : i1
          %add3A_340 = arith.constant 1 : i32
          %add3A_341 = arith.addi %while3A_191, %add3A_340 : i32
          %select_n3A_342 = arith.select %or3A_339, %add3A_341, %while3A_191 : i32
          %add3A_343 = arith.constant 1 : i32
          %add3A_344 = arith.addi %while3A_192, %add3A_343 : i32
          %select_n3A_345 = arith.constant true
          %select_n3A_346 = arith.select %select_n3A_345, %add3A_344, %while3A_192 : i32
          %eq3A_347 = arith.cmpi eq, %select_n3A_346, %select_n3A : i32
          %select_n3A_348 = arith.constant 0 : i32
          %select_n3A_349 = arith.select %eq3A_347, %select_n3A_348, %select_n3A_346 : i32
          scf.yield %select_n3A_242, %select_n3A_335, %select_n3A_261, %select_n3A_342, %select_n3A_349 : i32, i32, i32, i32, i32
        }
        %sub3A_136 = arith.constant 1 : i32
        %sub3A_137 = arith.subi %while3A_135#4, %sub3A_136 : i32
        %select_n3A_138 = arith.constant true
        %select_n3A_139 = arith.select %select_n3A_138, %sub3A_137, %while3A_135#4 : i32
        %eq3A_140 = arith.constant -1 : i32
        %eq3A_141 = arith.cmpi eq, %select_n3A_139, %eq3A_140 : i32
        %sub3A_142 = arith.constant 1 : i32
        %sub3A_143 = arith.subi %select_n3A, %sub3A_142 : i32
        %select_n3A_144 = arith.select %eq3A_141, %sub3A_143, %select_n3A_139 : i32
        %sub3A_145 = arith.constant 1 : i32
        %sub3A_146 = arith.subi %mul3A_23, %sub3A_145 : i32
        %mul3A_147 = arith.constant 1 : i32
        %mul3A_148 = arith.muli %mul3A_147, %select_n3A : i32
        %eq3A_149 = arith.constant 0 : i32
        %eq3A_150 = arith.cmpi eq, %sub3A_146, %eq3A_149 : i32
        %sub3A_151 = arith.constant 1 : i32
        %sub3A_152 = arith.subi %mul3A_148, %sub3A_151 : i32
        %eq3A_153 = arith.cmpi eq, %sub3A_146, %sub3A_152 : i32
        %add3A_154 = arith.addi %select_n3A_144, %select_n3A_21 : i32
        %sub3A_155 = arith.constant 1 : i32
        %sub3A_156 = arith.subi %select_n3A_144, %sub3A_155 : i32
        %select_n3A_157 = arith.constant true
        %select_n3A_158 = arith.select %select_n3A_157, %sub3A_156, %select_n3A_144 : i32
        %eq3A_159 = arith.constant -1 : i32
        %eq3A_160 = arith.cmpi eq, %select_n3A_158, %eq3A_159 : i32
        %sub3A_161 = arith.constant 1 : i32
        %sub3A_162 = arith.subi %select_n3A, %sub3A_161 : i32
        %select_n3A_163 = arith.select %eq3A_160, %sub3A_162, %select_n3A_158 : i32
        %add3A_164 = arith.addi %select_n3A_163, %select_n3A_21 : i32
        %add3A_165 = arith.constant 1 : i32
        %add3A_166 = arith.addi %select_n3A_144, %add3A_165 : i32
        %select_n3A_167 = arith.constant true
        %select_n3A_168 = arith.select %select_n3A_167, %add3A_166, %select_n3A_144 : i32
        %eq3A_169 = arith.cmpi eq, %select_n3A_168, %select_n3A : i32
        %select_n3A_170 = arith.constant 0 : i32
        %select_n3A_171 = arith.select %eq3A_169, %select_n3A_170, %select_n3A_168 : i32
        %add3A_172 = arith.addi %select_n3A_171, %select_n3A_21 : i32
        %add3A_173 = arith.constant 1 : i32
        %add3A_174 = arith.addi %select_n3A_171, %add3A_173 : i32
        %select_n3A_175 = arith.constant true
        %select_n3A_176 = arith.select %select_n3A_175, %add3A_174, %select_n3A_171 : i32
        %eq3A_177 = arith.cmpi eq, %select_n3A_176, %select_n3A : i32
        %select_n3A_178 = arith.constant 0 : i32
        %select_n3A_179 = arith.select %eq3A_177, %select_n3A_178, %select_n3A_176 : i32
        %add3A_180 = arith.addi %select_n3A_179, %select_n3A_21 : i32
        %convert_element_type3A_181 = arith.extui %eq3A_153 : i1 to i32
        %cond3A_182 = arith.constant 0 : i32
        %cond3A_183 = arith.cmpi ne, %convert_element_type3A_181, %cond3A_182 : i32
        scf.if %cond3A_183 {
        } else {
        }
        %convert_element_type3A_184 = arith.extui %eq3A_153 : i1 to i32
        %cond3A_185 = arith.constant 0 : i32
        %cond3A_186 = arith.cmpi ne, %convert_element_type3A_184, %cond3A_185 : i32
        scf.if %cond3A_186 {
        } else {
        }
      } else {
      }
      tpu.yield
    }) : () -> ()
    %barrier3A_24 = arith.constant 0 : index
    tpu.barrier barrier_id(%barrier3A_24)
    %lt3A_25 = arith.constant 15 : i32
    %lt3A_26 = arith.cmpi slt, %arg1, %lt3A_25 : i32
    %convert_element_type3A_27 = arith.extui %lt3A_26 : i1 to i32
    %cond3A_28 = arith.constant 0 : i32
    %cond3A_29 = arith.cmpi ne, %convert_element_type3A_27, %cond3A_28 : i32
    scf.if %cond3A_29 {
      %mul3A_35 = arith.constant 632 : i32
      %mul3A_36 = arith.muli %arg1, %mul3A_35 : i32
      "tpu.region"() ({
        %run_scoped3A = tpu.sem_alloc : memref<!tpu.dma_semaphore, #tpu.memory_space<semaphore_mem>>
        %dma_start3A = arith.constant 0 : i32
        %dma_start3A_37 = tpu.memref_slice %arg5[%arg0, %mul3A_36, %dma_start3A] : memref<2x10000x128xf32, #tpu.memory_space<hbm>> -> memref<1x632x128xf32, #tpu.memory_space<hbm>>
        %dma_start3A_38 = tpu.memref_squeeze %dma_start3A_37 : memref<1x632x128xf32, #tpu.memory_space<hbm>> -> memref<632x128xf32, #tpu.memory_space<hbm>>
        %dma_start3A_39 = arith.constant 0 : i32
        %dma_start3A_40 = tpu.memref_slice %arg6[%mul3A_36, %dma_start3A_39] : memref<10000x128xf32, #tpu.memory_space<vmem_shared>> -> memref<632x128xf32, #tpu.memory_space<vmem_shared>>
        tpu.enqueue_dma source(%dma_start3A_40 : memref<632x128xf32, #tpu.memory_space<vmem_shared>>) target(%dma_start3A_38 : memref<632x128xf32, #tpu.memory_space<hbm>>) target_semaphore(%run_scoped3A : memref<!tpu.dma_semaphore, #tpu.memory_space<semaphore_mem>>)
        %dma_wait3A = arith.constant 0 : i32
        %dma_wait3A_41 = tpu.memref_slice %arg5[%arg0, %mul3A_36, %dma_wait3A] : memref<2x10000x128xf32, #tpu.memory_space<hbm>> -> memref<1x632x128xf32, #tpu.memory_space<hbm>>
        %dma_wait3A_42 = tpu.memref_squeeze %dma_wait3A_41 : memref<1x632x128xf32, #tpu.memory_space<hbm>> -> memref<632x128xf32, #tpu.memory_space<hbm>>
        %dma_wait3A_43 = arith.constant 0 : i32
        %dma_wait3A_44 = tpu.memref_slice %arg6[%mul3A_36, %dma_wait3A_43] : memref<10000x128xf32, #tpu.memory_space<vmem_shared>> -> memref<632x128xf32, #tpu.memory_space<vmem_shared>>
        tpu.wait_dma2 semaphore(%run_scoped3A : memref<!tpu.dma_semaphore, #tpu.memory_space<semaphore_mem>>) src(%dma_wait3A_44 : memref<632x128xf32, #tpu.memory_space<vmem_shared>>) dst(%dma_wait3A_42 : memref<632x128xf32, #tpu.memory_space<hbm>>)
        tpu.yield
      }) : () -> ()
    } else {
    }
    %eq3A_30 = arith.constant 15 : i32
    %eq3A_31 = arith.cmpi eq, %arg1, %eq3A_30 : i32
    %convert_element_type3A_32 = arith.extui %eq3A_31 : i1 to i32
    %cond3A_33 = arith.constant 0 : i32
    %cond3A_34 = arith.cmpi ne, %convert_element_type3A_32, %cond3A_33 : i32
    scf.if %cond3A_34 {
      "tpu.region"() ({
        %run_scoped3A = tpu.sem_alloc : memref<!tpu.dma_semaphore, #tpu.memory_space<semaphore_mem>>
        %dma_start3A = arith.constant 9480 : i32
        %dma_start3A_35 = arith.constant 0 : i32
        %dma_start3A_36 = tpu.memref_slice %arg5[%arg0, %dma_start3A, %dma_start3A_35] : memref<2x10000x128xf32, #tpu.memory_space<hbm>> -> memref<1x520x128xf32, #tpu.memory_space<hbm>>
        %dma_start3A_37 = tpu.memref_squeeze %dma_start3A_36 : memref<1x520x128xf32, #tpu.memory_space<hbm>> -> memref<520x128xf32, #tpu.memory_space<hbm>>
        %dma_start3A_38 = arith.constant 9480 : i32
        %dma_start3A_39 = arith.constant 0 : i32
        %dma_start3A_40 = tpu.memref_slice %arg6[%dma_start3A_38, %dma_start3A_39] : memref<10000x128xf32, #tpu.memory_space<vmem_shared>> -> memref<520x128xf32, #tpu.memory_space<vmem_shared>>
        tpu.enqueue_dma source(%dma_start3A_40 : memref<520x128xf32, #tpu.memory_space<vmem_shared>>) target(%dma_start3A_37 : memref<520x128xf32, #tpu.memory_space<hbm>>) target_semaphore(%run_scoped3A : memref<!tpu.dma_semaphore, #tpu.memory_space<semaphore_mem>>)
        %dma_wait3A = arith.constant 9480 : i32
        %dma_wait3A_41 = arith.constant 0 : i32
        %dma_wait3A_42 = tpu.memref_slice %arg5[%arg0, %dma_wait3A, %dma_wait3A_41] : memref<2x10000x128xf32, #tpu.memory_space<hbm>> -> memref<1x520x128xf32, #tpu.memory_space<hbm>>
        %dma_wait3A_43 = tpu.memref_squeeze %dma_wait3A_42 : memref<1x520x128xf32, #tpu.memory_space<hbm>> -> memref<520x128xf32, #tpu.memory_space<hbm>>
        %dma_wait3A_44 = arith.constant 9480 : i32
        %dma_wait3A_45 = arith.constant 0 : i32
        %dma_wait3A_46 = tpu.memref_slice %arg6[%dma_wait3A_44, %dma_wait3A_45] : memref<10000x128xf32, #tpu.memory_space<vmem_shared>> -> memref<520x128xf32, #tpu.memory_space<vmem_shared>>
        tpu.wait_dma2 semaphore(%run_scoped3A : memref<!tpu.dma_semaphore, #tpu.memory_space<semaphore_mem>>) src(%dma_wait3A_46 : memref<520x128xf32, #tpu.memory_space<vmem_shared>>) dst(%dma_wait3A_43 : memref<520x128xf32, #tpu.memory_space<hbm>>)
        tpu.yield
      }) : () -> ()
    } else {
    }
    return
  }
}

module attributes {stable_mosaic.version = 14 : i64} {
  func.func @body(%arg0: i32, %arg1: memref<3200x128xf32, #tpu.memory_space<vmem>>, %arg2: memref<4x3200xf32, #tpu.memory_space<vmem>>, %arg3: memref<16x3200xf32, #tpu.memory_space<vmem>>, %arg4: memref<16x32xf32, #tpu.memory_space<vmem>>, %arg5: memref<1x32xf32, #tpu.memory_space<vmem>>, %arg6: memref<32x1024xf32, #tpu.memory_space<vmem>>, %arg7: memref<1x1024xf32, #tpu.memory_space<vmem>>, %arg8: memref<64x1024xf32, #tpu.memory_space<vmem>>, %arg9: memref<256x16xf32, #tpu.memory_space<vmem>>, %arg10: memref<3200x128xf32, #tpu.memory_space<vmem>>) attributes {dimension_semantics = [#tpu.dimension_semantics<arbitrary>], iteration_bounds = array<i64: 25>, scalar_prefetch = 0 : i64, scratch_operands = 0 : i64, tpu.core_type = #tpu.core_type<tc>, window_params = [{transform_indices = @transform_0, window_bounds = array<i64: 3200, 128>}, {transform_indices = @transform_1, window_bounds = array<i64: 4, 3200>}, {transform_indices = @transform_2, window_bounds = array<i64: 16, 3200>}, {pipeline_mode = #tpu.pipeline_mode<synchronous>, transform_indices = @transform_3, window_bounds = array<i64: 16, 32>}, {pipeline_mode = #tpu.pipeline_mode<synchronous>, transform_indices = @transform_4, window_bounds = array<i64: 1, 32>}, {pipeline_mode = #tpu.pipeline_mode<synchronous>, transform_indices = @transform_5, window_bounds = array<i64: 32, 1024>}, {pipeline_mode = #tpu.pipeline_mode<synchronous>, transform_indices = @transform_6, window_bounds = array<i64: 1, 1024>}, {pipeline_mode = #tpu.pipeline_mode<synchronous>, transform_indices = @transform_7, window_bounds = array<i64: 64, 1024>}, {pipeline_mode = #tpu.pipeline_mode<synchronous>, transform_indices = @transform_8, window_bounds = array<i64: 256, 16>}, {transform_indices = @transform_9, window_bounds = array<i64: 3200, 128>}]} {
    %get3A = arith.constant 0 : index
    %get3A_0 = arith.constant 0 : index
    %get3A_1 = vector.load %arg3[%get3A, %get3A_0] : memref<16x3200xf32, #tpu.memory_space<vmem>>, vector<16x3200xf32>
    %transpose3A = tpu.transpose %get3A_1, [1, 0] : vector<16x3200xf32> -> vector<3200x16xf32>
    %get3A_2 = arith.constant 0 : index
    %get3A_3 = arith.constant 0 : index
    %get3A_4 = vector.load %arg4[%get3A_2, %get3A_3] : memref<16x32xf32, #tpu.memory_space<vmem>>, vector<16x32xf32>
    %dot_general3A = arith.constant dense<0.000000e+00> : vector<3200x32xf32>
    %dot_general3A_5 = tpu.matmul %transpose3A, %get3A_4, %dot_general3A {dimension_numbers = #tpu.dot_dimension_numbers<[1], [0], [0], [1], [0, 0, 1, 1], [], []>, transpose_lhs_hint = false} : vector<3200x16xf32>, vector<16x32xf32>, vector<3200x32xf32> -> vector<3200x32xf32>
    %get3A_6 = arith.constant 0 : index
    %get3A_7 = arith.constant 0 : index
    %get3A_8 = vector.load %arg5[%get3A_6, %get3A_7] : memref<1x32xf32, #tpu.memory_space<vmem>>, vector<1x32xf32>
    %add3A = vector.broadcast %get3A_8 : vector<1x32xf32> to vector<3200x32xf32>
    %add3A_9 = arith.addf %dot_general3A_5, %add3A : vector<3200x32xf32>
    %max3A = arith.constant 0.000000e+00 : f32
    %max3A_10 = vector.broadcast %max3A : f32 to vector<3200x32xf32>
    %max3A_11 = arith.maximumf %add3A_9, %max3A_10 : vector<3200x32xf32>
    %convert_element_type3A = arith.truncf %max3A_11 : vector<3200x32xf32> to vector<3200x32xbf16>
    %get3A_12 = arith.constant 0 : index
    %get3A_13 = arith.constant 0 : index
    %get3A_14 = vector.load %arg6[%get3A_12, %get3A_13] : memref<32x1024xf32, #tpu.memory_space<vmem>>, vector<32x1024xf32>
    %convert_element_type3A_15 = arith.truncf %get3A_14 : vector<32x1024xf32> to vector<32x1024xbf16>
    %dot_general3A_16 = arith.constant dense<0.000000e+00> : vector<3200x1024xf32>
    %dot_general3A_17 = tpu.matmul %convert_element_type3A, %convert_element_type3A_15, %dot_general3A_16 {dimension_numbers = #tpu.dot_dimension_numbers<[1], [0], [0], [1], [0, 0, 1, 1], [], []>, transpose_lhs_hint = false} : vector<3200x32xbf16>, vector<32x1024xbf16>, vector<3200x1024xf32> -> vector<3200x1024xf32>
    %convert_element_type3A_18 = arith.truncf %dot_general3A_17 : vector<3200x1024xf32> to vector<3200x1024xbf16>
    %get3A_19 = arith.constant 0 : index
    %get3A_20 = arith.constant 0 : index
    %get3A_21 = vector.load %arg7[%get3A_19, %get3A_20] : memref<1x1024xf32, #tpu.memory_space<vmem>>, vector<1x1024xf32>
    %convert_element_type3A_22 = arith.truncf %get3A_21 : vector<1x1024xf32> to vector<1x1024xbf16>
    %add3A_23 = vector.broadcast %convert_element_type3A_22 : vector<1x1024xbf16> to vector<3200x1024xbf16>
    %add3A_24 = arith.addf %convert_element_type3A_18, %add3A_23 : vector<3200x1024xbf16>
    %get3A_25 = arith.constant 0 : index
    %get3A_26 = arith.constant 0 : index
    %get3A_27 = vector.load %arg1[%get3A_25, %get3A_26] : memref<3200x128xf32, #tpu.memory_space<vmem>>, vector<3200x128xf32>
    %convert_element_type3A_28 = arith.truncf %get3A_27 : vector<3200x128xf32> to vector<3200x128xbf16>
    %get3A_29 = arith.constant 0 : index
    %get3A_30 = arith.constant 0 : index
    %get3A_31 = vector.load %arg2[%get3A_29, %get3A_30] : memref<4x3200xf32, #tpu.memory_space<vmem>>, vector<4x3200xf32>
    %transpose3A_32 = tpu.transpose %get3A_31, [1, 0] : vector<4x3200xf32> -> vector<3200x4xf32>
    %convert_element_type3A_33 = arith.truncf %transpose3A_32 : vector<3200x4xf32> to vector<3200x4xbf16>
    %get3A_34 = arith.constant 0 : index
    %get3A_35 = arith.constant 0 : index
    %get3A_36 = vector.load %arg8[%get3A_34, %get3A_35] : memref<64x1024xf32, #tpu.memory_space<vmem>>, vector<64x1024xf32>
    %convert_element_type3A_37 = arith.truncf %get3A_36 : vector<64x1024xf32> to vector<64x1024xbf16>
    %get3A_38 = arith.constant 0 : index
    %get3A_39 = arith.constant 0 : index
    %get3A_40 = vector.load %arg9[%get3A_38, %get3A_39] : memref<256x16xf32, #tpu.memory_space<vmem>>, vector<256x16xf32>
    %convert_element_type3A_41 = arith.truncf %get3A_40 : vector<256x16xf32> to vector<256x16xbf16>
    %slice3A = vector.extract_strided_slice %convert_element_type3A_33 {offsets = [0, 0], sizes = [3200, 1], strides = [1, 1]} : vector<3200x4xbf16> to vector<3200x1xbf16>
    %slice3A_42 = vector.extract_strided_slice %convert_element_type3A_33 {offsets = [0, 1], sizes = [3200, 1], strides = [1, 1]} : vector<3200x4xbf16> to vector<3200x1xbf16>
    %slice3A_43 = vector.extract_strided_slice %convert_element_type3A_33 {offsets = [0, 2], sizes = [3200, 1], strides = [1, 1]} : vector<3200x4xbf16> to vector<3200x1xbf16>
    %slice3A_44 = vector.extract_strided_slice %convert_element_type3A_33 {offsets = [0, 3], sizes = [3200, 1], strides = [1, 1]} : vector<3200x4xbf16> to vector<3200x1xbf16>
    %slice3A_45 = vector.extract_strided_slice %add3A_24 {offsets = [0, 0], sizes = [3200, 256], strides = [1, 1]} : vector<3200x1024xbf16> to vector<3200x256xbf16>
    %slice3A_46 = vector.extract_strided_slice %add3A_24 {offsets = [0, 256], sizes = [3200, 256], strides = [1, 1]} : vector<3200x1024xbf16> to vector<3200x256xbf16>
    %slice3A_47 = vector.extract_strided_slice %add3A_24 {offsets = [0, 512], sizes = [3200, 256], strides = [1, 1]} : vector<3200x1024xbf16> to vector<3200x256xbf16>
    %slice3A_48 = vector.extract_strided_slice %add3A_24 {offsets = [0, 768], sizes = [3200, 256], strides = [1, 1]} : vector<3200x1024xbf16> to vector<3200x256xbf16>
    %slice3A_49 = vector.extract_strided_slice %convert_element_type3A_28 {offsets = [0, 0], sizes = [3200, 64], strides = [1, 1]} : vector<3200x128xbf16> to vector<3200x64xbf16>
    %dot_general3A_50 = arith.constant dense<0.000000e+00> : vector<3200x1024xf32>
    %dot_general3A_51 = tpu.matmul %slice3A_49, %convert_element_type3A_37, %dot_general3A_50 {dimension_numbers = #tpu.dot_dimension_numbers<[1], [0], [0], [1], [0, 0, 1, 1], [], []>, transpose_lhs_hint = false} : vector<3200x64xbf16>, vector<64x1024xbf16>, vector<3200x1024xf32> -> vector<3200x1024xf32>
    %convert_element_type3A_52 = arith.truncf %dot_general3A_51 : vector<3200x1024xf32> to vector<3200x1024xbf16>
    %slice3A_53 = vector.extract_strided_slice %convert_element_type3A_52 {offsets = [0, 0], sizes = [3200, 256], strides = [1, 1]} : vector<3200x1024xbf16> to vector<3200x256xbf16>
    %slice3A_54 = vector.extract_strided_slice %convert_element_type3A_52 {offsets = [0, 256], sizes = [3200, 256], strides = [1, 1]} : vector<3200x1024xbf16> to vector<3200x256xbf16>
    %slice3A_55 = vector.extract_strided_slice %convert_element_type3A_52 {offsets = [0, 512], sizes = [3200, 256], strides = [1, 1]} : vector<3200x1024xbf16> to vector<3200x256xbf16>
    %slice3A_56 = vector.extract_strided_slice %convert_element_type3A_52 {offsets = [0, 768], sizes = [3200, 256], strides = [1, 1]} : vector<3200x1024xbf16> to vector<3200x256xbf16>
    %mul3A = vector.broadcast %slice3A_42 : vector<3200x1xbf16> to vector<3200x256xbf16>
    %mul3A_57 = arith.mulf %slice3A_54, %mul3A : vector<3200x256xbf16>
    %mul3A_58 = vector.broadcast %slice3A_43 : vector<3200x1xbf16> to vector<3200x256xbf16>
    %mul3A_59 = arith.mulf %slice3A_55, %mul3A_58 : vector<3200x256xbf16>
    %add3A_60 = arith.addf %mul3A_57, %mul3A_59 : vector<3200x256xbf16>
    %mul3A_61 = vector.broadcast %slice3A_44 : vector<3200x1xbf16> to vector<3200x256xbf16>
    %mul3A_62 = arith.mulf %slice3A_56, %mul3A_61 : vector<3200x256xbf16>
    %add3A_63 = arith.addf %add3A_60, %mul3A_62 : vector<3200x256xbf16>
    %mul3A_64 = arith.mulf %slice3A_46, %slice3A_53 : vector<3200x256xbf16>
    %mul3A_65 = arith.mulf %slice3A_45, %slice3A_53 : vector<3200x256xbf16>
    %mul3A_66 = vector.broadcast %slice3A : vector<3200x1xbf16> to vector<3200x256xbf16>
    %mul3A_67 = arith.mulf %mul3A_65, %mul3A_66 : vector<3200x256xbf16>
    %mul3A_68 = arith.mulf %slice3A_48, %add3A_63 : vector<3200x256xbf16>
    %add3A_69 = arith.addf %mul3A_67, %mul3A_68 : vector<3200x256xbf16>
    %dot_general3A_70 = arith.constant dense<0.000000e+00> : vector<3200x16xf32>
    %dot_general3A_71 = tpu.matmul %add3A_69, %convert_element_type3A_41, %dot_general3A_70 {dimension_numbers = #tpu.dot_dimension_numbers<[1], [0], [0], [1], [0, 0, 1, 1], [], []>, transpose_lhs_hint = false} : vector<3200x256xbf16>, vector<256x16xbf16>, vector<3200x16xf32> -> vector<3200x16xf32>
    %mul3A_72 = vector.broadcast %slice3A_42 : vector<3200x1xbf16> to vector<3200x256xbf16>
    %mul3A_73 = arith.mulf %mul3A_64, %mul3A_72 : vector<3200x256xbf16>
    %mul3A_74 = arith.mulf %slice3A_47, %slice3A_54 : vector<3200x256xbf16>
    %mul3A_75 = vector.broadcast %slice3A : vector<3200x1xbf16> to vector<3200x256xbf16>
    %mul3A_76 = arith.mulf %mul3A_74, %mul3A_75 : vector<3200x256xbf16>
    %add3A_77 = arith.addf %mul3A_73, %mul3A_76 : vector<3200x256xbf16>
    %dot_general3A_78 = arith.constant dense<0.000000e+00> : vector<3200x16xf32>
    %dot_general3A_79 = tpu.matmul %add3A_77, %convert_element_type3A_41, %dot_general3A_78 {dimension_numbers = #tpu.dot_dimension_numbers<[1], [0], [0], [1], [0, 0, 1, 1], [], []>, transpose_lhs_hint = false} : vector<3200x256xbf16>, vector<256x16xbf16>, vector<3200x16xf32> -> vector<3200x16xf32>
    %mul3A_80 = vector.broadcast %slice3A_43 : vector<3200x1xbf16> to vector<3200x256xbf16>
    %mul3A_81 = arith.mulf %mul3A_64, %mul3A_80 : vector<3200x256xbf16>
    %mul3A_82 = arith.mulf %slice3A_47, %slice3A_55 : vector<3200x256xbf16>
    %mul3A_83 = vector.broadcast %slice3A : vector<3200x1xbf16> to vector<3200x256xbf16>
    %mul3A_84 = arith.mulf %mul3A_82, %mul3A_83 : vector<3200x256xbf16>
    %add3A_85 = arith.addf %mul3A_81, %mul3A_84 : vector<3200x256xbf16>
    %dot_general3A_86 = arith.constant dense<0.000000e+00> : vector<3200x16xf32>
    %dot_general3A_87 = tpu.matmul %add3A_85, %convert_element_type3A_41, %dot_general3A_86 {dimension_numbers = #tpu.dot_dimension_numbers<[1], [0], [0], [1], [0, 0, 1, 1], [], []>, transpose_lhs_hint = false} : vector<3200x256xbf16>, vector<256x16xbf16>, vector<3200x16xf32> -> vector<3200x16xf32>
    %mul3A_88 = vector.broadcast %slice3A_44 : vector<3200x1xbf16> to vector<3200x256xbf16>
    %mul3A_89 = arith.mulf %mul3A_64, %mul3A_88 : vector<3200x256xbf16>
    %mul3A_90 = arith.mulf %slice3A_47, %slice3A_56 : vector<3200x256xbf16>
    %mul3A_91 = vector.broadcast %slice3A : vector<3200x1xbf16> to vector<3200x256xbf16>
    %mul3A_92 = arith.mulf %mul3A_90, %mul3A_91 : vector<3200x256xbf16>
    %add3A_93 = arith.addf %mul3A_89, %mul3A_92 : vector<3200x256xbf16>
    %dot_general3A_94 = arith.constant dense<0.000000e+00> : vector<3200x16xf32>
    %dot_general3A_95 = tpu.matmul %add3A_93, %convert_element_type3A_41, %dot_general3A_94 {dimension_numbers = #tpu.dot_dimension_numbers<[1], [0], [0], [1], [0, 0, 1, 1], [], []>, transpose_lhs_hint = false} : vector<3200x256xbf16>, vector<256x16xbf16>, vector<3200x16xf32> -> vector<3200x16xf32>
    %broadcast_in_dim3A = arith.constant 0.000000e+00 : f32
    %broadcast_in_dim3A_96 = vector.broadcast %broadcast_in_dim3A : f32 to vector<3200x64xf32>
    %concatenate3A = tpu.concatenate %dot_general3A_71, %dot_general3A_79, %dot_general3A_87, %dot_general3A_95, %broadcast_in_dim3A_96 in 1 : vector<3200x16xf32>, vector<3200x16xf32>, vector<3200x16xf32>, vector<3200x16xf32>, vector<3200x64xf32> -> vector<3200x128xf32>
    %swap3A = arith.constant 0 : index
    %swap3A_97 = arith.constant 0 : index
    %swap3A_98 = vector.load %arg10[%swap3A, %swap3A_97] : memref<3200x128xf32, #tpu.memory_space<vmem>>, vector<3200x128xf32>
    tpu.vector_store %arg10[%swap3A, %swap3A_97], %concatenate3A {strides = array<i32>} : memref<3200x128xf32, #tpu.memory_space<vmem>>, vector<3200x128xf32>,
    return
  }
  func.func @transform_0(%arg0: i32) -> (i32, i32) {
    %c0_i32 = arith.constant 0 : i32
    %c0_i32_0 = arith.constant 0 : i32
    return %arg0, %c0_i32 : i32, i32
  }
  func.func @transform_1(%arg0: i32) -> (i32, i32) {
    %add3A = arith.constant 25 : i32
    %add3A_0 = arith.addi %arg0, %add3A : i32
    %c0_i32 = arith.constant 0 : i32
    %c0_i32_1 = arith.constant 0 : i32
    return %c0_i32, %add3A_0 : i32, i32
  }
  func.func @transform_2(%arg0: i32) -> (i32, i32) {
    %add3A = arith.constant 25 : i32
    %add3A_0 = arith.addi %arg0, %add3A : i32
    %c0_i32 = arith.constant 0 : i32
    %c0_i32_1 = arith.constant 0 : i32
    return %c0_i32, %add3A_0 : i32, i32
  }
  func.func @transform_3(%arg0: i32) -> (i32, i32) {
    %c0_i32 = arith.constant 0 : i32
    %c0_i32_0 = arith.constant 0 : i32
    %c0_i32_1 = arith.constant 0 : i32
    return %c0_i32, %c0_i32_0 : i32, i32
  }
  func.func @transform_4(%arg0: i32) -> (i32, i32) {
    %c0_i32 = arith.constant 0 : i32
    %c0_i32_0 = arith.constant 0 : i32
    %c0_i32_1 = arith.constant 0 : i32
    return %c0_i32, %c0_i32_0 : i32, i32
  }
  func.func @transform_5(%arg0: i32) -> (i32, i32) {
    %c0_i32 = arith.constant 0 : i32
    %c0_i32_0 = arith.constant 0 : i32
    %c0_i32_1 = arith.constant 0 : i32
    return %c0_i32, %c0_i32_0 : i32, i32
  }
  func.func @transform_6(%arg0: i32) -> (i32, i32) {
    %c0_i32 = arith.constant 0 : i32
    %c0_i32_0 = arith.constant 0 : i32
    %c0_i32_1 = arith.constant 0 : i32
    return %c0_i32, %c0_i32_0 : i32, i32
  }
  func.func @transform_7(%arg0: i32) -> (i32, i32) {
    %c0_i32 = arith.constant 0 : i32
    %c0_i32_0 = arith.constant 0 : i32
    %c0_i32_1 = arith.constant 0 : i32
    return %c0_i32, %c0_i32_0 : i32, i32
  }
  func.func @transform_8(%arg0: i32) -> (i32, i32) {
    %c0_i32 = arith.constant 0 : i32
    %c0_i32_0 = arith.constant 0 : i32
    %c0_i32_1 = arith.constant 0 : i32
    return %c0_i32, %c0_i32_0 : i32, i32
  }
  func.func @transform_9(%arg0: i32) -> (i32, i32) {
    %c0_i32 = arith.constant 0 : i32
    %c0_i32_0 = arith.constant 0 : i32
    return %arg0, %c0_i32 : i32, i32
  }
}

module attributes {stable_mosaic.version = 14 : i64} {
  func.func @body(%arg0: i32, %arg1: memref<3200x128xf32, #tpu.memory_space<vmem>>, %arg2: memref<4x3200xf32, #tpu.memory_space<vmem>>, %arg3: memref<16x3200xf32, #tpu.memory_space<vmem>>, %arg4: memref<16x32xf32, #tpu.memory_space<vmem>>, %arg5: memref<1x32xf32, #tpu.memory_space<vmem>>, %arg6: memref<32x1024xf32, #tpu.memory_space<vmem>>, %arg7: memref<1x1024xf32, #tpu.memory_space<vmem>>, %arg8: memref<64x1024xf32, #tpu.memory_space<vmem>>, %arg9: memref<256x16xf32, #tpu.memory_space<vmem>>, %arg10: memref<3200x128xf32, #tpu.memory_space<vmem>>) attributes {dimension_semantics = [#tpu.dimension_semantics<arbitrary>], iteration_bounds = array<i64: 25>, scalar_prefetch = 0 : i64, scratch_operands = 0 : i64, tpu.core_type = #tpu.core_type<tc>, window_params = [{transform_indices = @transform_0, window_bounds = array<i64: 3200, 128>}, {transform_indices = @transform_1, window_bounds = array<i64: 4, 3200>}, {transform_indices = @transform_2, window_bounds = array<i64: 16, 3200>}, {pipeline_mode = #tpu.pipeline_mode<synchronous>, transform_indices = @transform_3, window_bounds = array<i64: 16, 32>}, {pipeline_mode = #tpu.pipeline_mode<synchronous>, transform_indices = @transform_4, window_bounds = array<i64: 1, 32>}, {pipeline_mode = #tpu.pipeline_mode<synchronous>, transform_indices = @transform_5, window_bounds = array<i64: 32, 1024>}, {pipeline_mode = #tpu.pipeline_mode<synchronous>, transform_indices = @transform_6, window_bounds = array<i64: 1, 1024>}, {pipeline_mode = #tpu.pipeline_mode<synchronous>, transform_indices = @transform_7, window_bounds = array<i64: 64, 1024>}, {pipeline_mode = #tpu.pipeline_mode<synchronous>, transform_indices = @transform_8, window_bounds = array<i64: 256, 16>}, {transform_indices = @transform_9, window_bounds = array<i64: 3200, 128>}]} {
    %get3A = arith.constant 0 : index
    %get3A_0 = arith.constant 0 : index
    %get3A_1 = vector.load %arg3[%get3A, %get3A_0] : memref<16x3200xf32, #tpu.memory_space<vmem>>, vector<16x3200xf32>
    %transpose3A = tpu.transpose %get3A_1, [1, 0] : vector<16x3200xf32> -> vector<3200x16xf32>
    %get3A_2 = arith.constant 0 : index
    %get3A_3 = arith.constant 0 : index
    %get3A_4 = vector.load %arg4[%get3A_2, %get3A_3] : memref<16x32xf32, #tpu.memory_space<vmem>>, vector<16x32xf32>
    %dot_general3A = arith.constant dense<0.000000e+00> : vector<3200x32xf32>
    %dot_general3A_5 = tpu.matmul %transpose3A, %get3A_4, %dot_general3A {dimension_numbers = #tpu.dot_dimension_numbers<[1], [0], [0], [1], [0, 0, 1, 1], [], []>, transpose_lhs_hint = false} : vector<3200x16xf32>, vector<16x32xf32>, vector<3200x32xf32> -> vector<3200x32xf32>
    %get3A_6 = arith.constant 0 : index
    %get3A_7 = arith.constant 0 : index
    %get3A_8 = vector.load %arg5[%get3A_6, %get3A_7] : memref<1x32xf32, #tpu.memory_space<vmem>>, vector<1x32xf32>
    %add3A = vector.broadcast %get3A_8 : vector<1x32xf32> to vector<3200x32xf32>
    %add3A_9 = arith.addf %dot_general3A_5, %add3A : vector<3200x32xf32>
    %max3A = arith.constant 0.000000e+00 : f32
    %max3A_10 = vector.broadcast %max3A : f32 to vector<3200x32xf32>
    %max3A_11 = arith.maximumf %add3A_9, %max3A_10 : vector<3200x32xf32>
    %convert_element_type3A = arith.truncf %max3A_11 : vector<3200x32xf32> to vector<3200x32xbf16>
    %get3A_12 = arith.constant 0 : index
    %get3A_13 = arith.constant 0 : index
    %get3A_14 = vector.load %arg6[%get3A_12, %get3A_13] : memref<32x1024xf32, #tpu.memory_space<vmem>>, vector<32x1024xf32>
    %convert_element_type3A_15 = arith.truncf %get3A_14 : vector<32x1024xf32> to vector<32x1024xbf16>
    %dot_general3A_16 = arith.constant dense<0.000000e+00> : vector<3200x1024xf32>
    %dot_general3A_17 = tpu.matmul %convert_element_type3A, %convert_element_type3A_15, %dot_general3A_16 {dimension_numbers = #tpu.dot_dimension_numbers<[1], [0], [0], [1], [0, 0, 1, 1], [], []>, transpose_lhs_hint = false} : vector<3200x32xbf16>, vector<32x1024xbf16>, vector<3200x1024xf32> -> vector<3200x1024xf32>
    %convert_element_type3A_18 = arith.truncf %dot_general3A_17 : vector<3200x1024xf32> to vector<3200x1024xbf16>
    %get3A_19 = arith.constant 0 : index
    %get3A_20 = arith.constant 0 : index
    %get3A_21 = vector.load %arg7[%get3A_19, %get3A_20] : memref<1x1024xf32, #tpu.memory_space<vmem>>, vector<1x1024xf32>
    %convert_element_type3A_22 = arith.truncf %get3A_21 : vector<1x1024xf32> to vector<1x1024xbf16>
    %add3A_23 = vector.broadcast %convert_element_type3A_22 : vector<1x1024xbf16> to vector<3200x1024xbf16>
    %add3A_24 = arith.addf %convert_element_type3A_18, %add3A_23 : vector<3200x1024xbf16>
    %get3A_25 = arith.constant 0 : index
    %get3A_26 = arith.constant 0 : index
    %get3A_27 = vector.load %arg1[%get3A_25, %get3A_26] : memref<3200x128xf32, #tpu.memory_space<vmem>>, vector<3200x128xf32>
    %convert_element_type3A_28 = arith.truncf %get3A_27 : vector<3200x128xf32> to vector<3200x128xbf16>
    %get3A_29 = arith.constant 0 : index
    %get3A_30 = arith.constant 0 : index
    %get3A_31 = vector.load %arg2[%get3A_29, %get3A_30] : memref<4x3200xf32, #tpu.memory_space<vmem>>, vector<4x3200xf32>
    %transpose3A_32 = tpu.transpose %get3A_31, [1, 0] : vector<4x3200xf32> -> vector<3200x4xf32>
    %convert_element_type3A_33 = arith.truncf %transpose3A_32 : vector<3200x4xf32> to vector<3200x4xbf16>
    %get3A_34 = arith.constant 0 : index
    %get3A_35 = arith.constant 0 : index
    %get3A_36 = vector.load %arg8[%get3A_34, %get3A_35] : memref<64x1024xf32, #tpu.memory_space<vmem>>, vector<64x1024xf32>
    %convert_element_type3A_37 = arith.truncf %get3A_36 : vector<64x1024xf32> to vector<64x1024xbf16>
    %get3A_38 = arith.constant 0 : index
    %get3A_39 = arith.constant 0 : index
    %get3A_40 = vector.load %arg9[%get3A_38, %get3A_39] : memref<256x16xf32, #tpu.memory_space<vmem>>, vector<256x16xf32>
    %convert_element_type3A_41 = arith.truncf %get3A_40 : vector<256x16xf32> to vector<256x16xbf16>
    %slice3A = vector.extract_strided_slice %convert_element_type3A_33 {offsets = [0, 0], sizes = [3200, 1], strides = [1, 1]} : vector<3200x4xbf16> to vector<3200x1xbf16>
    %slice3A_42 = vector.extract_strided_slice %convert_element_type3A_33 {offsets = [0, 1], sizes = [3200, 1], strides = [1, 1]} : vector<3200x4xbf16> to vector<3200x1xbf16>
    %slice3A_43 = vector.extract_strided_slice %convert_element_type3A_33 {offsets = [0, 2], sizes = [3200, 1], strides = [1, 1]} : vector<3200x4xbf16> to vector<3200x1xbf16>
    %slice3A_44 = vector.extract_strided_slice %convert_element_type3A_33 {offsets = [0, 3], sizes = [3200, 1], strides = [1, 1]} : vector<3200x4xbf16> to vector<3200x1xbf16>
    %slice3A_45 = vector.extract_strided_slice %add3A_24 {offsets = [0, 0], sizes = [3200, 256], strides = [1, 1]} : vector<3200x1024xbf16> to vector<3200x256xbf16>
    %slice3A_46 = vector.extract_strided_slice %add3A_24 {offsets = [0, 256], sizes = [3200, 256], strides = [1, 1]} : vector<3200x1024xbf16> to vector<3200x256xbf16>
    %slice3A_47 = vector.extract_strided_slice %add3A_24 {offsets = [0, 512], sizes = [3200, 256], strides = [1, 1]} : vector<3200x1024xbf16> to vector<3200x256xbf16>
    %slice3A_48 = vector.extract_strided_slice %add3A_24 {offsets = [0, 768], sizes = [3200, 256], strides = [1, 1]} : vector<3200x1024xbf16> to vector<3200x256xbf16>
    %slice3A_49 = vector.extract_strided_slice %convert_element_type3A_28 {offsets = [0, 0], sizes = [3200, 64], strides = [1, 1]} : vector<3200x128xbf16> to vector<3200x64xbf16>
    %dot_general3A_50 = arith.constant dense<0.000000e+00> : vector<3200x1024xf32>
    %dot_general3A_51 = tpu.matmul %slice3A_49, %convert_element_type3A_37, %dot_general3A_50 {dimension_numbers = #tpu.dot_dimension_numbers<[1], [0], [0], [1], [0, 0, 1, 1], [], []>, transpose_lhs_hint = false} : vector<3200x64xbf16>, vector<64x1024xbf16>, vector<3200x1024xf32> -> vector<3200x1024xf32>
    %convert_element_type3A_52 = arith.truncf %dot_general3A_51 : vector<3200x1024xf32> to vector<3200x1024xbf16>
    %slice3A_53 = vector.extract_strided_slice %convert_element_type3A_52 {offsets = [0, 0], sizes = [3200, 256], strides = [1, 1]} : vector<3200x1024xbf16> to vector<3200x256xbf16>
    %slice3A_54 = vector.extract_strided_slice %convert_element_type3A_52 {offsets = [0, 256], sizes = [3200, 256], strides = [1, 1]} : vector<3200x1024xbf16> to vector<3200x256xbf16>
    %slice3A_55 = vector.extract_strided_slice %convert_element_type3A_52 {offsets = [0, 512], sizes = [3200, 256], strides = [1, 1]} : vector<3200x1024xbf16> to vector<3200x256xbf16>
    %slice3A_56 = vector.extract_strided_slice %convert_element_type3A_52 {offsets = [0, 768], sizes = [3200, 256], strides = [1, 1]} : vector<3200x1024xbf16> to vector<3200x256xbf16>
    %mul3A = vector.broadcast %slice3A_42 : vector<3200x1xbf16> to vector<3200x256xbf16>
    %mul3A_57 = arith.mulf %slice3A_54, %mul3A : vector<3200x256xbf16>
    %mul3A_58 = vector.broadcast %slice3A_43 : vector<3200x1xbf16> to vector<3200x256xbf16>
    %mul3A_59 = arith.mulf %slice3A_55, %mul3A_58 : vector<3200x256xbf16>
    %add3A_60 = arith.addf %mul3A_57, %mul3A_59 : vector<3200x256xbf16>
    %mul3A_61 = vector.broadcast %slice3A_44 : vector<3200x1xbf16> to vector<3200x256xbf16>
    %mul3A_62 = arith.mulf %slice3A_56, %mul3A_61 : vector<3200x256xbf16>
    %add3A_63 = arith.addf %add3A_60, %mul3A_62 : vector<3200x256xbf16>
    %mul3A_64 = arith.mulf %slice3A_46, %slice3A_53 : vector<3200x256xbf16>
    %mul3A_65 = arith.mulf %slice3A_45, %slice3A_53 : vector<3200x256xbf16>
    %mul3A_66 = vector.broadcast %slice3A : vector<3200x1xbf16> to vector<3200x256xbf16>
    %mul3A_67 = arith.mulf %mul3A_65, %mul3A_66 : vector<3200x256xbf16>
    %mul3A_68 = arith.mulf %slice3A_48, %add3A_63 : vector<3200x256xbf16>
    %add3A_69 = arith.addf %mul3A_67, %mul3A_68 : vector<3200x256xbf16>
    %dot_general3A_70 = arith.constant dense<0.000000e+00> : vector<3200x16xf32>
    %dot_general3A_71 = tpu.matmul %add3A_69, %convert_element_type3A_41, %dot_general3A_70 {dimension_numbers = #tpu.dot_dimension_numbers<[1], [0], [0], [1], [0, 0, 1, 1], [], []>, transpose_lhs_hint = false} : vector<3200x256xbf16>, vector<256x16xbf16>, vector<3200x16xf32> -> vector<3200x16xf32>
    %mul3A_72 = vector.broadcast %slice3A_42 : vector<3200x1xbf16> to vector<3200x256xbf16>
    %mul3A_73 = arith.mulf %mul3A_64, %mul3A_72 : vector<3200x256xbf16>
    %mul3A_74 = arith.mulf %slice3A_47, %slice3A_54 : vector<3200x256xbf16>
    %mul3A_75 = vector.broadcast %slice3A : vector<3200x1xbf16> to vector<3200x256xbf16>
    %mul3A_76 = arith.mulf %mul3A_74, %mul3A_75 : vector<3200x256xbf16>
    %add3A_77 = arith.addf %mul3A_73, %mul3A_76 : vector<3200x256xbf16>
    %dot_general3A_78 = arith.constant dense<0.000000e+00> : vector<3200x16xf32>
    %dot_general3A_79 = tpu.matmul %add3A_77, %convert_element_type3A_41, %dot_general3A_78 {dimension_numbers = #tpu.dot_dimension_numbers<[1], [0], [0], [1], [0, 0, 1, 1], [], []>, transpose_lhs_hint = false} : vector<3200x256xbf16>, vector<256x16xbf16>, vector<3200x16xf32> -> vector<3200x16xf32>
    %mul3A_80 = vector.broadcast %slice3A_43 : vector<3200x1xbf16> to vector<3200x256xbf16>
    %mul3A_81 = arith.mulf %mul3A_64, %mul3A_80 : vector<3200x256xbf16>
    %mul3A_82 = arith.mulf %slice3A_47, %slice3A_55 : vector<3200x256xbf16>
    %mul3A_83 = vector.broadcast %slice3A : vector<3200x1xbf16> to vector<3200x256xbf16>
    %mul3A_84 = arith.mulf %mul3A_82, %mul3A_83 : vector<3200x256xbf16>
    %add3A_85 = arith.addf %mul3A_81, %mul3A_84 : vector<3200x256xbf16>
    %dot_general3A_86 = arith.constant dense<0.000000e+00> : vector<3200x16xf32>
    %dot_general3A_87 = tpu.matmul %add3A_85, %convert_element_type3A_41, %dot_general3A_86 {dimension_numbers = #tpu.dot_dimension_numbers<[1], [0], [0], [1], [0, 0, 1, 1], [], []>, transpose_lhs_hint = false} : vector<3200x256xbf16>, vector<256x16xbf16>, vector<3200x16xf32> -> vector<3200x16xf32>
    %mul3A_88 = vector.broadcast %slice3A_44 : vector<3200x1xbf16> to vector<3200x256xbf16>
    %mul3A_89 = arith.mulf %mul3A_64, %mul3A_88 : vector<3200x256xbf16>
    %mul3A_90 = arith.mulf %slice3A_47, %slice3A_56 : vector<3200x256xbf16>
    %mul3A_91 = vector.broadcast %slice3A : vector<3200x1xbf16> to vector<3200x256xbf16>
    %mul3A_92 = arith.mulf %mul3A_90, %mul3A_91 : vector<3200x256xbf16>
    %add3A_93 = arith.addf %mul3A_89, %mul3A_92 : vector<3200x256xbf16>
    %dot_general3A_94 = arith.constant dense<0.000000e+00> : vector<3200x16xf32>
    %dot_general3A_95 = tpu.matmul %add3A_93, %convert_element_type3A_41, %dot_general3A_94 {dimension_numbers = #tpu.dot_dimension_numbers<[1], [0], [0], [1], [0, 0, 1, 1], [], []>, transpose_lhs_hint = false} : vector<3200x256xbf16>, vector<256x16xbf16>, vector<3200x16xf32> -> vector<3200x16xf32>
    %broadcast_in_dim3A = arith.constant 0.000000e+00 : f32
    %broadcast_in_dim3A_96 = vector.broadcast %broadcast_in_dim3A : f32 to vector<3200x64xf32>
    %concatenate3A = tpu.concatenate %dot_general3A_71, %dot_general3A_79, %dot_general3A_87, %dot_general3A_95, %broadcast_in_dim3A_96 in 1 : vector<3200x16xf32>, vector<3200x16xf32>, vector<3200x16xf32>, vector<3200x16xf32>, vector<3200x64xf32> -> vector<3200x128xf32>
    %swap3A = arith.constant 0 : index
    %swap3A_97 = arith.constant 0 : index
    %swap3A_98 = vector.load %arg10[%swap3A, %swap3A_97] : memref<3200x128xf32, #tpu.memory_space<vmem>>, vector<3200x128xf32>
    tpu.vector_store %arg10[%swap3A, %swap3A_97], %concatenate3A {strides = array<i32>} : memref<3200x128xf32, #tpu.memory_space<vmem>>, vector<3200x128xf32>,
    return
  }
  func.func @transform_0(%arg0: i32) -> (i32, i32) {
    %c0_i32 = arith.constant 0 : i32
    %c0_i32_0 = arith.constant 0 : i32
    return %arg0, %c0_i32 : i32, i32
  }
  func.func @transform_1(%arg0: i32) -> (i32, i32) {
    %add3A = arith.constant 0 : i32
    %add3A_0 = arith.addi %arg0, %add3A : i32
    %c0_i32 = arith.constant 0 : i32
    %c0_i32_1 = arith.constant 0 : i32
    return %c0_i32, %add3A_0 : i32, i32
  }
  func.func @transform_2(%arg0: i32) -> (i32, i32) {
    %add3A = arith.constant 0 : i32
    %add3A_0 = arith.addi %arg0, %add3A : i32
    %c0_i32 = arith.constant 0 : i32
    %c0_i32_1 = arith.constant 0 : i32
    return %c0_i32, %add3A_0 : i32, i32
  }
  func.func @transform_3(%arg0: i32) -> (i32, i32) {
    %c0_i32 = arith.constant 0 : i32
    %c0_i32_0 = arith.constant 0 : i32
    %c0_i32_1 = arith.constant 0 : i32
    return %c0_i32, %c0_i32_0 : i32, i32
  }
  func.func @transform_4(%arg0: i32) -> (i32, i32) {
    %c0_i32 = arith.constant 0 : i32
    %c0_i32_0 = arith.constant 0 : i32
    %c0_i32_1 = arith.constant 0 : i32
    return %c0_i32, %c0_i32_0 : i32, i32
  }
  func.func @transform_5(%arg0: i32) -> (i32, i32) {
    %c0_i32 = arith.constant 0 : i32
    %c0_i32_0 = arith.constant 0 : i32
    %c0_i32_1 = arith.constant 0 : i32
    return %c0_i32, %c0_i32_0 : i32, i32
  }
  func.func @transform_6(%arg0: i32) -> (i32, i32) {
    %c0_i32 = arith.constant 0 : i32
    %c0_i32_0 = arith.constant 0 : i32
    %c0_i32_1 = arith.constant 0 : i32
    return %c0_i32, %c0_i32_0 : i32, i32
  }
  func.func @transform_7(%arg0: i32) -> (i32, i32) {
    %c0_i32 = arith.constant 0 : i32
    %c0_i32_0 = arith.constant 0 : i32
    %c0_i32_1 = arith.constant 0 : i32
    return %c0_i32, %c0_i32_0 : i32, i32
  }
  func.func @transform_8(%arg0: i32) -> (i32, i32) {
    %c0_i32 = arith.constant 0 : i32
    %c0_i32_0 = arith.constant 0 : i32
    %c0_i32_1 = arith.constant 0 : i32
    return %c0_i32, %c0_i32_0 : i32, i32
  }
  func.func @transform_9(%arg0: i32) -> (i32, i32) {
    %c0_i32 = arith.constant 0 : i32
    %c0_i32_0 = arith.constant 0 : i32
    return %arg0, %c0_i32 : i32, i32
  }
}

module attributes {stable_mosaic.version = 14 : i64} {
  func.func @body(%arg0: memref<2x10000x128xf32, #tpu.memory_space<vmem>>, %arg1: memref<2x10000x128xf32, #tpu.memory_space<vmem>>, %arg2: memref<128x64xf32, #tpu.memory_space<vmem>>, %arg3: memref<10000x64xf32, #tpu.memory_space<vmem>>) attributes {dimension_semantics = [], scalar_prefetch = 0 : i64, scratch_operands = 0 : i64, tpu.core_type = #tpu.core_type<tc>} {
    %get3A = arith.constant 0 : index
    %get3A_0 = arith.constant 0 : index
    %get3A_1 = arith.constant 0 : index
    %get3A_2 = vector.load %arg0[%get3A, %get3A_0, %get3A_1] : memref<2x10000x128xf32, #tpu.memory_space<vmem>>, vector<1x10000x128xf32>
    %get3A_3 = vector.shape_cast %get3A_2 : vector<1x10000x128xf32> to vector<10000x128xf32>
    %get3A_4 = arith.constant 1 : index
    %get3A_5 = arith.constant 0 : index
    %get3A_6 = arith.constant 0 : index
    %get3A_7 = vector.load %arg0[%get3A_4, %get3A_5, %get3A_6] : memref<2x10000x128xf32, #tpu.memory_space<vmem>>, vector<1x10000x128xf32>
    %get3A_8 = vector.shape_cast %get3A_7 : vector<1x10000x128xf32> to vector<10000x128xf32>
    %add3A = arith.addf %get3A_3, %get3A_8 : vector<10000x128xf32>
    %get3A_9 = arith.constant 0 : index
    %get3A_10 = arith.constant 0 : index
    %get3A_11 = arith.constant 0 : index
    %get3A_12 = vector.load %arg1[%get3A_9, %get3A_10, %get3A_11] : memref<2x10000x128xf32, #tpu.memory_space<vmem>>, vector<1x10000x128xf32>
    %get3A_13 = vector.shape_cast %get3A_12 : vector<1x10000x128xf32> to vector<10000x128xf32>
    %get3A_14 = arith.constant 1 : index
    %get3A_15 = arith.constant 0 : index
    %get3A_16 = arith.constant 0 : index
    %get3A_17 = vector.load %arg1[%get3A_14, %get3A_15, %get3A_16] : memref<2x10000x128xf32, #tpu.memory_space<vmem>>, vector<1x10000x128xf32>
    %get3A_18 = vector.shape_cast %get3A_17 : vector<1x10000x128xf32> to vector<10000x128xf32>
    %add3A_19 = arith.addf %get3A_13, %get3A_18 : vector<10000x128xf32>
    %add3A_20 = arith.addf %add3A, %add3A_19 : vector<10000x128xf32>
    %get3A_21 = arith.constant 0 : index
    %get3A_22 = arith.constant 0 : index
    %get3A_23 = vector.load %arg2[%get3A_21, %get3A_22] : memref<128x64xf32, #tpu.memory_space<vmem>>, vector<128x64xf32>
    %dot_general3A = arith.constant dense<0.000000e+00> : vector<10000x64xf32>
    %dot_general3A_24 = tpu.matmul %add3A_20, %get3A_23, %dot_general3A {dimension_numbers = #tpu.dot_dimension_numbers<[1], [0], [0], [1], [0, 0, 1, 1], [], []>, transpose_lhs_hint = false} : vector<10000x128xf32>, vector<128x64xf32>, vector<10000x64xf32> -> vector<10000x64xf32>
    %swap3A = arith.constant 0 : index
    %swap3A_25 = arith.constant 0 : index
    %swap3A_26 = vector.load %arg3[%swap3A, %swap3A_25] : memref<10000x64xf32, #tpu.memory_space<vmem>>, vector<10000x64xf32>
    tpu.vector_store %arg3[%swap3A, %swap3A_25], %dot_general3A_24 {strides = array<i32>} : memref<10000x64xf32, #tpu.memory_space<vmem>>, vector<10000x64xf32>,
    return
  }
}

</mosaic_0001>

<sc_bundles>
// kernel: kernel.12.cloned.1.call-start
scs
__scs_entry_jumppad:
0x0: {  	(pc) =	sbr.rel $0x88, $3  }
0x1: {  	(tag) =	ssettag $0x0;
	lr =	simm.s32 $0x1  }
0x2: {  	[smem:$0x3F99] =	sst lr;
	_ =	strace $0xD0000000  }
0x3: {  	_ = 	snop  }
0x4: {  	_ = 	snop  }
0x5: {  	_ = 	snop  }
0x6: {  	_ = 	snop  }
0x7: {  	_ = 	snop  }
__scs_overlays_trampoline_lowered:
0x8: {  	[smem:$0x3FA8] =	sst s0  }
0x9: {  	[smem:$0x3FA9] =	sst s1  }
0xa: {  	[smem:$0x3FAA] =	sst s2  }
0xb: {  	[smem:$0x3FAB] =	sst s3  }
0xc: {  	[smem:$0x3FAC] =	sst s4  }
0xd: {  	[smem:$0x3FAD] =	sst s5  }
0xe: {  	[smem:$0x3FAE] =	sst s6  }
0xf: {  	[smem:$0x3FAF] =	sst s7  }
0x10: {  	[smem:$0x3FB0] =	sst s8  }
0x11: {  	[smem:$0x3FB1] =	sst s9;
	s0 =	simm.s32 @!p0 $0x0  }
0x12: {  	s1 =	sld [smem:$0x3F97];
	s0 =	simm.s32 @p0 $0x1  }
0x13: {  	[smem:$0x3FB2] =	sst s0;
	s0 =	simm.s32 @!p1 $0x0  }
0x14: {  	s2 =	sld [smem:$0x3F96];
	s0 =	simm.s32 @p1 $0x1  }
0x15: {  	[smem:$0x3FB3] =	sst s0;
	s0 =	simm.s32 @!p2 $0x0  }
0x16: {  	s3 =	sld [smem:$0x3FDB];
	s0 =	simm.s32 @p2 $0x1  }
0x17: {  	s4 =	simm.s32 $0x1BF5;
	[smem:$0x3FB5] =	sst s0  }
0x18: {  	s0 =	sld [smem:$0x3F98];
	_ =	swait.ge [sflag:s4], $0x0  }
0x19: {  	s7 =	sld [smem:$0x3F99]  }
0x1a: {  	s8 =	sadd.s32 $0xFFFFE003, lr  }
0x1b: {  	s9 =	sadd.s32 $0xFFFFFEF7, lr;
	s5 =	simm.s32 $0xFFFFFFFF;
	p2 =	slt.u32 s8, $0xFFFFF086  }
0x1c: {  	p1 =	slt.u32 s9, $0xF7A;
	s5 =	simm.s32 @!p2 $0x0  }
0x1d: {  	s5 =	simm.s32 @p1 $0x1;
	p0 =	seq.s32 s7, s2  }
0x1e: {  	s7 =	smul.u32 @!p0 $0xF7A, s2;
	p2 =	seq.s32 @!p0 s5, $0x0  }
0x1f: {  	s9 =	smul.u32 $0xF7A, s1;
	s8 =	simm.s32 @!p0 $0x1BF5;
	p2 =	por !p2, p0  }
0x20: {  	[sflag:s8] =	ssyncset.s32 @!p0 $0xFFFFF086;
	s6 =	sadd.s32 @!p0 s3, s7;
	s7 =	simm.s32 @!p0 $0x108  }
0x21: {  	s3 =	sadd.s32 s3, s9;
	s6 =	sadd.s32 @!p0 $0x88, s6;
	s7 =	simm.s32 @p2 $0x1082  }
0x22: {  	[simem:s7], [sflag:s8] =	dma.local @!p0 [hbm:s6], $0xF7A  }
0x23: {  	s9 =	sor.u32 $0xD0000000, s2;
	s6 =	simm.s32 $0x108;
	_ =	swait.ge @!p0 [sflag:s8], $0x0  }
0x24: {  	s3 =	sadd.s32 $0x88, s3;
	s6 =	simm.s32 @!p1 $0x1082;
	[sflag:s4] =	ssyncset.s32 $0xFFFFF086  }
0x25: {  	[simem:s6], [sflag:s4] =	dma.local [hbm:s3], $0xF7A  }
0x26: {  	[smem:$0x3F99] =	sst s1;
	(tag) =	ssettag s2;
	_ =	strace s9  }
0x27: {  	s1 =	sld [smem:$0x3FA9]  }
0x28: {  	s2 =	sld [smem:$0x3FAA]  }
0x29: {  	s4 =	sld [smem:$0x3FAC]  }
0x2a: {  	p0 =	seq.s32 s5, $0x0;
	s5 =	sld [smem:$0x3FAD]  }
0x2b: {  	s6 =	sld [smem:$0x3FAE]  }
0x2c: {  	s7 =	sld [smem:$0x3FAF]  }
0x2d: {  	s3 =	simm.s32 $0x108;
	s8 =	sld [smem:$0x3FB0]  }
0x2e: {  	s3 =	simm.s32 @!p0 $0x1082;
	s9 =	sld [smem:$0x3FB1]  }
0x2f: {  	lr =	sadd.s32 s0, s3;
	s0 =	sld [smem:$0x3FA8]  }
0x30: {  	s3 =	sld [smem:$0x3FAB]  }
0x31: {  	[smem:$0x3FB4] =	sst s10  }
0x32: {  	s10 =	sld [smem:$0x3FB2];
	_ =	sdelay $0x3  }
0x33: {  	p0 =	seq.s32 s10, $0x1;
	s10 =	sld [smem:$0x3FB4];
	_ =	sdelay $0x3  }
0x34: {  	[smem:$0x3FB4] =	sst s10  }
0x35: {  	s10 =	sld [smem:$0x3FB3];
	_ =	sdelay $0x3  }
0x36: {  	p1 =	seq.s32 s10, $0x1;
	s10 =	sld [smem:$0x3FB4];
	_ =	sdelay $0x3  }
0x37: {  	[smem:$0x3FB4] =	sst s10  }
0x38: {  	s10 =	sld [smem:$0x3FB5]  }
0x39: {  	_ = 	snop;
	(pc) =	sbr.ind lr, $3  }
0x3a: {  	_ = 	snop  }
0x3b: {  	_ = 	snop  }
0x3c: {  	p2 =	seq.s32 s10, $0x1;
	s10 =	sld [smem:$0x3FB4]  }
0x3d: {  	_ =	shalt  }
0x3e: {  	_ =	shalt  }
0x3f: {  	_ =	shalt  }
0x40: {  	_ =	shalt  }
0x41: {  	_ =	shalt  }
0x42: {  	_ =	shalt  }
0x43: {  	_ =	shalt  }
0x44: {  	_ =	shalt  }
0x45: {  	_ =	shalt  }
0x46: {  	_ =	shalt  }
0x47: {  	_ =	shalt  }
0x48: {  	_ =	shalt  }
0x49: {  	_ =	shalt  }
0x4a: {  	_ =	shalt  }
0x4b: {  	_ =	shalt  }
0x4c: {  	_ =	shalt  }
0x4d: {  	_ =	shalt  }
0x4e: {  	_ =	shalt  }
0x4f: {  	_ =	shalt  }
0x50: {  	_ =	shalt  }
0x51: {  	_ =	shalt  }
0x52: {  	_ =	shalt  }
0x53: {  	_ =	shalt  }
0x54: {  	_ =	shalt  }
0x55: {  	_ =	shalt  }
0x56: {  	_ =	shalt  }
0x57: {  	_ =	shalt  }
0x58: {  	_ =	shalt  }
0x59: {  	_ =	shalt  }
0x5a: {  	_ =	shalt  }
0x5b: {  	_ =	shalt  }
0x5c: {  	_ =	shalt  }
0x5d: {  	_ =	shalt  }
0x5e: {  	_ =	shalt  }
0x5f: {  	_ =	shalt  }
0x60: {  	_ =	shalt  }
0x61: {  	_ =	shalt  }
0x62: {  	_ =	shalt  }
0x63: {  	_ =	shalt  }
0x64: {  	_ =	shalt  }
0x65: {  	_ =	shalt  }
0x66: {  	_ =	shalt  }
0x67: {  	_ =	shalt  }
0x68: {  	_ =	shalt  }
0x69: {  	_ =	shalt  }
0x6a: {  	_ =	shalt  }
0x6b: {  	_ =	shalt  }
0x6c: {  	_ =	shalt  }
0x6d: {  	_ =	shalt  }
0x6e: {  	_ =	shalt  }
0x6f: {  	_ =	shalt  }
0x70: {  	_ =	shalt  }
0x71: {  	_ =	shalt  }
0x72: {  	_ =	shalt  }
0x73: {  	_ =	shalt  }
0x74: {  	_ =	shalt  }
0x75: {  	_ =	shalt  }
0x76: {  	_ =	shalt  }
0x77: {  	_ =	shalt  }
0x78: {  	_ =	shalt  }
0x79: {  	_ =	shalt  }
0x7a: {  	_ =	shalt  }
0x7b: {  	_ =	shalt  }
0x7c: {  	_ =	shalt  }
0x7d: {  	_ =	shalt  }
0x7e: {  	_ =	shalt  }
0x7f: {  	_ =	shalt  }
0x80: {  	_ =	shalt  }
0x81: {  	_ =	shalt  }
0x82: {  	_ =	shalt  }
0x83: {  	_ =	shalt  }
0x84: {  	_ =	shalt  }
0x85: {  	_ =	shalt  }
0x86: {  	_ =	shalt  }
0x87: {  	_ =	shalt  }
.Lfunc_end0:
.L_simem_size_0:
called_computation.1_lowered:
.L_overlay_start_0:
0x88: {  	s2 =	sld [smem:$0x3FD9]  }
0x89: {  	s3 =	sld [smem:$0x3FFE];
	_ =	sdelay $0x1  }
0x8a: {  	s1 =	srdreg.scid  }
0x8b: {  	s0 =	sand.u32 $0x1, s1  }
0x8c: {  	s16 =	sshll.u32 s0, $0xA;
	s2 =	sadd.s32 s3, s2  }
0x8d: {  	s2 =	sadd.s32 s2, s16  }
0x8e: {  	[smem:$0x3FC0] =	sst s2  }
0x8f: {  	_ = 	snop  }
0x90: {  	(tm) =	ssettm $0x1  }
0x91: {  	s17 =	sld [smem:$0x3FFB];
	_ =	sdelay $0x3  }
0x92: {  	_ =	strace s17  }
0x93: {  	s2 =	sld [smem:$0x3FFC];
	_ =	sdelay $0x3  }
0x94: {  	_ =	strace s2  }
0x95: {  	s2 =	sld [smem:$0x3FFD];
	_ =	sdelay $0x3  }
0x96: {  	_ =	strace s2  }
0x97: {  	_ =	strace $0x8FFFFFFF  }
0x98: {  	s18 =	sld [smem:$0x3FDB];
	_ =	sdelay $0x1  }
0x99: {  	s19 =	simm.s32 $_scs_section_size  }
0x9a: {  	s4 =	simm.s32 $_size__tile_overlayer_lowered;
	s5 =	simm.s32 $_tile_overlayer_lowered  }
0x9b: {  	s22 =	simm.s32 $0x1BFF;
	s21 =	sshll.u32 s5, $0x1;
	s2 =	sadd.s32 s19, s18  }
0x9c: {  	s6 =	simm.s32 $0x0;
	s20 =	sshll.u32 s4, $0x1;
	s4 =	sadd.s32 s21, s2  }
0x9d: {  	[timem:s6], [sflag:s22] =	dma.local [hbm:s4], s20  }
0x9e: {  	_ =	swait.ge [sflag:s22], s20  }
0x9f: {  	s3 =	ssub.s32 $0x0, s20;
	[sflag:s22] =	ssyncset.done $0x0  }
0xa0: {  	[sflag:s22] =	ssyncadd.s32 s3;
	_ =	sdelay $0x1  }
0xa1: {  	s23 =	simm.s32 $0x1B8B  }
0xa2: {  	_ =	swait.ge [sflag:s23], $0x1  }
0xa3: {  	[sflag:s23] =	ssyncset.done $0x0  }
0xa4: {  	s25 =	simm.s32 $0x1B8E;
	s24 =	sld [smem:$0x3FFE];
	[sflag:s23] =	ssyncadd.s32 $0xFFFFFFFF  }
0xa5: {  	s26 =	simm.s32 $execute0_lowered;
	[smem:$0x3FD2] =	sst s25  }
0xa6: {  	s4 =	sshll.u32 s26, $0x1;
	_ =	strace $0x80000046;
	[dreg:$0x1] =	wrdreg $0xFFFFFFFF  }
0xa7: {  	s28 =	simm.s32 $_size_execute0_lowered;
	s2 =	sadd.s32 s2, s4;
	[dreg:$0x0] =	wrdreg $0x0  }
0xa8: {  	s4 =	sshll.u32 s28, $0x1;
	[dreg:$0x2] =	wrdreg s2  }
0xa9: {  	[dreg:$0x3] =	wrdreg s4  }
0xaa: {  	[dreg:$0x4] =	wrdreg $0xC0  }
0xab: {  	_ =	task [dreg:s6], $0x5FFFF  }
0xac: {  	[dreg:$0x1] =	wrdreg $0xFFFFFFFF  }
0xad: {  	[dreg:$0x0] =	wrdreg $0x60  }
0xae: {  	[dreg:$0x2] =	wrdreg s24  }
0xaf: {  	[dreg:$0x3] =	wrdreg $0xA  }
0xb0: {  	_ =	task.clear_ibuf [dreg:s6], $0x4FFFF;
	_ =	strace $0x90000046  }
0xb1: {  	s29 =	simm.s32 $0xA;
	_ =	strace $0x8000004F  }
0xb2: {  	_ =	swait.ge [sflag:s29], $0x1  }
0xb3: {  	[sflag:s29] =	ssyncadd.s32 $0xFFFFFFFF  }
0xb4: {  	_ =	strace $0x9000004F  }
0xb5: {  	_ =	sfence  }
0xb6: {  	s30 =	sld [smem:$0x0];
	_ =	sdelay $0x2  }
0xb7: {  	s31 =	sshll.u32 s1, $0xD;
	s1 =	sshrl.u32 s1, $0x2  }
0xb8: {  	s3 =	sand.u32 $0x4000, s31;
	s1 =	sadd.s32 s1, s30  }
0xb9: {  	s0 =	sor.u32 s3, s0;
	s1 =	sshll.u32 s1, $0x11  }
0xba: {  	s0 =	sor.u32 s1, s0  }
0xbb: {  	s0 =	sadd.s32 $0x8F2B, s0  }
0xbc: {  	[sflag:s0] =	ssyncadd.remote.s32 $0x1  }
0xbd: {  	_ =	sfence.sel $0xFFFF  }
0xbe: {  	[dreg:$0x0] =	wrdreg $0xFFFFFFFF;
	(pc) =	sbr.abs _section_cstart, $3  }
0xbf: {  	[dreg:$0x1] =	wrdreg $0xFFFFFFFF  }
0xc0: {  	_ =	task.clear_ibuf [dreg:s6], $0x2FFFF;
	_ =	strace $0x9FFFFFFF  }
0xc1: {  	(tm) =	ssettm $0x7FFFFFFF  }
tec
execute0_lowered:
.L_overlay_start_1:
0x0: {  	(tag) =	ssettag $0x1  }
0x1: {  	s4 =	rddreg [dreg:$0x0];
	s1 =	srdreg.scid  }
0x2: {  	s0 =	rddreg [dreg:$0x1];
	s2 =	simm.s32 $0x0;
	s9 =	simm.s32 $0x1  }
0x3: {  	s10 =	simm.s32 $0x80;
	s11 =	simm.s32 $0x0;
	s5 =	sand.u32 $0x1, s1  }
0x4: {  	s1 =	stileid.u32;
	[smem:$0x7FF] =	sst s2;
	s3 =	sshll.u32 s5, $0x4  }
0x5: {  	s6 =	sadd.s32 $0x5600, s4;
	s8 =	sadd.s32 $0x2C800, s4;
	s3 =	sor.u32 s1, s3  }
0x6: {  	_ =	strace $0x80000047;
	[dreg:$0x2] =	wrdreg s6;
	s7 =	smul.u32 $0x13, s3  }
0x7: {  	s4 =	sadd.s32 $0x2E00, s4;
	[dreg:$0x4] =	wrdreg s8;
	s6 =	smul.u32 $0x14, s3  }
0x8: {  	s29 =	ssub.s32 $0x2, s5;
	p0 =	slt.u32 s3, $0x11;
	s3 =	sadd.s32 $0x11, s7  }
0x9: {  	s5 =	simm.s32 $0x14;
	[dreg:$0x3] =	wrdreg s10;
	s3 =	smov.u32 @p0 s6  }
0xa: {  	s10 =	simm.s32 $0x5;
	s31 =	sshrl.u32 s29, $0x1;
	s30 =	sshll.u32 s3, $0x4  }
0xb: {  	s8 =	ssub.s32 s29, s31;
	s5 =	simm.s32 @!p0 $0x13;
	s7 =	sand.u32 $0x1FFFFFF0, s30  }
0xc: {  	s8 =	smax.u32 s8, $0x1;
	s6 =	sadd.s32 s4, s7;
	s7 =	sadd.s32 $0xFFFFFFFF, s5  }
.LBB2_1:
0xd: {  	_ =	strace $0x80000048;
	p2 =	sne.s32 s5, $0x1  }
.Ltmp0:
0xe: {  	p0 =	seq.s32 s5, $0x1;
	s13 =	simm.s32 $0x1;
	(pc) =	sbr.rel @!p2 .LBB2_2-.Ltmp0, $4  }
0xf: {  	[tilespmem:s2], [sflag:$0x1] =	stream.linear.gather [hbm4b:s6+s2], $0x80, $0x200038;
	[tilespmem:$0x8100] =	vst v63  }
0x10: {  	s12 =	simm.s32 $0x1;
	p1 =	por $0x1, $0x1;
	s13 =	simm.s32 @p0 $0x0  }
0x11: {  	p6 =	sgt.u32 s7, $0x0;
	p4 =	por p1, p1;
	p3 =	sne.s32 s13, $0x0  }
0x12: {  	_ =	strace $0x90000048;
	p5 =	por !p6, !p3;
	p6 =	por $0x0, $0x0  }
0x13: {  	p2 =	por !p5, !p5  }
0x14: {  	s21 =	sand.u32 $0x1, s2;
	s19 =	simm.s32 $0x2;
	s14 =	sadd.s32 @p2 s3, s13  }
0x15: {  	p1 =	por p3, p3;
	s15 =	sand.u32 @p2 $0x1, s9;
	s14 =	sshll.u32 @p2 s14, $0x4  }
0x16: {  	_ =	strace @p2 $0x80000049;
	s17 =	simm.s32 @p2 $0x0;
	s14 =	sand.u32 @p2 $0x1FFFFFF0, s14  }
0x17: {  	s16 =	sshll.u32 @p2 s15, $0x7;
	s15 =	sadd.s32 @p2 $0x1, s15;
	s14 =	sadd.s32 @p2 s4, s14  }
0x18: {  	[tilespmem:s16], [sflag:s15] =	stream.linear.gather @p2 [hbm4b:s14+s17], $0x80, $0x200038;
	[tilespmem:$0x8100] =	vst v63  }
0x19: {  	s30 =	simm.s32 $0x0;
	p6 =	por $0x0, $0x0;
	_ =	strace @p2 $0x90000049  }
0x1a: {  	p0 =	sne.s32 s5, $0x2;
	s29 =	sadd.s32 $0x1, s21;
	_ =	strace $0x8000004A  }
0x1b: {  	s24 =	sadd.s32 $0x0, s3;
	p5 =	sgt.u32 s7, $0x1;
	_ =	swait.ge [sflag:s29], $0x80  }
0x1c: {  	s23 =	simm.s32 $0x1;
	s22 =	sshll.u32 s21, $0xE;
	[sflag:s29] =	ssyncset.done $0x0  }
0x1d: {  	s22 =	sor.u32 $0x100, s22;
	s16 =	sand.u32 @!p4 $0x1, s2;
	[sflag:s29] =	ssyncadd.s32 $0xFFFFFF80  }
0x1e: {  	s15 =	simm.s32 $0x1;
	s17 =	sadd.s32 $0x1, s13;
	_ =	strace $0x9000004A  }
0x1f: {  	s14 =	sand.u32 $0x80, s30;
	s15 =	simm.s32 @!p2 $0x0;
	_ =	strace $0x8000004B  }
0x20: {  	p2 =	por p4, p4;
	p4 =	por p6, p6;
	s20 =	rddreg [dreg:$0x3]  }
0x21: {  	p3 =	seq.s32 s17, s5;
	p6 =	seq.s32 s7, $0x0;
	s31 =	rddreg [dreg:$0x2]  }
0x22: {  	[tilespmem:s22], [sflag:$0x5] =	stream.indirect.gather [hbm4b:s31+s20], $0x80, s14, s20, $0x2000b8;
	[tilespmem:$0x8100] =	vst v63  }
.Ltmp1:
0x23: {  	s18 =	sadd.s32 $0x1, s15;
	s17 =	simm.s32 @p3 $0x0;
	(pc) =	sbr.rel @!p0 .LBB2_4-.Ltmp1, $4  }
0x24: {  	p1 =	por p6, p1;
	p6 =	por $0x0, $0x0;
	_ =	swait.ge [sflag:s10], $0x4000  }
0x25: {  	s15 =	simm.s32 $0x0;
	p3 =	sne.s32 s13, s17;
	[sflag:s10] =	ssyncset.done $0x0  }
0x26: {  	s23 =	simm.s32 @!p6 $0x0;
	p5 =	por !p5, !p3;
	[sflag:s10] =	ssyncadd.s32 $0xFFFFC000  }
0x27: {  	s14 =	simm.s32 $0x0;
	s20 =	simm.s32 $0x0;
	_ =	strace $0x9000004B  }
.LBB2_5:
0x28: {  	_ =	strace @p1 $0x8000004C;
	s14 =	sadd.s32 s23, s14;
	s23 =	smov.u32 s12  }
0x29: {  	s12 =	smov.u32 s19;
	s19 =	sadd.s32 $0x1, s19;
	p0 =	por p3, p3  }
0x2a: {  	s29 =	sshll.u32 @p1 s24, $0xB;
	s21 =	sadd.s32 @p1 $0x3, s21;
	s25 =	simm.s32 @!p0 $0x0  }
0x2b: {  	s26 =	rddreg [dreg:$0x4];
	s29 =	sand.u32 @p1 $0x1FFFF800, s29;
	s25 =	simm.s32 @p0 $0x1  }
0x2c: {  	s26 =	sadd.s32 @p1 s26, s29;
	s29 =	simm.s32 @p1 $0x0;
	p0 =	sne.s32 s5, s19  }
0x2d: {  	[hbm4b:s26+s29] =	stream.linear.scatter @p1 [tilespmem:s22], [sflag:s21], $0x4000, $0x200038;
	[tilespmem:$0x8100] =	vst v63  }
0x2e: {  	s21 =	sadd.s32 @!p2 $0x3, s16;
	s16 =	simm.s32 @!p0 $0x0  }
0x2f: {  	s28 =	simm.s32 $0x1;
	[smem:$0x7FC] =	sst s25;
	s16 =	simm.s32 @p0 $0x1  }
0x30: {  	s28 =	simm.s32 @!p1 $0x0;
	_ =	strace @p1 $0x9000004C;
	[smem:$0x7FD] =	sst s16  }
0x31: {  	s20 =	sadd.s32 s28, s20;
	s25 =	sand.u32 @!p4 $0x1, s14;
	_ =	strace @!p2 $0x8000004D  }
0x32: {  	p1 =	por !p5, !p5;
	s16 =	smov.u32 s25;
	_ =	swait.ge @!p2 [sflag:s21], $0x4000  }
0x33: {  	s22 =	sand.u32 @p1 $0x1, s18;
	s25 =	sadd.s32 @p1 s3, s17;
	[sflag:s21] =	ssyncset.done @!p2 $0x0  }
0x34: {  	s26 =	sshll.u32 @p1 s22, $0x7;
	s25 =	sshll.u32 @p1 s25, $0x4;
	[sflag:s21] =	ssyncadd.s32 @!p2 $0xFFFFC000  }
0x35: {  	s21 =	sadd.s32 @p1 $0x1, s22;
	s22 =	sand.u32 @p1 $0x1FFFFFF0, s25;
	_ =	strace @!p2 $0x9000004D  }
0x36: {  	s25 =	simm.s32 @p1 $0x0;
	s22 =	sadd.s32 @p1 s4, s22;
	_ =	strace @p1 $0x80000049  }
0x37: {  	[tilespmem:s26], [sflag:s21] =	stream.linear.gather @p1 [hbm4b:s22+s25], $0x80, $0x200038;
	[tilespmem:$0x8100] =	vst v63  }
0x38: {  	s15 =	sadd.s32 s28, s15;
	s28 =	sand.u32 $0x1, s20;
	_ =	strace @p1 $0x90000049  }
0x39: {  	s28 =	sadd.s32 $0x1, s28;
	_ =	strace $0x8000004A  }
0x3a: {  	_ =	swait.ge [sflag:s28], $0x80  }
0x3b: {  	[sflag:s28] =	ssyncset.done $0x0  }
0x3c: {  	s21 =	simm.s32 $0x1;
	[sflag:s28] =	ssyncadd.s32 $0xFFFFFF80  }
0x3d: {  	s21 =	simm.s32 @!p1 $0x0;
	_ =	strace $0x9000004A  }
0x3e: {  	s18 =	sadd.s32 s21, s18;
	s21 =	sand.u32 $0x1, s15;
	_ =	strace $0x8000004B  }
0x3f: {  	s31 =	sshll.u32 s20, $0x7;
	s29 =	sshll.u32 s21, $0xE;
	s25 =	rddreg [dreg:$0x3]  }
0x40: {  	s31 =	sand.u32 $0x80, s31;
	s22 =	sor.u32 $0x100, s29;
	s26 =	rddreg [dreg:$0x2]  }
0x41: {  	[tilespmem:s22], [sflag:$0x5] =	stream.indirect.gather [hbm4b:s26+s25], $0x80, s31, s25, $0x2000b8;
	[tilespmem:$0x8100] =	vst v63  }
0x42: {  	_ =	swait.ge [sflag:s10], $0x4000  }
0x43: {  	[sflag:s10] =	ssyncset.done $0x0  }
0x44: {  	[sflag:s10] =	ssyncadd.s32 $0xFFFFC000  }
0x45: {  	s30 =	sadd.s32 $0x1, s17;
	_ =	strace $0x9000004B  }
0x46: {  	s24 =	sadd.s32 s3, s13;
	s13 =	smov.u32 s17;
	s31 =	sld [smem:$0x7FD]  }
0x47: {  	p0 =	sne.s32 s23, $0x0;
	s17 =	smov.u32 s30;
	p1 =	seq.s32 s30, s5  }
0x48: {  	s17 =	simm.s32 @p1 $0x0;
	p1 =	seq.s32 s7, s23;
	s23 =	simm.s32 $0x1  }
0x49: {  	s23 =	simm.s32 @!p0 $0x0;
	p0 =	seq.s32 s31, $0x1  }
.Ltmp2:
0x4a: {  	s30 =	sld [smem:$0x7FC];
	(pc) =	sbr.rel @p0 .LBB2_5-.Ltmp2, $4  }
0x4b: {  	p3 =	seq.s32 s12, $0x0  }
0x4c: {  	p6 =	por p3, p3;
	p5 =	slt.u32 s12, s7  }
0x4d: {  	p2 =	por p4, p4;
	p3 =	sne.s32 s13, s17;
	p4 =	seq.s32 s30, $0x1  }
0x4e: {  	p5 =	por !p5, !p3;
	p1 =	por p1, p4;
	p4 =	por p6, p6  }
0x4f: {  	p6 =	por $0x1, $0x1  }
.LBB2_7:
0x50: {  	p0 =	por !p1, !p6  }
0x51: {  	s25 =	simm.s32 $0x1;
	_ =	strace @!p0 $0x8000004C;
	s24 =	sshll.u32 @!p0 s24, $0xB  }
0x52: {  	p2 =	por p2, !p6;
	s19 =	rddreg [dreg:$0x4];
	s24 =	sand.u32 @!p0 $0x1FFFF800, s24  }
0x53: {  	s21 =	sadd.s32 @!p0 $0x3, s21;
	s19 =	sadd.s32 @!p0 s19, s24;
	s24 =	simm.s32 @!p0 $0x0  }
0x54: {  	[hbm4b:s19+s24] =	stream.linear.scatter @!p0 [tilespmem:s22], [sflag:s21], $0x4000, $0x200038;
	[tilespmem:$0x8100] =	vst v63  }
0x55: {  	p1 =	por !p5, !p5;
	s25 =	simm.s32 @p0 $0x0;
	_ =	strace @!p0 $0x9000004C  }
0x56: {  	s16 =	sadd.s32 @!p2 $0x3, s16;
	s17 =	sadd.s32 @p1 s3, s17;
	_ =	strace @!p2 $0x8000004D  }
0x57: {  	s18 =	sand.u32 @p1 $0x1, s18;
	s17 =	sshll.u32 @p1 s17, $0x4;
	_ =	swait.ge @!p2 [sflag:s16], $0x4000  }
0x58: {  	s17 =	sand.u32 @p1 $0x1FFFFFF0, s17;
	s19 =	sadd.s32 @p6 s25, s20;
	[sflag:s16] =	ssyncset.done @!p2 $0x0  }
0x59: {  	s20 =	simm.s32 $0x0;
	s17 =	sadd.s32 @p1 s4, s17;
	[sflag:s16] =	ssyncadd.s32 @!p2 $0xFFFFC000  }
0x5a: {  	s20 =	smov.u32 @p6 s19;
	s19 =	sshll.u32 @p1 s18, $0x7;
	_ =	strace @!p2 $0x9000004D  }
0x5b: {  	s16 =	sadd.s32 @p1 $0x1, s18;
	s18 =	simm.s32 @p1 $0x0;
	_ =	strace @p1 $0x80000049  }
0x5c: {  	[tilespmem:s19], [sflag:s16] =	stream.linear.gather @p1 [hbm4b:s17+s18], $0x80, $0x200038;
	[tilespmem:$0x8100] =	vst v63  }
0x5d: {  	s26 =	sand.u32 $0x1, s20;
	_ =	strace @p1 $0x90000049  }
0x5e: {  	s16 =	sadd.s32 $0x1, s26;
	_ =	strace $0x8000004A  }
0x5f: {  	_ =	swait.ge [sflag:s16], $0x80  }
0x60: {  	[sflag:s16] =	ssyncset.done $0x0  }
0x61: {  	s15 =	sadd.s32 @p6 s25, s15;
	[sflag:s16] =	ssyncadd.s32 $0xFFFFFF80;
	s16 =	simm.s32 $0x0  }
0x62: {  	_ =	strace $0x9000004A;
	s16 =	smov.u32 @p6 s15  }
0x63: {  	_ =	strace $0x8000004B;
	s16 =	sand.u32 $0x1, s16  }
0x64: {  	s30 =	sshll.u32 s20, $0x7;
	s28 =	rddreg [dreg:$0x3];
	s31 =	sshll.u32 s16, $0xE  }
0x65: {  	s18 =	sand.u32 $0x80, s30;
	s29 =	rddreg [dreg:$0x2];
	s19 =	sor.u32 $0x100, s31  }
0x66: {  	[tilespmem:s19], [sflag:$0x5] =	stream.indirect.gather [hbm4b:s29+s28], $0x80, s18, s28, $0x2000b8;
	[tilespmem:$0x8100] =	vst v63  }
0x67: {  	_ =	swait.ge [sflag:s10], $0x4000  }
0x68: {  	p3 =	por p3, p3;
	[sflag:s10] =	ssyncset.done $0x0  }
0x69: {  	p5 =	seq.s32 s7, s12;
	s13 =	sadd.s32 s3, s13;
	[sflag:s10] =	ssyncadd.s32 $0xFFFFC000  }
0x6a: {  	s14 =	sadd.s32 @p6 s23, s14;
	p1 =	por p5, p3;
	_ =	strace $0x9000004B  }
0x6b: {  	s17 =	simm.s32 $0x0;
	s13 =	sshll.u32 @p1 s13, $0xB;
	_ =	strace @p1 $0x8000004C  }
0x6c: {  	s17 =	smov.u32 @p6 s14;
	s13 =	sand.u32 @p1 $0x1FFFF800, s13;
	s15 =	rddreg [dreg:$0x4]  }
0x6d: {  	s14 =	sadd.s32 @p1 $0x3, s16;
	s13 =	sadd.s32 @p1 s15, s13;
	s15 =	simm.s32 @p1 $0x0  }
0x6e: {  	[hbm4b:s13+s15] =	stream.linear.scatter @p1 [tilespmem:s19], [sflag:s14], $0x4000, $0x200038;
	[tilespmem:$0x8100] =	vst v63  }
0x6f: {  	p0 =	por p4, p4;
	s13 =	sand.u32 @!p4 $0x1, s17;
	_ =	strace @p1 $0x9000004C  }
0x70: {  	s13 =	sadd.s32 @!p0 $0x3, s13;
	_ =	strace @!p0 $0x8000004D  }
0x71: {  	p1 =	sne.s32 s12, $0x0;
	s12 =	simm.s32 $0x1;
	_ =	swait.ge @!p0 [sflag:s13], $0x4000  }
0x72: {  	s12 =	simm.s32 @!p1 $0x0;
	[sflag:s13] =	ssyncset.done @!p0 $0x0  }
0x73: {  	s11 =	sadd.s32 $0x1, s11;
	s12 =	sadd.s32 s12, s17;
	[sflag:s13] =	ssyncadd.s32 @!p0 $0xFFFFC000  }
0x74: {  	s12 =	sand.u32 $0x1, s12;
	_ =	strace @!p0 $0x9000004D;
	p0 =	sne.s32 s11, s8  }
.Ltmp3:
0x75: {  	s12 =	sadd.s32 $0x3, s12;
	_ =	strace $0x8000004E;
	(pc) =	sbr.rel @p0 .LBB2_1-.Ltmp3, $4  }
.Ltmp4:
0x76: {  	_ =	swait.ge [sflag:s12], $0x4000;
	(pc) =	sbr.rel @!p0 .LBB2_8-.Ltmp4, $4  }
0x77: {  	[sflag:s12] =	ssyncset.done $0x0  }
0x78: {  	[sflag:s12] =	ssyncadd.s32 $0xFFFFC000  }
0x79: {  	_ =	strace $0x9000004E  }
0x7a: {  	_ = 	snop  }
.LBB2_2:
.Ltmp5:
0x7b: {  	(pc) =	sbr.rel .LBB2_7-.Ltmp5, $4  }
0x7c: {  	_ = 	snop  }
0x7d: {  	s14 =	simm.s32 $0x0  }
0x7e: {  	s12 =	simm.s32 $0x0;
	s15 =	simm.s32 $0x0;
	s17 =	smov.u32 s13  }
0x7f: {  	s20 =	simm.s32 $0x0;
	s18 =	simm.s32 $0x1;
	s13 =	simm.s32 $0x0  }
.LBB2_4:
.Ltmp6:
0x80: {  	(pc) =	sbr.rel .LBB2_7-.Ltmp6, $3  }
0x81: {  	_ =	sdelay $0x1  }
0x82: {  	s14 =	simm.s32 $0x0  }
0x83: {  	s15 =	simm.s32 $0x0;
	s20 =	simm.s32 $0x0;
	p6 =	por $0x1, $0x1  }
.LBB2_8:
0x84: {  	_ =	sfence.sel $0x180000  }
0x85: {  	[bflag:$0x0] =	sbarrier.arrive $0xFFFF  }
0x86: {  	p0 =	sne.s32 s1, $0x0;
	_ =	strace $0x90000047  }
0x87: {  	s0 =	sadd.s32 @!p0 $0x100000, s0;
	[bflag:$0x2] =	sbarrier.arrive $0xFFFF  }
0x88: {  	[sflag:s0] =	ssyncadd.tile.s32 @!p0 $0x1;
	_ =	shalt  }
.Lfunc_end2:
_tile_overlayer_lowered:
.L_overlay_start_2:
0x89: {  	(tag) =	ssettag $0x2  }
0x8a: {  	s0 =	rddreg [dreg:$0x0];
	s2 =	stileid.u32  }
0x8b: {  	s1 =	rddreg [dreg:$0x1];
	p0 =	sne.s32 s2, $0x0  }
0x8c: {  	s3 =	rddreg [dreg:$0x2];
	[bflag:$0x3] =	sbarrier.arrive $0xFFFF;
	s2 =	simm.s32 @!p0 $0x1C01  }
0x8d: {  	[timem:s3], [sflag:s2] =	dma.local @!p0 [hbm:s0], s1  }
0x8e: {  	s0 =	simm.s32 @!p0 $0x1  }
0x8f: {  	_ =	swait.ge @!p0 [sflag:s0], s1  }
0x90: {  	s1 =	ssub.s32 @!p0 $0x0, s1;
	[sflag:s0] =	ssyncset.done @!p0 $0x0  }
0x91: {  	[sflag:s0] =	ssyncadd.s32 @!p0 s1  }
0x92: {  	[bflag:$0x3] =	sbarrier.arrive $0xFFFF  }
0x93: {  	_ =	shalt  }

// kernel: kernel.15.cloned.1.call-start
scs
__scs_entry_jumppad:
0x0: {  	(pc) =	sbr.rel $0x88, $3  }
0x1: {  	(tag) =	ssettag $0x0;
	lr =	simm.s32 $0x1  }
0x2: {  	[smem:$0x3F99] =	sst lr;
	_ =	strace $0xD0000000  }
0x3: {  	_ = 	snop  }
0x4: {  	_ = 	snop  }
0x5: {  	_ = 	snop  }
0x6: {  	_ = 	snop  }
0x7: {  	_ = 	snop  }
__scs_overlays_trampoline_lowered:
0x8: {  	[smem:$0x3FA8] =	sst s0  }
0x9: {  	[smem:$0x3FA9] =	sst s1  }
0xa: {  	[smem:$0x3FAA] =	sst s2  }
0xb: {  	[smem:$0x3FAB] =	sst s3  }
0xc: {  	[smem:$0x3FAC] =	sst s4  }
0xd: {  	[smem:$0x3FAD] =	sst s5  }
0xe: {  	[smem:$0x3FAE] =	sst s6  }
0xf: {  	[smem:$0x3FAF] =	sst s7  }
0x10: {  	[smem:$0x3FB0] =	sst s8  }
0x11: {  	[smem:$0x3FB1] =	sst s9;
	s0 =	simm.s32 @!p0 $0x0  }
0x12: {  	s1 =	sld [smem:$0x3F97];
	s0 =	simm.s32 @p0 $0x1  }
0x13: {  	[smem:$0x3FB2] =	sst s0;
	s0 =	simm.s32 @!p1 $0x0  }
0x14: {  	s2 =	sld [smem:$0x3F96];
	s0 =	simm.s32 @p1 $0x1  }
0x15: {  	[smem:$0x3FB3] =	sst s0;
	s0 =	simm.s32 @!p2 $0x0  }
0x16: {  	s3 =	sld [smem:$0x3FDB];
	s0 =	simm.s32 @p2 $0x1  }
0x17: {  	s4 =	simm.s32 $0x1BF5;
	[smem:$0x3FB5] =	sst s0  }
0x18: {  	s0 =	sld [smem:$0x3F98];
	_ =	swait.ge [sflag:s4], $0x0  }
0x19: {  	s7 =	sld [smem:$0x3F99]  }
0x1a: {  	s8 =	sadd.s32 $0xFFFFE003, lr  }
0x1b: {  	s9 =	sadd.s32 $0xFFFFFEF7, lr;
	s5 =	simm.s32 $0xFFFFFFFF;
	p2 =	slt.u32 s8, $0xFFFFF086  }
0x1c: {  	p1 =	slt.u32 s9, $0xF7A;
	s5 =	simm.s32 @!p2 $0x0  }
0x1d: {  	s5 =	simm.s32 @p1 $0x1;
	p0 =	seq.s32 s7, s2  }
0x1e: {  	s7 =	smul.u32 @!p0 $0xF7A, s2;
	p2 =	seq.s32 @!p0 s5, $0x0  }
0x1f: {  	s9 =	smul.u32 $0xF7A, s1;
	s8 =	simm.s32 @!p0 $0x1BF5;
	p2 =	por !p2, p0  }
0x20: {  	[sflag:s8] =	ssyncset.s32 @!p0 $0xFFFFF086;
	s6 =	sadd.s32 @!p0 s3, s7;
	s7 =	simm.s32 @!p0 $0x108  }
0x21: {  	s3 =	sadd.s32 s3, s9;
	s6 =	sadd.s32 @!p0 $0x88, s6;
	s7 =	simm.s32 @p2 $0x1082  }
0x22: {  	[simem:s7], [sflag:s8] =	dma.local @!p0 [hbm:s6], $0xF7A  }
0x23: {  	s9 =	sor.u32 $0xD0000000, s2;
	s6 =	simm.s32 $0x108;
	_ =	swait.ge @!p0 [sflag:s8], $0x0  }
0x24: {  	s3 =	sadd.s32 $0x88, s3;
	s6 =	simm.s32 @!p1 $0x1082;
	[sflag:s4] =	ssyncset.s32 $0xFFFFF086  }
0x25: {  	[simem:s6], [sflag:s4] =	dma.local [hbm:s3], $0xF7A  }
0x26: {  	[smem:$0x3F99] =	sst s1;
	(tag) =	ssettag s2;
	_ =	strace s9  }
0x27: {  	s1 =	sld [smem:$0x3FA9]  }
0x28: {  	s2 =	sld [smem:$0x3FAA]  }
0x29: {  	s4 =	sld [smem:$0x3FAC]  }
0x2a: {  	p0 =	seq.s32 s5, $0x0;
	s5 =	sld [smem:$0x3FAD]  }
0x2b: {  	s6 =	sld [smem:$0x3FAE]  }
0x2c: {  	s7 =	sld [smem:$0x3FAF]  }
0x2d: {  	s3 =	simm.s32 $0x108;
	s8 =	sld [smem:$0x3FB0]  }
0x2e: {  	s3 =	simm.s32 @!p0 $0x1082;
	s9 =	sld [smem:$0x3FB1]  }
0x2f: {  	lr =	sadd.s32 s0, s3;
	s0 =	sld [smem:$0x3FA8]  }
0x30: {  	s3 =	sld [smem:$0x3FAB]  }
0x31: {  	[smem:$0x3FB4] =	sst s10  }
0x32: {  	s10 =	sld [smem:$0x3FB2];
	_ =	sdelay $0x3  }
0x33: {  	p0 =	seq.s32 s10, $0x1;
	s10 =	sld [smem:$0x3FB4];
	_ =	sdelay $0x3  }
0x34: {  	[smem:$0x3FB4] =	sst s10  }
0x35: {  	s10 =	sld [smem:$0x3FB3];
	_ =	sdelay $0x3  }
0x36: {  	p1 =	seq.s32 s10, $0x1;
	s10 =	sld [smem:$0x3FB4];
	_ =	sdelay $0x3  }
0x37: {  	[smem:$0x3FB4] =	sst s10  }
0x38: {  	s10 =	sld [smem:$0x3FB5]  }
0x39: {  	_ = 	snop;
	(pc) =	sbr.ind lr, $3  }
0x3a: {  	_ = 	snop  }
0x3b: {  	_ = 	snop  }
0x3c: {  	p2 =	seq.s32 s10, $0x1;
	s10 =	sld [smem:$0x3FB4]  }
0x3d: {  	_ =	shalt  }
0x3e: {  	_ =	shalt  }
0x3f: {  	_ =	shalt  }
0x40: {  	_ =	shalt  }
0x41: {  	_ =	shalt  }
0x42: {  	_ =	shalt  }
0x43: {  	_ =	shalt  }
0x44: {  	_ =	shalt  }
0x45: {  	_ =	shalt  }
0x46: {  	_ =	shalt  }
0x47: {  	_ =	shalt  }
0x48: {  	_ =	shalt  }
0x49: {  	_ =	shalt  }
0x4a: {  	_ =	shalt  }
0x4b: {  	_ =	shalt  }
0x4c: {  	_ =	shalt  }
0x4d: {  	_ =	shalt  }
0x4e: {  	_ =	shalt  }
0x4f: {  	_ =	shalt  }
0x50: {  	_ =	shalt  }
0x51: {  	_ =	shalt  }
0x52: {  	_ =	shalt  }
0x53: {  	_ =	shalt  }
0x54: {  	_ =	shalt  }
0x55: {  	_ =	shalt  }
0x56: {  	_ =	shalt  }
0x57: {  	_ =	shalt  }
0x58: {  	_ =	shalt  }
0x59: {  	_ =	shalt  }
0x5a: {  	_ =	shalt  }
0x5b: {  	_ =	shalt  }
0x5c: {  	_ =	shalt  }
0x5d: {  	_ =	shalt  }
0x5e: {  	_ =	shalt  }
0x5f: {  	_ =	shalt  }
0x60: {  	_ =	shalt  }
0x61: {  	_ =	shalt  }
0x62: {  	_ =	shalt  }
0x63: {  	_ =	shalt  }
0x64: {  	_ =	shalt  }
0x65: {  	_ =	shalt  }
0x66: {  	_ =	shalt  }
0x67: {  	_ =	shalt  }
0x68: {  	_ =	shalt  }
0x69: {  	_ =	shalt  }
0x6a: {  	_ =	shalt  }
0x6b: {  	_ =	shalt  }
0x6c: {  	_ =	shalt  }
0x6d: {  	_ =	shalt  }
0x6e: {  	_ =	shalt  }
0x6f: {  	_ =	shalt  }
0x70: {  	_ =	shalt  }
0x71: {  	_ =	shalt  }
0x72: {  	_ =	shalt  }
0x73: {  	_ =	shalt  }
0x74: {  	_ =	shalt  }
0x75: {  	_ =	shalt  }
0x76: {  	_ =	shalt  }
0x77: {  	_ =	shalt  }
0x78: {  	_ =	shalt  }
0x79: {  	_ =	shalt  }
0x7a: {  	_ =	shalt  }
0x7b: {  	_ =	shalt  }
0x7c: {  	_ =	shalt  }
0x7d: {  	_ =	shalt  }
0x7e: {  	_ =	shalt  }
0x7f: {  	_ =	shalt  }
0x80: {  	_ =	shalt  }
0x81: {  	_ =	shalt  }
0x82: {  	_ =	shalt  }
0x83: {  	_ =	shalt  }
0x84: {  	_ =	shalt  }
0x85: {  	_ =	shalt  }
0x86: {  	_ =	shalt  }
0x87: {  	_ =	shalt  }
.Lfunc_end0:
.L_simem_size_0:
called_computation.2_lowered:
.L_overlay_start_0:
0x88: {  	s2 =	sld [smem:$0x3FD9]  }
0x89: {  	s3 =	sld [smem:$0x3FFE];
	_ =	sdelay $0x1  }
0x8a: {  	s1 =	srdreg.scid  }
0x8b: {  	s0 =	sand.u32 $0x1, s1  }
0x8c: {  	s17 =	sshll.u32 s0, $0xA;
	s2 =	sadd.s32 s3, s2  }
0x8d: {  	s2 =	sadd.s32 s2, s17  }
0x8e: {  	[smem:$0x3FC0] =	sst s2  }
0x8f: {  	_ = 	snop  }
0x90: {  	s18 =	sld [smem:$0x3FD0];
	(tm) =	ssettm $0x1  }
0x91: {  	s19 =	sld [smem:$0x3FFB];
	_ =	sdelay $0x3  }
0x92: {  	_ =	strace s19  }
0x93: {  	s2 =	sld [smem:$0x3FFC];
	_ =	sdelay $0x3  }
0x94: {  	_ =	strace s2  }
0x95: {  	s2 =	sld [smem:$0x3FFD];
	_ =	sdelay $0x3  }
0x96: {  	_ =	strace s2  }
0x97: {  	_ =	strace $0x8FFFFFFF  }
0x98: {  	s20 =	sld [smem:$0x3FDB];
	_ =	sdelay $0x1  }
0x99: {  	s4 =	simm.s32 $_scs_section_size  }
0x9a: {  	s5 =	simm.s32 $_size__tile_overlayer_lowered;
	s6 =	simm.s32 $_tile_overlayer_lowered  }
0x9b: {  	s7 =	simm.s32 $0x1BFF;
	s21 =	sshll.u32 s6, $0x1;
	s4 =	sadd.s32 s4, s20  }
0x9c: {  	s22 =	simm.s32 $0x0;
	s5 =	sshll.u32 s5, $0x1;
	s6 =	sadd.s32 s21, s4  }
0x9d: {  	[timem:s22], [sflag:s7] =	dma.local [hbm:s6], s5  }
0x9e: {  	_ =	swait.ge [sflag:s7], s5  }
0x9f: {  	s5 =	ssub.s32 $0x0, s5;
	[sflag:s7] =	ssyncset.done $0x0  }
0xa0: {  	[sflag:s7] =	ssyncadd.s32 s5;
	_ =	sdelay $0x1  }
0xa1: {  	s23 =	simm.s32 $0x1B8B  }
0xa2: {  	_ =	swait.ge [sflag:s23], $0x1  }
0xa3: {  	[sflag:s23] =	ssyncset.done $0x0  }
0xa4: {  	[sflag:s23] =	ssyncadd.s32 $0xFFFFFFFF  }
0xa5: {  	s5 =	sld [smem:$0x0]  }
0xa6: {  	s6 =	sand.u32 $0xFFFFFFFE, s1  }
0xa7: {  	p0 =	sne.s32 s1, s6  }
0xa8: {  	s6 =	sshll.u32 @p0 s6, $0xE  }
0xa9: {  	s6 =	sadd.s32 @p0 $0x11B8D, s6;
	s7 =	sshll.u32 @p0 s5, $0x11  }
0xaa: {  	s6 =	sor.u32 @p0 s7, s6  }
0xab: {  	[sflag:s6] =	ssyncadd.remote.s32 @p0 $0x1;
	_ =	sdelay $0x1  }
0xac: {  	s6 =	simm.s32 @p0 $0x1B8D  }
0xad: {  	_ =	swait.eq @p0 [sflag:s6], $0x1  }
0xae: {  	[sflag:s6] =	ssyncadd.s32 @p0 $0xFFFFFFFF  }
0xaf: {  	s7 =	sshll.u32 @!p0 s1, $0xE  }
0xb0: {  	s7 =	sor.u32 @!p0 $0x4000, s7;
	s6 =	simm.s32 @!p0 $0x1B8D  }
0xb1: {  	s5 =	sshll.u32 @!p0 s5, $0x11;
	s7 =	sadd.s32 @!p0 $0x11B8D, s7;
	_ =	swait.eq @!p0 [sflag:s6], $0x1  }
0xb2: {  	s5 =	sor.u32 @!p0 s5, s7;
	[sflag:s6] =	ssyncadd.s32 @!p0 $0xFFFFFFFF  }
0xb3: {  	s25 =	simm.s32 $0x1B8E;
	s24 =	sld [smem:$0x3FFE];
	[sflag:s5] =	ssyncadd.remote.s32 @!p0 $0x1  }
0xb4: {  	s26 =	simm.s32 $execute0_lowered;
	[smem:$0x3FD2] =	sst s25  }
0xb5: {  	s6 =	sshll.u32 s26, $0x1;
	_ =	strace $0x80000063;
	[dreg:$0x1] =	wrdreg $0xFFFFFFFF  }
0xb6: {  	s28 =	simm.s32 $_size_execute0_lowered;
	s4 =	sadd.s32 s4, s6;
	[dreg:$0x0] =	wrdreg $0x0  }
0xb7: {  	s6 =	sshll.u32 s28, $0x1;
	[dreg:$0x2] =	wrdreg s4  }
0xb8: {  	[dreg:$0x3] =	wrdreg s6  }
0xb9: {  	[dreg:$0x4] =	wrdreg $0xC0  }
0xba: {  	_ =	task [dreg:s22], $0x5FFFF  }
0xbb: {  	[dreg:$0x1] =	wrdreg $0xFFFFFFFF  }
0xbc: {  	[dreg:$0x0] =	wrdreg $0x60  }
0xbd: {  	[dreg:$0x2] =	wrdreg s24  }
0xbe: {  	[dreg:$0x3] =	wrdreg s18  }
0xbf: {  	[dreg:$0x4] =	wrdreg $0x0  }
0xc0: {  	[dreg:$0x5] =	wrdreg $0x9  }
0xc1: {  	_ =	task.clear_ibuf [dreg:s22], $0x6FFFF;
	_ =	strace $0x90000063  }
0xc2: {  	s29 =	simm.s32 $0x9;
	_ =	strace $0x8000006B  }
0xc3: {  	_ =	swait.ge [sflag:s29], $0x1  }
0xc4: {  	[sflag:s29] =	ssyncadd.s32 $0xFFFFFFFF  }
0xc5: {  	_ =	strace $0x9000006B  }
0xc6: {  	_ =	sfence  }
0xc7: {  	s30 =	sld [smem:$0x0];
	_ =	sdelay $0x2  }
0xc8: {  	s31 =	sshll.u32 s1, $0xD;
	s1 =	sshrl.u32 s1, $0x2  }
0xc9: {  	s4 =	sand.u32 $0x4000, s31;
	s1 =	sadd.s32 s1, s30  }
0xca: {  	s0 =	sor.u32 s4, s0;
	s1 =	sshll.u32 s1, $0x11  }
0xcb: {  	s0 =	sor.u32 s1, s0  }
0xcc: {  	s0 =	sadd.s32 $0x8F2B, s0  }
0xcd: {  	[sflag:s0] =	ssyncadd.remote.s32 $0x1  }
0xce: {  	_ =	sfence.sel $0xFFFF  }
0xcf: {  	[dreg:$0x0] =	wrdreg $0xFFFFFFFF;
	(pc) =	sbr.abs _section_cstart, $3  }
0xd0: {  	[dreg:$0x1] =	wrdreg $0xFFFFFFFF  }
0xd1: {  	_ =	task.clear_ibuf [dreg:s22], $0x2FFFF;
	_ =	strace $0x9FFFFFFF  }
0xd2: {  	(tm) =	ssettm $0x7FFFFFFF  }
0xd3: {  	_ =	shalt  }
tec
execute0_lowered:
.L_overlay_start_1:
0x0: {  	(tag) =	ssettag $0x1  }
0x1: {  	s0 =	rddreg [dreg:$0x0]  }
0x2: {  	s2 =	rddreg [dreg:$0x1]  }
0x3: {  	s3 =	rddreg [dreg:$0x2];
	s15 =	simm.s32 $0x0;
	s4 =	stileid.u32  }
0x4: {  	s6 =	srdreg.scid;
	s21 =	simm.s32 $0x80;
	s22 =	simm.s32 $0x5  }
0x5: {  	s24 =	simm.s32 $0x0;
	[smem:$0x7FF] =	sst s15;
	s1 =	smul.u32 $0x2780, s4  }
0x6: {  	s5 =	sadd.s32 $0x3DB000, s0;
	s6 =	sand.u32 $0x1, s6;
	s7 =	smul.u32 $0x4F000, s4  }
0x7: {  	s10 =	sadd.s32 $0xA1C00, s0;
	s13 =	smul.u32 $0x13C00, s4;
	_ =	strace $0x80000064  }
0x8: {  	s8 =	ssub.s32 $0x2, s6;
	s9 =	sshll.u32 s6, $0x4;
	s26 =	smul.u32 $0x138800, s6  }
0x9: {  	s1 =	sadd.s32 s1, s0;
	s11 =	sshrl.u32 s8, $0x1;
	s7 =	sshrl.u32 s7, $0x2  }
0xa: {  	s9 =	sor.u32 s4, s9;
	s0 =	sadd.s32 $0x51880, s0;
	s11 =	ssub.s32 s8, s11  }
0xb: {  	s7 =	sadd.s32 s7, s3;
	s25 =	smul.u32 $0x13, s9;
	s1 =	sadd.s32 $0x2C800, s1  }
0xc: {  	s12 =	smul.u32 $0x14, s9;
	[dreg:$0x5] =	wrdreg s0;
	p0 =	slt.u32 s9, $0x11  }
0xd: {  	s9 =	simm.s32 $0x14;
	s30 =	sadd.s32 s13, s26;
	s0 =	sshrl.u32 s26, $0x3  }
0xe: {  	[dreg:$0x4] =	wrdreg s1;
	s1 =	sadd.s32 $0x128400, s3;
	s9 =	simm.s32 @!p0 $0x13  }
0xf: {  	s0 =	sadd.s32 s10, s0;
	s31 =	smax.u32 s11, $0x1;
	s8 =	sadd.s32 $0x11, s25  }
0x10: {  	s0 =	sadd.s32 $0x25080, s0;
	[dreg:$0xa] =	wrdreg s31;
	s8 =	smov.u32 @p0 s12  }
0x11: {  	p0 =	seq.s32 s4, $0xF;
	[dreg:$0x9] =	wrdreg s0;
	s28 =	sshll.u32 s8, $0xB  }
0x12: {  	s12 =	sshll.u32 s8, $0x4;
	s0 =	sshll.u32 @!p0 s4, $0x6;
	s6 =	sand.u32 $0x1FFFF800, s28  }
0x13: {  	s16 =	sshrl.u32 @p0 s1, $0x3;
	s12 =	sand.u32 $0x1FFFFFF0, s12;
	s6 =	sadd.s32 s5, s6  }
0x14: {  	s29 =	sadd.s32 s2, s12;
	[dreg:$0x6] =	wrdreg s6;
	s6 =	sshrl.u32 s30, $0x3  }
0x15: {  	s18 =	sshrl.u32 @!p0 s7, $0x3;
	[dreg:$0x7] =	wrdreg s29;
	s6 =	sadd.s32 s10, s6  }
0x16: {  	s17 =	sor.u32 @!p0 $0x1C01, s0;
	s12 =	sadd.s32 $0xFFFFFFFF, s9;
	[dreg:$0x8] =	wrdreg s6  }
.LBB2_1:
0x17: {  	s23 =	simm.s32 @p0 $0x1FC1;
	s0 =	rddreg [dreg:$0x5];
	s26 =	simm.s32 @p0 $0x1  }
0x18: {  	[spmem:s16], [sflag:s23] =	dma.local @p0 [hbm:s0], $0x2080  }
0x19: {  	_ =	swait.ge @p0 [sflag:s26], $0x2080  }
0x1a: {  	[sflag:s26] =	ssyncset.done @p0 $0x0  }
0x1b: {  	s25 =	simm.s32 @!p0 $0x1;
	s0 =	rddreg [dreg:$0x4];
	[sflag:s26] =	ssyncadd.s32 @p0 $0xFFFFDF80  }
0x1c: {  	[spmem:s18], [sflag:s17] =	dma.local @!p0 [hbm:s0], $0x2780  }
0x1d: {  	_ =	swait.ge @!p0 [sflag:s25], $0x2780  }
0x1e: {  	[sflag:s25] =	ssyncset.done @!p0 $0x0  }
0x1f: {  	[sflag:s25] =	ssyncadd.s32 @!p0 $0xFFFFD880  }
0x20: {  	s1 =	simm.s32 $0x13880;
	[bflag:$0x0] =	sbarrier.arrive $0xFFFF  }
0x21: {  	s31 =	simm.s32 $0x1B880;
	p2 =	sne.s32 s12, $0x1;
	_ =	strace $0x80000065  }
.Ltmp0:
0x22: {  	p1 =	seq.s32 s9, $0x1;
	s28 =	rddreg [dreg:$0x6];
	(pc) =	sbr.rel @!p2 .LBB2_2-.Ltmp0, $4  }
0x23: {  	[tilespmem:s1], [sflag:$0x1] =	stream.linear.gather [hbm4b:s28+s15], $0x4000, $0x200038;
	[tilespmem:$0x1B980] =	vst v63  }
0x24: {  	s20 =	simm.s32 $0x1;
	s30 =	simm.s32 $0x1;
	s29 =	rddreg [dreg:$0x7]  }
0x25: {  	[tilespmem:s31], [sflag:$0x3] =	stream.linear.gather [hbm4b:s29+s15], $0x80, $0x200038;
	[tilespmem:$0x1B980] =	vst v63  }
0x26: {  	s20 =	simm.s32 @p1 $0x0;
	p1 =	por $0x0, $0x0;
	_ =	strace $0x90000065  }
0x27: {  	p1 =	seq.s32 s20, $0x0  }
0x28: {  	s30 =	simm.s32 $0x2;
	s4 =	simm.s32 $0x1;
	s14 =	simm.s32 $0x0  }
0x29: {  	s15 =	sand.u32 $0x1, s15;
	p2 =	sne.s32 s12, $0x2;
	s29 =	sadd.s32 $0x1, s20  }
0x2a: {  	s0 =	sadd.s32 @!p1 s8, s20;
	s1 =	sand.u32 @!p1 $0x1, s4;
	s11 =	simm.s32 @!p1 $0x0  }
0x2b: {  	s19 =	simm.s32 @!p1 $0x1;
	_ =	strace @!p1 $0x80000066;
	s23 =	sadd.s32 $0x1, s15  }
0x2c: {  	s6 =	sshll.u32 @!p1 s0, $0xB;
	s7 =	sshll.u32 @!p1 s1, $0xE;
	s10 =	sadd.s32 @!p1 $0x1, s1  }
0x2d: {  	s0 =	sshll.u32 @!p1 s0, $0x4;
	s13 =	sshll.u32 @!p1 s1, $0x7;
	s6 =	sand.u32 @!p1 $0x1FFFF800, s6  }
0x2e: {  	s1 =	sadd.s32 @!p1 $0x3, s1;
	s7 =	sor.u32 @!p1 $0x13880, s7;
	s6 =	sadd.s32 @!p1 s5, s6  }
0x2f: {  	[tilespmem:s7], [sflag:s10] =	stream.linear.gather @!p1 [hbm4b:s6+s11], $0x4000, $0x200038;
	[tilespmem:$0x1B980] =	vst v63  }
0x30: {  	s19 =	simm.s32 @p1 $0x0;
	s0 =	sand.u32 @!p1 $0x1FFFFFF0, s0;
	_ =	strace @!p1 $0x90000066  }
0x31: {  	s13 =	sadd.s32 @!p1 $0x1B880, s13;
	s0 =	sadd.s32 @!p1 s2, s0;
	_ =	strace @!p1 $0x80000067  }
0x32: {  	[tilespmem:s13], [sflag:s1] =	stream.linear.gather @!p1 [hbm4b:s0+s11], $0x80, $0x200038;
	[tilespmem:$0x1B980] =	vst v63  }
0x33: {  	s31 =	sadd.s32 $0x1, s19;
	s19 =	simm.s32 $0x0;
	_ =	strace @!p1 $0x90000067  }
0x34: {  	s28 =	sand.u32 $0x80, s19;
	s19 =	simm.s32 $0x0;
	_ =	strace $0x80000068  }
0x35: {  	s10 =	sadd.s32 $0x3, s15;
	s7 =	simm.s32 $0x1;
	_ =	swait.ge [sflag:s23], $0x4000  }
0x36: {  	s1 =	simm.s32 @!p1 $0x2;
	s0 =	sand.u32 $0x4000, s14;
	[sflag:s23] =	ssyncset.done $0x0  }
.Ltmp1:
0x37: {  	s13 =	sadd.s32 $0x1B880, s28;
	[sflag:s23] =	ssyncadd.s32 $0xFFFFC000;
	(pc) =	sbr.rel @!p2 .LBB2_4-.Ltmp1, $4  }
0x38: {  	s1 =	smov.u32 @p1 s4;
	p1 =	sne.s32 s20, $0x0;
	_ =	strace $0x90000068  }
0x39: {  	s7 =	simm.s32 @!p1 $0x0;
	p1 =	seq.s32 s29, s9;
	_ =	strace $0x80000069  }
0x3a: {  	s11 =	sor.u32 $0x13880, s0;
	s29 =	simm.s32 @p1 $0x0;
	_ =	swait.ge [sflag:s10], $0x80  }
0x3b: {  	s0 =	sadd.s32 $0x0, s7;
	p1 =	por $0x1, $0x1;
	[sflag:s10] =	ssyncset.done $0x0  }
.LBB2_5:
0x3c: {  	s6 =	smov.u32 s1  }
0x3d: {  	s30 =	sadd.s32 $0x1, s30;
	p2 =	seq.s32 s20, s29;
	s19 =	sadd.s32 s7, s19  }
0x3e: {  	s1 =	sadd.s32 @!p2 s8, s29;
	s7 =	sand.u32 @!p2 $0x1, s6;
	[sflag:s10] =	ssyncadd.s32 $0xFFFFFF80  }
0x3f: {  	s10 =	sshll.u32 @!p2 s7, $0xE;
	s14 =	sshll.u32 @!p2 s1, $0xB;
	_ =	strace $0x90000069  }
0x40: {  	s15 =	sand.u32 @!p2 $0x1, s31;
	s14 =	sand.u32 @!p2 $0x1FFFF800, s14;
	_ =	strace $0x8000006A  }
0x41: {  	[spmem:s3] =	stream.indirect.scatter.add.f32 [tilespmem:s11], [sflag:$0x5], $0x80, s13, s21, $0x2000b8;
	[tilespmem:$0x1B980] =	vst v63  }
0x42: {  	s7 =	sadd.s32 @!p2 $0x1, s7;
	s1 =	sshll.u32 @!p2 s1, $0x4;
	s11 =	simm.s32 @!p2 $0x0  }
0x43: {  	s10 =	sor.u32 @!p2 $0x13880, s10;
	s1 =	sand.u32 @!p2 $0x1FFFFFF0, s1;
	s13 =	sshll.u32 @!p2 s15, $0x7  }
0x44: {  	s23 =	simm.s32 @!p2 $0x1;
	s13 =	sadd.s32 @!p2 $0x1B880, s13;
	_ =	swait.ge [sflag:s22], $0x4000  }
0x45: {  	s14 =	sadd.s32 @!p2 s5, s14;
	s15 =	sadd.s32 @!p2 $0x3, s15;
	[sflag:s22] =	ssyncset.done $0x0  }
0x46: {  	s23 =	simm.s32 @p2 $0x0;
	s4 =	sadd.s32 @!p2 s2, s1;
	[sflag:s22] =	ssyncadd.s32 $0xFFFFC000  }
0x47: {  	s31 =	sadd.s32 s31, s23;
	s23 =	sshll.u32 s19, $0xE;
	_ =	strace $0x9000006A  }
0x48: {  	s28 =	sshll.u32 s0, $0x7;
	s1 =	sand.u32 $0x1, s19;
	_ =	strace @!p2 $0x80000066  }
0x49: {  	[tilespmem:s10], [sflag:s7] =	stream.linear.gather @!p2 [hbm4b:s14+s11], $0x4000, $0x200038;
	[tilespmem:$0x1B980] =	vst v63  }
0x4a: {  	s7 =	sadd.s32 $0x1, s1;
	s14 =	sand.u32 $0x80, s28;
	_ =	strace @!p2 $0x90000066  }
0x4b: {  	s1 =	sadd.s32 @!p2 $0x1, s6;
	s10 =	sand.u32 $0x1, s0;
	_ =	strace @!p2 $0x80000067  }
0x4c: {  	[tilespmem:s13], [sflag:s15] =	stream.linear.gather @!p2 [hbm4b:s4+s11], $0x80, $0x200038;
	[tilespmem:$0x1B980] =	vst v63  }
0x4d: {  	s1 =	smov.u32 @p2 s6;
	s10 =	sadd.s32 $0x3, s10;
	_ =	strace @!p2 $0x90000067  }
0x4e: {  	p2 =	sne.s32 s12, s30;
	_ =	strace $0x80000068  }
0x4f: {  	p3 =	sne.s32 s20, s29;
	_ =	swait.ge [sflag:s7], $0x4000  }
0x50: {  	s20 =	smov.u32 s29;
	s4 =	sand.u32 $0x4000, s23;
	[sflag:s7] =	ssyncset.done $0x0  }
.Ltmp2:
0x51: {  	[sflag:s7] =	ssyncadd.s32 $0xFFFFC000;
	s7 =	simm.s32 $0x1;
	(pc) =	sbr.rel @p2 .LBB2_5-.Ltmp2, $4  }
0x52: {  	s29 =	sadd.s32 $0x1, s29;
	_ =	strace $0x90000068;
	s7 =	simm.s32 @!p3 $0x0  }
0x53: {  	s11 =	sor.u32 $0x13880, s4;
	p3 =	seq.s32 s29, s9;
	_ =	strace $0x80000069  }
0x54: {  	s13 =	sadd.s32 $0x1B880, s14;
	s29 =	simm.s32 @p3 $0x0;
	_ =	swait.ge [sflag:s10], $0x80  }
0x55: {  	s0 =	sadd.s32 s7, s0;
	[sflag:s10] =	ssyncset.done $0x0  }
0x56: {  	s6 =	smov.u32 s20  }
0x57: {  	s20 =	smov.u32 s29;
	s15 =	simm.s32 $0x0;
	s23 =	simm.s32 @p0 $0x1FC1  }
.LBB2_7:
0x58: {  	[sflag:s10] =	ssyncadd.s32 @p1 $0xFFFFFF80  }
0x59: {  	_ =	strace @p1 $0x90000069  }
0x5a: {  	p2 =	seq.s32 s6, s20;
	_ =	strace @p1 $0x8000006A  }
0x5b: {  	[spmem:s3] =	stream.indirect.scatter.add.f32 @p1 [tilespmem:s11], [sflag:$0x5], $0x80, s13, s21, $0x2000b8;
	[tilespmem:$0x1B980] =	vst v63  }
0x5c: {  	s4 =	sadd.s32 @!p2 s8, s20;
	s10 =	sand.u32 @!p2 $0x1, s1;
	_ =	swait.ge @p1 [sflag:s22], $0x4000  }
0x5d: {  	s14 =	simm.s32 @!p2 $0x0;
	s11 =	sshll.u32 @!p2 s4, $0xB;
	[sflag:s22] =	ssyncset.done @p1 $0x0  }
0x5e: {  	s13 =	sshll.u32 @!p2 s10, $0xE;
	s10 =	sadd.s32 @!p2 $0x1, s10;
	[sflag:s22] =	ssyncadd.s32 @p1 $0xFFFFC000  }
0x5f: {  	s4 =	sshll.u32 @!p2 s4, $0x4;
	s11 =	sand.u32 @!p2 $0x1FFFF800, s11;
	_ =	strace @p1 $0x9000006A  }
0x60: {  	s13 =	sor.u32 @!p2 $0x13880, s13;
	s11 =	sadd.s32 @!p2 s5, s11;
	_ =	strace @!p2 $0x80000066  }
0x61: {  	[tilespmem:s13], [sflag:s10] =	stream.linear.gather @!p2 [hbm4b:s11+s14], $0x4000, $0x200038;
	[tilespmem:$0x1B980] =	vst v63  }
0x62: {  	s4 =	sand.u32 @!p2 $0x1FFFFFF0, s4;
	s10 =	sand.u32 @!p2 $0x1, s31  }
0x63: {  	s4 =	sadd.s32 @!p2 s2, s4;
	s11 =	sshll.u32 @!p2 s10, $0x7;
	_ =	strace @!p2 $0x90000066  }
0x64: {  	s10 =	sadd.s32 @!p2 $0x3, s10;
	s11 =	sadd.s32 @!p2 $0x1B880, s11;
	_ =	strace @!p2 $0x80000067  }
0x65: {  	[tilespmem:s11], [sflag:s10] =	stream.linear.gather @!p2 [hbm4b:s4+s14], $0x80, $0x200038;
	[tilespmem:$0x1B980] =	vst v63  }
0x66: {  	s4 =	sadd.s32 @p1 s7, s19;
	s7 =	simm.s32 $0x0  }
0x67: {  	s7 =	smov.u32 @p1 s4  }
0x68: {  	_ =	strace @!p2 $0x90000067;
	s4 =	sand.u32 $0x1, s7  }
0x69: {  	_ =	strace $0x80000068;
	s4 =	sadd.s32 $0x1, s4  }
0x6a: {  	_ =	swait.ge [sflag:s4], $0x4000  }
0x6b: {  	[sflag:s4] =	ssyncset.done $0x0  }
0x6c: {  	[sflag:s4] =	ssyncadd.s32 $0xFFFFC000  }
0x6d: {  	s11 =	sand.u32 $0x1, s0;
	_ =	strace $0x90000068  }
0x6e: {  	s4 =	sadd.s32 $0x3, s11;
	_ =	strace $0x80000069  }
0x6f: {  	_ =	swait.ge [sflag:s4], $0x80  }
0x70: {  	[sflag:s4] =	ssyncset.done $0x0  }
0x71: {  	s14 =	sshll.u32 s0, $0x7;
	s13 =	sshll.u32 s7, $0xE;
	[sflag:s4] =	ssyncadd.s32 $0xFFFFFF80  }
0x72: {  	s19 =	sand.u32 $0x80, s14;
	s10 =	sand.u32 $0x4000, s13;
	_ =	strace $0x90000069  }
0x73: {  	s10 =	sor.u32 $0x13880, s10;
	s4 =	sadd.s32 $0x1B880, s19;
	_ =	strace $0x8000006A  }
0x74: {  	[spmem:s3] =	stream.indirect.scatter.add.f32 [tilespmem:s10], [sflag:$0x5], $0x80, s4, s21, $0x2000b8;
	[tilespmem:$0x1B980] =	vst v63  }
0x75: {  	s4 =	sadd.s32 $0x1, s20  }
0x76: {  	p1 =	seq.s32 s4, s9  }
0x77: {  	_ =	swait.ge [sflag:s22], $0x4000;
	s4 =	simm.s32 @p1 $0x0;
	p1 =	sge.u32 s30, s12  }
0x78: {  	[sflag:s22] =	ssyncset.done $0x0;
	p3 =	seq.s32 @!p1 s20, s4  }
0x79: {  	s10 =	sadd.s32 @!p2 $0x1, s1;
	[sflag:s22] =	ssyncadd.s32 $0xFFFFC000;
	p1 =	por p3, p1  }
0x7a: {  	s10 =	smov.u32 @p2 s1;
	_ =	strace $0x9000006A;
	s1 =	sadd.s32 @!p1 s8, s4  }
0x7b: {  	s4 =	sand.u32 @!p1 $0x1, s10;
	_ =	strace @!p1 $0x80000066;
	s11 =	sshll.u32 @!p1 s1, $0xB  }
0x7c: {  	s13 =	simm.s32 @!p1 $0x0;
	s10 =	sshll.u32 @!p1 s4, $0xE;
	s11 =	sand.u32 @!p1 $0x1FFFF800, s11  }
0x7d: {  	s4 =	sadd.s32 @!p1 $0x1, s4;
	s10 =	sor.u32 @!p1 $0x13880, s10;
	s11 =	sadd.s32 @!p1 s5, s11  }
0x7e: {  	[tilespmem:s10], [sflag:s4] =	stream.linear.gather @!p1 [hbm4b:s11+s13], $0x4000, $0x200038;
	[tilespmem:$0x1B980] =	vst v63  }
0x7f: {  	s4 =	simm.s32 @!p2 $0x1  }
0x80: {  	s4 =	simm.s32 @p2 $0x0  }
0x81: {  	s1 =	sshll.u32 @!p1 s1, $0x4;
	s4 =	sadd.s32 s31, s4  }
0x82: {  	s1 =	sand.u32 @!p1 $0x1FFFFFF0, s1;
	s4 =	sand.u32 @!p1 $0x1, s4  }
0x83: {  	s1 =	sadd.s32 @!p1 s2, s1;
	_ =	strace @!p1 $0x90000066;
	s10 =	sshll.u32 @!p1 s4, $0x7  }
0x84: {  	_ =	strace @!p1 $0x80000067;
	s4 =	sadd.s32 @!p1 $0x3, s4;
	s10 =	sadd.s32 @!p1 $0x1B880, s10  }
0x85: {  	[tilespmem:s10], [sflag:s4] =	stream.linear.gather @!p1 [hbm4b:s1+s13], $0x80, $0x200038;
	[tilespmem:$0x1B980] =	vst v63  }
0x86: {  	p2 =	sne.s32 s6, s20;
	s1 =	simm.s32 $0x1  }
0x87: {  	s1 =	simm.s32 @!p2 $0x0  }
0x88: {  	s20 =	sadd.s32 s1, s7  }
0x89: {  	_ =	strace @!p1 $0x90000067;
	s28 =	sand.u32 $0x1, s20  }
0x8a: {  	_ =	strace $0x80000068;
	s6 =	sadd.s32 $0x1, s28  }
0x8b: {  	_ =	swait.ge [sflag:s6], $0x4000  }
0x8c: {  	[sflag:s6] =	ssyncset.done $0x0  }
0x8d: {  	s29 =	sadd.s32 s1, s0;
	[sflag:s6] =	ssyncadd.s32 $0xFFFFC000  }
0x8e: {  	s1 =	sand.u32 $0x1, s29;
	_ =	strace $0x90000068  }
0x8f: {  	s1 =	sadd.s32 $0x3, s1;
	_ =	strace $0x80000069  }
0x90: {  	_ =	swait.ge [sflag:s1], $0x80  }
0x91: {  	[sflag:s1] =	ssyncset.done $0x0  }
0x92: {  	s30 =	sshll.u32 s20, $0xE;
	s0 =	sshll.u32 s29, $0x7;
	[sflag:s1] =	ssyncadd.s32 $0xFFFFFF80  }
0x93: {  	s0 =	sand.u32 $0x80, s0;
	s1 =	sand.u32 $0x4000, s30;
	_ =	strace $0x90000069  }
0x94: {  	s0 =	sadd.s32 $0x1B880, s0;
	s1 =	sor.u32 $0x13880, s1;
	_ =	strace $0x8000006A  }
0x95: {  	[spmem:s3] =	stream.indirect.scatter.add.f32 [tilespmem:s1], [sflag:$0x5], $0x80, s0, s21, $0x2000b8;
	[tilespmem:$0x1B980] =	vst v63  }
0x96: {  	_ =	swait.ge [sflag:s22], $0x4000  }
0x97: {  	[sflag:s22] =	ssyncset.done $0x0  }
0x98: {  	[sflag:s22] =	ssyncadd.s32 $0xFFFFC000  }
0x99: {  	_ =	strace $0x9000006A  }
0x9a: {  	[bflag:$0x0] =	sbarrier.arrive $0xFFFF  }
0x9b: {  	s0 =	rddreg [dreg:$0x9]  }
0x9c: {  	[hbm:s0], [sflag:s23] =	dma.local @p0 [spmem:s16], $0x2080  }
0x9d: {  	_ =	swait.ge @p0 [sflag:s26], $0x2080  }
0x9e: {  	[sflag:s26] =	ssyncset.done @p0 $0x0  }
0x9f: {  	s0 =	rddreg [dreg:$0x8];
	[sflag:s26] =	ssyncadd.s32 @p0 $0xFFFFDF80  }
0xa0: {  	[hbm:s0], [sflag:s17] =	dma.local @!p0 [spmem:s18], $0x2780  }
0xa1: {  	_ =	swait.ge @!p0 [sflag:s25], $0x2780  }
0xa2: {  	s24 =	sadd.s32 $0x1, s24;
	s31 =	rddreg [dreg:$0xa]  }
0xa3: {  	p1 =	sne.s32 s24, s31  }
.Ltmp3:
0xa4: {  	_ = 	snop;
	(pc) =	sbr.rel @p1 .LBB2_1-.Ltmp3, $4  }
.Ltmp4:
0xa5: {  	_ = 	snop;
	(pc) =	sbr.rel @!p1 .LBB2_8-.Ltmp4, $4  }
0xa6: {  	_ = 	snop  }
0xa7: {  	[sflag:s25] =	ssyncset.done @!p0 $0x0  }
0xa8: {  	[sflag:s25] =	ssyncadd.s32 @!p0 $0xFFFFD880  }
0xa9: {  	_ = 	snop  }
.LBB2_2:
.Ltmp5:
0xaa: {  	(pc) =	sbr.rel .LBB2_7-.Ltmp5, $3  }
0xab: {  	_ =	sdelay $0x1  }
0xac: {  	s6 =	simm.s32 $0x0;
	s19 =	simm.s32 $0x0  }
0xad: {  	s1 =	simm.s32 $0x1;
	s31 =	simm.s32 $0x1;
	s0 =	simm.s32 $0x0  }
.LBB2_4:
.Ltmp6:
0xae: {  	(pc) =	sbr.rel .LBB2_7-.Ltmp6, $3  }
0xaf: {  	_ =	sdelay $0x1  }
0xb0: {  	s6 =	smov.u32 s20;
	s20 =	smov.u32 s29  }
0xb1: {  	s19 =	simm.s32 $0x0;
	s15 =	simm.s32 $0x0;
	s23 =	simm.s32 @p0 $0x1FC1  }
.LBB2_8:
0xb2: {  	_ =	sfence.sel $0x180000  }
0xb3: {  	[bflag:$0x0] =	sbarrier.arrive $0xFFFF  }
0xb4: {  	_ =	strace $0x90000064  }
0xb5: {  	s0 =	stileid.u32;
	[bflag:$0x2] =	sbarrier.arrive $0xFFFF  }
0xb6: {  	p0 =	sne.s32 s0, $0x0;
	s0 =	rddreg [dreg:$0x3]  }
0xb7: {  	s0 =	sadd.s32 @!p0 $0x100000, s0  }
0xb8: {  	[sflag:s0] =	ssyncadd.tile.s32 @!p0 $0x1;
	_ =	shalt  }
.Lfunc_end2:
_tile_overlayer_lowered:
.L_overlay_start_2:
0xb9: {  	(tag) =	ssettag $0x2  }
0xba: {  	s0 =	rddreg [dreg:$0x0];
	s2 =	stileid.u32  }
0xbb: {  	s1 =	rddreg [dreg:$0x1];
	p0 =	sne.s32 s2, $0x0  }
0xbc: {  	s3 =	rddreg [dreg:$0x2];
	[bflag:$0x3] =	sbarrier.arrive $0xFFFF;
	s2 =	simm.s32 @!p0 $0x1C01  }
0xbd: {  	[timem:s3], [sflag:s2] =	dma.local @!p0 [hbm:s0], s1  }
0xbe: {  	s0 =	simm.s32 @!p0 $0x1  }
0xbf: {  	_ =	swait.ge @!p0 [sflag:s0], s1  }
0xc0: {  	s1 =	ssub.s32 @!p0 $0x0, s1;
	[sflag:s0] =	ssyncset.done @!p0 $0x0  }
0xc1: {  	[sflag:s0] =	ssyncadd.s32 @!p0 s1  }
0xc2: {  	[bflag:$0x3] =	sbarrier.arrive $0xFFFF  }
0xc3: {  	_ =	shalt  }

// kernel: kernel.18.cloned.1.call-start
scs
__scs_entry_jumppad:
0x0: {  	(pc) =	sbr.rel $0x88, $3  }
0x1: {  	(tag) =	ssettag $0x0;
	lr =	simm.s32 $0x1  }
0x2: {  	[smem:$0x3F99] =	sst lr;
	_ =	strace $0xD0000000  }
0x3: {  	_ = 	snop  }
0x4: {  	_ = 	snop  }
0x5: {  	_ = 	snop  }
0x6: {  	_ = 	snop  }
0x7: {  	_ = 	snop  }
__scs_overlays_trampoline_lowered:
0x8: {  	[smem:$0x3FA8] =	sst s0  }
0x9: {  	[smem:$0x3FA9] =	sst s1  }
0xa: {  	[smem:$0x3FAA] =	sst s2  }
0xb: {  	[smem:$0x3FAB] =	sst s3  }
0xc: {  	[smem:$0x3FAC] =	sst s4  }
0xd: {  	[smem:$0x3FAD] =	sst s5  }
0xe: {  	[smem:$0x3FAE] =	sst s6  }
0xf: {  	[smem:$0x3FAF] =	sst s7  }
0x10: {  	[smem:$0x3FB0] =	sst s8  }
0x11: {  	[smem:$0x3FB1] =	sst s9;
	s0 =	simm.s32 @!p0 $0x0  }
0x12: {  	s1 =	sld [smem:$0x3F97];
	s0 =	simm.s32 @p0 $0x1  }
0x13: {  	[smem:$0x3FB2] =	sst s0;
	s0 =	simm.s32 @!p1 $0x0  }
0x14: {  	s2 =	sld [smem:$0x3F96];
	s0 =	simm.s32 @p1 $0x1  }
0x15: {  	[smem:$0x3FB3] =	sst s0;
	s0 =	simm.s32 @!p2 $0x0  }
0x16: {  	s3 =	sld [smem:$0x3FDB];
	s0 =	simm.s32 @p2 $0x1  }
0x17: {  	s4 =	simm.s32 $0x1BF5;
	[smem:$0x3FB5] =	sst s0  }
0x18: {  	s0 =	sld [smem:$0x3F98];
	_ =	swait.ge [sflag:s4], $0x0  }
0x19: {  	s7 =	sld [smem:$0x3F99]  }
0x1a: {  	s8 =	sadd.s32 $0xFFFFE003, lr  }
0x1b: {  	s9 =	sadd.s32 $0xFFFFFEF7, lr;
	s5 =	simm.s32 $0xFFFFFFFF;
	p2 =	slt.u32 s8, $0xFFFFF086  }
0x1c: {  	p1 =	slt.u32 s9, $0xF7A;
	s5 =	simm.s32 @!p2 $0x0  }
0x1d: {  	s5 =	simm.s32 @p1 $0x1;
	p0 =	seq.s32 s7, s2  }
0x1e: {  	s7 =	smul.u32 @!p0 $0xF7A, s2;
	p2 =	seq.s32 @!p0 s5, $0x0  }
0x1f: {  	s9 =	smul.u32 $0xF7A, s1;
	s8 =	simm.s32 @!p0 $0x1BF5;
	p2 =	por !p2, p0  }
0x20: {  	[sflag:s8] =	ssyncset.s32 @!p0 $0xFFFFF086;
	s6 =	sadd.s32 @!p0 s3, s7;
	s7 =	simm.s32 @!p0 $0x108  }
0x21: {  	s3 =	sadd.s32 s3, s9;
	s6 =	sadd.s32 @!p0 $0x88, s6;
	s7 =	simm.s32 @p2 $0x1082  }
0x22: {  	[simem:s7], [sflag:s8] =	dma.local @!p0 [hbm:s6], $0xF7A  }
0x23: {  	s9 =	sor.u32 $0xD0000000, s2;
	s6 =	simm.s32 $0x108;
	_ =	swait.ge @!p0 [sflag:s8], $0x0  }
0x24: {  	s3 =	sadd.s32 $0x88, s3;
	s6 =	simm.s32 @!p1 $0x1082;
	[sflag:s4] =	ssyncset.s32 $0xFFFFF086  }
0x25: {  	[simem:s6], [sflag:s4] =	dma.local [hbm:s3], $0xF7A  }
0x26: {  	[smem:$0x3F99] =	sst s1;
	(tag) =	ssettag s2;
	_ =	strace s9  }
0x27: {  	s1 =	sld [smem:$0x3FA9]  }
0x28: {  	s2 =	sld [smem:$0x3FAA]  }
0x29: {  	s4 =	sld [smem:$0x3FAC]  }
0x2a: {  	p0 =	seq.s32 s5, $0x0;
	s5 =	sld [smem:$0x3FAD]  }
0x2b: {  	s6 =	sld [smem:$0x3FAE]  }
0x2c: {  	s7 =	sld [smem:$0x3FAF]  }
0x2d: {  	s3 =	simm.s32 $0x108;
	s8 =	sld [smem:$0x3FB0]  }
0x2e: {  	s3 =	simm.s32 @!p0 $0x1082;
	s9 =	sld [smem:$0x3FB1]  }
0x2f: {  	lr =	sadd.s32 s0, s3;
	s0 =	sld [smem:$0x3FA8]  }
0x30: {  	s3 =	sld [smem:$0x3FAB]  }
0x31: {  	[smem:$0x3FB4] =	sst s10  }
0x32: {  	s10 =	sld [smem:$0x3FB2];
	_ =	sdelay $0x3  }
0x33: {  	p0 =	seq.s32 s10, $0x1;
	s10 =	sld [smem:$0x3FB4];
	_ =	sdelay $0x3  }
0x34: {  	[smem:$0x3FB4] =	sst s10  }
0x35: {  	s10 =	sld [smem:$0x3FB3];
	_ =	sdelay $0x3  }
0x36: {  	p1 =	seq.s32 s10, $0x1;
	s10 =	sld [smem:$0x3FB4];
	_ =	sdelay $0x3  }
0x37: {  	[smem:$0x3FB4] =	sst s10  }
0x38: {  	s10 =	sld [smem:$0x3FB5]  }
0x39: {  	_ = 	snop;
	(pc) =	sbr.ind lr, $3  }
0x3a: {  	_ = 	snop  }
0x3b: {  	_ = 	snop  }
0x3c: {  	p2 =	seq.s32 s10, $0x1;
	s10 =	sld [smem:$0x3FB4]  }
0x3d: {  	_ =	shalt  }
0x3e: {  	_ =	shalt  }
0x3f: {  	_ =	shalt  }
0x40: {  	_ =	shalt  }
0x41: {  	_ =	shalt  }
0x42: {  	_ =	shalt  }
0x43: {  	_ =	shalt  }
0x44: {  	_ =	shalt  }
0x45: {  	_ =	shalt  }
0x46: {  	_ =	shalt  }
0x47: {  	_ =	shalt  }
0x48: {  	_ =	shalt  }
0x49: {  	_ =	shalt  }
0x4a: {  	_ =	shalt  }
0x4b: {  	_ =	shalt  }
0x4c: {  	_ =	shalt  }
0x4d: {  	_ =	shalt  }
0x4e: {  	_ =	shalt  }
0x4f: {  	_ =	shalt  }
0x50: {  	_ =	shalt  }
0x51: {  	_ =	shalt  }
0x52: {  	_ =	shalt  }
0x53: {  	_ =	shalt  }
0x54: {  	_ =	shalt  }
0x55: {  	_ =	shalt  }
0x56: {  	_ =	shalt  }
0x57: {  	_ =	shalt  }
0x58: {  	_ =	shalt  }
0x59: {  	_ =	shalt  }
0x5a: {  	_ =	shalt  }
0x5b: {  	_ =	shalt  }
0x5c: {  	_ =	shalt  }
0x5d: {  	_ =	shalt  }
0x5e: {  	_ =	shalt  }
0x5f: {  	_ =	shalt  }
0x60: {  	_ =	shalt  }
0x61: {  	_ =	shalt  }
0x62: {  	_ =	shalt  }
0x63: {  	_ =	shalt  }
0x64: {  	_ =	shalt  }
0x65: {  	_ =	shalt  }
0x66: {  	_ =	shalt  }
0x67: {  	_ =	shalt  }
0x68: {  	_ =	shalt  }
0x69: {  	_ =	shalt  }
0x6a: {  	_ =	shalt  }
0x6b: {  	_ =	shalt  }
0x6c: {  	_ =	shalt  }
0x6d: {  	_ =	shalt  }
0x6e: {  	_ =	shalt  }
0x6f: {  	_ =	shalt  }
0x70: {  	_ =	shalt  }
0x71: {  	_ =	shalt  }
0x72: {  	_ =	shalt  }
0x73: {  	_ =	shalt  }
0x74: {  	_ =	shalt  }
0x75: {  	_ =	shalt  }
0x76: {  	_ =	shalt  }
0x77: {  	_ =	shalt  }
0x78: {  	_ =	shalt  }
0x79: {  	_ =	shalt  }
0x7a: {  	_ =	shalt  }
0x7b: {  	_ =	shalt  }
0x7c: {  	_ =	shalt  }
0x7d: {  	_ =	shalt  }
0x7e: {  	_ =	shalt  }
0x7f: {  	_ =	shalt  }
0x80: {  	_ =	shalt  }
0x81: {  	_ =	shalt  }
0x82: {  	_ =	shalt  }
0x83: {  	_ =	shalt  }
0x84: {  	_ =	shalt  }
0x85: {  	_ =	shalt  }
0x86: {  	_ =	shalt  }
0x87: {  	_ =	shalt  }
.Lfunc_end0:
.L_simem_size_0:
called_computation.3_lowered:
.L_overlay_start_0:
0x88: {  	s2 =	sld [smem:$0x3FD9]  }
0x89: {  	s3 =	sld [smem:$0x3FFE];
	_ =	sdelay $0x1  }
0x8a: {  	s1 =	srdreg.scid  }
0x8b: {  	s0 =	sand.u32 $0x1, s1  }
0x8c: {  	s17 =	sshll.u32 s0, $0xA;
	s2 =	sadd.s32 s3, s2  }
0x8d: {  	s2 =	sadd.s32 s2, s17  }
0x8e: {  	[smem:$0x3FC0] =	sst s2  }
0x8f: {  	_ = 	snop  }
0x90: {  	(tm) =	ssettm $0x1  }
0x91: {  	s18 =	sld [smem:$0x3FFB];
	_ =	sdelay $0x3  }
0x92: {  	_ =	strace s18  }
0x93: {  	s2 =	sld [smem:$0x3FFC];
	_ =	sdelay $0x3  }
0x94: {  	_ =	strace s2  }
0x95: {  	s2 =	sld [smem:$0x3FFD];
	_ =	sdelay $0x3  }
0x96: {  	_ =	strace s2  }
0x97: {  	_ =	strace $0x8FFFFFFF  }
0x98: {  	s19 =	sld [smem:$0x3FDB];
	_ =	sdelay $0x1  }
0x99: {  	s20 =	simm.s32 $_scs_section_size  }
0x9a: {  	s4 =	simm.s32 $_size__tile_overlayer_lowered;
	s5 =	simm.s32 $_tile_overlayer_lowered  }
0x9b: {  	s6 =	simm.s32 $0x1BFF;
	s21 =	sshll.u32 s5, $0x1;
	s3 =	sadd.s32 s20, s19  }
0x9c: {  	s22 =	simm.s32 $0x0;
	s4 =	sshll.u32 s4, $0x1;
	s5 =	sadd.s32 s21, s3  }
0x9d: {  	[timem:s22], [sflag:s6] =	dma.local [hbm:s5], s4  }
0x9e: {  	_ =	swait.ge [sflag:s6], s4  }
0x9f: {  	s4 =	ssub.s32 $0x0, s4;
	[sflag:s6] =	ssyncset.done $0x0  }
0xa0: {  	[sflag:s6] =	ssyncadd.s32 s4;
	_ =	sdelay $0x1  }
0xa1: {  	s23 =	simm.s32 $0x1B8B  }
0xa2: {  	_ =	swait.ge [sflag:s23], $0x1  }
0xa3: {  	[sflag:s23] =	ssyncset.done $0x0  }
0xa4: {  	[sflag:s23] =	ssyncadd.s32 $0xFFFFFFFF  }
0xa5: {  	s4 =	sld [smem:$0x0]  }
0xa6: {  	s5 =	sand.u32 $0xFFFFFFFE, s1  }
0xa7: {  	p0 =	sne.s32 s1, s5  }
0xa8: {  	s5 =	sshll.u32 @p0 s5, $0xE  }
0xa9: {  	s5 =	sadd.s32 @p0 $0x11B8D, s5;
	s6 =	sshll.u32 @p0 s4, $0x11  }
0xaa: {  	s5 =	sor.u32 @p0 s6, s5  }
0xab: {  	[sflag:s5] =	ssyncadd.remote.s32 @p0 $0x1;
	_ =	sdelay $0x1  }
0xac: {  	s5 =	simm.s32 @p0 $0x1B8D  }
0xad: {  	_ =	swait.eq @p0 [sflag:s5], $0x1  }
0xae: {  	[sflag:s5] =	ssyncadd.s32 @p0 $0xFFFFFFFF  }
0xaf: {  	s6 =	sshll.u32 @!p0 s1, $0xE  }
0xb0: {  	s6 =	sor.u32 @!p0 $0x4000, s6;
	s5 =	simm.s32 @!p0 $0x1B8D  }
0xb1: {  	s4 =	sshll.u32 @!p0 s4, $0x11;
	s6 =	sadd.s32 @!p0 $0x11B8D, s6;
	_ =	swait.eq @!p0 [sflag:s5], $0x1  }
0xb2: {  	s4 =	sor.u32 @!p0 s4, s6;
	[sflag:s5] =	ssyncadd.s32 @!p0 $0xFFFFFFFF  }
0xb3: {  	s25 =	simm.s32 $0x1B8E;
	s24 =	sld [smem:$0x3FFE];
	[sflag:s4] =	ssyncadd.remote.s32 @!p0 $0x1  }
0xb4: {  	s26 =	simm.s32 $execute0_lowered;
	[smem:$0x3FD2] =	sst s25  }
0xb5: {  	s5 =	sshll.u32 s26, $0x1;
	_ =	strace $0x8000005A;
	[dreg:$0x1] =	wrdreg $0xFFFFFFFF  }
0xb6: {  	s28 =	simm.s32 $_size_execute0_lowered;
	s3 =	sadd.s32 s3, s5;
	[dreg:$0x0] =	wrdreg $0x0  }
0xb7: {  	s5 =	sshll.u32 s28, $0x1;
	[dreg:$0x2] =	wrdreg s3  }
0xb8: {  	[dreg:$0x3] =	wrdreg s5  }
0xb9: {  	[dreg:$0x4] =	wrdreg $0xC0  }
0xba: {  	_ =	task [dreg:s22], $0x5FFFF  }
0xbb: {  	[dreg:$0x1] =	wrdreg $0xFFFFFFFF  }
0xbc: {  	[dreg:$0x0] =	wrdreg $0x60  }
0xbd: {  	[dreg:$0x2] =	wrdreg s24  }
0xbe: {  	[dreg:$0x3] =	wrdreg $0x0  }
0xbf: {  	[dreg:$0x4] =	wrdreg $0xA  }
0xc0: {  	_ =	task.clear_ibuf [dreg:s22], $0x5FFFF;
	_ =	strace $0x9000005A  }
0xc1: {  	s29 =	simm.s32 $0xA;
	_ =	strace $0x80000062  }
0xc2: {  	_ =	swait.ge [sflag:s29], $0x1  }
0xc3: {  	[sflag:s29] =	ssyncadd.s32 $0xFFFFFFFF  }
0xc4: {  	_ =	strace $0x90000062  }
0xc5: {  	_ =	sfence  }
0xc6: {  	s30 =	sld [smem:$0x0];
	_ =	sdelay $0x2  }
0xc7: {  	s31 =	sshll.u32 s1, $0xD;
	s1 =	sshrl.u32 s1, $0x2  }
0xc8: {  	s4 =	sand.u32 $0x4000, s31;
	s1 =	sadd.s32 s1, s30  }
0xc9: {  	s0 =	sor.u32 s4, s0;
	s1 =	sshll.u32 s1, $0x11  }
0xca: {  	s0 =	sor.u32 s1, s0  }
0xcb: {  	s0 =	sadd.s32 $0x8F2B, s0  }
0xcc: {  	[sflag:s0] =	ssyncadd.remote.s32 $0x1  }
0xcd: {  	_ =	sfence.sel $0xFFFF  }
0xce: {  	[dreg:$0x0] =	wrdreg $0xFFFFFFFF;
	(pc) =	sbr.abs _section_cstart, $3  }
0xcf: {  	[dreg:$0x1] =	wrdreg $0xFFFFFFFF  }
0xd0: {  	_ =	task.clear_ibuf [dreg:s22], $0x2FFFF;
	_ =	strace $0x9FFFFFFF  }
0xd1: {  	(tm) =	ssettm $0x7FFFFFFF  }
tec
execute0_lowered:
.L_overlay_start_1:
0x0: {  	(tag) =	ssettag $0x1  }
0x1: {  	s0 =	rddreg [dreg:$0x0]  }
0x2: {  	s2 =	rddreg [dreg:$0x1]  }
0x3: {  	s15 =	simm.s32 $0x0;
	s3 =	stileid.u32;
	s6 =	srdreg.scid  }
0x4: {  	s21 =	simm.s32 $0x80;
	s22 =	simm.s32 $0x5;
	s24 =	simm.s32 $0x0  }
0x5: {  	[smem:$0x7FF] =	sst s15;
	s1 =	smul.u32 $0x2780, s3;
	s4 =	sadd.s32 $0x2A2800, s0  }
0x6: {  	s5 =	sadd.s32 $0x2A0000, s0;
	s6 =	sand.u32 $0x1, s6;
	s7 =	smul.u32 $0x4F000, s3  }
0x7: {  	s10 =	sadd.s32 $0x53A00, s0;
	s13 =	smul.u32 $0x13C00, s3;
	_ =	strace $0x8000005B  }
0x8: {  	s8 =	ssub.s32 $0x2, s6;
	s9 =	sshll.u32 s6, $0x4;
	s26 =	smul.u32 $0x138800, s6  }
0x9: {  	s1 =	sadd.s32 s1, s0;
	s11 =	sshrl.u32 s8, $0x1;
	s7 =	sshrl.u32 s7, $0x2  }
0xa: {  	s9 =	sor.u32 s3, s9;
	s0 =	sadd.s32 $0x51880, s0;
	s11 =	ssub.s32 s8, s11  }
0xb: {  	s7 =	sadd.s32 s7, s2;
	s25 =	smul.u32 $0x13, s9;
	s1 =	sadd.s32 $0x2C800, s1  }
0xc: {  	s12 =	smul.u32 $0x14, s9;
	[dreg:$0x4] =	wrdreg s0;
	p0 =	slt.u32 s9, $0x11  }
0xd: {  	s9 =	simm.s32 $0x14;
	s30 =	sadd.s32 s13, s26;
	s0 =	sshrl.u32 s26, $0x3  }
0xe: {  	[dreg:$0x3] =	wrdreg s1;
	s1 =	sadd.s32 $0x128400, s2;
	s9 =	simm.s32 @!p0 $0x13  }
0xf: {  	s0 =	sadd.s32 s10, s0;
	s31 =	smax.u32 s11, $0x1;
	s8 =	sadd.s32 $0x11, s25  }
0x10: {  	s0 =	sadd.s32 $0x25080, s0;
	[dreg:$0x9] =	wrdreg s31;
	s8 =	smov.u32 @p0 s12  }
0x11: {  	p0 =	seq.s32 s3, $0xF;
	[dreg:$0x8] =	wrdreg s0;
	s28 =	sshll.u32 s8, $0xB  }
0x12: {  	s12 =	sshll.u32 s8, $0x4;
	s0 =	sshll.u32 @!p0 s3, $0x6;
	s6 =	sand.u32 $0x1FFFF800, s28  }
0x13: {  	s16 =	sshrl.u32 @p0 s1, $0x3;
	s12 =	sand.u32 $0x1FFFFFF0, s12;
	s6 =	sadd.s32 s4, s6  }
0x14: {  	s29 =	sadd.s32 s5, s12;
	[dreg:$0x5] =	wrdreg s6;
	s6 =	sshrl.u32 s30, $0x3  }
0x15: {  	s18 =	sshrl.u32 @!p0 s7, $0x3;
	[dreg:$0x6] =	wrdreg s29;
	s6 =	sadd.s32 s10, s6  }
0x16: {  	s17 =	sor.u32 @!p0 $0x1C01, s0;
	s12 =	sadd.s32 $0xFFFFFFFF, s9;
	[dreg:$0x7] =	wrdreg s6  }
.LBB2_1:
0x17: {  	s23 =	simm.s32 @p0 $0x1FC1;
	s0 =	rddreg [dreg:$0x4];
	s26 =	simm.s32 @p0 $0x1  }
0x18: {  	[spmem:s16], [sflag:s23] =	dma.local @p0 [hbm:s0], $0x2080  }
0x19: {  	_ =	swait.ge @p0 [sflag:s26], $0x2080  }
0x1a: {  	[sflag:s26] =	ssyncset.done @p0 $0x0  }
0x1b: {  	s25 =	simm.s32 @!p0 $0x1;
	s0 =	rddreg [dreg:$0x3];
	[sflag:s26] =	ssyncadd.s32 @p0 $0xFFFFDF80  }
0x1c: {  	[spmem:s18], [sflag:s17] =	dma.local @!p0 [hbm:s0], $0x2780  }
0x1d: {  	_ =	swait.ge @!p0 [sflag:s25], $0x2780  }
0x1e: {  	[sflag:s25] =	ssyncset.done @!p0 $0x0  }
0x1f: {  	[sflag:s25] =	ssyncadd.s32 @!p0 $0xFFFFD880  }
0x20: {  	s1 =	simm.s32 $0x13880;
	[bflag:$0x0] =	sbarrier.arrive $0xFFFF  }
0x21: {  	s31 =	simm.s32 $0x1B880;
	p2 =	sne.s32 s12, $0x1;
	_ =	strace $0x8000005C  }
.Ltmp0:
0x22: {  	p1 =	seq.s32 s9, $0x1;
	s28 =	rddreg [dreg:$0x5];
	(pc) =	sbr.rel @!p2 .LBB2_2-.Ltmp0, $4  }
0x23: {  	[tilespmem:s1], [sflag:$0x1] =	stream.linear.gather [hbm4b:s28+s15], $0x4000, $0x200038;
	[tilespmem:$0x1B980] =	vst v63  }
0x24: {  	s20 =	simm.s32 $0x1;
	s30 =	simm.s32 $0x1;
	s29 =	rddreg [dreg:$0x6]  }
0x25: {  	[tilespmem:s31], [sflag:$0x3] =	stream.linear.gather [hbm4b:s29+s15], $0x80, $0x200038;
	[tilespmem:$0x1B980] =	vst v63  }
0x26: {  	s20 =	simm.s32 @p1 $0x0;
	p1 =	por $0x0, $0x0;
	_ =	strace $0x9000005C  }
0x27: {  	p1 =	seq.s32 s20, $0x0  }
0x28: {  	s30 =	simm.s32 $0x2;
	s3 =	simm.s32 $0x1;
	s14 =	simm.s32 $0x0  }
0x29: {  	s15 =	sand.u32 $0x1, s15;
	p2 =	sne.s32 s12, $0x2;
	s29 =	sadd.s32 $0x1, s20  }
0x2a: {  	s0 =	sadd.s32 @!p1 s8, s20;
	s1 =	sand.u32 @!p1 $0x1, s3;
	s11 =	simm.s32 @!p1 $0x0  }
0x2b: {  	s19 =	simm.s32 @!p1 $0x1;
	_ =	strace @!p1 $0x8000005D;
	s23 =	sadd.s32 $0x1, s15  }
0x2c: {  	s6 =	sshll.u32 @!p1 s0, $0xB;
	s7 =	sshll.u32 @!p1 s1, $0xE;
	s10 =	sadd.s32 @!p1 $0x1, s1  }
0x2d: {  	s0 =	sshll.u32 @!p1 s0, $0x4;
	s13 =	sshll.u32 @!p1 s1, $0x7;
	s6 =	sand.u32 @!p1 $0x1FFFF800, s6  }
0x2e: {  	s1 =	sadd.s32 @!p1 $0x3, s1;
	s7 =	sor.u32 @!p1 $0x13880, s7;
	s6 =	sadd.s32 @!p1 s4, s6  }
0x2f: {  	[tilespmem:s7], [sflag:s10] =	stream.linear.gather @!p1 [hbm4b:s6+s11], $0x4000, $0x200038;
	[tilespmem:$0x1B980] =	vst v63  }
0x30: {  	s19 =	simm.s32 @p1 $0x0;
	s0 =	sand.u32 @!p1 $0x1FFFFFF0, s0;
	_ =	strace @!p1 $0x9000005D  }
0x31: {  	s13 =	sadd.s32 @!p1 $0x1B880, s13;
	s0 =	sadd.s32 @!p1 s5, s0;
	_ =	strace @!p1 $0x8000005E  }
0x32: {  	[tilespmem:s13], [sflag:s1] =	stream.linear.gather @!p1 [hbm4b:s0+s11], $0x80, $0x200038;
	[tilespmem:$0x1B980] =	vst v63  }
0x33: {  	s31 =	sadd.s32 $0x1, s19;
	s19 =	simm.s32 $0x0;
	_ =	strace @!p1 $0x9000005E  }
0x34: {  	s28 =	sand.u32 $0x80, s19;
	s19 =	simm.s32 $0x0;
	_ =	strace $0x8000005F  }
0x35: {  	s10 =	sadd.s32 $0x3, s15;
	s7 =	simm.s32 $0x1;
	_ =	swait.ge [sflag:s23], $0x4000  }
0x36: {  	s1 =	simm.s32 @!p1 $0x2;
	s0 =	sand.u32 $0x4000, s14;
	[sflag:s23] =	ssyncset.done $0x0  }
.Ltmp1:
0x37: {  	s13 =	sadd.s32 $0x1B880, s28;
	[sflag:s23] =	ssyncadd.s32 $0xFFFFC000;
	(pc) =	sbr.rel @!p2 .LBB2_4-.Ltmp1, $4  }
0x38: {  	s1 =	smov.u32 @p1 s3;
	p1 =	sne.s32 s20, $0x0;
	_ =	strace $0x9000005F  }
0x39: {  	s7 =	simm.s32 @!p1 $0x0;
	p1 =	seq.s32 s29, s9;
	_ =	strace $0x80000060  }
0x3a: {  	s11 =	sor.u32 $0x13880, s0;
	s29 =	simm.s32 @p1 $0x0;
	_ =	swait.ge [sflag:s10], $0x80  }
0x3b: {  	s0 =	sadd.s32 $0x0, s7;
	p1 =	por $0x1, $0x1;
	[sflag:s10] =	ssyncset.done $0x0  }
.LBB2_5:
0x3c: {  	s6 =	smov.u32 s1  }
0x3d: {  	s30 =	sadd.s32 $0x1, s30;
	p2 =	seq.s32 s20, s29;
	s19 =	sadd.s32 s7, s19  }
0x3e: {  	s1 =	sadd.s32 @!p2 s8, s29;
	s7 =	sand.u32 @!p2 $0x1, s6;
	[sflag:s10] =	ssyncadd.s32 $0xFFFFFF80  }
0x3f: {  	s10 =	sshll.u32 @!p2 s7, $0xE;
	s14 =	sshll.u32 @!p2 s1, $0xB;
	_ =	strace $0x90000060  }
0x40: {  	s15 =	sand.u32 @!p2 $0x1, s31;
	s14 =	sand.u32 @!p2 $0x1FFFF800, s14;
	_ =	strace $0x80000061  }
0x41: {  	[spmem:s2] =	stream.indirect.scatter.add.f32 [tilespmem:s11], [sflag:$0x5], $0x80, s13, s21, $0x2000b8;
	[tilespmem:$0x1B980] =	vst v63  }
0x42: {  	s7 =	sadd.s32 @!p2 $0x1, s7;
	s1 =	sshll.u32 @!p2 s1, $0x4;
	s11 =	simm.s32 @!p2 $0x0  }
0x43: {  	s10 =	sor.u32 @!p2 $0x13880, s10;
	s1 =	sand.u32 @!p2 $0x1FFFFFF0, s1;
	s13 =	sshll.u32 @!p2 s15, $0x7  }
0x44: {  	s23 =	simm.s32 @!p2 $0x1;
	s13 =	sadd.s32 @!p2 $0x1B880, s13;
	_ =	swait.ge [sflag:s22], $0x4000  }
0x45: {  	s14 =	sadd.s32 @!p2 s4, s14;
	s15 =	sadd.s32 @!p2 $0x3, s15;
	[sflag:s22] =	ssyncset.done $0x0  }
0x46: {  	s23 =	simm.s32 @p2 $0x0;
	s3 =	sadd.s32 @!p2 s5, s1;
	[sflag:s22] =	ssyncadd.s32 $0xFFFFC000  }
0x47: {  	s31 =	sadd.s32 s31, s23;
	s23 =	sshll.u32 s19, $0xE;
	_ =	strace $0x90000061  }
0x48: {  	s28 =	sshll.u32 s0, $0x7;
	s1 =	sand.u32 $0x1, s19;
	_ =	strace @!p2 $0x8000005D  }
0x49: {  	[tilespmem:s10], [sflag:s7] =	stream.linear.gather @!p2 [hbm4b:s14+s11], $0x4000, $0x200038;
	[tilespmem:$0x1B980] =	vst v63  }
0x4a: {  	s7 =	sadd.s32 $0x1, s1;
	s14 =	sand.u32 $0x80, s28;
	_ =	strace @!p2 $0x9000005D  }
0x4b: {  	s1 =	sadd.s32 @!p2 $0x1, s6;
	s10 =	sand.u32 $0x1, s0;
	_ =	strace @!p2 $0x8000005E  }
0x4c: {  	[tilespmem:s13], [sflag:s15] =	stream.linear.gather @!p2 [hbm4b:s3+s11], $0x80, $0x200038;
	[tilespmem:$0x1B980] =	vst v63  }
0x4d: {  	s1 =	smov.u32 @p2 s6;
	s10 =	sadd.s32 $0x3, s10;
	_ =	strace @!p2 $0x9000005E  }
0x4e: {  	p2 =	sne.s32 s12, s30;
	_ =	strace $0x8000005F  }
0x4f: {  	p3 =	sne.s32 s20, s29;
	_ =	swait.ge [sflag:s7], $0x4000  }
0x50: {  	s20 =	smov.u32 s29;
	s3 =	sand.u32 $0x4000, s23;
	[sflag:s7] =	ssyncset.done $0x0  }
.Ltmp2:
0x51: {  	[sflag:s7] =	ssyncadd.s32 $0xFFFFC000;
	s7 =	simm.s32 $0x1;
	(pc) =	sbr.rel @p2 .LBB2_5-.Ltmp2, $4  }
0x52: {  	s29 =	sadd.s32 $0x1, s29;
	_ =	strace $0x9000005F;
	s7 =	simm.s32 @!p3 $0x0  }
0x53: {  	s11 =	sor.u32 $0x13880, s3;
	p3 =	seq.s32 s29, s9;
	_ =	strace $0x80000060  }
0x54: {  	s13 =	sadd.s32 $0x1B880, s14;
	s29 =	simm.s32 @p3 $0x0;
	_ =	swait.ge [sflag:s10], $0x80  }
0x55: {  	s0 =	sadd.s32 s7, s0;
	[sflag:s10] =	ssyncset.done $0x0  }
0x56: {  	s6 =	smov.u32 s20  }
0x57: {  	s20 =	smov.u32 s29;
	s15 =	simm.s32 $0x0;
	s23 =	simm.s32 @p0 $0x1FC1  }
.LBB2_7:
0x58: {  	[sflag:s10] =	ssyncadd.s32 @p1 $0xFFFFFF80  }
0x59: {  	_ =	strace @p1 $0x90000060  }
0x5a: {  	p2 =	seq.s32 s6, s20;
	_ =	strace @p1 $0x80000061  }
0x5b: {  	[spmem:s2] =	stream.indirect.scatter.add.f32 @p1 [tilespmem:s11], [sflag:$0x5], $0x80, s13, s21, $0x2000b8;
	[tilespmem:$0x1B980] =	vst v63  }
0x5c: {  	s3 =	sadd.s32 @!p2 s8, s20;
	s10 =	sand.u32 @!p2 $0x1, s1;
	_ =	swait.ge @p1 [sflag:s22], $0x4000  }
0x5d: {  	s14 =	simm.s32 @!p2 $0x0;
	s11 =	sshll.u32 @!p2 s3, $0xB;
	[sflag:s22] =	ssyncset.done @p1 $0x0  }
0x5e: {  	s13 =	sshll.u32 @!p2 s10, $0xE;
	s10 =	sadd.s32 @!p2 $0x1, s10;
	[sflag:s22] =	ssyncadd.s32 @p1 $0xFFFFC000  }
0x5f: {  	s3 =	sshll.u32 @!p2 s3, $0x4;
	s11 =	sand.u32 @!p2 $0x1FFFF800, s11;
	_ =	strace @p1 $0x90000061  }
0x60: {  	s13 =	sor.u32 @!p2 $0x13880, s13;
	s11 =	sadd.s32 @!p2 s4, s11;
	_ =	strace @!p2 $0x8000005D  }
0x61: {  	[tilespmem:s13], [sflag:s10] =	stream.linear.gather @!p2 [hbm4b:s11+s14], $0x4000, $0x200038;
	[tilespmem:$0x1B980] =	vst v63  }
0x62: {  	s3 =	sand.u32 @!p2 $0x1FFFFFF0, s3;
	s10 =	sand.u32 @!p2 $0x1, s31  }
0x63: {  	s3 =	sadd.s32 @!p2 s5, s3;
	s11 =	sshll.u32 @!p2 s10, $0x7;
	_ =	strace @!p2 $0x9000005D  }
0x64: {  	s10 =	sadd.s32 @!p2 $0x3, s10;
	s11 =	sadd.s32 @!p2 $0x1B880, s11;
	_ =	strace @!p2 $0x8000005E  }
0x65: {  	[tilespmem:s11], [sflag:s10] =	stream.linear.gather @!p2 [hbm4b:s3+s14], $0x80, $0x200038;
	[tilespmem:$0x1B980] =	vst v63  }
0x66: {  	s3 =	sadd.s32 @p1 s7, s19;
	s7 =	simm.s32 $0x0  }
0x67: {  	s7 =	smov.u32 @p1 s3  }
0x68: {  	_ =	strace @!p2 $0x9000005E;
	s3 =	sand.u32 $0x1, s7  }
0x69: {  	_ =	strace $0x8000005F;
	s3 =	sadd.s32 $0x1, s3  }
0x6a: {  	_ =	swait.ge [sflag:s3], $0x4000  }
0x6b: {  	[sflag:s3] =	ssyncset.done $0x0  }
0x6c: {  	[sflag:s3] =	ssyncadd.s32 $0xFFFFC000  }
0x6d: {  	s11 =	sand.u32 $0x1, s0;
	_ =	strace $0x9000005F  }
0x6e: {  	s3 =	sadd.s32 $0x3, s11;
	_ =	strace $0x80000060  }
0x6f: {  	_ =	swait.ge [sflag:s3], $0x80  }
0x70: {  	[sflag:s3] =	ssyncset.done $0x0  }
0x71: {  	s14 =	sshll.u32 s0, $0x7;
	s13 =	sshll.u32 s7, $0xE;
	[sflag:s3] =	ssyncadd.s32 $0xFFFFFF80  }
0x72: {  	s19 =	sand.u32 $0x80, s14;
	s10 =	sand.u32 $0x4000, s13;
	_ =	strace $0x90000060  }
0x73: {  	s10 =	sor.u32 $0x13880, s10;
	s3 =	sadd.s32 $0x1B880, s19;
	_ =	strace $0x80000061  }
0x74: {  	[spmem:s2] =	stream.indirect.scatter.add.f32 [tilespmem:s10], [sflag:$0x5], $0x80, s3, s21, $0x2000b8;
	[tilespmem:$0x1B980] =	vst v63  }
0x75: {  	s3 =	sadd.s32 $0x1, s20  }
0x76: {  	p1 =	seq.s32 s3, s9  }
0x77: {  	_ =	swait.ge [sflag:s22], $0x4000;
	s3 =	simm.s32 @p1 $0x0;
	p1 =	sge.u32 s30, s12  }
0x78: {  	[sflag:s22] =	ssyncset.done $0x0;
	p3 =	seq.s32 @!p1 s20, s3  }
0x79: {  	s10 =	sadd.s32 @!p2 $0x1, s1;
	[sflag:s22] =	ssyncadd.s32 $0xFFFFC000;
	p1 =	por p3, p1  }
0x7a: {  	s10 =	smov.u32 @p2 s1;
	_ =	strace $0x90000061;
	s1 =	sadd.s32 @!p1 s8, s3  }
0x7b: {  	s3 =	sand.u32 @!p1 $0x1, s10;
	_ =	strace @!p1 $0x8000005D;
	s11 =	sshll.u32 @!p1 s1, $0xB  }
0x7c: {  	s13 =	simm.s32 @!p1 $0x0;
	s10 =	sshll.u32 @!p1 s3, $0xE;
	s11 =	sand.u32 @!p1 $0x1FFFF800, s11  }
0x7d: {  	s3 =	sadd.s32 @!p1 $0x1, s3;
	s10 =	sor.u32 @!p1 $0x13880, s10;
	s11 =	sadd.s32 @!p1 s4, s11  }
0x7e: {  	[tilespmem:s10], [sflag:s3] =	stream.linear.gather @!p1 [hbm4b:s11+s13], $0x4000, $0x200038;
	[tilespmem:$0x1B980] =	vst v63  }
0x7f: {  	s3 =	simm.s32 @!p2 $0x1  }
0x80: {  	s3 =	simm.s32 @p2 $0x0  }
0x81: {  	s1 =	sshll.u32 @!p1 s1, $0x4;
	s3 =	sadd.s32 s31, s3  }
0x82: {  	s1 =	sand.u32 @!p1 $0x1FFFFFF0, s1;
	s3 =	sand.u32 @!p1 $0x1, s3  }
0x83: {  	s1 =	sadd.s32 @!p1 s5, s1;
	_ =	strace @!p1 $0x9000005D;
	s10 =	sshll.u32 @!p1 s3, $0x7  }
0x84: {  	_ =	strace @!p1 $0x8000005E;
	s3 =	sadd.s32 @!p1 $0x3, s3;
	s10 =	sadd.s32 @!p1 $0x1B880, s10  }
0x85: {  	[tilespmem:s10], [sflag:s3] =	stream.linear.gather @!p1 [hbm4b:s1+s13], $0x80, $0x200038;
	[tilespmem:$0x1B980] =	vst v63  }
0x86: {  	p2 =	sne.s32 s6, s20;
	s1 =	simm.s32 $0x1  }
0x87: {  	s1 =	simm.s32 @!p2 $0x0  }
0x88: {  	s20 =	sadd.s32 s1, s7  }
0x89: {  	_ =	strace @!p1 $0x9000005E;
	s28 =	sand.u32 $0x1, s20  }
0x8a: {  	_ =	strace $0x8000005F;
	s6 =	sadd.s32 $0x1, s28  }
0x8b: {  	_ =	swait.ge [sflag:s6], $0x4000  }
0x8c: {  	[sflag:s6] =	ssyncset.done $0x0  }
0x8d: {  	s29 =	sadd.s32 s1, s0;
	[sflag:s6] =	ssyncadd.s32 $0xFFFFC000  }
0x8e: {  	s1 =	sand.u32 $0x1, s29;
	_ =	strace $0x9000005F  }
0x8f: {  	s1 =	sadd.s32 $0x3, s1;
	_ =	strace $0x80000060  }
0x90: {  	_ =	swait.ge [sflag:s1], $0x80  }
0x91: {  	[sflag:s1] =	ssyncset.done $0x0  }
0x92: {  	s30 =	sshll.u32 s20, $0xE;
	s0 =	sshll.u32 s29, $0x7;
	[sflag:s1] =	ssyncadd.s32 $0xFFFFFF80  }
0x93: {  	s0 =	sand.u32 $0x80, s0;
	s1 =	sand.u32 $0x4000, s30;
	_ =	strace $0x90000060  }
0x94: {  	s0 =	sadd.s32 $0x1B880, s0;
	s1 =	sor.u32 $0x13880, s1;
	_ =	strace $0x80000061  }
0x95: {  	[spmem:s2] =	stream.indirect.scatter.add.f32 [tilespmem:s1], [sflag:$0x5], $0x80, s0, s21, $0x2000b8;
	[tilespmem:$0x1B980] =	vst v63  }
0x96: {  	_ =	swait.ge [sflag:s22], $0x4000  }
0x97: {  	[sflag:s22] =	ssyncset.done $0x0  }
0x98: {  	[sflag:s22] =	ssyncadd.s32 $0xFFFFC000  }
0x99: {  	_ =	strace $0x90000061  }
0x9a: {  	[bflag:$0x0] =	sbarrier.arrive $0xFFFF  }
0x9b: {  	s0 =	rddreg [dreg:$0x8]  }
0x9c: {  	[hbm:s0], [sflag:s23] =	dma.local @p0 [spmem:s16], $0x2080  }
0x9d: {  	_ =	swait.ge @p0 [sflag:s26], $0x2080  }
0x9e: {  	[sflag:s26] =	ssyncset.done @p0 $0x0  }
0x9f: {  	s0 =	rddreg [dreg:$0x7];
	[sflag:s26] =	ssyncadd.s32 @p0 $0xFFFFDF80  }
0xa0: {  	[hbm:s0], [sflag:s17] =	dma.local @!p0 [spmem:s18], $0x2780  }
0xa1: {  	_ =	swait.ge @!p0 [sflag:s25], $0x2780  }
0xa2: {  	s24 =	sadd.s32 $0x1, s24;
	s31 =	rddreg [dreg:$0x9]  }
0xa3: {  	p1 =	sne.s32 s24, s31  }
.Ltmp3:
0xa4: {  	_ = 	snop;
	(pc) =	sbr.rel @p1 .LBB2_1-.Ltmp3, $4  }
.Ltmp4:
0xa5: {  	_ = 	snop;
	(pc) =	sbr.rel @!p1 .LBB2_8-.Ltmp4, $4  }
0xa6: {  	_ = 	snop  }
0xa7: {  	[sflag:s25] =	ssyncset.done @!p0 $0x0  }
0xa8: {  	[sflag:s25] =	ssyncadd.s32 @!p0 $0xFFFFD880  }
0xa9: {  	_ = 	snop  }
.LBB2_2:
.Ltmp5:
0xaa: {  	(pc) =	sbr.rel .LBB2_7-.Ltmp5, $3  }
0xab: {  	_ =	sdelay $0x1  }
0xac: {  	s6 =	simm.s32 $0x0;
	s19 =	simm.s32 $0x0  }
0xad: {  	s1 =	simm.s32 $0x1;
	s31 =	simm.s32 $0x1;
	s0 =	simm.s32 $0x0  }
.LBB2_4:
.Ltmp6:
0xae: {  	(pc) =	sbr.rel .LBB2_7-.Ltmp6, $3  }
0xaf: {  	_ =	sdelay $0x1  }
0xb0: {  	s6 =	smov.u32 s20;
	s20 =	smov.u32 s29  }
0xb1: {  	s19 =	simm.s32 $0x0;
	s15 =	simm.s32 $0x0;
	s23 =	simm.s32 @p0 $0x1FC1  }
.LBB2_8:
0xb2: {  	_ =	sfence.sel $0x180000  }
0xb3: {  	[bflag:$0x0] =	sbarrier.arrive $0xFFFF  }
0xb4: {  	_ =	strace $0x9000005B  }
0xb5: {  	s0 =	stileid.u32;
	[bflag:$0x2] =	sbarrier.arrive $0xFFFF  }
0xb6: {  	p0 =	sne.s32 s0, $0x0;
	s0 =	rddreg [dreg:$0x2]  }
0xb7: {  	s0 =	sadd.s32 @!p0 $0x100000, s0  }
0xb8: {  	[sflag:s0] =	ssyncadd.tile.s32 @!p0 $0x1;
	_ =	shalt  }
.Lfunc_end2:
_tile_overlayer_lowered:
.L_overlay_start_2:
0xb9: {  	(tag) =	ssettag $0x2  }
0xba: {  	s0 =	rddreg [dreg:$0x0];
	s2 =	stileid.u32  }
0xbb: {  	s1 =	rddreg [dreg:$0x1];
	p0 =	sne.s32 s2, $0x0  }
0xbc: {  	s3 =	rddreg [dreg:$0x2];
	[bflag:$0x3] =	sbarrier.arrive $0xFFFF;
	s2 =	simm.s32 @!p0 $0x1C01  }
0xbd: {  	[timem:s3], [sflag:s2] =	dma.local @!p0 [hbm:s0], s1  }
0xbe: {  	s0 =	simm.s32 @!p0 $0x1  }
0xbf: {  	_ =	swait.ge @!p0 [sflag:s0], s1  }
0xc0: {  	s1 =	ssub.s32 @!p0 $0x0, s1;
	[sflag:s0] =	ssyncset.done @!p0 $0x0  }
0xc1: {  	[sflag:s0] =	ssyncadd.s32 @!p0 s1  }
0xc2: {  	[bflag:$0x3] =	sbarrier.arrive $0xFFFF  }
0xc3: {  	_ =	shalt  }

// kernel: kernel.9.cloned.1.call-start
scs
__scs_entry_jumppad:
0x0: {  	(pc) =	sbr.rel $0x88, $3  }
0x1: {  	(tag) =	ssettag $0x0;
	lr =	simm.s32 $0x1  }
0x2: {  	[smem:$0x3F99] =	sst lr;
	_ =	strace $0xD0000000  }
0x3: {  	_ = 	snop  }
0x4: {  	_ = 	snop  }
0x5: {  	_ = 	snop  }
0x6: {  	_ = 	snop  }
0x7: {  	_ = 	snop  }
__scs_overlays_trampoline_lowered:
0x8: {  	[smem:$0x3FA8] =	sst s0  }
0x9: {  	[smem:$0x3FA9] =	sst s1  }
0xa: {  	[smem:$0x3FAA] =	sst s2  }
0xb: {  	[smem:$0x3FAB] =	sst s3  }
0xc: {  	[smem:$0x3FAC] =	sst s4  }
0xd: {  	[smem:$0x3FAD] =	sst s5  }
0xe: {  	[smem:$0x3FAE] =	sst s6  }
0xf: {  	[smem:$0x3FAF] =	sst s7  }
0x10: {  	[smem:$0x3FB0] =	sst s8  }
0x11: {  	[smem:$0x3FB1] =	sst s9;
	s0 =	simm.s32 @!p0 $0x0  }
0x12: {  	s1 =	sld [smem:$0x3F97];
	s0 =	simm.s32 @p0 $0x1  }
0x13: {  	[smem:$0x3FB2] =	sst s0;
	s0 =	simm.s32 @!p1 $0x0  }
0x14: {  	s2 =	sld [smem:$0x3F96];
	s0 =	simm.s32 @p1 $0x1  }
0x15: {  	[smem:$0x3FB3] =	sst s0;
	s0 =	simm.s32 @!p2 $0x0  }
0x16: {  	s3 =	sld [smem:$0x3FDB];
	s0 =	simm.s32 @p2 $0x1  }
0x17: {  	s4 =	simm.s32 $0x1BF5;
	[smem:$0x3FB5] =	sst s0  }
0x18: {  	s0 =	sld [smem:$0x3F98];
	_ =	swait.ge [sflag:s4], $0x0  }
0x19: {  	s7 =	sld [smem:$0x3F99]  }
0x1a: {  	s8 =	sadd.s32 $0xFFFFE003, lr  }
0x1b: {  	s9 =	sadd.s32 $0xFFFFFEF7, lr;
	s5 =	simm.s32 $0xFFFFFFFF;
	p2 =	slt.u32 s8, $0xFFFFF086  }
0x1c: {  	p1 =	slt.u32 s9, $0xF7A;
	s5 =	simm.s32 @!p2 $0x0  }
0x1d: {  	s5 =	simm.s32 @p1 $0x1;
	p0 =	seq.s32 s7, s2  }
0x1e: {  	s7 =	smul.u32 @!p0 $0xF7A, s2;
	p2 =	seq.s32 @!p0 s5, $0x0  }
0x1f: {  	s9 =	smul.u32 $0xF7A, s1;
	s8 =	simm.s32 @!p0 $0x1BF5;
	p2 =	por !p2, p0  }
0x20: {  	[sflag:s8] =	ssyncset.s32 @!p0 $0xFFFFF086;
	s6 =	sadd.s32 @!p0 s3, s7;
	s7 =	simm.s32 @!p0 $0x108  }
0x21: {  	s3 =	sadd.s32 s3, s9;
	s6 =	sadd.s32 @!p0 $0x88, s6;
	s7 =	simm.s32 @p2 $0x1082  }
0x22: {  	[simem:s7], [sflag:s8] =	dma.local @!p0 [hbm:s6], $0xF7A  }
0x23: {  	s9 =	sor.u32 $0xD0000000, s2;
	s6 =	simm.s32 $0x108;
	_ =	swait.ge @!p0 [sflag:s8], $0x0  }
0x24: {  	s3 =	sadd.s32 $0x88, s3;
	s6 =	simm.s32 @!p1 $0x1082;
	[sflag:s4] =	ssyncset.s32 $0xFFFFF086  }
0x25: {  	[simem:s6], [sflag:s4] =	dma.local [hbm:s3], $0xF7A  }
0x26: {  	[smem:$0x3F99] =	sst s1;
	(tag) =	ssettag s2;
	_ =	strace s9  }
0x27: {  	s1 =	sld [smem:$0x3FA9]  }
0x28: {  	s2 =	sld [smem:$0x3FAA]  }
0x29: {  	s4 =	sld [smem:$0x3FAC]  }
0x2a: {  	p0 =	seq.s32 s5, $0x0;
	s5 =	sld [smem:$0x3FAD]  }
0x2b: {  	s6 =	sld [smem:$0x3FAE]  }
0x2c: {  	s7 =	sld [smem:$0x3FAF]  }
0x2d: {  	s3 =	simm.s32 $0x108;
	s8 =	sld [smem:$0x3FB0]  }
0x2e: {  	s3 =	simm.s32 @!p0 $0x1082;
	s9 =	sld [smem:$0x3FB1]  }
0x2f: {  	lr =	sadd.s32 s0, s3;
	s0 =	sld [smem:$0x3FA8]  }
0x30: {  	s3 =	sld [smem:$0x3FAB]  }
0x31: {  	[smem:$0x3FB4] =	sst s10  }
0x32: {  	s10 =	sld [smem:$0x3FB2];
	_ =	sdelay $0x3  }
0x33: {  	p0 =	seq.s32 s10, $0x1;
	s10 =	sld [smem:$0x3FB4];
	_ =	sdelay $0x3  }
0x34: {  	[smem:$0x3FB4] =	sst s10  }
0x35: {  	s10 =	sld [smem:$0x3FB3];
	_ =	sdelay $0x3  }
0x36: {  	p1 =	seq.s32 s10, $0x1;
	s10 =	sld [smem:$0x3FB4];
	_ =	sdelay $0x3  }
0x37: {  	[smem:$0x3FB4] =	sst s10  }
0x38: {  	s10 =	sld [smem:$0x3FB5]  }
0x39: {  	_ = 	snop;
	(pc) =	sbr.ind lr, $3  }
0x3a: {  	_ = 	snop  }
0x3b: {  	_ = 	snop  }
0x3c: {  	p2 =	seq.s32 s10, $0x1;
	s10 =	sld [smem:$0x3FB4]  }
0x3d: {  	_ =	shalt  }
0x3e: {  	_ =	shalt  }
0x3f: {  	_ =	shalt  }
0x40: {  	_ =	shalt  }
0x41: {  	_ =	shalt  }
0x42: {  	_ =	shalt  }
0x43: {  	_ =	shalt  }
0x44: {  	_ =	shalt  }
0x45: {  	_ =	shalt  }
0x46: {  	_ =	shalt  }
0x47: {  	_ =	shalt  }
0x48: {  	_ =	shalt  }
0x49: {  	_ =	shalt  }
0x4a: {  	_ =	shalt  }
0x4b: {  	_ =	shalt  }
0x4c: {  	_ =	shalt  }
0x4d: {  	_ =	shalt  }
0x4e: {  	_ =	shalt  }
0x4f: {  	_ =	shalt  }
0x50: {  	_ =	shalt  }
0x51: {  	_ =	shalt  }
0x52: {  	_ =	shalt  }
0x53: {  	_ =	shalt  }
0x54: {  	_ =	shalt  }
0x55: {  	_ =	shalt  }
0x56: {  	_ =	shalt  }
0x57: {  	_ =	shalt  }
0x58: {  	_ =	shalt  }
0x59: {  	_ =	shalt  }
0x5a: {  	_ =	shalt  }
0x5b: {  	_ =	shalt  }
0x5c: {  	_ =	shalt  }
0x5d: {  	_ =	shalt  }
0x5e: {  	_ =	shalt  }
0x5f: {  	_ =	shalt  }
0x60: {  	_ =	shalt  }
0x61: {  	_ =	shalt  }
0x62: {  	_ =	shalt  }
0x63: {  	_ =	shalt  }
0x64: {  	_ =	shalt  }
0x65: {  	_ =	shalt  }
0x66: {  	_ =	shalt  }
0x67: {  	_ =	shalt  }
0x68: {  	_ =	shalt  }
0x69: {  	_ =	shalt  }
0x6a: {  	_ =	shalt  }
0x6b: {  	_ =	shalt  }
0x6c: {  	_ =	shalt  }
0x6d: {  	_ =	shalt  }
0x6e: {  	_ =	shalt  }
0x6f: {  	_ =	shalt  }
0x70: {  	_ =	shalt  }
0x71: {  	_ =	shalt  }
0x72: {  	_ =	shalt  }
0x73: {  	_ =	shalt  }
0x74: {  	_ =	shalt  }
0x75: {  	_ =	shalt  }
0x76: {  	_ =	shalt  }
0x77: {  	_ =	shalt  }
0x78: {  	_ =	shalt  }
0x79: {  	_ =	shalt  }
0x7a: {  	_ =	shalt  }
0x7b: {  	_ =	shalt  }
0x7c: {  	_ =	shalt  }
0x7d: {  	_ =	shalt  }
0x7e: {  	_ =	shalt  }
0x7f: {  	_ =	shalt  }
0x80: {  	_ =	shalt  }
0x81: {  	_ =	shalt  }
0x82: {  	_ =	shalt  }
0x83: {  	_ =	shalt  }
0x84: {  	_ =	shalt  }
0x85: {  	_ =	shalt  }
0x86: {  	_ =	shalt  }
0x87: {  	_ =	shalt  }
.Lfunc_end0:
.L_simem_size_0:
called_computation_lowered:
.L_overlay_start_0:
0x88: {  	s2 =	sld [smem:$0x3FD9]  }
0x89: {  	s3 =	sld [smem:$0x3FFE];
	_ =	sdelay $0x1  }
0x8a: {  	s1 =	srdreg.scid  }
0x8b: {  	s0 =	sand.u32 $0x1, s1  }
0x8c: {  	s17 =	sshll.u32 s0, $0xA;
	s2 =	sadd.s32 s3, s2  }
0x8d: {  	s2 =	sadd.s32 s2, s17  }
0x8e: {  	[smem:$0x3FC0] =	sst s2  }
0x8f: {  	_ = 	snop  }
0x90: {  	(tm) =	ssettm $0x1  }
0x91: {  	s18 =	sld [smem:$0x3FFB];
	_ =	sdelay $0x3  }
0x92: {  	_ =	strace s18  }
0x93: {  	s2 =	sld [smem:$0x3FFC];
	_ =	sdelay $0x3  }
0x94: {  	_ =	strace s2  }
0x95: {  	s2 =	sld [smem:$0x3FFD];
	_ =	sdelay $0x3  }
0x96: {  	_ =	strace s2  }
0x97: {  	_ =	strace $0x8FFFFFFF  }
0x98: {  	s19 =	sld [smem:$0x3FDB];
	_ =	sdelay $0x1  }
0x99: {  	s20 =	simm.s32 $_scs_section_size  }
0x9a: {  	s4 =	simm.s32 $_size__tile_overlayer_lowered;
	s5 =	simm.s32 $_tile_overlayer_lowered  }
0x9b: {  	s6 =	simm.s32 $0x1BFF;
	s21 =	sshll.u32 s5, $0x1;
	s3 =	sadd.s32 s20, s19  }
0x9c: {  	s22 =	simm.s32 $0x0;
	s4 =	sshll.u32 s4, $0x1;
	s5 =	sadd.s32 s21, s3  }
0x9d: {  	[timem:s22], [sflag:s6] =	dma.local [hbm:s5], s4  }
0x9e: {  	_ =	swait.ge [sflag:s6], s4  }
0x9f: {  	s4 =	ssub.s32 $0x0, s4;
	[sflag:s6] =	ssyncset.done $0x0  }
0xa0: {  	[sflag:s6] =	ssyncadd.s32 s4;
	_ =	sdelay $0x1  }
0xa1: {  	s23 =	simm.s32 $0x1B8B  }
0xa2: {  	_ =	swait.ge [sflag:s23], $0x1  }
0xa3: {  	[sflag:s23] =	ssyncset.done $0x0  }
0xa4: {  	[sflag:s23] =	ssyncadd.s32 $0xFFFFFFFF  }
0xa5: {  	s4 =	sld [smem:$0x0]  }
0xa6: {  	s5 =	sand.u32 $0xFFFFFFFE, s1  }
0xa7: {  	p0 =	sne.s32 s1, s5  }
0xa8: {  	s5 =	sshll.u32 @p0 s5, $0xE  }
0xa9: {  	s5 =	sadd.s32 @p0 $0x11B8D, s5;
	s6 =	sshll.u32 @p0 s4, $0x11  }
0xaa: {  	s5 =	sor.u32 @p0 s6, s5  }
0xab: {  	[sflag:s5] =	ssyncadd.remote.s32 @p0 $0x1;
	_ =	sdelay $0x1  }
0xac: {  	s5 =	simm.s32 @p0 $0x1B8D  }
0xad: {  	_ =	swait.eq @p0 [sflag:s5], $0x1  }
0xae: {  	[sflag:s5] =	ssyncadd.s32 @p0 $0xFFFFFFFF  }
0xaf: {  	s6 =	sshll.u32 @!p0 s1, $0xE  }
0xb0: {  	s6 =	sor.u32 @!p0 $0x4000, s6;
	s5 =	simm.s32 @!p0 $0x1B8D  }
0xb1: {  	s4 =	sshll.u32 @!p0 s4, $0x11;
	s6 =	sadd.s32 @!p0 $0x11B8D, s6;
	_ =	swait.eq @!p0 [sflag:s5], $0x1  }
0xb2: {  	s4 =	sor.u32 @!p0 s4, s6;
	[sflag:s5] =	ssyncadd.s32 @!p0 $0xFFFFFFFF  }
0xb3: {  	s25 =	simm.s32 $0x1B8E;
	s24 =	sld [smem:$0x3FFE];
	[sflag:s4] =	ssyncadd.remote.s32 @!p0 $0x1  }
0xb4: {  	s26 =	simm.s32 $execute0_lowered;
	[smem:$0x3FD2] =	sst s25  }
0xb5: {  	s5 =	sshll.u32 s26, $0x1;
	_ =	strace $0x80000050;
	[dreg:$0x1] =	wrdreg $0xFFFFFFFF  }
0xb6: {  	s28 =	simm.s32 $_size_execute0_lowered;
	s3 =	sadd.s32 s3, s5;
	[dreg:$0x0] =	wrdreg $0x0  }
0xb7: {  	s5 =	sshll.u32 s28, $0x1;
	[dreg:$0x2] =	wrdreg s3  }
0xb8: {  	[dreg:$0x3] =	wrdreg s5  }
0xb9: {  	[dreg:$0x4] =	wrdreg $0xC0  }
0xba: {  	_ =	task [dreg:s22], $0x5FFFF  }
0xbb: {  	[dreg:$0x1] =	wrdreg $0xFFFFFFFF  }
0xbc: {  	[dreg:$0x0] =	wrdreg $0x60  }
0xbd: {  	[dreg:$0x2] =	wrdreg s24  }
0xbe: {  	[dreg:$0x3] =	wrdreg $0x9  }
0xbf: {  	_ =	task.clear_ibuf [dreg:s22], $0x4FFFF;
	_ =	strace $0x90000050  }
0xc0: {  	s29 =	simm.s32 $0x9;
	_ =	strace $0x80000059  }
0xc1: {  	_ =	swait.ge [sflag:s29], $0x1  }
0xc2: {  	[sflag:s29] =	ssyncadd.s32 $0xFFFFFFFF  }
0xc3: {  	_ =	strace $0x90000059  }
0xc4: {  	_ =	sfence  }
0xc5: {  	s30 =	sld [smem:$0x0];
	_ =	sdelay $0x2  }
0xc6: {  	s31 =	sshll.u32 s1, $0xD;
	s1 =	sshrl.u32 s1, $0x2  }
0xc7: {  	s4 =	sand.u32 $0x4000, s31;
	s1 =	sadd.s32 s1, s30  }
0xc8: {  	s0 =	sor.u32 s4, s0;
	s1 =	sshll.u32 s1, $0x11  }
0xc9: {  	s0 =	sor.u32 s1, s0  }
0xca: {  	s0 =	sadd.s32 $0x8F2B, s0  }
0xcb: {  	[sflag:s0] =	ssyncadd.remote.s32 $0x1  }
0xcc: {  	_ =	sfence.sel $0xFFFF  }
0xcd: {  	[dreg:$0x0] =	wrdreg $0xFFFFFFFF;
	(pc) =	sbr.abs _section_cstart, $3  }
0xce: {  	[dreg:$0x1] =	wrdreg $0xFFFFFFFF  }
0xcf: {  	_ =	task.clear_ibuf [dreg:s22], $0x2FFFF;
	_ =	strace $0x9FFFFFFF  }
0xd0: {  	(tm) =	ssettm $0x7FFFFFFF  }
0xd1: {  	_ =	shalt  }
tec
execute0_lowered:
.L_overlay_start_1:
0x0: {  	(tag) =	ssettag $0x1  }
0x1: {  	s4 =	rddreg [dreg:$0x0];
	s1 =	srdreg.scid  }
0x2: {  	s0 =	rddreg [dreg:$0x1];
	s2 =	simm.s32 $0x0;
	s9 =	simm.s32 $0x1  }
0x3: {  	s10 =	simm.s32 $0x80;
	s11 =	simm.s32 $0x0;
	s5 =	sand.u32 $0x1, s1  }
0x4: {  	s1 =	stileid.u32;
	[smem:$0x7FF] =	sst s2;
	s3 =	sshll.u32 s5, $0x4  }
0x5: {  	s6 =	sadd.s32 $0x5600, s4;
	s8 =	sadd.s32 $0x167800, s4;
	s3 =	sor.u32 s1, s3  }
0x6: {  	_ =	strace $0x80000051;
	[dreg:$0x2] =	wrdreg s6;
	s7 =	smul.u32 $0x13, s3  }
0x7: {  	s4 =	sadd.s32 $0x165000, s4;
	[dreg:$0x4] =	wrdreg s8;
	s6 =	smul.u32 $0x14, s3  }
0x8: {  	s29 =	ssub.s32 $0x2, s5;
	p0 =	slt.u32 s3, $0x11;
	s3 =	sadd.s32 $0x11, s7  }
0x9: {  	s5 =	simm.s32 $0x14;
	[dreg:$0x3] =	wrdreg s10;
	s3 =	smov.u32 @p0 s6  }
0xa: {  	s10 =	simm.s32 $0x5;
	s31 =	sshrl.u32 s29, $0x1;
	s30 =	sshll.u32 s3, $0x4  }
0xb: {  	s8 =	ssub.s32 s29, s31;
	s5 =	simm.s32 @!p0 $0x13;
	s7 =	sand.u32 $0x1FFFFFF0, s30  }
0xc: {  	s8 =	smax.u32 s8, $0x1;
	s6 =	sadd.s32 s4, s7;
	s7 =	sadd.s32 $0xFFFFFFFF, s5  }
.LBB2_1:
0xd: {  	_ =	strace $0x80000052;
	p2 =	sne.s32 s5, $0x1  }
.Ltmp0:
0xe: {  	p0 =	seq.s32 s5, $0x1;
	s13 =	simm.s32 $0x1;
	(pc) =	sbr.rel @!p2 .LBB2_2-.Ltmp0, $4  }
0xf: {  	[tilespmem:s2], [sflag:$0x1] =	stream.linear.gather [hbm4b:s6+s2], $0x80, $0x200038;
	[tilespmem:$0x8100] =	vst v63  }
0x10: {  	s12 =	simm.s32 $0x1;
	p1 =	por $0x1, $0x1;
	s13 =	simm.s32 @p0 $0x0  }
0x11: {  	p6 =	sgt.u32 s7, $0x0;
	p4 =	por p1, p1;
	p3 =	sne.s32 s13, $0x0  }
0x12: {  	_ =	strace $0x90000052;
	p5 =	por !p6, !p3;
	p6 =	por $0x0, $0x0  }
0x13: {  	p2 =	por !p5, !p5  }
0x14: {  	s21 =	sand.u32 $0x1, s2;
	s19 =	simm.s32 $0x2;
	s14 =	sadd.s32 @p2 s3, s13  }
0x15: {  	p1 =	por p3, p3;
	s15 =	sand.u32 @p2 $0x1, s9;
	s14 =	sshll.u32 @p2 s14, $0x4  }
0x16: {  	_ =	strace @p2 $0x80000053;
	s17 =	simm.s32 @p2 $0x0;
	s14 =	sand.u32 @p2 $0x1FFFFFF0, s14  }
0x17: {  	s16 =	sshll.u32 @p2 s15, $0x7;
	s15 =	sadd.s32 @p2 $0x1, s15;
	s14 =	sadd.s32 @p2 s4, s14  }
0x18: {  	[tilespmem:s16], [sflag:s15] =	stream.linear.gather @p2 [hbm4b:s14+s17], $0x80, $0x200038;
	[tilespmem:$0x8100] =	vst v63  }
0x19: {  	s30 =	simm.s32 $0x0;
	p6 =	por $0x0, $0x0;
	_ =	strace @p2 $0x90000053  }
0x1a: {  	p0 =	sne.s32 s5, $0x2;
	s29 =	sadd.s32 $0x1, s21;
	_ =	strace $0x80000054  }
0x1b: {  	s24 =	sadd.s32 $0x0, s3;
	p5 =	sgt.u32 s7, $0x1;
	_ =	swait.ge [sflag:s29], $0x80  }
0x1c: {  	s23 =	simm.s32 $0x1;
	s22 =	sshll.u32 s21, $0xE;
	[sflag:s29] =	ssyncset.done $0x0  }
0x1d: {  	s22 =	sor.u32 $0x100, s22;
	s16 =	sand.u32 @!p4 $0x1, s2;
	[sflag:s29] =	ssyncadd.s32 $0xFFFFFF80  }
0x1e: {  	s15 =	simm.s32 $0x1;
	s17 =	sadd.s32 $0x1, s13;
	_ =	strace $0x90000054  }
0x1f: {  	s14 =	sand.u32 $0x80, s30;
	s15 =	simm.s32 @!p2 $0x0;
	_ =	strace $0x80000055  }
0x20: {  	p2 =	por p4, p4;
	p4 =	por p6, p6;
	s20 =	rddreg [dreg:$0x3]  }
0x21: {  	p3 =	seq.s32 s17, s5;
	p6 =	seq.s32 s7, $0x0;
	s31 =	rddreg [dreg:$0x2]  }
0x22: {  	[tilespmem:s22], [sflag:$0x5] =	stream.indirect.gather [hbm4b:s31+s20], $0x80, s14, s20, $0x2000b8;
	[tilespmem:$0x8100] =	vst v63  }
.Ltmp1:
0x23: {  	s18 =	sadd.s32 $0x1, s15;
	s17 =	simm.s32 @p3 $0x0;
	(pc) =	sbr.rel @!p0 .LBB2_4-.Ltmp1, $4  }
0x24: {  	p1 =	por p6, p1;
	p6 =	por $0x0, $0x0;
	_ =	swait.ge [sflag:s10], $0x4000  }
0x25: {  	s15 =	simm.s32 $0x0;
	p3 =	sne.s32 s13, s17;
	[sflag:s10] =	ssyncset.done $0x0  }
0x26: {  	s23 =	simm.s32 @!p6 $0x0;
	p5 =	por !p5, !p3;
	[sflag:s10] =	ssyncadd.s32 $0xFFFFC000  }
0x27: {  	s14 =	simm.s32 $0x0;
	s20 =	simm.s32 $0x0;
	_ =	strace $0x90000055  }
.LBB2_5:
0x28: {  	_ =	strace @p1 $0x80000056;
	s14 =	sadd.s32 s23, s14;
	s23 =	smov.u32 s12  }
0x29: {  	s12 =	smov.u32 s19;
	s19 =	sadd.s32 $0x1, s19;
	p0 =	por p3, p3  }
0x2a: {  	s29 =	sshll.u32 @p1 s24, $0xB;
	s21 =	sadd.s32 @p1 $0x3, s21;
	s25 =	simm.s32 @!p0 $0x0  }
0x2b: {  	s26 =	rddreg [dreg:$0x4];
	s29 =	sand.u32 @p1 $0x1FFFF800, s29;
	s25 =	simm.s32 @p0 $0x1  }
0x2c: {  	s26 =	sadd.s32 @p1 s26, s29;
	s29 =	simm.s32 @p1 $0x0;
	p0 =	sne.s32 s5, s19  }
0x2d: {  	[hbm4b:s26+s29] =	stream.linear.scatter @p1 [tilespmem:s22], [sflag:s21], $0x4000, $0x200038;
	[tilespmem:$0x8100] =	vst v63  }
0x2e: {  	s21 =	sadd.s32 @!p2 $0x3, s16;
	s16 =	simm.s32 @!p0 $0x0  }
0x2f: {  	s28 =	simm.s32 $0x1;
	[smem:$0x7FC] =	sst s25;
	s16 =	simm.s32 @p0 $0x1  }
0x30: {  	s28 =	simm.s32 @!p1 $0x0;
	_ =	strace @p1 $0x90000056;
	[smem:$0x7FD] =	sst s16  }
0x31: {  	s20 =	sadd.s32 s28, s20;
	s25 =	sand.u32 @!p4 $0x1, s14;
	_ =	strace @!p2 $0x80000057  }
0x32: {  	p1 =	por !p5, !p5;
	s16 =	smov.u32 s25;
	_ =	swait.ge @!p2 [sflag:s21], $0x4000  }
0x33: {  	s22 =	sand.u32 @p1 $0x1, s18;
	s25 =	sadd.s32 @p1 s3, s17;
	[sflag:s21] =	ssyncset.done @!p2 $0x0  }
0x34: {  	s26 =	sshll.u32 @p1 s22, $0x7;
	s25 =	sshll.u32 @p1 s25, $0x4;
	[sflag:s21] =	ssyncadd.s32 @!p2 $0xFFFFC000  }
0x35: {  	s21 =	sadd.s32 @p1 $0x1, s22;
	s22 =	sand.u32 @p1 $0x1FFFFFF0, s25;
	_ =	strace @!p2 $0x90000057  }
0x36: {  	s25 =	simm.s32 @p1 $0x0;
	s22 =	sadd.s32 @p1 s4, s22;
	_ =	strace @p1 $0x80000053  }
0x37: {  	[tilespmem:s26], [sflag:s21] =	stream.linear.gather @p1 [hbm4b:s22+s25], $0x80, $0x200038;
	[tilespmem:$0x8100] =	vst v63  }
0x38: {  	s15 =	sadd.s32 s28, s15;
	s28 =	sand.u32 $0x1, s20;
	_ =	strace @p1 $0x90000053  }
0x39: {  	s28 =	sadd.s32 $0x1, s28;
	_ =	strace $0x80000054  }
0x3a: {  	_ =	swait.ge [sflag:s28], $0x80  }
0x3b: {  	[sflag:s28] =	ssyncset.done $0x0  }
0x3c: {  	s21 =	simm.s32 $0x1;
	[sflag:s28] =	ssyncadd.s32 $0xFFFFFF80  }
0x3d: {  	s21 =	simm.s32 @!p1 $0x0;
	_ =	strace $0x90000054  }
0x3e: {  	s18 =	sadd.s32 s21, s18;
	s21 =	sand.u32 $0x1, s15;
	_ =	strace $0x80000055  }
0x3f: {  	s31 =	sshll.u32 s20, $0x7;
	s29 =	sshll.u32 s21, $0xE;
	s25 =	rddreg [dreg:$0x3]  }
0x40: {  	s31 =	sand.u32 $0x80, s31;
	s22 =	sor.u32 $0x100, s29;
	s26 =	rddreg [dreg:$0x2]  }
0x41: {  	[tilespmem:s22], [sflag:$0x5] =	stream.indirect.gather [hbm4b:s26+s25], $0x80, s31, s25, $0x2000b8;
	[tilespmem:$0x8100] =	vst v63  }
0x42: {  	_ =	swait.ge [sflag:s10], $0x4000  }
0x43: {  	[sflag:s10] =	ssyncset.done $0x0  }
0x44: {  	[sflag:s10] =	ssyncadd.s32 $0xFFFFC000  }
0x45: {  	s30 =	sadd.s32 $0x1, s17;
	_ =	strace $0x90000055  }
0x46: {  	s24 =	sadd.s32 s3, s13;
	s13 =	smov.u32 s17;
	s31 =	sld [smem:$0x7FD]  }
0x47: {  	p0 =	sne.s32 s23, $0x0;
	s17 =	smov.u32 s30;
	p1 =	seq.s32 s30, s5  }
0x48: {  	s17 =	simm.s32 @p1 $0x0;
	p1 =	seq.s32 s7, s23;
	s23 =	simm.s32 $0x1  }
0x49: {  	s23 =	simm.s32 @!p0 $0x0;
	p0 =	seq.s32 s31, $0x1  }
.Ltmp2:
0x4a: {  	s30 =	sld [smem:$0x7FC];
	(pc) =	sbr.rel @p0 .LBB2_5-.Ltmp2, $4  }
0x4b: {  	p3 =	seq.s32 s12, $0x0  }
0x4c: {  	p6 =	por p3, p3;
	p5 =	slt.u32 s12, s7  }
0x4d: {  	p2 =	por p4, p4;
	p3 =	sne.s32 s13, s17;
	p4 =	seq.s32 s30, $0x1  }
0x4e: {  	p5 =	por !p5, !p3;
	p1 =	por p1, p4;
	p4 =	por p6, p6  }
0x4f: {  	p6 =	por $0x1, $0x1  }
.LBB2_7:
0x50: {  	p0 =	por !p1, !p6  }
0x51: {  	s25 =	simm.s32 $0x1;
	_ =	strace @!p0 $0x80000056;
	s24 =	sshll.u32 @!p0 s24, $0xB  }
0x52: {  	p2 =	por p2, !p6;
	s19 =	rddreg [dreg:$0x4];
	s24 =	sand.u32 @!p0 $0x1FFFF800, s24  }
0x53: {  	s21 =	sadd.s32 @!p0 $0x3, s21;
	s19 =	sadd.s32 @!p0 s19, s24;
	s24 =	simm.s32 @!p0 $0x0  }
0x54: {  	[hbm4b:s19+s24] =	stream.linear.scatter @!p0 [tilespmem:s22], [sflag:s21], $0x4000, $0x200038;
	[tilespmem:$0x8100] =	vst v63  }
0x55: {  	p1 =	por !p5, !p5;
	s25 =	simm.s32 @p0 $0x0;
	_ =	strace @!p0 $0x90000056  }
0x56: {  	s16 =	sadd.s32 @!p2 $0x3, s16;
	s17 =	sadd.s32 @p1 s3, s17;
	_ =	strace @!p2 $0x80000057  }
0x57: {  	s18 =	sand.u32 @p1 $0x1, s18;
	s17 =	sshll.u32 @p1 s17, $0x4;
	_ =	swait.ge @!p2 [sflag:s16], $0x4000  }
0x58: {  	s17 =	sand.u32 @p1 $0x1FFFFFF0, s17;
	s19 =	sadd.s32 @p6 s25, s20;
	[sflag:s16] =	ssyncset.done @!p2 $0x0  }
0x59: {  	s20 =	simm.s32 $0x0;
	s17 =	sadd.s32 @p1 s4, s17;
	[sflag:s16] =	ssyncadd.s32 @!p2 $0xFFFFC000  }
0x5a: {  	s20 =	smov.u32 @p6 s19;
	s19 =	sshll.u32 @p1 s18, $0x7;
	_ =	strace @!p2 $0x90000057  }
0x5b: {  	s16 =	sadd.s32 @p1 $0x1, s18;
	s18 =	simm.s32 @p1 $0x0;
	_ =	strace @p1 $0x80000053  }
0x5c: {  	[tilespmem:s19], [sflag:s16] =	stream.linear.gather @p1 [hbm4b:s17+s18], $0x80, $0x200038;
	[tilespmem:$0x8100] =	vst v63  }
0x5d: {  	s26 =	sand.u32 $0x1, s20;
	_ =	strace @p1 $0x90000053  }
0x5e: {  	s16 =	sadd.s32 $0x1, s26;
	_ =	strace $0x80000054  }
0x5f: {  	_ =	swait.ge [sflag:s16], $0x80  }
0x60: {  	[sflag:s16] =	ssyncset.done $0x0  }
0x61: {  	s15 =	sadd.s32 @p6 s25, s15;
	[sflag:s16] =	ssyncadd.s32 $0xFFFFFF80;
	s16 =	simm.s32 $0x0  }
0x62: {  	_ =	strace $0x90000054;
	s16 =	smov.u32 @p6 s15  }
0x63: {  	_ =	strace $0x80000055;
	s16 =	sand.u32 $0x1, s16  }
0x64: {  	s30 =	sshll.u32 s20, $0x7;
	s28 =	rddreg [dreg:$0x3];
	s31 =	sshll.u32 s16, $0xE  }
0x65: {  	s18 =	sand.u32 $0x80, s30;
	s29 =	rddreg [dreg:$0x2];
	s19 =	sor.u32 $0x100, s31  }
0x66: {  	[tilespmem:s19], [sflag:$0x5] =	stream.indirect.gather [hbm4b:s29+s28], $0x80, s18, s28, $0x2000b8;
	[tilespmem:$0x8100] =	vst v63  }
0x67: {  	_ =	swait.ge [sflag:s10], $0x4000  }
0x68: {  	p3 =	por p3, p3;
	[sflag:s10] =	ssyncset.done $0x0  }
0x69: {  	p5 =	seq.s32 s7, s12;
	s13 =	sadd.s32 s3, s13;
	[sflag:s10] =	ssyncadd.s32 $0xFFFFC000  }
0x6a: {  	s14 =	sadd.s32 @p6 s23, s14;
	p1 =	por p5, p3;
	_ =	strace $0x90000055  }
0x6b: {  	s17 =	simm.s32 $0x0;
	s13 =	sshll.u32 @p1 s13, $0xB;
	_ =	strace @p1 $0x80000056  }
0x6c: {  	s17 =	smov.u32 @p6 s14;
	s13 =	sand.u32 @p1 $0x1FFFF800, s13;
	s15 =	rddreg [dreg:$0x4]  }
0x6d: {  	s14 =	sadd.s32 @p1 $0x3, s16;
	s13 =	sadd.s32 @p1 s15, s13;
	s15 =	simm.s32 @p1 $0x0  }
0x6e: {  	[hbm4b:s13+s15] =	stream.linear.scatter @p1 [tilespmem:s19], [sflag:s14], $0x4000, $0x200038;
	[tilespmem:$0x8100] =	vst v63  }
0x6f: {  	p0 =	por p4, p4;
	s13 =	sand.u32 @!p4 $0x1, s17;
	_ =	strace @p1 $0x90000056  }
0x70: {  	s13 =	sadd.s32 @!p0 $0x3, s13;
	_ =	strace @!p0 $0x80000057  }
0x71: {  	p1 =	sne.s32 s12, $0x0;
	s12 =	simm.s32 $0x1;
	_ =	swait.ge @!p0 [sflag:s13], $0x4000  }
0x72: {  	s12 =	simm.s32 @!p1 $0x0;
	[sflag:s13] =	ssyncset.done @!p0 $0x0  }
0x73: {  	s11 =	sadd.s32 $0x1, s11;
	s12 =	sadd.s32 s12, s17;
	[sflag:s13] =	ssyncadd.s32 @!p0 $0xFFFFC000  }
0x74: {  	s12 =	sand.u32 $0x1, s12;
	_ =	strace @!p0 $0x90000057;
	p0 =	sne.s32 s11, s8  }
.Ltmp3:
0x75: {  	s12 =	sadd.s32 $0x3, s12;
	_ =	strace $0x80000058;
	(pc) =	sbr.rel @p0 .LBB2_1-.Ltmp3, $4  }
.Ltmp4:
0x76: {  	_ =	swait.ge [sflag:s12], $0x4000;
	(pc) =	sbr.rel @!p0 .LBB2_8-.Ltmp4, $4  }
0x77: {  	[sflag:s12] =	ssyncset.done $0x0  }
0x78: {  	[sflag:s12] =	ssyncadd.s32 $0xFFFFC000  }
0x79: {  	_ =	strace $0x90000058  }
0x7a: {  	_ = 	snop  }
.LBB2_2:
.Ltmp5:
0x7b: {  	(pc) =	sbr.rel .LBB2_7-.Ltmp5, $4  }
0x7c: {  	_ = 	snop  }
0x7d: {  	s14 =	simm.s32 $0x0  }
0x7e: {  	s12 =	simm.s32 $0x0;
	s15 =	simm.s32 $0x0;
	s17 =	smov.u32 s13  }
0x7f: {  	s20 =	simm.s32 $0x0;
	s18 =	simm.s32 $0x1;
	s13 =	simm.s32 $0x0  }
.LBB2_4:
.Ltmp6:
0x80: {  	(pc) =	sbr.rel .LBB2_7-.Ltmp6, $3  }
0x81: {  	_ =	sdelay $0x1  }
0x82: {  	s14 =	simm.s32 $0x0  }
0x83: {  	s15 =	simm.s32 $0x0;
	s20 =	simm.s32 $0x0;
	p6 =	por $0x1, $0x1  }
.LBB2_8:
0x84: {  	_ =	sfence.sel $0x180000  }
0x85: {  	[bflag:$0x0] =	sbarrier.arrive $0xFFFF  }
0x86: {  	p0 =	sne.s32 s1, $0x0;
	_ =	strace $0x90000051  }
0x87: {  	s0 =	sadd.s32 @!p0 $0x100000, s0;
	[bflag:$0x2] =	sbarrier.arrive $0xFFFF  }
0x88: {  	[sflag:s0] =	ssyncadd.tile.s32 @!p0 $0x1;
	_ =	shalt  }
.Lfunc_end2:
_tile_overlayer_lowered:
.L_overlay_start_2:
0x89: {  	(tag) =	ssettag $0x2  }
0x8a: {  	s0 =	rddreg [dreg:$0x0];
	s2 =	stileid.u32  }
0x8b: {  	s1 =	rddreg [dreg:$0x1];
	p0 =	sne.s32 s2, $0x0  }
0x8c: {  	s3 =	rddreg [dreg:$0x2];
	[bflag:$0x3] =	sbarrier.arrive $0xFFFF;
	s2 =	simm.s32 @!p0 $0x1C01  }
0x8d: {  	[timem:s3], [sflag:s2] =	dma.local @!p0 [hbm:s0], s1  }
0x8e: {  	s0 =	simm.s32 @!p0 $0x1  }
0x8f: {  	_ =	swait.ge @!p0 [sflag:s0], s1  }
0x90: {  	s1 =	ssub.s32 @!p0 $0x0, s1;
	[sflag:s0] =	ssyncset.done @!p0 $0x0  }
0x91: {  	[sflag:s0] =	ssyncadd.s32 @!p0 s1  }
0x92: {  	[bflag:$0x3] =	sbarrier.arrive $0xFFFF  }
0x93: {  	_ =	shalt  }

</sc_bundles>
